<compile_context>
chip_gen: v7x
topology: tpu7x:2x2x1
jax: 0.10.2.dev20260603
libtpu: 0.0.44.dev20260713+nightly
codegen_flags: <defaults>
</compile_context>

<pallas_src>
import functools

import jax
import jax.numpy as jnp
from jax import lax
from jax.experimental import pallas as pl
from jax.experimental.pallas import tpu as pltpu
from jax.experimental.pallas import tpu_sc as plsc

N = 10000
E = 320000
D = 128
DE = 16

NC = 2
NS = 16
NW = NC * NS
EW = E // NW
NP = 10240
T = NP // NS
EC = EW // 16
CH = 64
NCH = EW // CH
TAIL = EW - NCH * CH
EW2 = E // NS
NCH2 = EW2 // CH
TAIL2 = EW2 - NCH2 * CH

_mesh = plsc.VectorSubcoreMesh(
    core_axis_name="c", subcore_axis_name="s", num_cores=NC, num_subcores=NS)

f32 = jnp.float32



def _zst_body(x_ref, wfcT_ref, bfc_ref, wst_ref, z_ref, st_ref):
    z = jnp.dot(x_ref[...], wfcT_ref[...], preferred_element_type=f32)
    z = z + bfc_ref[...]
    z_ref[...] = z
    st_ref[...] = jnp.dot(z, wst_ref[...], preferred_element_type=f32)


def _tc_zst(x, wfcT, bfc2, wst):
    blk = 400
    return pl.pallas_call(
        _zst_body,
        grid=(N // blk,),
        in_specs=[
            pl.BlockSpec((blk, D), lambda i: (i, 0)),
            pl.BlockSpec((D, D), lambda i: (0, 0)),
            pl.BlockSpec((1, D), lambda i: (0, 0)),
            pl.BlockSpec((D, D), lambda i: (0, 0)),
        ],
        out_specs=[
            pl.BlockSpec((blk, D), lambda i: (i, 0)),
            pl.BlockSpec((blk, D), lambda i: (i, 0)),
        ],
        out_shape=[
            jax.ShapeDtypeStruct((N, D), f32),
            jax.ShapeDtypeStruct((N, D), f32),
        ],
    )(x, wfcT, bfc2, wst)


def _u_body(ea_ref, v_ref, c_ref, u_ref):
    u_ref[...] = jnp.dot(ea_ref[...], v_ref[...],
                         preferred_element_type=f32) + c_ref[...]


def _tc_u(ea2, V128, c2):
    rows = E // 128
    blk = rows
    return pl.pallas_call(
        _u_body,
        grid=(rows // blk,),
        in_specs=[
            pl.BlockSpec((blk, 2048), lambda i: (i, 0)),
            pl.BlockSpec((2048, 128), lambda i: (0, 0)),
            pl.BlockSpec((1, 1), lambda i: (0, 0)),
        ],
        out_specs=pl.BlockSpec((blk, 128), lambda i: (i, 0)),
        out_shape=jax.ShapeDtypeStruct((rows, 128), f32),
    )(ea2, V128, c2)


def _fin_body(h_ref, d_ref, w_ref, b_ref, o_ref):
    hp = h_ref[0]
    sp16 = h_ref[1][:, :DE]
    dt = d_ref[0] + d_ref[1]
    asum = jnp.where(dt > 0, 1.0, 0.0)
    o_ref[...] = hp + jnp.dot(sp16, w_ref[...],
                              preferred_element_type=f32) + asum * b_ref[...]


def _tc_final(hpart, den3, wedgeT, bedge2):
    blk = 400
    return pl.pallas_call(
        _fin_body,
        grid=(N // blk,),
        in_specs=[
            pl.BlockSpec((2, blk, D), lambda i: (0, i, 0)),
            pl.BlockSpec((2, blk, 1), lambda i: (0, i, 0)),
            pl.BlockSpec((DE, D), lambda i: (0, 0)),
            pl.BlockSpec((1, D), lambda i: (0, 0)),
        ],
        out_specs=pl.BlockSpec((blk, D), lambda i: (i, 0)),
        out_shape=jax.ShapeDtypeStruct((N, D), f32),
    )(hpart, den3, wedgeT, bedge2)



@functools.partial(
    pl.kernel,
    out_type=[
        jax.ShapeDtypeStruct((E,), f32),
        jax.ShapeDtypeStruct((NC * NP,), f32),
    ],
    mesh=_mesh,
    compiler_params=pltpu.CompilerParams(needs_layout_passes=False),
    scratch_types=[
        pltpu.VMEM((EW,), jnp.int32),
        pltpu.VMEM((EW,), jnp.int32),
        pltpu.VMEM((EW,), f32),
        pltpu.VMEM((NP,), f32),
        pltpu.VMEM((NP,), f32),
        pltpu.VMEM((EW,), f32),
        pltpu.VMEM((NP,), f32),
        pltpu.VMEM((T,), f32),
        pltpu.VMEM((T,), f32),
        pltpu.VMEM_SHARED((NS, NP), f32),
    ],
)
def _sc_pass1(src_hbm, dst_hbm, u_hbm, s_hbm, t_hbm, p_hbm, den_hbm,
              src_v, dst_v, u_v, s_v, t_v, p_v, den_v, acc_v, tmp_v, den_sh):
    cid = lax.axis_index("c")
    sid = lax.axis_index("s")
    wid = sid * NC + cid
    base = wid * EW

    pltpu.sync_copy(src_hbm.at[pl.ds(base, EW)], src_v)
    pltpu.sync_copy(dst_hbm.at[pl.ds(base, EW)], dst_v)
    pltpu.sync_copy(u_hbm.at[pl.ds(base, EW)], u_v)
    pltpu.sync_copy(s_hbm, s_v)
    pltpu.sync_copy(t_hbm, t_v)

    zeros16 = jnp.zeros((16,), f32)

    def zero_body(i, c):
        den_v[pl.ds(i * 16, 16)] = zeros16
        return c
    lax.fori_loop(0, NP // 16, zero_body, 0)

    def edge_body(i, c):
        sl = pl.ds(i * 16, 16)
        src16 = src_v[sl]
        dst16 = dst_v[sl]
        sv = plsc.load_gather(s_v, [src16])
        tv = plsc.load_gather(t_v, [dst16])
        a = sv + tv + u_v[sl]
        e = jnp.where(a >= 0, a, a * 0.2)
        p = jnp.exp(e)
        p_v[sl] = p
        plsc.addupdate_scatter(den_v, [dst16], p)
        return c
    lax.fori_loop(0, EC, edge_body, 0)

    pltpu.sync_copy(p_v, p_hbm.at[pl.ds(base, EW)])

    pltpu.sync_copy(den_v, den_sh.at[sid])
    plsc.subcore_barrier()
    off = sid * T
    pltpu.sync_copy(den_sh.at[0, pl.ds(off, T)], acc_v)
    for k in range(1, NS):
        pltpu.sync_copy(den_sh.at[k, pl.ds(off, T)], tmp_v)

        def add_body(i, c):
            sl = pl.ds(i * 16, 16)
            acc_v[sl] = acc_v[sl] + tmp_v[sl]
            return c
        lax.fori_loop(0, T // 16, add_body, 0)
    pltpu.sync_copy(acc_v, den_hbm.at[pl.ds(cid * NP + off, T)])




@functools.partial(
    pl.kernel,
    out_type=jax.ShapeDtypeStruct((E,), f32),
    mesh=_mesh,
    compiler_params=pltpu.CompilerParams(needs_layout_passes=False),
    scratch_types=[
        pltpu.VMEM((EW,), jnp.int32),
        pltpu.VMEM((EW,), f32),
        pltpu.VMEM((NP,), f32),
        pltpu.VMEM((NP,), f32),
    ],
)
def _sc_alpha(dst_hbm, p_hbm, den_hbm, alpha_hbm, dst_v, al_v, rden_v, d2_v):
    cid = lax.axis_index("c")
    sid = lax.axis_index("s")
    base = (sid * NC + cid) * EW
    pltpu.sync_copy(dst_hbm.at[pl.ds(base, EW)], dst_v)
    pltpu.sync_copy(p_hbm.at[pl.ds(base, EW)], al_v)
    pltpu.sync_copy(den_hbm.at[pl.ds(0, NP)], rden_v)
    pltpu.sync_copy(den_hbm.at[pl.ds(NP, NP)], d2_v)

    @plsc.parallel_loop(0, NP // 16, 1, unroll=4)
    def rbody(i):
        sl = pl.ds(i * 16, 16)
        rden_v[sl] = 1.0 / (rden_v[sl] + d2_v[sl])

    @plsc.parallel_loop(0, EC, 1, unroll=4)
    def albody(i):
        sl = pl.ds(i * 16, 16)
        rd = plsc.load_gather(rden_v, [dst_v[sl]])
        al_v[sl] = al_v[sl] * rd
    pltpu.sync_copy(al_v, alpha_hbm.at[pl.ds(base, EW)])



@functools.partial(
    pl.kernel,
    out_type=jax.ShapeDtypeStruct((NC * NP, D), f32),
    mesh=_mesh,
    compiler_params=pltpu.CompilerParams(needs_layout_passes=False),
    scratch_types=[
        pltpu.VMEM((CH, D), f32),
        pltpu.VMEM((CH, D), f32),
        pltpu.VMEM((CH, DE), f32),
        pltpu.VMEM((CH, DE), f32),
        pltpu.VMEM((CH,), f32),
        pltpu.VMEM((CH,), f32),
        pltpu.VMEM((CH,), jnp.int32),
        pltpu.VMEM((CH,), jnp.int32),
        pltpu.VMEM((CH,), jnp.int32),
        pltpu.VMEM((CH,), jnp.int32),
        pltpu.VMEM((CH,), jnp.int32),
        pltpu.VMEM((CH,), jnp.int32),
        pltpu.VMEM((TAIL2,), jnp.int32),
        pltpu.VMEM((TAIL2,), jnp.int32),
        pltpu.VMEM_SHARED((NP, D), f32),
        pltpu.SemaphoreType.DMA,
        pltpu.SemaphoreType.DMA,
        pltpu.SemaphoreType.DMA,
        pltpu.SemaphoreType.DMA,
        pltpu.SemaphoreType.DMA,
    ],
)
def _sc_pass2(src_hbm, dst_hbm, al_hbm, z_hbm, ea_hbm, zh_hbm, h_hbm,
              rows0, rows1, ea0, ea1, alc0, alc1,
              sidx0, sidx1, didx0, didx1, sdidx0, sdidx1, sidx_t, didx_t,
              h_sh, semA, semB, semG, semS0, semS1):
    cid = lax.axis_index("c")
    sid = lax.axis_index("s")
    base = sid * EW2

    par = ((rows0, ea0, alc0, sidx0, didx0, sdidx0, semA, semS0),
           (rows1, ea1, alc1, sidx1, didx1, sdidx1, semB, semS1))

    @pl.when(sid == 0)
    def _zero():
        pltpu.sync_copy(zh_hbm, h_sh)

    zeros16 = jnp.zeros((16,), f32)

    @plsc.parallel_loop(0, CH, 1, unroll=4)
    def _zrows(j):
        for r in range(D // 16):
            sl = pl.ds(r * 16, 16)
            rows0[j, sl] = zeros16
            rows1[j, sl] = zeros16
    plsc.subcore_barrier()

    def copy_sdidx(p):
        didx, sdidx = p[4], p[5]

        def cpy(r, c2):
            sl = pl.ds(r * 16, 16)
            sdidx[sl] = didx[sl]
            return c2
        lax.fori_loop(0, CH // 16, cpy, 0)

    def fire_scatter(p):
        pltpu.async_copy(p[0], h_sh.at[p[5]], add=True, sem=p[7])

    def drain_scatter(p):
        pltpu.make_async_copy(p[0], h_sh.at[p[5]], p[7]).wait()

    def fire0(c, p):
        gsl = pl.ds(base + c * CH, CH)
        pltpu.async_copy(src_hbm.at[gsl], p[3], p[6])
        pltpu.async_copy(dst_hbm.at[gsl], p[4], p[6])
        pltpu.async_copy(al_hbm.at[gsl], p[2], p[6])

    def drain0(c, p):
        gsl = pl.ds(base + c * CH, CH)
        pltpu.make_async_copy(src_hbm.at[gsl], p[3], p[6]).wait()
        pltpu.make_async_copy(dst_hbm.at[gsl], p[4], p[6]).wait()
        pltpu.make_async_copy(al_hbm.at[gsl], p[2], p[6]).wait()

    def fire_gather(p):
        pltpu.async_copy(z_hbm.at[p[3]], p[0], semG)

    def wait_gather(p):
        pltpu.make_async_copy(z_hbm.at[p[3]], p[0], semG).wait()

    def compute0(p):
        rows, alc = p[0], p[2]
        copy_sdidx(p)

        @plsc.parallel_loop(0, CH, 1, unroll=8)
        def sbody(j):
            av = plsc.load_gather(alc, [jnp.full((16,), j, jnp.int32)])
            for r in range(D // 16):
                sl = pl.ds(r * 16, 16)
                rows[j, sl] = rows[j, sl] * av

    @pl.when(cid == 0)
    def _core0():
        def half0(c, pcur, pnext):
            drain0(c + 1, pnext)
            wait_gather(pcur)

            @pl.when(c >= 1)
            def _ds():
                drain_scatter(pnext)
            fire_gather(pnext)
            compute0(pcur)
            fire_scatter(pcur)
            fire0(jnp.minimum(c + 2, NCH2 - 1), pcur)

        fire0(0, par[0])
        drain0(0, par[0])
        fire_gather(par[0])
        fire0(1, par[1])

        def pair_body(cc, carry):
            c0 = cc * 2
            half0(c0, par[0], par[1])
            half0(c0 + 1, par[1], par[0])
            return carry
        lax.fori_loop(0, NCH2 // 2, pair_body, 0)

        wait_gather(par[0])
        drain0(NCH2 - 1, par[1])
        drain_scatter(par[1])

        tb = NCH2 * CH
        gsl = pl.ds(base + tb, TAIL2)
        pltpu.sync_copy(src_hbm.at[gsl], sidx_t)
        pltpu.sync_copy(dst_hbm.at[gsl], didx_t)
        rows_t = rows0.at[pl.ds(0, TAIL2)]
        pltpu.async_copy(z_hbm.at[sidx_t], rows_t, semG).wait()
        pltpu.sync_copy(al_hbm.at[gsl], alc0.at[pl.ds(0, TAIL2)])

        def tbody(j, c2):
            av = plsc.load_gather(alc0, [jnp.full((16,), j, jnp.int32)])
            for r in range(D // 16):
                sl = pl.ds(r * 16, 16)
                rows0[j, sl] = rows0[j, sl] * av
            return c2
        lax.fori_loop(0, TAIL2, tbody, 0)
        pltpu.sync_copy(rows_t, h_sh.at[didx_t], add=True)

    def fire1(c, p):
        gsl = pl.ds(base + c * CH, CH)
        pltpu.async_copy(dst_hbm.at[gsl], p[4], p[6])
        pltpu.async_copy(al_hbm.at[gsl], p[2], p[6])
        pltpu.async_copy(ea_hbm.at[gsl], p[1], p[6])

    def drain1(c, p):
        gsl = pl.ds(base + c * CH, CH)
        pltpu.make_async_copy(dst_hbm.at[gsl], p[4], p[6]).wait()
        pltpu.make_async_copy(al_hbm.at[gsl], p[2], p[6]).wait()
        pltpu.make_async_copy(ea_hbm.at[gsl], p[1], p[6]).wait()

    def compute1(p):
        rows, ea, alc = p[0], p[1], p[2]
        copy_sdidx(p)

        @plsc.parallel_loop(0, CH, 1, unroll=4)
        def sbody(j):
            av = plsc.load_gather(alc, [jnp.full((16,), j, jnp.int32)])
            sl = pl.ds(0, 16)
            rows[j, sl] = ea[j, sl] * av

    @pl.when(cid == 1)
    def _core1():
        def half1(c, pcur):
            drain1(c, pcur)

            @pl.when(c >= 2)
            def _ds():
                drain_scatter(pcur)
            compute1(pcur)
            fire_scatter(pcur)
            fire1(jnp.minimum(c + 2, NCH2 - 1), pcur)

        fire1(0, par[0])
        fire1(1, par[1])

        def pair_body(cc, carry):
            c0 = cc * 2
            half1(c0, par[0])
            half1(c0 + 1, par[1])
            return carry
        lax.fori_loop(0, NCH2 // 2, pair_body, 0)

        drain1(NCH2 - 1, par[0])
        drain1(NCH2 - 1, par[1])
        drain_scatter(par[0])
        drain_scatter(par[1])

        tb = NCH2 * CH
        gsl = pl.ds(base + tb, TAIL2)
        pltpu.sync_copy(dst_hbm.at[gsl], didx_t)
        pltpu.sync_copy(al_hbm.at[gsl], alc0.at[pl.ds(0, TAIL2)])
        pltpu.sync_copy(ea_hbm.at[gsl], ea0.at[pl.ds(0, TAIL2)])

        def tbody(j, c2):
            av = plsc.load_gather(alc0, [jnp.full((16,), j, jnp.int32)])
            sl = pl.ds(0, 16)
            rows0[j, sl] = ea0[j, sl] * av
            return c2
        lax.fori_loop(0, TAIL2, tbody, 0)
        pltpu.sync_copy(rows0.at[pl.ds(0, TAIL2)], h_sh.at[didx_t], add=True)

    plsc.subcore_barrier()

    @pl.when(sid == 0)
    def _dump():
        pltpu.sync_copy(h_sh, h_hbm.at[pl.ds(cid * NP, NP)])



def kernel(x, edge_index, edge_attr, W_fc, b_fc, W_attn, b_attn,
           W_edge, b_edge, W_eatt, b_eatt):
    w1 = W_attn[0, :D]
    w2 = W_attn[0, D:2 * D]
    w3 = W_attn[0, 2 * D:]
    wfcT = W_fc.T
    bfc2 = b_fc.reshape(1, D)
    wst = jnp.zeros((D, D), f32).at[:, 0].set(w1).at[:, 1].set(w2)
    v_att = W_eatt.T @ w3
    c2 = (jnp.dot(b_eatt, w3) + b_attn[0]).reshape(1, 1)
    V128 = jnp.kron(jnp.eye(128, dtype=f32), v_att[:, None])
    wedgeT = W_edge.T
    bedge2 = b_edge.reshape(1, D)

    z, st = _tc_zst(x, wfcT, bfc2, wst)
    u2 = _tc_u(edge_attr.reshape(E // 128, 128 * DE), V128, c2)
    u = u2.reshape(E)
    s = jnp.pad(st[:, 0], (0, NP - N))
    t = jnp.pad(st[:, 1], (0, NP - N))
    zh0 = jnp.zeros((NP, D), f32)

    src = edge_index[0]
    dst = edge_index[1]
    p, den = _sc_pass1(src, dst, u, s, t)
    alpha = _sc_alpha(dst, p, den)
    hpart = _sc_pass2(src, dst, alpha, z, edge_attr, zh0)

    h = _tc_final(hpart.reshape(NC, NP, D), den.reshape(NC, NP, 1),
                  wedgeT, bedge2)
    return h, alpha.reshape(E, 1)

# --- scband reference (transcript-rebuilt; emitter-appended) ---
"""Pipeline reference for scband-egretlayer-1546188226670 (READ-ONLY COPY).

The authoritative reference and input builder live on the scoring server;
editing this copy changes nothing except your own understanding.
"""

import jax, jax.numpy as jnp
import numpy as np

N = 10000
E = 320000
D_IN = 128
D_OUT = 128
D_EDGE = 16


def setup_inputs(seed: int = 0) -> dict:
    key = jax.random.key(seed)
    ks = jax.random.split(key, 12)
    x = jax.random.normal(ks[0], (N, D_IN), dtype=jnp.float32)
    edge_index = jax.random.randint(ks[1], (2, E), 0, N, dtype=jnp.int32)
    edge_attr = jax.random.normal(ks[2], (E, D_EDGE), dtype=jnp.float32)
    # parameters (xavier-normal-ish scaling)
    def xavier(k, shape):
        fan_in, fan_out = shape[1], shape[0]
        std = float(np.sqrt(2.0)) * float(np.sqrt(2.0 / (fan_in + fan_out)))
        return jax.random.normal(k, shape, dtype=jnp.float32) * std
    W_fc = xavier(ks[3], (D_OUT, D_IN))
    b_fc = jnp.zeros((D_OUT,), dtype=jnp.float32)
    W_attn = xavier(ks[4], (1, 2 * D_OUT + D_EDGE))
    b_attn = jnp.zeros((1,), dtype=jnp.float32)
    W_edge = xavier(ks[5], (D_OUT, D_EDGE))
    b_edge = jnp.zeros((D_OUT,), dtype=jnp.float32)
    W_eatt = xavier(ks[6], (D_EDGE, D_EDGE))
    b_eatt = jnp.zeros((D_EDGE,), dtype=jnp.float32)
    return {"x": x, "edge_index": edge_index, "edge_attr": edge_attr,
            "W_fc": W_fc, "b_fc": b_fc, "W_attn": W_attn, "b_attn": b_attn,
            "W_edge": W_edge, "b_edge": b_edge, "W_eatt": W_eatt, "b_eatt": b_eatt}


def reference(x, edge_index, edge_attr, W_fc, b_fc, W_attn, b_attn, W_edge, b_edge, W_eatt, b_eatt):
    src = edge_index[0]
    dst = edge_index[1]
    # node transform: z = fc(x)
    z = x @ W_fc.T + b_fc  # [N, D_OUT]
    z_src = jnp.take(z, src, axis=0)  # gather [E, D_OUT]
    z_dst = jnp.take(z, dst, axis=0)  # gather [E, D_OUT]
    # transform_edge_for_att_calc
    ex_t = edge_attr @ W_eatt.T + b_eatt  # [E, D_EDGE]
    # edge-dependent attention logits
    z2 = jnp.concatenate([z_src, z_dst, ex_t], axis=1)  # [E, 2*D_OUT+D_EDGE]
    a = z2 @ W_attn.T + b_attn  # [E, 1]
    e = jax.nn.leaky_relu(a, negative_slope=0.2)  # [E, 1]
    # edge feature transform for aggregation
    ez = edge_attr @ W_edge.T + b_edge  # [E, D_OUT]
    # segment softmax over incoming edges per dst node
    emax = jax.ops.segment_max(e, dst, num_segments=N)  # [N, 1]
    emax = jnp.where(jnp.isfinite(emax), emax, 0.0)
    e_exp = jnp.exp(e - jnp.take(emax, dst, axis=0))  # [E, 1]
    denom = jax.ops.segment_sum(e_exp, dst, num_segments=N)  # [N, 1]
    denom = jnp.where(denom > 0, denom, 1.0)
    alpha = e_exp / jnp.take(denom, dst, axis=0)  # [E, 1]
    # weighted aggregation of neighbor features + edge features (scatter-add)
    h = jax.ops.segment_sum(alpha * z_src, dst, num_segments=N)  # [N, D_OUT]
    h = h + jax.ops.segment_sum(alpha * ez, dst, num_segments=N)
    return (h, alpha)

if __name__ == "__main__":
    import jax
    _d = setup_inputs()
    print(jax.jit(kernel)(*tuple(_d.values())))

</pallas_src>

<mosaic_0001>
#map = affine_map<(d0, d1) -> (0)>
#map1 = affine_map<(d0, d1) -> (0, 0)>
module attributes {stable_mosaic.version = 14 : i64} {
  func.func @_sc_pass2(%arg0: i32, %arg1: i32, %arg2: memref<320000xi32, #tpu.memory_space<hbm>>, %arg3: memref<320000xi32, #tpu.memory_space<hbm>>, %arg4: memref<320000xf32, #tpu.memory_space<hbm>>, %arg5: memref<10000x128xf32, #tpu.memory_space<hbm>>, %arg6: memref<320000x16xf32, #tpu.memory_space<hbm>>, %arg7: memref<10240x128xf32, #tpu.memory_space<hbm>>, %arg8: memref<20480x128xf32, #tpu.memory_space<hbm>>, %arg9: memref<64x128xf32, #tpu.memory_space<vmem>>, %arg10: memref<64x128xf32, #tpu.memory_space<vmem>>, %arg11: memref<64x16xf32, #tpu.memory_space<vmem>>, %arg12: memref<64x16xf32, #tpu.memory_space<vmem>>, %arg13: memref<64xf32, #tpu.memory_space<vmem>>, %arg14: memref<64xf32, #tpu.memory_space<vmem>>, %arg15: memref<64xi32, #tpu.memory_space<vmem>>, %arg16: memref<64xi32, #tpu.memory_space<vmem>>, %arg17: memref<64xi32, #tpu.memory_space<vmem>>, %arg18: memref<64xi32, #tpu.memory_space<vmem>>, %arg19: memref<64xi32, #tpu.memory_space<vmem>>, %arg20: memref<64xi32, #tpu.memory_space<vmem>>, %arg21: memref<32xi32, #tpu.memory_space<vmem>>, %arg22: memref<32xi32, #tpu.memory_space<vmem>>, %arg23: memref<10240x128xf32, #tpu.memory_space<vmem_shared>>, %arg24: memref<!tpu.dma_semaphore, #tpu.memory_space<semaphore_mem>>, %arg25: memref<!tpu.dma_semaphore, #tpu.memory_space<semaphore_mem>>, %arg26: memref<!tpu.dma_semaphore, #tpu.memory_space<semaphore_mem>>, %arg27: memref<!tpu.dma_semaphore, #tpu.memory_space<semaphore_mem>>, %arg28: memref<!tpu.dma_semaphore, #tpu.memory_space<semaphore_mem>>) attributes {dimension_semantics = [#tpu.dimension_semantics<core_parallel>, #tpu.dimension_semantics<subcore_parallel>], iteration_bounds = array<i64: 2, 16>, scalar_prefetch = 0 : i64, scratch_operands = 20 : i64, tpu.core_type = #tpu.core_type<sc_vector_subcore>, window_params = [{transform_indices = #map}, {transform_indices = #map}, {transform_indices = #map}, {transform_indices = #map1}, {transform_indices = #map1}, {transform_indices = #map1}, {transform_indices = #map1}]} {
    %mul3A = arith.constant 20000 : i32
    %mul3A_0 = arith.muli %arg1, %mul3A : i32
    %eq3A = arith.constant 0 : i32
    %eq3A_1 = arith.cmpi eq, %arg1, %eq3A : i32
    %convert_element_type3A = arith.extui %eq3A_1 : i1 to i32
    %cond3A = arith.constant 0 : i32
    %cond3A_2 = arith.cmpi ne, %convert_element_type3A, %cond3A : i32
    scf.if %cond3A_2 {
      "tpu.region"() ({
        %run_scoped3A = tpu.sem_alloc : memref<!tpu.dma_semaphore, #tpu.memory_space<semaphore_mem>>
        tpu.enqueue_dma source(%arg7 : memref<10240x128xf32, #tpu.memory_space<hbm>>) target(%arg23 : memref<10240x128xf32, #tpu.memory_space<vmem_shared>>) target_semaphore(%run_scoped3A : memref<!tpu.dma_semaphore, #tpu.memory_space<semaphore_mem>>)
        tpu.wait_dma2 semaphore(%run_scoped3A : memref<!tpu.dma_semaphore, #tpu.memory_space<semaphore_mem>>) src(%arg7 : memref<10240x128xf32, #tpu.memory_space<hbm>>) dst(%arg23 : memref<10240x128xf32, #tpu.memory_space<vmem_shared>>)
        tpu.yield
      }) : () -> ()
    } else {
    }
    %broadcast_in_dim3A = arith.constant 0.000000e+00 : f32
    %broadcast_in_dim3A_3 = vector.broadcast %broadcast_in_dim3A : f32 to vector<16xf32>
    %parallel_loop3A = arith.constant 0 : i32
    %parallel_loop3A_4 = arith.constant 64 : i32
    %parallel_loop3A_5 = arith.constant 1 : i32
    scf.for %parallel_loop3A_22 = %parallel_loop3A to %parallel_loop3A_4 step %parallel_loop3A_5  : i32 {
      %parallel_loop3A_23 = arith.index_cast %parallel_loop3A_22 : i32 to index
      %parallel_loop3A_24 = arith.constant 0 : index
      %parallel_loop3A_25 = tpu.vector_load %arg9[%parallel_loop3A_23, %parallel_loop3A_24] {strides = array<i32>} : memref<64x128xf32, #tpu.memory_space<vmem>>, vector<16xf32>,
      tpu.vector_store %arg9[%parallel_loop3A_23, %parallel_loop3A_24], %broadcast_in_dim3A_3 {strides = array<i32>} : memref<64x128xf32, #tpu.memory_space<vmem>>, vector<16xf32>,
      %parallel_loop3A_26 = arith.index_cast %parallel_loop3A_22 : i32 to index
      %parallel_loop3A_27 = arith.constant 0 : index
      %parallel_loop3A_28 = tpu.vector_load %arg10[%parallel_loop3A_26, %parallel_loop3A_27] {strides = array<i32>} : memref<64x128xf32, #tpu.memory_space<vmem>>, vector<16xf32>,
      tpu.vector_store %arg10[%parallel_loop3A_26, %parallel_loop3A_27], %broadcast_in_dim3A_3 {strides = array<i32>} : memref<64x128xf32, #tpu.memory_space<vmem>>, vector<16xf32>,
      %parallel_loop3A_29 = arith.index_cast %parallel_loop3A_22 : i32 to index
      %parallel_loop3A_30 = arith.constant 16 : index
      %parallel_loop3A_31 = tpu.vector_load %arg9[%parallel_loop3A_29, %parallel_loop3A_30] {strides = array<i32>} : memref<64x128xf32, #tpu.memory_space<vmem>>, vector<16xf32>,
      tpu.vector_store %arg9[%parallel_loop3A_29, %parallel_loop3A_30], %broadcast_in_dim3A_3 {strides = array<i32>} : memref<64x128xf32, #tpu.memory_space<vmem>>, vector<16xf32>,
      %parallel_loop3A_32 = arith.index_cast %parallel_loop3A_22 : i32 to index
      %parallel_loop3A_33 = arith.constant 16 : index
      %parallel_loop3A_34 = tpu.vector_load %arg10[%parallel_loop3A_32, %parallel_loop3A_33] {strides = array<i32>} : memref<64x128xf32, #tpu.memory_space<vmem>>, vector<16xf32>,
      tpu.vector_store %arg10[%parallel_loop3A_32, %parallel_loop3A_33], %broadcast_in_dim3A_3 {strides = array<i32>} : memref<64x128xf32, #tpu.memory_space<vmem>>, vector<16xf32>,
      %parallel_loop3A_35 = arith.index_cast %parallel_loop3A_22 : i32 to index
      %parallel_loop3A_36 = arith.constant 32 : index
      %parallel_loop3A_37 = tpu.vector_load %arg9[%parallel_loop3A_35, %parallel_loop3A_36] {strides = array<i32>} : memref<64x128xf32, #tpu.memory_space<vmem>>, vector<16xf32>,
      tpu.vector_store %arg9[%parallel_loop3A_35, %parallel_loop3A_36], %broadcast_in_dim3A_3 {strides = array<i32>} : memref<64x128xf32, #tpu.memory_space<vmem>>, vector<16xf32>,
      %parallel_loop3A_38 = arith.index_cast %parallel_loop3A_22 : i32 to index
      %parallel_loop3A_39 = arith.constant 32 : index
      %parallel_loop3A_40 = tpu.vector_load %arg10[%parallel_loop3A_38, %parallel_loop3A_39] {strides = array<i32>} : memref<64x128xf32, #tpu.memory_space<vmem>>, vector<16xf32>,
      tpu.vector_store %arg10[%parallel_loop3A_38, %parallel_loop3A_39], %broadcast_in_dim3A_3 {strides = array<i32>} : memref<64x128xf32, #tpu.memory_space<vmem>>, vector<16xf32>,
      %parallel_loop3A_41 = arith.index_cast %parallel_loop3A_22 : i32 to index
      %parallel_loop3A_42 = arith.constant 48 : index
      %parallel_loop3A_43 = tpu.vector_load %arg9[%parallel_loop3A_41, %parallel_loop3A_42] {strides = array<i32>} : memref<64x128xf32, #tpu.memory_space<vmem>>, vector<16xf32>,
      tpu.vector_store %arg9[%parallel_loop3A_41, %parallel_loop3A_42], %broadcast_in_dim3A_3 {strides = array<i32>} : memref<64x128xf32, #tpu.memory_space<vmem>>, vector<16xf32>,
      %parallel_loop3A_44 = arith.index_cast %parallel_loop3A_22 : i32 to index
      %parallel_loop3A_45 = arith.constant 48 : index
      %parallel_loop3A_46 = tpu.vector_load %arg10[%parallel_loop3A_44, %parallel_loop3A_45] {strides = array<i32>} : memref<64x128xf32, #tpu.memory_space<vmem>>, vector<16xf32>,
      tpu.vector_store %arg10[%parallel_loop3A_44, %parallel_loop3A_45], %broadcast_in_dim3A_3 {strides = array<i32>} : memref<64x128xf32, #tpu.memory_space<vmem>>, vector<16xf32>,
      %parallel_loop3A_47 = arith.index_cast %parallel_loop3A_22 : i32 to index
      %parallel_loop3A_48 = arith.constant 64 : index
      %parallel_loop3A_49 = tpu.vector_load %arg9[%parallel_loop3A_47, %parallel_loop3A_48] {strides = array<i32>} : memref<64x128xf32, #tpu.memory_space<vmem>>, vector<16xf32>,
      tpu.vector_store %arg9[%parallel_loop3A_47, %parallel_loop3A_48], %broadcast_in_dim3A_3 {strides = array<i32>} : memref<64x128xf32, #tpu.memory_space<vmem>>, vector<16xf32>,
      %parallel_loop3A_50 = arith.index_cast %parallel_loop3A_22 : i32 to index
      %parallel_loop3A_51 = arith.constant 64 : index
      %parallel_loop3A_52 = tpu.vector_load %arg10[%parallel_loop3A_50, %parallel_loop3A_51] {strides = array<i32>} : memref<64x128xf32, #tpu.memory_space<vmem>>, vector<16xf32>,
      tpu.vector_store %arg10[%parallel_loop3A_50, %parallel_loop3A_51], %broadcast_in_dim3A_3 {strides = array<i32>} : memref<64x128xf32, #tpu.memory_space<vmem>>, vector<16xf32>,
      %parallel_loop3A_53 = arith.index_cast %parallel_loop3A_22 : i32 to index
      %parallel_loop3A_54 = arith.constant 80 : index
      %parallel_loop3A_55 = tpu.vector_load %arg9[%parallel_loop3A_53, %parallel_loop3A_54] {strides = array<i32>} : memref<64x128xf32, #tpu.memory_space<vmem>>, vector<16xf32>,
      tpu.vector_store %arg9[%parallel_loop3A_53, %parallel_loop3A_54], %broadcast_in_dim3A_3 {strides = array<i32>} : memref<64x128xf32, #tpu.memory_space<vmem>>, vector<16xf32>,
      %parallel_loop3A_56 = arith.index_cast %parallel_loop3A_22 : i32 to index
      %parallel_loop3A_57 = arith.constant 80 : index
      %parallel_loop3A_58 = tpu.vector_load %arg10[%parallel_loop3A_56, %parallel_loop3A_57] {strides = array<i32>} : memref<64x128xf32, #tpu.memory_space<vmem>>, vector<16xf32>,
      tpu.vector_store %arg10[%parallel_loop3A_56, %parallel_loop3A_57], %broadcast_in_dim3A_3 {strides = array<i32>} : memref<64x128xf32, #tpu.memory_space<vmem>>, vector<16xf32>,
      %parallel_loop3A_59 = arith.index_cast %parallel_loop3A_22 : i32 to index
      %parallel_loop3A_60 = arith.constant 96 : index
      %parallel_loop3A_61 = tpu.vector_load %arg9[%parallel_loop3A_59, %parallel_loop3A_60] {strides = array<i32>} : memref<64x128xf32, #tpu.memory_space<vmem>>, vector<16xf32>,
      tpu.vector_store %arg9[%parallel_loop3A_59, %parallel_loop3A_60], %broadcast_in_dim3A_3 {strides = array<i32>} : memref<64x128xf32, #tpu.memory_space<vmem>>, vector<16xf32>,
      %parallel_loop3A_62 = arith.index_cast %parallel_loop3A_22 : i32 to index
      %parallel_loop3A_63 = arith.constant 96 : index
      %parallel_loop3A_64 = tpu.vector_load %arg10[%parallel_loop3A_62, %parallel_loop3A_63] {strides = array<i32>} : memref<64x128xf32, #tpu.memory_space<vmem>>, vector<16xf32>,
      tpu.vector_store %arg10[%parallel_loop3A_62, %parallel_loop3A_63], %broadcast_in_dim3A_3 {strides = array<i32>} : memref<64x128xf32, #tpu.memory_space<vmem>>, vector<16xf32>,
      %parallel_loop3A_65 = arith.index_cast %parallel_loop3A_22 : i32 to index
      %parallel_loop3A_66 = arith.constant 112 : index
      %parallel_loop3A_67 = tpu.vector_load %arg9[%parallel_loop3A_65, %parallel_loop3A_66] {strides = array<i32>} : memref<64x128xf32, #tpu.memory_space<vmem>>, vector<16xf32>,
      tpu.vector_store %arg9[%parallel_loop3A_65, %parallel_loop3A_66], %broadcast_in_dim3A_3 {strides = array<i32>} : memref<64x128xf32, #tpu.memory_space<vmem>>, vector<16xf32>,
      %parallel_loop3A_68 = arith.index_cast %parallel_loop3A_22 : i32 to index
      %parallel_loop3A_69 = arith.constant 112 : index
      %parallel_loop3A_70 = tpu.vector_load %arg10[%parallel_loop3A_68, %parallel_loop3A_69] {strides = array<i32>} : memref<64x128xf32, #tpu.memory_space<vmem>>, vector<16xf32>,
      tpu.vector_store %arg10[%parallel_loop3A_68, %parallel_loop3A_69], %broadcast_in_dim3A_3 {strides = array<i32>} : memref<64x128xf32, #tpu.memory_space<vmem>>, vector<16xf32>,
    } {sc.loop_unroll_factor = 4 : i64, sc.parallel_access}
    %barrier3A = arith.constant 0 : index
    tpu.barrier barrier_id(%barrier3A)
    %eq3A_6 = arith.constant 0 : i32
    %eq3A_7 = arith.cmpi eq, %arg0, %eq3A_6 : i32
    %convert_element_type3A_8 = arith.extui %eq3A_7 : i1 to i32
    %cond3A_9 = arith.constant 0 : i32
    %cond3A_10 = arith.cmpi ne, %convert_element_type3A_8, %cond3A_9 : i32
    scf.if %cond3A_10 {
      %add3A = arith.constant 0 : i32
      %add3A_22 = arith.addi %mul3A_0, %add3A : i32
      %dma_start3A = tpu.memref_slice %arg2[%add3A_22] : memref<320000xi32, #tpu.memory_space<hbm>> -> memref<64xi32, #tpu.memory_space<hbm>>
      %dma_start3A_23 = tpu.memref_slice %arg2[%add3A_22] : memref<320000xi32, #tpu.memory_space<hbm>> -> memref<64xi32, #tpu.memory_space<hbm>>
      tpu.enqueue_dma source(%dma_start3A_23 : memref<64xi32, #tpu.memory_space<hbm>>) target(%arg15 : memref<64xi32, #tpu.memory_space<vmem>>) target_semaphore(%arg24 : memref<!tpu.dma_semaphore, #tpu.memory_space<semaphore_mem>>)
      %dma_start3A_24 = tpu.memref_slice %arg3[%add3A_22] : memref<320000xi32, #tpu.memory_space<hbm>> -> memref<64xi32, #tpu.memory_space<hbm>>
      %dma_start3A_25 = tpu.memref_slice %arg3[%add3A_22] : memref<320000xi32, #tpu.memory_space<hbm>> -> memref<64xi32, #tpu.memory_space<hbm>>
      tpu.enqueue_dma source(%dma_start3A_25 : memref<64xi32, #tpu.memory_space<hbm>>) target(%arg17 : memref<64xi32, #tpu.memory_space<vmem>>) target_semaphore(%arg24 : memref<!tpu.dma_semaphore, #tpu.memory_space<semaphore_mem>>)
      %dma_start3A_26 = tpu.memref_slice %arg4[%add3A_22] : memref<320000xf32, #tpu.memory_space<hbm>> -> memref<64xf32, #tpu.memory_space<hbm>>
      %dma_start3A_27 = tpu.memref_slice %arg4[%add3A_22] : memref<320000xf32, #tpu.memory_space<hbm>> -> memref<64xf32, #tpu.memory_space<hbm>>
      tpu.enqueue_dma source(%dma_start3A_27 : memref<64xf32, #tpu.memory_space<hbm>>) target(%arg13 : memref<64xf32, #tpu.memory_space<vmem>>) target_semaphore(%arg24 : memref<!tpu.dma_semaphore, #tpu.memory_space<semaphore_mem>>)
      %add3A_28 = arith.constant 0 : i32
      %add3A_29 = arith.addi %mul3A_0, %add3A_28 : i32
      %dma_wait3A = tpu.memref_slice %arg2[%add3A_29] : memref<320000xi32, #tpu.memory_space<hbm>> -> memref<64xi32, #tpu.memory_space<hbm>>
      %dma_wait3A_30 = tpu.memref_slice %arg2[%add3A_29] : memref<320000xi32, #tpu.memory_space<hbm>> -> memref<64xi32, #tpu.memory_space<hbm>>
      tpu.wait_dma2 semaphore(%arg24 : memref<!tpu.dma_semaphore, #tpu.memory_space<semaphore_mem>>) src(%dma_wait3A_30 : memref<64xi32, #tpu.memory_space<hbm>>) dst(%arg15 : memref<64xi32, #tpu.memory_space<vmem>>)
      %dma_wait3A_31 = tpu.memref_slice %arg3[%add3A_29] : memref<320000xi32, #tpu.memory_space<hbm>> -> memref<64xi32, #tpu.memory_space<hbm>>
      %dma_wait3A_32 = tpu.memref_slice %arg3[%add3A_29] : memref<320000xi32, #tpu.memory_space<hbm>> -> memref<64xi32, #tpu.memory_space<hbm>>
      tpu.wait_dma2 semaphore(%arg24 : memref<!tpu.dma_semaphore, #tpu.memory_space<semaphore_mem>>) src(%dma_wait3A_32 : memref<64xi32, #tpu.memory_space<hbm>>) dst(%arg17 : memref<64xi32, #tpu.memory_space<vmem>>)
      %dma_wait3A_33 = tpu.memref_slice %arg4[%add3A_29] : memref<320000xf32, #tpu.memory_space<hbm>> -> memref<64xf32, #tpu.memory_space<hbm>>
      %dma_wait3A_34 = tpu.memref_slice %arg4[%add3A_29] : memref<320000xf32, #tpu.memory_space<hbm>> -> memref<64xf32, #tpu.memory_space<hbm>>
      tpu.wait_dma2 semaphore(%arg24 : memref<!tpu.dma_semaphore, #tpu.memory_space<semaphore_mem>>) src(%dma_wait3A_34 : memref<64xf32, #tpu.memory_space<hbm>>) dst(%arg13 : memref<64xf32, #tpu.memory_space<vmem>>)
      %dma_start3A_35 = arith.constant 0 : i32
      %dma_start3A_36 = arith.constant 0 : i32
      %dma_start3A_37 = tpu.memref_slice %arg5[%dma_start3A_35, %dma_start3A_36] : memref<10000x128xf32, #tpu.memory_space<hbm>> -> memref<10000x128xf32, #tpu.memory_space<hbm>>
      tpu.enqueue_indirect_dma source(%dma_start3A_37 : memref<10000x128xf32, #tpu.memory_space<hbm>>) target(%arg9 : memref<64x128xf32, #tpu.memory_space<vmem>>) offsets(%arg15 : memref<64xi32, #tpu.memory_space<vmem>>) semaphore(%arg26 : memref<!tpu.dma_semaphore, #tpu.memory_space<semaphore_mem>>)
      %add3A_38 = arith.constant 64 : i32
      %add3A_39 = arith.addi %mul3A_0, %add3A_38 : i32
      %dma_start3A_40 = tpu.memref_slice %arg2[%add3A_39] : memref<320000xi32, #tpu.memory_space<hbm>> -> memref<64xi32, #tpu.memory_space<hbm>>
      %dma_start3A_41 = tpu.memref_slice %arg2[%add3A_39] : memref<320000xi32, #tpu.memory_space<hbm>> -> memref<64xi32, #tpu.memory_space<hbm>>
      tpu.enqueue_dma source(%dma_start3A_41 : memref<64xi32, #tpu.memory_space<hbm>>) target(%arg16 : memref<64xi32, #tpu.memory_space<vmem>>) target_semaphore(%arg25 : memref<!tpu.dma_semaphore, #tpu.memory_space<semaphore_mem>>)
      %dma_start3A_42 = tpu.memref_slice %arg3[%add3A_39] : memref<320000xi32, #tpu.memory_space<hbm>> -> memref<64xi32, #tpu.memory_space<hbm>>
      %dma_start3A_43 = tpu.memref_slice %arg3[%add3A_39] : memref<320000xi32, #tpu.memory_space<hbm>> -> memref<64xi32, #tpu.memory_space<hbm>>
      tpu.enqueue_dma source(%dma_start3A_43 : memref<64xi32, #tpu.memory_space<hbm>>) target(%arg18 : memref<64xi32, #tpu.memory_space<vmem>>) target_semaphore(%arg25 : memref<!tpu.dma_semaphore, #tpu.memory_space<semaphore_mem>>)
      %dma_start3A_44 = tpu.memref_slice %arg4[%add3A_39] : memref<320000xf32, #tpu.memory_space<hbm>> -> memref<64xf32, #tpu.memory_space<hbm>>
      %dma_start3A_45 = tpu.memref_slice %arg4[%add3A_39] : memref<320000xf32, #tpu.memory_space<hbm>> -> memref<64xf32, #tpu.memory_space<hbm>>
      tpu.enqueue_dma source(%dma_start3A_45 : memref<64xf32, #tpu.memory_space<hbm>>) target(%arg14 : memref<64xf32, #tpu.memory_space<vmem>>) target_semaphore(%arg25 : memref<!tpu.dma_semaphore, #tpu.memory_space<semaphore_mem>>)
      %scan3A = arith.constant 0 : i32
      %scan3A_46 = arith.constant 0 : i32
      %scan3A_47 = arith.constant 156 : i32
      %scan3A_48 = arith.addi %scan3A_46, %scan3A_47 : i32
      %scan3A_49 = arith.constant 1 : i32
      scf.for %scan3A_85 = %scan3A_46 to %scan3A_48 step %scan3A_49  : i32 {
        %mul3A_86 = arith.constant 2 : i32
        %mul3A_87 = arith.muli %scan3A_85, %mul3A_86 : i32
        %add3A_88 = arith.constant 1 : i32
        %add3A_89 = arith.addi %mul3A_87, %add3A_88 : i32
        %mul3A_90 = arith.constant 64 : i32
        %mul3A_91 = arith.muli %add3A_89, %mul3A_90 : i32
        %add3A_92 = arith.addi %mul3A_0, %mul3A_91 : i32
        %dma_wait3A_93 = tpu.memref_slice %arg2[%add3A_92] : memref<320000xi32, #tpu.memory_space<hbm>> -> memref<64xi32, #tpu.memory_space<hbm>>
        %dma_wait3A_94 = tpu.memref_slice %arg2[%add3A_92] : memref<320000xi32, #tpu.memory_space<hbm>> -> memref<64xi32, #tpu.memory_space<hbm>>
        tpu.wait_dma2 semaphore(%arg25 : memref<!tpu.dma_semaphore, #tpu.memory_space<semaphore_mem>>) src(%dma_wait3A_94 : memref<64xi32, #tpu.memory_space<hbm>>) dst(%arg16 : memref<64xi32, #tpu.memory_space<vmem>>)
        %dma_wait3A_95 = tpu.memref_slice %arg3[%add3A_92] : memref<320000xi32, #tpu.memory_space<hbm>> -> memref<64xi32, #tpu.memory_space<hbm>>
        %dma_wait3A_96 = tpu.memref_slice %arg3[%add3A_92] : memref<320000xi32, #tpu.memory_space<hbm>> -> memref<64xi32, #tpu.memory_space<hbm>>
        tpu.wait_dma2 semaphore(%arg25 : memref<!tpu.dma_semaphore, #tpu.memory_space<semaphore_mem>>) src(%dma_wait3A_96 : memref<64xi32, #tpu.memory_space<hbm>>) dst(%arg18 : memref<64xi32, #tpu.memory_space<vmem>>)
        %dma_wait3A_97 = tpu.memref_slice %arg4[%add3A_92] : memref<320000xf32, #tpu.memory_space<hbm>> -> memref<64xf32, #tpu.memory_space<hbm>>
        %dma_wait3A_98 = tpu.memref_slice %arg4[%add3A_92] : memref<320000xf32, #tpu.memory_space<hbm>> -> memref<64xf32, #tpu.memory_space<hbm>>
        tpu.wait_dma2 semaphore(%arg25 : memref<!tpu.dma_semaphore, #tpu.memory_space<semaphore_mem>>) src(%dma_wait3A_98 : memref<64xf32, #tpu.memory_space<hbm>>) dst(%arg14 : memref<64xf32, #tpu.memory_space<vmem>>)
        %dma_wait3A_99 = arith.constant 0 : i32
        %dma_wait3A_100 = arith.constant 0 : i32
        %dma_wait3A_101 = tpu.memref_slice %arg5[%dma_wait3A_99, %dma_wait3A_100] : memref<10000x128xf32, #tpu.memory_space<hbm>> -> memref<10000x128xf32, #tpu.memory_space<hbm>>
        tpu.wait_indirect_dma semaphore(%arg26 : memref<!tpu.dma_semaphore, #tpu.memory_space<semaphore_mem>>) src(%dma_wait3A_101 : memref<10000x128xf32, #tpu.memory_space<hbm>>) dst(%arg9 : memref<64x128xf32, #tpu.memory_space<vmem>>)
        %ge3A = arith.constant 1 : i32
        %ge3A_102 = arith.cmpi sge, %mul3A_87, %ge3A : i32
        %convert_element_type3A_103 = arith.extui %ge3A_102 : i1 to i32
        %cond3A_104 = arith.constant 0 : i32
        %cond3A_105 = arith.cmpi ne, %convert_element_type3A_103, %cond3A_104 : i32
        scf.if %cond3A_105 {
          %dma_wait3A_182 = arith.constant 0 : i32
          %dma_wait3A_183 = arith.constant 0 : i32
          %dma_wait3A_184 = tpu.memref_slice %arg23[%dma_wait3A_182, %dma_wait3A_183] : memref<10240x128xf32, #tpu.memory_space<vmem_shared>> -> memref<10240x128xf32, #tpu.memory_space<vmem_shared>>
          tpu.wait_indirect_dma semaphore(%arg28 : memref<!tpu.dma_semaphore, #tpu.memory_space<semaphore_mem>>) src(%arg10 : memref<64x128xf32, #tpu.memory_space<vmem>>) dst(%dma_wait3A_184 : memref<10240x128xf32, #tpu.memory_space<vmem_shared>>)
        } else {
        }
        %dma_start3A_106 = arith.constant 0 : i32
        %dma_start3A_107 = arith.constant 0 : i32
        %dma_start3A_108 = tpu.memref_slice %arg5[%dma_start3A_106, %dma_start3A_107] : memref<10000x128xf32, #tpu.memory_space<hbm>> -> memref<10000x128xf32, #tpu.memory_space<hbm>>
        tpu.enqueue_indirect_dma source(%dma_start3A_108 : memref<10000x128xf32, #tpu.memory_space<hbm>>) target(%arg10 : memref<64x128xf32, #tpu.memory_space<vmem>>) offsets(%arg16 : memref<64xi32, #tpu.memory_space<vmem>>) semaphore(%arg26 : memref<!tpu.dma_semaphore, #tpu.memory_space<semaphore_mem>>)
        %scan3A_109 = arith.constant 0 : i32
        %scan3A_110 = arith.constant 0 : i32
        %scan3A_111 = arith.constant 4 : i32
        %scan3A_112 = arith.addi %scan3A_110, %scan3A_111 : i32
        %scan3A_113 = arith.constant 1 : i32
        scf.for %scan3A_182 = %scan3A_110 to %scan3A_112 step %scan3A_113  : i32 {
          %mul3A_183 = arith.constant 16 : i32
          %mul3A_184 = arith.muli %scan3A_182, %mul3A_183 : i32
          %get3A = arith.index_cast %mul3A_184 : i32 to index
          %get3A_185 = tpu.vector_load %arg17[%get3A] {strides = array<i32>} : memref<64xi32, #tpu.memory_space<vmem>>, vector<16xi32>,
          %swap3A = arith.index_cast %mul3A_184 : i32 to index
          %swap3A_186 = tpu.vector_load %arg19[%swap3A] {strides = array<i32>} : memref<64xi32, #tpu.memory_space<vmem>>, vector<16xi32>,
          tpu.vector_store %arg19[%swap3A], %get3A_185 {strides = array<i32>} : memref<64xi32, #tpu.memory_space<vmem>>, vector<16xi32>,
        }
        %scan3A_114 = arith.constant 4 : i32
        %parallel_loop3A_115 = arith.constant 0 : i32
        %parallel_loop3A_116 = arith.constant 64 : i32
        %parallel_loop3A_117 = arith.constant 1 : i32
        scf.for %parallel_loop3A_182 = %parallel_loop3A_115 to %parallel_loop3A_116 step %parallel_loop3A_117  : i32 {
          %parallel_loop3A_183 = vector.broadcast %parallel_loop3A_182 : i32 to vector<16xi32>
          %parallel_loop3A_184 = tpu.vector_load_idx %arg13[%parallel_loop3A_183] : memref<64xf32, #tpu.memory_space<vmem>>[vector<16xi32>], vector<16xf32>,
          %parallel_loop3A_185 = arith.index_cast %parallel_loop3A_182 : i32 to index
          %parallel_loop3A_186 = arith.constant 0 : index
          %parallel_loop3A_187 = tpu.vector_load %arg9[%parallel_loop3A_185, %parallel_loop3A_186] {strides = array<i32>} : memref<64x128xf32, #tpu.memory_space<vmem>>, vector<16xf32>,
          %parallel_loop3A_188 = arith.mulf %parallel_loop3A_187, %parallel_loop3A_184 : vector<16xf32>
          %parallel_loop3A_189 = arith.index_cast %parallel_loop3A_182 : i32 to index
          %parallel_loop3A_190 = arith.constant 0 : index
          %parallel_loop3A_191 = tpu.vector_load %arg9[%parallel_loop3A_189, %parallel_loop3A_190] {strides = array<i32>} : memref<64x128xf32, #tpu.memory_space<vmem>>, vector<16xf32>,
          tpu.vector_store %arg9[%parallel_loop3A_189, %parallel_loop3A_190], %parallel_loop3A_188 {strides = array<i32>} : memref<64x128xf32, #tpu.memory_space<vmem>>, vector<16xf32>,
          %parallel_loop3A_192 = arith.index_cast %parallel_loop3A_182 : i32 to index
          %parallel_loop3A_193 = arith.constant 16 : index
          %parallel_loop3A_194 = tpu.vector_load %arg9[%parallel_loop3A_192, %parallel_loop3A_193] {strides = array<i32>} : memref<64x128xf32, #tpu.memory_space<vmem>>, vector<16xf32>,
          %parallel_loop3A_195 = arith.mulf %parallel_loop3A_194, %parallel_loop3A_184 : vector<16xf32>
          %parallel_loop3A_196 = arith.index_cast %parallel_loop3A_182 : i32 to index
          %parallel_loop3A_197 = arith.constant 16 : index
          %parallel_loop3A_198 = tpu.vector_load %arg9[%parallel_loop3A_196, %parallel_loop3A_197] {strides = array<i32>} : memref<64x128xf32, #tpu.memory_space<vmem>>, vector<16xf32>,
          tpu.vector_store %arg9[%parallel_loop3A_196, %parallel_loop3A_197], %parallel_loop3A_195 {strides = array<i32>} : memref<64x128xf32, #tpu.memory_space<vmem>>, vector<16xf32>,
          %parallel_loop3A_199 = arith.index_cast %parallel_loop3A_182 : i32 to index
          %parallel_loop3A_200 = arith.constant 32 : index
          %parallel_loop3A_201 = tpu.vector_load %arg9[%parallel_loop3A_199, %parallel_loop3A_200] {strides = array<i32>} : memref<64x128xf32, #tpu.memory_space<vmem>>, vector<16xf32>,
          %parallel_loop3A_202 = arith.mulf %parallel_loop3A_201, %parallel_loop3A_184 : vector<16xf32>
          %parallel_loop3A_203 = arith.index_cast %parallel_loop3A_182 : i32 to index
          %parallel_loop3A_204 = arith.constant 32 : index
          %parallel_loop3A_205 = tpu.vector_load %arg9[%parallel_loop3A_203, %parallel_loop3A_204] {strides = array<i32>} : memref<64x128xf32, #tpu.memory_space<vmem>>, vector<16xf32>,
          tpu.vector_store %arg9[%parallel_loop3A_203, %parallel_loop3A_204], %parallel_loop3A_202 {strides = array<i32>} : memref<64x128xf32, #tpu.memory_space<vmem>>, vector<16xf32>,
          %parallel_loop3A_206 = arith.index_cast %parallel_loop3A_182 : i32 to index
          %parallel_loop3A_207 = arith.constant 48 : index
          %parallel_loop3A_208 = tpu.vector_load %arg9[%parallel_loop3A_206, %parallel_loop3A_207] {strides = array<i32>} : memref<64x128xf32, #tpu.memory_space<vmem>>, vector<16xf32>,
          %parallel_loop3A_209 = arith.mulf %parallel_loop3A_208, %parallel_loop3A_184 : vector<16xf32>
          %parallel_loop3A_210 = arith.index_cast %parallel_loop3A_182 : i32 to index
          %parallel_loop3A_211 = arith.constant 48 : index
          %parallel_loop3A_212 = tpu.vector_load %arg9[%parallel_loop3A_210, %parallel_loop3A_211] {strides = array<i32>} : memref<64x128xf32, #tpu.memory_space<vmem>>, vector<16xf32>,
          tpu.vector_store %arg9[%parallel_loop3A_210, %parallel_loop3A_211], %parallel_loop3A_209 {strides = array<i32>} : memref<64x128xf32, #tpu.memory_space<vmem>>, vector<16xf32>,
          %parallel_loop3A_213 = arith.index_cast %parallel_loop3A_182 : i32 to index
          %parallel_loop3A_214 = arith.constant 64 : index
          %parallel_loop3A_215 = tpu.vector_load %arg9[%parallel_loop3A_213, %parallel_loop3A_214] {strides = array<i32>} : memref<64x128xf32, #tpu.memory_space<vmem>>, vector<16xf32>,
          %parallel_loop3A_216 = arith.mulf %parallel_loop3A_215, %parallel_loop3A_184 : vector<16xf32>
          %parallel_loop3A_217 = arith.index_cast %parallel_loop3A_182 : i32 to index
          %parallel_loop3A_218 = arith.constant 64 : index
          %parallel_loop3A_219 = tpu.vector_load %arg9[%parallel_loop3A_217, %parallel_loop3A_218] {strides = array<i32>} : memref<64x128xf32, #tpu.memory_space<vmem>>, vector<16xf32>,
          tpu.vector_store %arg9[%parallel_loop3A_217, %parallel_loop3A_218], %parallel_loop3A_216 {strides = array<i32>} : memref<64x128xf32, #tpu.memory_space<vmem>>, vector<16xf32>,
          %parallel_loop3A_220 = arith.index_cast %parallel_loop3A_182 : i32 to index
          %parallel_loop3A_221 = arith.constant 80 : index
          %parallel_loop3A_222 = tpu.vector_load %arg9[%parallel_loop3A_220, %parallel_loop3A_221] {strides = array<i32>} : memref<64x128xf32, #tpu.memory_space<vmem>>, vector<16xf32>,
          %parallel_loop3A_223 = arith.mulf %parallel_loop3A_222, %parallel_loop3A_184 : vector<16xf32>
          %parallel_loop3A_224 = arith.index_cast %parallel_loop3A_182 : i32 to index
          %parallel_loop3A_225 = arith.constant 80 : index
          %parallel_loop3A_226 = tpu.vector_load %arg9[%parallel_loop3A_224, %parallel_loop3A_225] {strides = array<i32>} : memref<64x128xf32, #tpu.memory_space<vmem>>, vector<16xf32>,
          tpu.vector_store %arg9[%parallel_loop3A_224, %parallel_loop3A_225], %parallel_loop3A_223 {strides = array<i32>} : memref<64x128xf32, #tpu.memory_space<vmem>>, vector<16xf32>,
          %parallel_loop3A_227 = arith.index_cast %parallel_loop3A_182 : i32 to index
          %parallel_loop3A_228 = arith.constant 96 : index
          %parallel_loop3A_229 = tpu.vector_load %arg9[%parallel_loop3A_227, %parallel_loop3A_228] {strides = array<i32>} : memref<64x128xf32, #tpu.memory_space<vmem>>, vector<16xf32>,
          %parallel_loop3A_230 = arith.mulf %parallel_loop3A_229, %parallel_loop3A_184 : vector<16xf32>
          %parallel_loop3A_231 = arith.index_cast %parallel_loop3A_182 : i32 to index
          %parallel_loop3A_232 = arith.constant 96 : index
          %parallel_loop3A_233 = tpu.vector_load %arg9[%parallel_loop3A_231, %parallel_loop3A_232] {strides = array<i32>} : memref<64x128xf32, #tpu.memory_space<vmem>>, vector<16xf32>,
          tpu.vector_store %arg9[%parallel_loop3A_231, %parallel_loop3A_232], %parallel_loop3A_230 {strides = array<i32>} : memref<64x128xf32, #tpu.memory_space<vmem>>, vector<16xf32>,
          %parallel_loop3A_234 = arith.index_cast %parallel_loop3A_182 : i32 to index
          %parallel_loop3A_235 = arith.constant 112 : index
          %parallel_loop3A_236 = tpu.vector_load %arg9[%parallel_loop3A_234, %parallel_loop3A_235] {strides = array<i32>} : memref<64x128xf32, #tpu.memory_space<vmem>>, vector<16xf32>,
          %parallel_loop3A_237 = arith.mulf %parallel_loop3A_236, %parallel_loop3A_184 : vector<16xf32>
          %parallel_loop3A_238 = arith.index_cast %parallel_loop3A_182 : i32 to index
          %parallel_loop3A_239 = arith.constant 112 : index
          %parallel_loop3A_240 = tpu.vector_load %arg9[%parallel_loop3A_238, %parallel_loop3A_239] {strides = array<i32>} : memref<64x128xf32, #tpu.memory_space<vmem>>, vector<16xf32>,
          tpu.vector_store %arg9[%parallel_loop3A_238, %parallel_loop3A_239], %parallel_loop3A_237 {strides = array<i32>} : memref<64x128xf32, #tpu.memory_space<vmem>>, vector<16xf32>,
        } {sc.loop_unroll_factor = 8 : i64, sc.parallel_access}
        %dma_start3A_118 = arith.constant 0 : i32
        %dma_start3A_119 = arith.constant 0 : i32
        %dma_start3A_120 = tpu.memref_slice %arg23[%dma_start3A_118, %dma_start3A_119] : memref<10240x128xf32, #tpu.memory_space<vmem_shared>> -> memref<10240x128xf32, #tpu.memory_space<vmem_shared>>
        tpu.enqueue_indirect_dma source(%arg9 : memref<64x128xf32, #tpu.memory_space<vmem>>) target(%dma_start3A_120 : memref<10240x128xf32, #tpu.memory_space<vmem_shared>>) offsets(%arg19 : memref<64xi32, #tpu.memory_space<vmem>>) semaphore(%arg27 : memref<!tpu.dma_semaphore, #tpu.memory_space<semaphore_mem>>) {add = true}
        %add3A_121 = arith.constant 2 : i32
        %add3A_122 = arith.addi %mul3A_87, %add3A_121 : i32
        %min3A = arith.constant 311 : i32
        %min3A_123 = arith.minsi %add3A_122, %min3A : i32
        %mul3A_124 = arith.constant 64 : i32
        %mul3A_125 = arith.muli %min3A_123, %mul3A_124 : i32
        %add3A_126 = arith.addi %mul3A_0, %mul3A_125 : i32
        %dma_start3A_127 = tpu.memref_slice %arg2[%add3A_126] : memref<320000xi32, #tpu.memory_space<hbm>> -> memref<64xi32, #tpu.memory_space<hbm>>
        %dma_start3A_128 = tpu.memref_slice %arg2[%add3A_126] : memref<320000xi32, #tpu.memory_space<hbm>> -> memref<64xi32, #tpu.memory_space<hbm>>
        tpu.enqueue_dma source(%dma_start3A_128 : memref<64xi32, #tpu.memory_space<hbm>>) target(%arg15 : memref<64xi32, #tpu.memory_space<vmem>>) target_semaphore(%arg24 : memref<!tpu.dma_semaphore, #tpu.memory_space<semaphore_mem>>)
        %dma_start3A_129 = tpu.memref_slice %arg3[%add3A_126] : memref<320000xi32, #tpu.memory_space<hbm>> -> memref<64xi32, #tpu.memory_space<hbm>>
        %dma_start3A_130 = tpu.memref_slice %arg3[%add3A_126] : memref<320000xi32, #tpu.memory_space<hbm>> -> memref<64xi32, #tpu.memory_space<hbm>>
        tpu.enqueue_dma source(%dma_start3A_130 : memref<64xi32, #tpu.memory_space<hbm>>) target(%arg17 : memref<64xi32, #tpu.memory_space<vmem>>) target_semaphore(%arg24 : memref<!tpu.dma_semaphore, #tpu.memory_space<semaphore_mem>>)
        %dma_start3A_131 = tpu.memref_slice %arg4[%add3A_126] : memref<320000xf32, #tpu.memory_space<hbm>> -> memref<64xf32, #tpu.memory_space<hbm>>
        %dma_start3A_132 = tpu.memref_slice %arg4[%add3A_126] : memref<320000xf32, #tpu.memory_space<hbm>> -> memref<64xf32, #tpu.memory_space<hbm>>
        tpu.enqueue_dma source(%dma_start3A_132 : memref<64xf32, #tpu.memory_space<hbm>>) target(%arg13 : memref<64xf32, #tpu.memory_space<vmem>>) target_semaphore(%arg24 : memref<!tpu.dma_semaphore, #tpu.memory_space<semaphore_mem>>)
        %add3A_133 = arith.constant 1 : i32
        %add3A_134 = arith.addi %mul3A_87, %add3A_133 : i32
        %add3A_135 = arith.constant 1 : i32
        %add3A_136 = arith.addi %add3A_134, %add3A_135 : i32
        %mul3A_137 = arith.constant 64 : i32
        %mul3A_138 = arith.muli %add3A_136, %mul3A_137 : i32
        %add3A_139 = arith.addi %mul3A_0, %mul3A_138 : i32
        %dma_wait3A_140 = tpu.memref_slice %arg2[%add3A_139] : memref<320000xi32, #tpu.memory_space<hbm>> -> memref<64xi32, #tpu.memory_space<hbm>>
        %dma_wait3A_141 = tpu.memref_slice %arg2[%add3A_139] : memref<320000xi32, #tpu.memory_space<hbm>> -> memref<64xi32, #tpu.memory_space<hbm>>
        tpu.wait_dma2 semaphore(%arg24 : memref<!tpu.dma_semaphore, #tpu.memory_space<semaphore_mem>>) src(%dma_wait3A_141 : memref<64xi32, #tpu.memory_space<hbm>>) dst(%arg15 : memref<64xi32, #tpu.memory_space<vmem>>)
        %dma_wait3A_142 = tpu.memref_slice %arg3[%add3A_139] : memref<320000xi32, #tpu.memory_space<hbm>> -> memref<64xi32, #tpu.memory_space<hbm>>
        %dma_wait3A_143 = tpu.memref_slice %arg3[%add3A_139] : memref<320000xi32, #tpu.memory_space<hbm>> -> memref<64xi32, #tpu.memory_space<hbm>>
        tpu.wait_dma2 semaphore(%arg24 : memref<!tpu.dma_semaphore, #tpu.memory_space<semaphore_mem>>) src(%dma_wait3A_143 : memref<64xi32, #tpu.memory_space<hbm>>) dst(%arg17 : memref<64xi32, #tpu.memory_space<vmem>>)
        %dma_wait3A_144 = tpu.memref_slice %arg4[%add3A_139] : memref<320000xf32, #tpu.memory_space<hbm>> -> memref<64xf32, #tpu.memory_space<hbm>>
        %dma_wait3A_145 = tpu.memref_slice %arg4[%add3A_139] : memref<320000xf32, #tpu.memory_space<hbm>> -> memref<64xf32, #tpu.memory_space<hbm>>
        tpu.wait_dma2 semaphore(%arg24 : memref<!tpu.dma_semaphore, #tpu.memory_space<semaphore_mem>>) src(%dma_wait3A_145 : memref<64xf32, #tpu.memory_space<hbm>>) dst(%arg13 : memref<64xf32, #tpu.memory_space<vmem>>)
        %dma_wait3A_146 = arith.constant 0 : i32
        %dma_wait3A_147 = arith.constant 0 : i32
        %dma_wait3A_148 = tpu.memref_slice %arg5[%dma_wait3A_146, %dma_wait3A_147] : memref<10000x128xf32, #tpu.memory_space<hbm>> -> memref<10000x128xf32, #tpu.memory_space<hbm>>
        tpu.wait_indirect_dma semaphore(%arg26 : memref<!tpu.dma_semaphore, #tpu.memory_space<semaphore_mem>>) src(%dma_wait3A_148 : memref<10000x128xf32, #tpu.memory_space<hbm>>) dst(%arg10 : memref<64x128xf32, #tpu.memory_space<vmem>>)
        %ge3A_149 = arith.constant 1 : i32
        %ge3A_150 = arith.cmpi sge, %add3A_134, %ge3A_149 : i32
        %convert_element_type3A_151 = arith.extui %ge3A_150 : i1 to i32
        %cond3A_152 = arith.constant 0 : i32
        %cond3A_153 = arith.cmpi ne, %convert_element_type3A_151, %cond3A_152 : i32
        scf.if %cond3A_153 {
          %dma_wait3A_182 = arith.constant 0 : i32
          %dma_wait3A_183 = arith.constant 0 : i32
          %dma_wait3A_184 = tpu.memref_slice %arg23[%dma_wait3A_182, %dma_wait3A_183] : memref<10240x128xf32, #tpu.memory_space<vmem_shared>> -> memref<10240x128xf32, #tpu.memory_space<vmem_shared>>
          tpu.wait_indirect_dma semaphore(%arg27 : memref<!tpu.dma_semaphore, #tpu.memory_space<semaphore_mem>>) src(%arg9 : memref<64x128xf32, #tpu.memory_space<vmem>>) dst(%dma_wait3A_184 : memref<10240x128xf32, #tpu.memory_space<vmem_shared>>)
        } else {
        }
        %dma_start3A_154 = arith.constant 0 : i32
        %dma_start3A_155 = arith.constant 0 : i32
        %dma_start3A_156 = tpu.memref_slice %arg5[%dma_start3A_154, %dma_start3A_155] : memref<10000x128xf32, #tpu.memory_space<hbm>> -> memref<10000x128xf32, #tpu.memory_space<hbm>>
        tpu.enqueue_indirect_dma source(%dma_start3A_156 : memref<10000x128xf32, #tpu.memory_space<hbm>>) target(%arg9 : memref<64x128xf32, #tpu.memory_space<vmem>>) offsets(%arg15 : memref<64xi32, #tpu.memory_space<vmem>>) semaphore(%arg26 : memref<!tpu.dma_semaphore, #tpu.memory_space<semaphore_mem>>)
        %scan3A_157 = arith.constant 0 : i32
        %scan3A_158 = arith.constant 0 : i32
        %scan3A_159 = arith.constant 4 : i32
        %scan3A_160 = arith.addi %scan3A_158, %scan3A_159 : i32
        %scan3A_161 = arith.constant 1 : i32
        scf.for %scan3A_182 = %scan3A_158 to %scan3A_160 step %scan3A_161  : i32 {
          %mul3A_183 = arith.constant 16 : i32
          %mul3A_184 = arith.muli %scan3A_182, %mul3A_183 : i32
          %get3A = arith.index_cast %mul3A_184 : i32 to index
          %get3A_185 = tpu.vector_load %arg18[%get3A] {strides = array<i32>} : memref<64xi32, #tpu.memory_space<vmem>>, vector<16xi32>,
          %swap3A = arith.index_cast %mul3A_184 : i32 to index
          %swap3A_186 = tpu.vector_load %arg20[%swap3A] {strides = array<i32>} : memref<64xi32, #tpu.memory_space<vmem>>, vector<16xi32>,
          tpu.vector_store %arg20[%swap3A], %get3A_185 {strides = array<i32>} : memref<64xi32, #tpu.memory_space<vmem>>, vector<16xi32>,
        }
        %scan3A_162 = arith.constant 4 : i32
        %parallel_loop3A_163 = arith.constant 0 : i32
        %parallel_loop3A_164 = arith.constant 64 : i32
        %parallel_loop3A_165 = arith.constant 1 : i32
        scf.for %parallel_loop3A_182 = %parallel_loop3A_163 to %parallel_loop3A_164 step %parallel_loop3A_165  : i32 {
          %parallel_loop3A_183 = vector.broadcast %parallel_loop3A_182 : i32 to vector<16xi32>
          %parallel_loop3A_184 = tpu.vector_load_idx %arg14[%parallel_loop3A_183] : memref<64xf32, #tpu.memory_space<vmem>>[vector<16xi32>], vector<16xf32>,
          %parallel_loop3A_185 = arith.index_cast %parallel_loop3A_182 : i32 to index
          %parallel_loop3A_186 = arith.constant 0 : index
          %parallel_loop3A_187 = tpu.vector_load %arg10[%parallel_loop3A_185, %parallel_loop3A_186] {strides = array<i32>} : memref<64x128xf32, #tpu.memory_space<vmem>>, vector<16xf32>,
          %parallel_loop3A_188 = arith.mulf %parallel_loop3A_187, %parallel_loop3A_184 : vector<16xf32>
          %parallel_loop3A_189 = arith.index_cast %parallel_loop3A_182 : i32 to index
          %parallel_loop3A_190 = arith.constant 0 : index
          %parallel_loop3A_191 = tpu.vector_load %arg10[%parallel_loop3A_189, %parallel_loop3A_190] {strides = array<i32>} : memref<64x128xf32, #tpu.memory_space<vmem>>, vector<16xf32>,
          tpu.vector_store %arg10[%parallel_loop3A_189, %parallel_loop3A_190], %parallel_loop3A_188 {strides = array<i32>} : memref<64x128xf32, #tpu.memory_space<vmem>>, vector<16xf32>,
          %parallel_loop3A_192 = arith.index_cast %parallel_loop3A_182 : i32 to index
          %parallel_loop3A_193 = arith.constant 16 : index
          %parallel_loop3A_194 = tpu.vector_load %arg10[%parallel_loop3A_192, %parallel_loop3A_193] {strides = array<i32>} : memref<64x128xf32, #tpu.memory_space<vmem>>, vector<16xf32>,
          %parallel_loop3A_195 = arith.mulf %parallel_loop3A_194, %parallel_loop3A_184 : vector<16xf32>
          %parallel_loop3A_196 = arith.index_cast %parallel_loop3A_182 : i32 to index
          %parallel_loop3A_197 = arith.constant 16 : index
          %parallel_loop3A_198 = tpu.vector_load %arg10[%parallel_loop3A_196, %parallel_loop3A_197] {strides = array<i32>} : memref<64x128xf32, #tpu.memory_space<vmem>>, vector<16xf32>,
          tpu.vector_store %arg10[%parallel_loop3A_196, %parallel_loop3A_197], %parallel_loop3A_195 {strides = array<i32>} : memref<64x128xf32, #tpu.memory_space<vmem>>, vector<16xf32>,
          %parallel_loop3A_199 = arith.index_cast %parallel_loop3A_182 : i32 to index
          %parallel_loop3A_200 = arith.constant 32 : index
          %parallel_loop3A_201 = tpu.vector_load %arg10[%parallel_loop3A_199, %parallel_loop3A_200] {strides = array<i32>} : memref<64x128xf32, #tpu.memory_space<vmem>>, vector<16xf32>,
          %parallel_loop3A_202 = arith.mulf %parallel_loop3A_201, %parallel_loop3A_184 : vector<16xf32>
          %parallel_loop3A_203 = arith.index_cast %parallel_loop3A_182 : i32 to index
          %parallel_loop3A_204 = arith.constant 32 : index
          %parallel_loop3A_205 = tpu.vector_load %arg10[%parallel_loop3A_203, %parallel_loop3A_204] {strides = array<i32>} : memref<64x128xf32, #tpu.memory_space<vmem>>, vector<16xf32>,
          tpu.vector_store %arg10[%parallel_loop3A_203, %parallel_loop3A_204], %parallel_loop3A_202 {strides = array<i32>} : memref<64x128xf32, #tpu.memory_space<vmem>>, vector<16xf32>,
          %parallel_loop3A_206 = arith.index_cast %parallel_loop3A_182 : i32 to index
          %parallel_loop3A_207 = arith.constant 48 : index
          %parallel_loop3A_208 = tpu.vector_load %arg10[%parallel_loop3A_206, %parallel_loop3A_207] {strides = array<i32>} : memref<64x128xf32, #tpu.memory_space<vmem>>, vector<16xf32>,
          %parallel_loop3A_209 = arith.mulf %parallel_loop3A_208, %parallel_loop3A_184 : vector<16xf32>
          %parallel_loop3A_210 = arith.index_cast %parallel_loop3A_182 : i32 to index
          %parallel_loop3A_211 = arith.constant 48 : index
          %parallel_loop3A_212 = tpu.vector_load %arg10[%parallel_loop3A_210, %parallel_loop3A_211] {strides = array<i32>} : memref<64x128xf32, #tpu.memory_space<vmem>>, vector<16xf32>,
          tpu.vector_store %arg10[%parallel_loop3A_210, %parallel_loop3A_211], %parallel_loop3A_209 {strides = array<i32>} : memref<64x128xf32, #tpu.memory_space<vmem>>, vector<16xf32>,
          %parallel_loop3A_213 = arith.index_cast %parallel_loop3A_182 : i32 to index
          %parallel_loop3A_214 = arith.constant 64 : index
          %parallel_loop3A_215 = tpu.vector_load %arg10[%parallel_loop3A_213, %parallel_loop3A_214] {strides = array<i32>} : memref<64x128xf32, #tpu.memory_space<vmem>>, vector<16xf32>,
          %parallel_loop3A_216 = arith.mulf %parallel_loop3A_215, %parallel_loop3A_184 : vector<16xf32>
          %parallel_loop3A_217 = arith.index_cast %parallel_loop3A_182 : i32 to index
          %parallel_loop3A_218 = arith.constant 64 : index
          %parallel_loop3A_219 = tpu.vector_load %arg10[%parallel_loop3A_217, %parallel_loop3A_218] {strides = array<i32>} : memref<64x128xf32, #tpu.memory_space<vmem>>, vector<16xf32>,
          tpu.vector_store %arg10[%parallel_loop3A_217, %parallel_loop3A_218], %parallel_loop3A_216 {strides = array<i32>} : memref<64x128xf32, #tpu.memory_space<vmem>>, vector<16xf32>,
          %parallel_loop3A_220 = arith.index_cast %parallel_loop3A_182 : i32 to index
          %parallel_loop3A_221 = arith.constant 80 : index
          %parallel_loop3A_222 = tpu.vector_load %arg10[%parallel_loop3A_220, %parallel_loop3A_221] {strides = array<i32>} : memref<64x128xf32, #tpu.memory_space<vmem>>, vector<16xf32>,
          %parallel_loop3A_223 = arith.mulf %parallel_loop3A_222, %parallel_loop3A_184 : vector<16xf32>
          %parallel_loop3A_224 = arith.index_cast %parallel_loop3A_182 : i32 to index
          %parallel_loop3A_225 = arith.constant 80 : index
          %parallel_loop3A_226 = tpu.vector_load %arg10[%parallel_loop3A_224, %parallel_loop3A_225] {strides = array<i32>} : memref<64x128xf32, #tpu.memory_space<vmem>>, vector<16xf32>,
          tpu.vector_store %arg10[%parallel_loop3A_224, %parallel_loop3A_225], %parallel_loop3A_223 {strides = array<i32>} : memref<64x128xf32, #tpu.memory_space<vmem>>, vector<16xf32>,
          %parallel_loop3A_227 = arith.index_cast %parallel_loop3A_182 : i32 to index
          %parallel_loop3A_228 = arith.constant 96 : index
          %parallel_loop3A_229 = tpu.vector_load %arg10[%parallel_loop3A_227, %parallel_loop3A_228] {strides = array<i32>} : memref<64x128xf32, #tpu.memory_space<vmem>>, vector<16xf32>,
          %parallel_loop3A_230 = arith.mulf %parallel_loop3A_229, %parallel_loop3A_184 : vector<16xf32>
          %parallel_loop3A_231 = arith.index_cast %parallel_loop3A_182 : i32 to index
          %parallel_loop3A_232 = arith.constant 96 : index
          %parallel_loop3A_233 = tpu.vector_load %arg10[%parallel_loop3A_231, %parallel_loop3A_232] {strides = array<i32>} : memref<64x128xf32, #tpu.memory_space<vmem>>, vector<16xf32>,
          tpu.vector_store %arg10[%parallel_loop3A_231, %parallel_loop3A_232], %parallel_loop3A_230 {strides = array<i32>} : memref<64x128xf32, #tpu.memory_space<vmem>>, vector<16xf32>,
          %parallel_loop3A_234 = arith.index_cast %parallel_loop3A_182 : i32 to index
          %parallel_loop3A_235 = arith.constant 112 : index
          %parallel_loop3A_236 = tpu.vector_load %arg10[%parallel_loop3A_234, %parallel_loop3A_235] {strides = array<i32>} : memref<64x128xf32, #tpu.memory_space<vmem>>, vector<16xf32>,
          %parallel_loop3A_237 = arith.mulf %parallel_loop3A_236, %parallel_loop3A_184 : vector<16xf32>
          %parallel_loop3A_238 = arith.index_cast %parallel_loop3A_182 : i32 to index
          %parallel_loop3A_239 = arith.constant 112 : index
          %parallel_loop3A_240 = tpu.vector_load %arg10[%parallel_loop3A_238, %parallel_loop3A_239] {strides = array<i32>} : memref<64x128xf32, #tpu.memory_space<vmem>>, vector<16xf32>,
          tpu.vector_store %arg10[%parallel_loop3A_238, %parallel_loop3A_239], %parallel_loop3A_237 {strides = array<i32>} : memref<64x128xf32, #tpu.memory_space<vmem>>, vector<16xf32>,
        } {sc.loop_unroll_factor = 8 : i64, sc.parallel_access}
        %dma_start3A_166 = arith.constant 0 : i32
        %dma_start3A_167 = arith.constant 0 : i32
        %dma_start3A_168 = tpu.memref_slice %arg23[%dma_start3A_166, %dma_start3A_167] : memref<10240x128xf32, #tpu.memory_space<vmem_shared>> -> memref<10240x128xf32, #tpu.memory_space<vmem_shared>>
        tpu.enqueue_indirect_dma source(%arg10 : memref<64x128xf32, #tpu.memory_space<vmem>>) target(%dma_start3A_168 : memref<10240x128xf32, #tpu.memory_space<vmem_shared>>) offsets(%arg20 : memref<64xi32, #tpu.memory_space<vmem>>) semaphore(%arg28 : memref<!tpu.dma_semaphore, #tpu.memory_space<semaphore_mem>>) {add = true}
        %add3A_169 = arith.constant 2 : i32
        %add3A_170 = arith.addi %add3A_134, %add3A_169 : i32
        %min3A_171 = arith.constant 311 : i32
        %min3A_172 = arith.minsi %add3A_170, %min3A_171 : i32
        %mul3A_173 = arith.constant 64 : i32
        %mul3A_174 = arith.muli %min3A_172, %mul3A_173 : i32
        %add3A_175 = arith.addi %mul3A_0, %mul3A_174 : i32
        %dma_start3A_176 = tpu.memref_slice %arg2[%add3A_175] : memref<320000xi32, #tpu.memory_space<hbm>> -> memref<64xi32, #tpu.memory_space<hbm>>
        %dma_start3A_177 = tpu.memref_slice %arg2[%add3A_175] : memref<320000xi32, #tpu.memory_space<hbm>> -> memref<64xi32, #tpu.memory_space<hbm>>
        tpu.enqueue_dma source(%dma_start3A_177 : memref<64xi32, #tpu.memory_space<hbm>>) target(%arg16 : memref<64xi32, #tpu.memory_space<vmem>>) target_semaphore(%arg25 : memref<!tpu.dma_semaphore, #tpu.memory_space<semaphore_mem>>)
        %dma_start3A_178 = tpu.memref_slice %arg3[%add3A_175] : memref<320000xi32, #tpu.memory_space<hbm>> -> memref<64xi32, #tpu.memory_space<hbm>>
        %dma_start3A_179 = tpu.memref_slice %arg3[%add3A_175] : memref<320000xi32, #tpu.memory_space<hbm>> -> memref<64xi32, #tpu.memory_space<hbm>>
        tpu.enqueue_dma source(%dma_start3A_179 : memref<64xi32, #tpu.memory_space<hbm>>) target(%arg18 : memref<64xi32, #tpu.memory_space<vmem>>) target_semaphore(%arg25 : memref<!tpu.dma_semaphore, #tpu.memory_space<semaphore_mem>>)
        %dma_start3A_180 = tpu.memref_slice %arg4[%add3A_175] : memref<320000xf32, #tpu.memory_space<hbm>> -> memref<64xf32, #tpu.memory_space<hbm>>
        %dma_start3A_181 = tpu.memref_slice %arg4[%add3A_175] : memref<320000xf32, #tpu.memory_space<hbm>> -> memref<64xf32, #tpu.memory_space<hbm>>
        tpu.enqueue_dma source(%dma_start3A_181 : memref<64xf32, #tpu.memory_space<hbm>>) target(%arg14 : memref<64xf32, #tpu.memory_space<vmem>>) target_semaphore(%arg25 : memref<!tpu.dma_semaphore, #tpu.memory_space<semaphore_mem>>)
      }
      %scan3A_50 = arith.constant 156 : i32
      %dma_wait3A_51 = arith.constant 0 : i32
      %dma_wait3A_52 = arith.constant 0 : i32
      %dma_wait3A_53 = tpu.memref_slice %arg5[%dma_wait3A_51, %dma_wait3A_52] : memref<10000x128xf32, #tpu.memory_space<hbm>> -> memref<10000x128xf32, #tpu.memory_space<hbm>>
      tpu.wait_indirect_dma semaphore(%arg26 : memref<!tpu.dma_semaphore, #tpu.memory_space<semaphore_mem>>) src(%dma_wait3A_53 : memref<10000x128xf32, #tpu.memory_space<hbm>>) dst(%arg9 : memref<64x128xf32, #tpu.memory_space<vmem>>)
      %add3A_54 = arith.constant 19904 : i32
      %add3A_55 = arith.addi %mul3A_0, %add3A_54 : i32
      %dma_wait3A_56 = tpu.memref_slice %arg2[%add3A_55] : memref<320000xi32, #tpu.memory_space<hbm>> -> memref<64xi32, #tpu.memory_space<hbm>>
      %dma_wait3A_57 = tpu.memref_slice %arg2[%add3A_55] : memref<320000xi32, #tpu.memory_space<hbm>> -> memref<64xi32, #tpu.memory_space<hbm>>
      tpu.wait_dma2 semaphore(%arg25 : memref<!tpu.dma_semaphore, #tpu.memory_space<semaphore_mem>>) src(%dma_wait3A_57 : memref<64xi32, #tpu.memory_space<hbm>>) dst(%arg16 : memref<64xi32, #tpu.memory_space<vmem>>)
      %dma_wait3A_58 = tpu.memref_slice %arg3[%add3A_55] : memref<320000xi32, #tpu.memory_space<hbm>> -> memref<64xi32, #tpu.memory_space<hbm>>
      %dma_wait3A_59 = tpu.memref_slice %arg3[%add3A_55] : memref<320000xi32, #tpu.memory_space<hbm>> -> memref<64xi32, #tpu.memory_space<hbm>>
      tpu.wait_dma2 semaphore(%arg25 : memref<!tpu.dma_semaphore, #tpu.memory_space<semaphore_mem>>) src(%dma_wait3A_59 : memref<64xi32, #tpu.memory_space<hbm>>) dst(%arg18 : memref<64xi32, #tpu.memory_space<vmem>>)
      %dma_wait3A_60 = tpu.memref_slice %arg4[%add3A_55] : memref<320000xf32, #tpu.memory_space<hbm>> -> memref<64xf32, #tpu.memory_space<hbm>>
      %dma_wait3A_61 = tpu.memref_slice %arg4[%add3A_55] : memref<320000xf32, #tpu.memory_space<hbm>> -> memref<64xf32, #tpu.memory_space<hbm>>
      tpu.wait_dma2 semaphore(%arg25 : memref<!tpu.dma_semaphore, #tpu.memory_space<semaphore_mem>>) src(%dma_wait3A_61 : memref<64xf32, #tpu.memory_space<hbm>>) dst(%arg14 : memref<64xf32, #tpu.memory_space<vmem>>)
      %dma_wait3A_62 = arith.constant 0 : i32
      %dma_wait3A_63 = arith.constant 0 : i32
      %dma_wait3A_64 = tpu.memref_slice %arg23[%dma_wait3A_62, %dma_wait3A_63] : memref<10240x128xf32, #tpu.memory_space<vmem_shared>> -> memref<10240x128xf32, #tpu.memory_space<vmem_shared>>
      tpu.wait_indirect_dma semaphore(%arg28 : memref<!tpu.dma_semaphore, #tpu.memory_space<semaphore_mem>>) src(%arg10 : memref<64x128xf32, #tpu.memory_space<vmem>>) dst(%dma_wait3A_64 : memref<10240x128xf32, #tpu.memory_space<vmem_shared>>)
      %add3A_65 = arith.constant 19968 : i32
      %add3A_66 = arith.addi %mul3A_0, %add3A_65 : i32
      "tpu.region"() ({
        %run_scoped3A = tpu.sem_alloc : memref<!tpu.dma_semaphore, #tpu.memory_space<semaphore_mem>>
        %dma_start3A_85 = tpu.memref_slice %arg2[%add3A_66] : memref<320000xi32, #tpu.memory_space<hbm>> -> memref<32xi32, #tpu.memory_space<hbm>>
        %dma_start3A_86 = tpu.memref_slice %arg2[%add3A_66] : memref<320000xi32, #tpu.memory_space<hbm>> -> memref<32xi32, #tpu.memory_space<hbm>>
        tpu.enqueue_dma source(%dma_start3A_86 : memref<32xi32, #tpu.memory_space<hbm>>) target(%arg21 : memref<32xi32, #tpu.memory_space<vmem>>) target_semaphore(%run_scoped3A : memref<!tpu.dma_semaphore, #tpu.memory_space<semaphore_mem>>)
        %dma_wait3A_87 = tpu.memref_slice %arg2[%add3A_66] : memref<320000xi32, #tpu.memory_space<hbm>> -> memref<32xi32, #tpu.memory_space<hbm>>
        %dma_wait3A_88 = tpu.memref_slice %arg2[%add3A_66] : memref<320000xi32, #tpu.memory_space<hbm>> -> memref<32xi32, #tpu.memory_space<hbm>>
        tpu.wait_dma2 semaphore(%run_scoped3A : memref<!tpu.dma_semaphore, #tpu.memory_space<semaphore_mem>>) src(%dma_wait3A_88 : memref<32xi32, #tpu.memory_space<hbm>>) dst(%arg21 : memref<32xi32, #tpu.memory_space<vmem>>)
        tpu.yield
      }) : () -> ()
      "tpu.region"() ({
        %run_scoped3A = tpu.sem_alloc : memref<!tpu.dma_semaphore, #tpu.memory_space<semaphore_mem>>
        %dma_start3A_85 = tpu.memref_slice %arg3[%add3A_66] : memref<320000xi32, #tpu.memory_space<hbm>> -> memref<32xi32, #tpu.memory_space<hbm>>
        %dma_start3A_86 = tpu.memref_slice %arg3[%add3A_66] : memref<320000xi32, #tpu.memory_space<hbm>> -> memref<32xi32, #tpu.memory_space<hbm>>
        tpu.enqueue_dma source(%dma_start3A_86 : memref<32xi32, #tpu.memory_space<hbm>>) target(%arg22 : memref<32xi32, #tpu.memory_space<vmem>>) target_semaphore(%run_scoped3A : memref<!tpu.dma_semaphore, #tpu.memory_space<semaphore_mem>>)
        %dma_wait3A_87 = tpu.memref_slice %arg3[%add3A_66] : memref<320000xi32, #tpu.memory_space<hbm>> -> memref<32xi32, #tpu.memory_space<hbm>>
        %dma_wait3A_88 = tpu.memref_slice %arg3[%add3A_66] : memref<320000xi32, #tpu.memory_space<hbm>> -> memref<32xi32, #tpu.memory_space<hbm>>
        tpu.wait_dma2 semaphore(%run_scoped3A : memref<!tpu.dma_semaphore, #tpu.memory_space<semaphore_mem>>) src(%dma_wait3A_88 : memref<32xi32, #tpu.memory_space<hbm>>) dst(%arg22 : memref<32xi32, #tpu.memory_space<vmem>>)
        tpu.yield
      }) : () -> ()
      %dma_start3A_67 = arith.constant 0 : i32
      %dma_start3A_68 = arith.constant 0 : i32
      %dma_start3A_69 = tpu.memref_slice %arg9[%dma_start3A_67, %dma_start3A_68] : memref<64x128xf32, #tpu.memory_space<vmem>> -> memref<32x128xf32, #tpu.memory_space<vmem>>
      %dma_start3A_70 = arith.constant 0 : i32
      %dma_start3A_71 = arith.constant 0 : i32
      %dma_start3A_72 = tpu.memref_slice %arg5[%dma_start3A_70, %dma_start3A_71] : memref<10000x128xf32, #tpu.memory_space<hbm>> -> memref<10000x128xf32, #tpu.memory_space<hbm>>
      tpu.enqueue_indirect_dma source(%dma_start3A_72 : memref<10000x128xf32, #tpu.memory_space<hbm>>) target(%dma_start3A_69 : memref<32x128xf32, #tpu.memory_space<vmem>>) offsets(%arg21 : memref<32xi32, #tpu.memory_space<vmem>>) semaphore(%arg26 : memref<!tpu.dma_semaphore, #tpu.memory_space<semaphore_mem>>)
      %dma_wait3A_73 = arith.constant 0 : i32
      %dma_wait3A_74 = arith.constant 0 : i32
      %dma_wait3A_75 = tpu.memref_slice %arg9[%dma_wait3A_73, %dma_wait3A_74] : memref<64x128xf32, #tpu.memory_space<vmem>> -> memref<32x128xf32, #tpu.memory_space<vmem>>
      %dma_wait3A_76 = arith.constant 0 : i32
      %dma_wait3A_77 = arith.constant 0 : i32
      %dma_wait3A_78 = tpu.memref_slice %arg5[%dma_wait3A_76, %dma_wait3A_77] : memref<10000x128xf32, #tpu.memory_space<hbm>> -> memref<10000x128xf32, #tpu.memory_space<hbm>>
      tpu.wait_indirect_dma semaphore(%arg26 : memref<!tpu.dma_semaphore, #tpu.memory_space<semaphore_mem>>) src(%dma_wait3A_78 : memref<10000x128xf32, #tpu.memory_space<hbm>>) dst(%dma_wait3A_75 : memref<32x128xf32, #tpu.memory_space<vmem>>)
      "tpu.region"() ({
        %run_scoped3A = tpu.sem_alloc : memref<!tpu.dma_semaphore, #tpu.memory_space<semaphore_mem>>
        %dma_start3A_85 = arith.constant 0 : i32
        %dma_start3A_86 = tpu.memref_slice %arg13[%dma_start3A_85] : memref<64xf32, #tpu.memory_space<vmem>> -> memref<32xf32, #tpu.memory_space<vmem>>
        %dma_start3A_87 = tpu.memref_slice %arg4[%add3A_66] : memref<320000xf32, #tpu.memory_space<hbm>> -> memref<32xf32, #tpu.memory_space<hbm>>
        %dma_start3A_88 = arith.constant 0 : i32
        %dma_start3A_89 = tpu.memref_slice %arg13[%dma_start3A_88] : memref<64xf32, #tpu.memory_space<vmem>> -> memref<32xf32, #tpu.memory_space<vmem>>
        %dma_start3A_90 = tpu.memref_slice %arg4[%add3A_66] : memref<320000xf32, #tpu.memory_space<hbm>> -> memref<32xf32, #tpu.memory_space<hbm>>
        tpu.enqueue_dma source(%dma_start3A_90 : memref<32xf32, #tpu.memory_space<hbm>>) target(%dma_start3A_89 : memref<32xf32, #tpu.memory_space<vmem>>) target_semaphore(%run_scoped3A : memref<!tpu.dma_semaphore, #tpu.memory_space<semaphore_mem>>)
        %dma_wait3A_91 = arith.constant 0 : i32
        %dma_wait3A_92 = tpu.memref_slice %arg13[%dma_wait3A_91] : memref<64xf32, #tpu.memory_space<vmem>> -> memref<32xf32, #tpu.memory_space<vmem>>
        %dma_wait3A_93 = tpu.memref_slice %arg4[%add3A_66] : memref<320000xf32, #tpu.memory_space<hbm>> -> memref<32xf32, #tpu.memory_space<hbm>>
        %dma_wait3A_94 = arith.constant 0 : i32
        %dma_wait3A_95 = tpu.memref_slice %arg13[%dma_wait3A_94] : memref<64xf32, #tpu.memory_space<vmem>> -> memref<32xf32, #tpu.memory_space<vmem>>
        %dma_wait3A_96 = tpu.memref_slice %arg4[%add3A_66] : memref<320000xf32, #tpu.memory_space<hbm>> -> memref<32xf32, #tpu.memory_space<hbm>>
        tpu.wait_dma2 semaphore(%run_scoped3A : memref<!tpu.dma_semaphore, #tpu.memory_space<semaphore_mem>>) src(%dma_wait3A_96 : memref<32xf32, #tpu.memory_space<hbm>>) dst(%dma_wait3A_95 : memref<32xf32, #tpu.memory_space<vmem>>)
        tpu.yield
      }) : () -> ()
      %scan3A_79 = arith.constant 0 : i32
      %scan3A_80 = arith.constant 0 : i32
      %scan3A_81 = arith.constant 32 : i32
      %scan3A_82 = arith.addi %scan3A_80, %scan3A_81 : i32
      %scan3A_83 = arith.constant 1 : i32
      scf.for %scan3A_85 = %scan3A_80 to %scan3A_82 step %scan3A_83  : i32 {
        %broadcast_in_dim3A_86 = vector.broadcast %scan3A_85 : i32 to vector<16xi32>
        %gather3A = tpu.vector_load_idx %arg13[%broadcast_in_dim3A_86] : memref<64xf32, #tpu.memory_space<vmem>>[vector<16xi32>], vector<16xf32>,
        %get3A = arith.index_cast %scan3A_85 : i32 to index
        %get3A_87 = arith.constant 0 : index
        %get3A_88 = tpu.vector_load %arg9[%get3A, %get3A_87] {strides = array<i32>} : memref<64x128xf32, #tpu.memory_space<vmem>>, vector<16xf32>,
        %mul3A_89 = arith.mulf %get3A_88, %gather3A : vector<16xf32>
        %swap3A = arith.index_cast %scan3A_85 : i32 to index
        %swap3A_90 = arith.constant 0 : index
        %swap3A_91 = tpu.vector_load %arg9[%swap3A, %swap3A_90] {strides = array<i32>} : memref<64x128xf32, #tpu.memory_space<vmem>>, vector<16xf32>,
        tpu.vector_store %arg9[%swap3A, %swap3A_90], %mul3A_89 {strides = array<i32>} : memref<64x128xf32, #tpu.memory_space<vmem>>, vector<16xf32>,
        %get3A_92 = arith.index_cast %scan3A_85 : i32 to index
        %get3A_93 = arith.constant 16 : index
        %get3A_94 = tpu.vector_load %arg9[%get3A_92, %get3A_93] {strides = array<i32>} : memref<64x128xf32, #tpu.memory_space<vmem>>, vector<16xf32>,
        %mul3A_95 = arith.mulf %get3A_94, %gather3A : vector<16xf32>
        %swap3A_96 = arith.index_cast %scan3A_85 : i32 to index
        %swap3A_97 = arith.constant 16 : index
        %swap3A_98 = tpu.vector_load %arg9[%swap3A_96, %swap3A_97] {strides = array<i32>} : memref<64x128xf32, #tpu.memory_space<vmem>>, vector<16xf32>,
        tpu.vector_store %arg9[%swap3A_96, %swap3A_97], %mul3A_95 {strides = array<i32>} : memref<64x128xf32, #tpu.memory_space<vmem>>, vector<16xf32>,
        %get3A_99 = arith.index_cast %scan3A_85 : i32 to index
        %get3A_100 = arith.constant 32 : index
        %get3A_101 = tpu.vector_load %arg9[%get3A_99, %get3A_100] {strides = array<i32>} : memref<64x128xf32, #tpu.memory_space<vmem>>, vector<16xf32>,
        %mul3A_102 = arith.mulf %get3A_101, %gather3A : vector<16xf32>
        %swap3A_103 = arith.index_cast %scan3A_85 : i32 to index
        %swap3A_104 = arith.constant 32 : index
        %swap3A_105 = tpu.vector_load %arg9[%swap3A_103, %swap3A_104] {strides = array<i32>} : memref<64x128xf32, #tpu.memory_space<vmem>>, vector<16xf32>,
        tpu.vector_store %arg9[%swap3A_103, %swap3A_104], %mul3A_102 {strides = array<i32>} : memref<64x128xf32, #tpu.memory_space<vmem>>, vector<16xf32>,
        %get3A_106 = arith.index_cast %scan3A_85 : i32 to index
        %get3A_107 = arith.constant 48 : index
        %get3A_108 = tpu.vector_load %arg9[%get3A_106, %get3A_107] {strides = array<i32>} : memref<64x128xf32, #tpu.memory_space<vmem>>, vector<16xf32>,
        %mul3A_109 = arith.mulf %get3A_108, %gather3A : vector<16xf32>
        %swap3A_110 = arith.index_cast %scan3A_85 : i32 to index
        %swap3A_111 = arith.constant 48 : index
        %swap3A_112 = tpu.vector_load %arg9[%swap3A_110, %swap3A_111] {strides = array<i32>} : memref<64x128xf32, #tpu.memory_space<vmem>>, vector<16xf32>,
        tpu.vector_store %arg9[%swap3A_110, %swap3A_111], %mul3A_109 {strides = array<i32>} : memref<64x128xf32, #tpu.memory_space<vmem>>, vector<16xf32>,
        %get3A_113 = arith.index_cast %scan3A_85 : i32 to index
        %get3A_114 = arith.constant 64 : index
        %get3A_115 = tpu.vector_load %arg9[%get3A_113, %get3A_114] {strides = array<i32>} : memref<64x128xf32, #tpu.memory_space<vmem>>, vector<16xf32>,
        %mul3A_116 = arith.mulf %get3A_115, %gather3A : vector<16xf32>
        %swap3A_117 = arith.index_cast %scan3A_85 : i32 to index
        %swap3A_118 = arith.constant 64 : index
        %swap3A_119 = tpu.vector_load %arg9[%swap3A_117, %swap3A_118] {strides = array<i32>} : memref<64x128xf32, #tpu.memory_space<vmem>>, vector<16xf32>,
        tpu.vector_store %arg9[%swap3A_117, %swap3A_118], %mul3A_116 {strides = array<i32>} : memref<64x128xf32, #tpu.memory_space<vmem>>, vector<16xf32>,
        %get3A_120 = arith.index_cast %scan3A_85 : i32 to index
        %get3A_121 = arith.constant 80 : index
        %get3A_122 = tpu.vector_load %arg9[%get3A_120, %get3A_121] {strides = array<i32>} : memref<64x128xf32, #tpu.memory_space<vmem>>, vector<16xf32>,
        %mul3A_123 = arith.mulf %get3A_122, %gather3A : vector<16xf32>
        %swap3A_124 = arith.index_cast %scan3A_85 : i32 to index
        %swap3A_125 = arith.constant 80 : index
        %swap3A_126 = tpu.vector_load %arg9[%swap3A_124, %swap3A_125] {strides = array<i32>} : memref<64x128xf32, #tpu.memory_space<vmem>>, vector<16xf32>,
        tpu.vector_store %arg9[%swap3A_124, %swap3A_125], %mul3A_123 {strides = array<i32>} : memref<64x128xf32, #tpu.memory_space<vmem>>, vector<16xf32>,
        %get3A_127 = arith.index_cast %scan3A_85 : i32 to index
        %get3A_128 = arith.constant 96 : index
        %get3A_129 = tpu.vector_load %arg9[%get3A_127, %get3A_128] {strides = array<i32>} : memref<64x128xf32, #tpu.memory_space<vmem>>, vector<16xf32>,
        %mul3A_130 = arith.mulf %get3A_129, %gather3A : vector<16xf32>
        %swap3A_131 = arith.index_cast %scan3A_85 : i32 to index
        %swap3A_132 = arith.constant 96 : index
        %swap3A_133 = tpu.vector_load %arg9[%swap3A_131, %swap3A_132] {strides = array<i32>} : memref<64x128xf32, #tpu.memory_space<vmem>>, vector<16xf32>,
        tpu.vector_store %arg9[%swap3A_131, %swap3A_132], %mul3A_130 {strides = array<i32>} : memref<64x128xf32, #tpu.memory_space<vmem>>, vector<16xf32>,
        %get3A_134 = arith.index_cast %scan3A_85 : i32 to index
        %get3A_135 = arith.constant 112 : index
        %get3A_136 = tpu.vector_load %arg9[%get3A_134, %get3A_135] {strides = array<i32>} : memref<64x128xf32, #tpu.memory_space<vmem>>, vector<16xf32>,
        %mul3A_137 = arith.mulf %get3A_136, %gather3A : vector<16xf32>
        %swap3A_138 = arith.index_cast %scan3A_85 : i32 to index
        %swap3A_139 = arith.constant 112 : index
        %swap3A_140 = tpu.vector_load %arg9[%swap3A_138, %swap3A_139] {strides = array<i32>} : memref<64x128xf32, #tpu.memory_space<vmem>>, vector<16xf32>,
        tpu.vector_store %arg9[%swap3A_138, %swap3A_139], %mul3A_137 {strides = array<i32>} : memref<64x128xf32, #tpu.memory_space<vmem>>, vector<16xf32>,
      }
      %scan3A_84 = arith.constant 32 : i32
      "tpu.region"() ({
        %run_scoped3A = tpu.sem_alloc : memref<!tpu.dma_semaphore, #tpu.memory_space<semaphore_mem>>
        %dma_start3A_85 = arith.constant 0 : i32
        %dma_start3A_86 = arith.constant 0 : i32
        %dma_start3A_87 = tpu.memref_slice %arg9[%dma_start3A_85, %dma_start3A_86] : memref<64x128xf32, #tpu.memory_space<vmem>> -> memref<32x128xf32, #tpu.memory_space<vmem>>
        %dma_start3A_88 = arith.constant 0 : i32
        %dma_start3A_89 = arith.constant 0 : i32
        %dma_start3A_90 = tpu.memref_slice %arg23[%dma_start3A_88, %dma_start3A_89] : memref<10240x128xf32, #tpu.memory_space<vmem_shared>> -> memref<10240x128xf32, #tpu.memory_space<vmem_shared>>
        tpu.enqueue_indirect_dma source(%dma_start3A_87 : memref<32x128xf32, #tpu.memory_space<vmem>>) target(%dma_start3A_90 : memref<10240x128xf32, #tpu.memory_space<vmem_shared>>) offsets(%arg22 : memref<32xi32, #tpu.memory_space<vmem>>) semaphore(%run_scoped3A : memref<!tpu.dma_semaphore, #tpu.memory_space<semaphore_mem>>) {add = true}
        %dma_wait3A_91 = arith.constant 0 : i32
        %dma_wait3A_92 = arith.constant 0 : i32
        %dma_wait3A_93 = tpu.memref_slice %arg9[%dma_wait3A_91, %dma_wait3A_92] : memref<64x128xf32, #tpu.memory_space<vmem>> -> memref<32x128xf32, #tpu.memory_space<vmem>>
        %dma_wait3A_94 = arith.constant 0 : i32
        %dma_wait3A_95 = arith.constant 0 : i32
        %dma_wait3A_96 = tpu.memref_slice %arg23[%dma_wait3A_94, %dma_wait3A_95] : memref<10240x128xf32, #tpu.memory_space<vmem_shared>> -> memref<10240x128xf32, #tpu.memory_space<vmem_shared>>
        tpu.wait_indirect_dma semaphore(%run_scoped3A : memref<!tpu.dma_semaphore, #tpu.memory_space<semaphore_mem>>) src(%dma_wait3A_93 : memref<32x128xf32, #tpu.memory_space<vmem>>) dst(%dma_wait3A_96 : memref<10240x128xf32, #tpu.memory_space<vmem_shared>>)
        tpu.yield
      }) : () -> ()
    } else {
    }
    %eq3A_11 = arith.constant 1 : i32
    %eq3A_12 = arith.cmpi eq, %arg0, %eq3A_11 : i32
    %convert_element_type3A_13 = arith.extui %eq3A_12 : i1 to i32
    %cond3A_14 = arith.constant 0 : i32
    %cond3A_15 = arith.cmpi ne, %convert_element_type3A_13, %cond3A_14 : i32
    scf.if %cond3A_15 {
      %add3A = arith.constant 0 : i32
      %add3A_22 = arith.addi %mul3A_0, %add3A : i32
      %dma_start3A = tpu.memref_slice %arg3[%add3A_22] : memref<320000xi32, #tpu.memory_space<hbm>> -> memref<64xi32, #tpu.memory_space<hbm>>
      %dma_start3A_23 = tpu.memref_slice %arg3[%add3A_22] : memref<320000xi32, #tpu.memory_space<hbm>> -> memref<64xi32, #tpu.memory_space<hbm>>
      tpu.enqueue_dma source(%dma_start3A_23 : memref<64xi32, #tpu.memory_space<hbm>>) target(%arg17 : memref<64xi32, #tpu.memory_space<vmem>>) target_semaphore(%arg24 : memref<!tpu.dma_semaphore, #tpu.memory_space<semaphore_mem>>)
      %dma_start3A_24 = tpu.memref_slice %arg4[%add3A_22] : memref<320000xf32, #tpu.memory_space<hbm>> -> memref<64xf32, #tpu.memory_space<hbm>>
      %dma_start3A_25 = tpu.memref_slice %arg4[%add3A_22] : memref<320000xf32, #tpu.memory_space<hbm>> -> memref<64xf32, #tpu.memory_space<hbm>>
      tpu.enqueue_dma source(%dma_start3A_25 : memref<64xf32, #tpu.memory_space<hbm>>) target(%arg13 : memref<64xf32, #tpu.memory_space<vmem>>) target_semaphore(%arg24 : memref<!tpu.dma_semaphore, #tpu.memory_space<semaphore_mem>>)
      %dma_start3A_26 = arith.constant 0 : i32
      %dma_start3A_27 = tpu.memref_slice %arg6[%add3A_22, %dma_start3A_26] : memref<320000x16xf32, #tpu.memory_space<hbm>> -> memref<64x16xf32, #tpu.memory_space<hbm>>
      %dma_start3A_28 = arith.constant 0 : i32
      %dma_start3A_29 = tpu.memref_slice %arg6[%add3A_22, %dma_start3A_28] : memref<320000x16xf32, #tpu.memory_space<hbm>> -> memref<64x16xf32, #tpu.memory_space<hbm>>
      tpu.enqueue_dma source(%dma_start3A_29 : memref<64x16xf32, #tpu.memory_space<hbm>>) target(%arg11 : memref<64x16xf32, #tpu.memory_space<vmem>>) target_semaphore(%arg24 : memref<!tpu.dma_semaphore, #tpu.memory_space<semaphore_mem>>)
      %add3A_30 = arith.constant 64 : i32
      %add3A_31 = arith.addi %mul3A_0, %add3A_30 : i32
      %dma_start3A_32 = tpu.memref_slice %arg3[%add3A_31] : memref<320000xi32, #tpu.memory_space<hbm>> -> memref<64xi32, #tpu.memory_space<hbm>>
      %dma_start3A_33 = tpu.memref_slice %arg3[%add3A_31] : memref<320000xi32, #tpu.memory_space<hbm>> -> memref<64xi32, #tpu.memory_space<hbm>>
      tpu.enqueue_dma source(%dma_start3A_33 : memref<64xi32, #tpu.memory_space<hbm>>) target(%arg18 : memref<64xi32, #tpu.memory_space<vmem>>) target_semaphore(%arg25 : memref<!tpu.dma_semaphore, #tpu.memory_space<semaphore_mem>>)
      %dma_start3A_34 = tpu.memref_slice %arg4[%add3A_31] : memref<320000xf32, #tpu.memory_space<hbm>> -> memref<64xf32, #tpu.memory_space<hbm>>
      %dma_start3A_35 = tpu.memref_slice %arg4[%add3A_31] : memref<320000xf32, #tpu.memory_space<hbm>> -> memref<64xf32, #tpu.memory_space<hbm>>
      tpu.enqueue_dma source(%dma_start3A_35 : memref<64xf32, #tpu.memory_space<hbm>>) target(%arg14 : memref<64xf32, #tpu.memory_space<vmem>>) target_semaphore(%arg25 : memref<!tpu.dma_semaphore, #tpu.memory_space<semaphore_mem>>)
      %dma_start3A_36 = arith.constant 0 : i32
      %dma_start3A_37 = tpu.memref_slice %arg6[%add3A_31, %dma_start3A_36] : memref<320000x16xf32, #tpu.memory_space<hbm>> -> memref<64x16xf32, #tpu.memory_space<hbm>>
      %dma_start3A_38 = arith.constant 0 : i32
      %dma_start3A_39 = tpu.memref_slice %arg6[%add3A_31, %dma_start3A_38] : memref<320000x16xf32, #tpu.memory_space<hbm>> -> memref<64x16xf32, #tpu.memory_space<hbm>>
      tpu.enqueue_dma source(%dma_start3A_39 : memref<64x16xf32, #tpu.memory_space<hbm>>) target(%arg12 : memref<64x16xf32, #tpu.memory_space<vmem>>) target_semaphore(%arg25 : memref<!tpu.dma_semaphore, #tpu.memory_space<semaphore_mem>>)
      %scan3A = arith.constant 0 : i32
      %scan3A_40 = arith.constant 0 : i32
      %scan3A_41 = arith.constant 156 : i32
      %scan3A_42 = arith.addi %scan3A_40, %scan3A_41 : i32
      %scan3A_43 = arith.constant 1 : i32
      scf.for %scan3A_78 = %scan3A_40 to %scan3A_42 step %scan3A_43  : i32 {
        %mul3A_79 = arith.constant 2 : i32
        %mul3A_80 = arith.muli %scan3A_78, %mul3A_79 : i32
        %mul3A_81 = arith.constant 64 : i32
        %mul3A_82 = arith.muli %mul3A_80, %mul3A_81 : i32
        %add3A_83 = arith.addi %mul3A_0, %mul3A_82 : i32
        %dma_wait3A_84 = tpu.memref_slice %arg3[%add3A_83] : memref<320000xi32, #tpu.memory_space<hbm>> -> memref<64xi32, #tpu.memory_space<hbm>>
        %dma_wait3A_85 = tpu.memref_slice %arg3[%add3A_83] : memref<320000xi32, #tpu.memory_space<hbm>> -> memref<64xi32, #tpu.memory_space<hbm>>
        tpu.wait_dma2 semaphore(%arg24 : memref<!tpu.dma_semaphore, #tpu.memory_space<semaphore_mem>>) src(%dma_wait3A_85 : memref<64xi32, #tpu.memory_space<hbm>>) dst(%arg17 : memref<64xi32, #tpu.memory_space<vmem>>)
        %dma_wait3A_86 = tpu.memref_slice %arg4[%add3A_83] : memref<320000xf32, #tpu.memory_space<hbm>> -> memref<64xf32, #tpu.memory_space<hbm>>
        %dma_wait3A_87 = tpu.memref_slice %arg4[%add3A_83] : memref<320000xf32, #tpu.memory_space<hbm>> -> memref<64xf32, #tpu.memory_space<hbm>>
        tpu.wait_dma2 semaphore(%arg24 : memref<!tpu.dma_semaphore, #tpu.memory_space<semaphore_mem>>) src(%dma_wait3A_87 : memref<64xf32, #tpu.memory_space<hbm>>) dst(%arg13 : memref<64xf32, #tpu.memory_space<vmem>>)
        %dma_wait3A_88 = arith.constant 0 : i32
        %dma_wait3A_89 = tpu.memref_slice %arg6[%add3A_83, %dma_wait3A_88] : memref<320000x16xf32, #tpu.memory_space<hbm>> -> memref<64x16xf32, #tpu.memory_space<hbm>>
        %dma_wait3A_90 = arith.constant 0 : i32
        %dma_wait3A_91 = tpu.memref_slice %arg6[%add3A_83, %dma_wait3A_90] : memref<320000x16xf32, #tpu.memory_space<hbm>> -> memref<64x16xf32, #tpu.memory_space<hbm>>
        tpu.wait_dma2 semaphore(%arg24 : memref<!tpu.dma_semaphore, #tpu.memory_space<semaphore_mem>>) src(%dma_wait3A_91 : memref<64x16xf32, #tpu.memory_space<hbm>>) dst(%arg11 : memref<64x16xf32, #tpu.memory_space<vmem>>)
        %ge3A = arith.constant 2 : i32
        %ge3A_92 = arith.cmpi sge, %mul3A_80, %ge3A : i32
        %convert_element_type3A_93 = arith.extui %ge3A_92 : i1 to i32
        %cond3A_94 = arith.constant 0 : i32
        %cond3A_95 = arith.cmpi ne, %convert_element_type3A_93, %cond3A_94 : i32
        scf.if %cond3A_95 {
          %dma_wait3A_167 = arith.constant 0 : i32
          %dma_wait3A_168 = arith.constant 0 : i32
          %dma_wait3A_169 = tpu.memref_slice %arg23[%dma_wait3A_167, %dma_wait3A_168] : memref<10240x128xf32, #tpu.memory_space<vmem_shared>> -> memref<10240x128xf32, #tpu.memory_space<vmem_shared>>
          tpu.wait_indirect_dma semaphore(%arg27 : memref<!tpu.dma_semaphore, #tpu.memory_space<semaphore_mem>>) src(%arg9 : memref<64x128xf32, #tpu.memory_space<vmem>>) dst(%dma_wait3A_169 : memref<10240x128xf32, #tpu.memory_space<vmem_shared>>)
        } else {
        }
        %scan3A_96 = arith.constant 0 : i32
        %scan3A_97 = arith.constant 0 : i32
        %scan3A_98 = arith.constant 4 : i32
        %scan3A_99 = arith.addi %scan3A_97, %scan3A_98 : i32
        %scan3A_100 = arith.constant 1 : i32
        scf.for %scan3A_167 = %scan3A_97 to %scan3A_99 step %scan3A_100  : i32 {
          %mul3A_168 = arith.constant 16 : i32
          %mul3A_169 = arith.muli %scan3A_167, %mul3A_168 : i32
          %get3A = arith.index_cast %mul3A_169 : i32 to index
          %get3A_170 = tpu.vector_load %arg17[%get3A] {strides = array<i32>} : memref<64xi32, #tpu.memory_space<vmem>>, vector<16xi32>,
          %swap3A = arith.index_cast %mul3A_169 : i32 to index
          %swap3A_171 = tpu.vector_load %arg19[%swap3A] {strides = array<i32>} : memref<64xi32, #tpu.memory_space<vmem>>, vector<16xi32>,
          tpu.vector_store %arg19[%swap3A], %get3A_170 {strides = array<i32>} : memref<64xi32, #tpu.memory_space<vmem>>, vector<16xi32>,
        }
        %scan3A_101 = arith.constant 4 : i32
        %parallel_loop3A_102 = arith.constant 0 : i32
        %parallel_loop3A_103 = arith.constant 64 : i32
        %parallel_loop3A_104 = arith.constant 1 : i32
        scf.for %parallel_loop3A_167 = %parallel_loop3A_102 to %parallel_loop3A_103 step %parallel_loop3A_104  : i32 {
          %parallel_loop3A_168 = vector.broadcast %parallel_loop3A_167 : i32 to vector<16xi32>
          %parallel_loop3A_169 = tpu.vector_load_idx %arg13[%parallel_loop3A_168] : memref<64xf32, #tpu.memory_space<vmem>>[vector<16xi32>], vector<16xf32>,
          %parallel_loop3A_170 = arith.index_cast %parallel_loop3A_167 : i32 to index
          %parallel_loop3A_171 = arith.constant 0 : index
          %parallel_loop3A_172 = tpu.vector_load %arg11[%parallel_loop3A_170, %parallel_loop3A_171] {strides = array<i32>} : memref<64x16xf32, #tpu.memory_space<vmem>>, vector<16xf32>,
          %parallel_loop3A_173 = arith.mulf %parallel_loop3A_172, %parallel_loop3A_169 : vector<16xf32>
          %parallel_loop3A_174 = arith.index_cast %parallel_loop3A_167 : i32 to index
          %parallel_loop3A_175 = arith.constant 0 : index
          %parallel_loop3A_176 = tpu.vector_load %arg9[%parallel_loop3A_174, %parallel_loop3A_175] {strides = array<i32>} : memref<64x128xf32, #tpu.memory_space<vmem>>, vector<16xf32>,
          tpu.vector_store %arg9[%parallel_loop3A_174, %parallel_loop3A_175], %parallel_loop3A_173 {strides = array<i32>} : memref<64x128xf32, #tpu.memory_space<vmem>>, vector<16xf32>,
        } {sc.loop_unroll_factor = 4 : i64, sc.parallel_access}
        %dma_start3A_105 = arith.constant 0 : i32
        %dma_start3A_106 = arith.constant 0 : i32
        %dma_start3A_107 = tpu.memref_slice %arg23[%dma_start3A_105, %dma_start3A_106] : memref<10240x128xf32, #tpu.memory_space<vmem_shared>> -> memref<10240x128xf32, #tpu.memory_space<vmem_shared>>
        tpu.enqueue_indirect_dma source(%arg9 : memref<64x128xf32, #tpu.memory_space<vmem>>) target(%dma_start3A_107 : memref<10240x128xf32, #tpu.memory_space<vmem_shared>>) offsets(%arg19 : memref<64xi32, #tpu.memory_space<vmem>>) semaphore(%arg27 : memref<!tpu.dma_semaphore, #tpu.memory_space<semaphore_mem>>) {add = true}
        %add3A_108 = arith.constant 2 : i32
        %add3A_109 = arith.addi %mul3A_80, %add3A_108 : i32
        %min3A = arith.constant 311 : i32
        %min3A_110 = arith.minsi %add3A_109, %min3A : i32
        %mul3A_111 = arith.constant 64 : i32
        %mul3A_112 = arith.muli %min3A_110, %mul3A_111 : i32
        %add3A_113 = arith.addi %mul3A_0, %mul3A_112 : i32
        %dma_start3A_114 = tpu.memref_slice %arg3[%add3A_113] : memref<320000xi32, #tpu.memory_space<hbm>> -> memref<64xi32, #tpu.memory_space<hbm>>
        %dma_start3A_115 = tpu.memref_slice %arg3[%add3A_113] : memref<320000xi32, #tpu.memory_space<hbm>> -> memref<64xi32, #tpu.memory_space<hbm>>
        tpu.enqueue_dma source(%dma_start3A_115 : memref<64xi32, #tpu.memory_space<hbm>>) target(%arg17 : memref<64xi32, #tpu.memory_space<vmem>>) target_semaphore(%arg24 : memref<!tpu.dma_semaphore, #tpu.memory_space<semaphore_mem>>)
        %dma_start3A_116 = tpu.memref_slice %arg4[%add3A_113] : memref<320000xf32, #tpu.memory_space<hbm>> -> memref<64xf32, #tpu.memory_space<hbm>>
        %dma_start3A_117 = tpu.memref_slice %arg4[%add3A_113] : memref<320000xf32, #tpu.memory_space<hbm>> -> memref<64xf32, #tpu.memory_space<hbm>>
        tpu.enqueue_dma source(%dma_start3A_117 : memref<64xf32, #tpu.memory_space<hbm>>) target(%arg13 : memref<64xf32, #tpu.memory_space<vmem>>) target_semaphore(%arg24 : memref<!tpu.dma_semaphore, #tpu.memory_space<semaphore_mem>>)
        %dma_start3A_118 = arith.constant 0 : i32
        %dma_start3A_119 = tpu.memref_slice %arg6[%add3A_113, %dma_start3A_118] : memref<320000x16xf32, #tpu.memory_space<hbm>> -> memref<64x16xf32, #tpu.memory_space<hbm>>
        %dma_start3A_120 = arith.constant 0 : i32
        %dma_start3A_121 = tpu.memref_slice %arg6[%add3A_113, %dma_start3A_120] : memref<320000x16xf32, #tpu.memory_space<hbm>> -> memref<64x16xf32, #tpu.memory_space<hbm>>
        tpu.enqueue_dma source(%dma_start3A_121 : memref<64x16xf32, #tpu.memory_space<hbm>>) target(%arg11 : memref<64x16xf32, #tpu.memory_space<vmem>>) target_semaphore(%arg24 : memref<!tpu.dma_semaphore, #tpu.memory_space<semaphore_mem>>)
        %add3A_122 = arith.constant 1 : i32
        %add3A_123 = arith.addi %mul3A_80, %add3A_122 : i32
        %mul3A_124 = arith.constant 64 : i32
        %mul3A_125 = arith.muli %add3A_123, %mul3A_124 : i32
        %add3A_126 = arith.addi %mul3A_0, %mul3A_125 : i32
        %dma_wait3A_127 = tpu.memref_slice %arg3[%add3A_126] : memref<320000xi32, #tpu.memory_space<hbm>> -> memref<64xi32, #tpu.memory_space<hbm>>
        %dma_wait3A_128 = tpu.memref_slice %arg3[%add3A_126] : memref<320000xi32, #tpu.memory_space<hbm>> -> memref<64xi32, #tpu.memory_space<hbm>>
        tpu.wait_dma2 semaphore(%arg25 : memref<!tpu.dma_semaphore, #tpu.memory_space<semaphore_mem>>) src(%dma_wait3A_128 : memref<64xi32, #tpu.memory_space<hbm>>) dst(%arg18 : memref<64xi32, #tpu.memory_space<vmem>>)
        %dma_wait3A_129 = tpu.memref_slice %arg4[%add3A_126] : memref<320000xf32, #tpu.memory_space<hbm>> -> memref<64xf32, #tpu.memory_space<hbm>>
        %dma_wait3A_130 = tpu.memref_slice %arg4[%add3A_126] : memref<320000xf32, #tpu.memory_space<hbm>> -> memref<64xf32, #tpu.memory_space<hbm>>
        tpu.wait_dma2 semaphore(%arg25 : memref<!tpu.dma_semaphore, #tpu.memory_space<semaphore_mem>>) src(%dma_wait3A_130 : memref<64xf32, #tpu.memory_space<hbm>>) dst(%arg14 : memref<64xf32, #tpu.memory_space<vmem>>)
        %dma_wait3A_131 = arith.constant 0 : i32
        %dma_wait3A_132 = tpu.memref_slice %arg6[%add3A_126, %dma_wait3A_131] : memref<320000x16xf32, #tpu.memory_space<hbm>> -> memref<64x16xf32, #tpu.memory_space<hbm>>
        %dma_wait3A_133 = arith.constant 0 : i32
        %dma_wait3A_134 = tpu.memref_slice %arg6[%add3A_126, %dma_wait3A_133] : memref<320000x16xf32, #tpu.memory_space<hbm>> -> memref<64x16xf32, #tpu.memory_space<hbm>>
        tpu.wait_dma2 semaphore(%arg25 : memref<!tpu.dma_semaphore, #tpu.memory_space<semaphore_mem>>) src(%dma_wait3A_134 : memref<64x16xf32, #tpu.memory_space<hbm>>) dst(%arg12 : memref<64x16xf32, #tpu.memory_space<vmem>>)
        %ge3A_135 = arith.constant 2 : i32
        %ge3A_136 = arith.cmpi sge, %add3A_123, %ge3A_135 : i32
        %convert_element_type3A_137 = arith.extui %ge3A_136 : i1 to i32
        %cond3A_138 = arith.constant 0 : i32
        %cond3A_139 = arith.cmpi ne, %convert_element_type3A_137, %cond3A_138 : i32
        scf.if %cond3A_139 {
          %dma_wait3A_167 = arith.constant 0 : i32
          %dma_wait3A_168 = arith.constant 0 : i32
          %dma_wait3A_169 = tpu.memref_slice %arg23[%dma_wait3A_167, %dma_wait3A_168] : memref<10240x128xf32, #tpu.memory_space<vmem_shared>> -> memref<10240x128xf32, #tpu.memory_space<vmem_shared>>
          tpu.wait_indirect_dma semaphore(%arg28 : memref<!tpu.dma_semaphore, #tpu.memory_space<semaphore_mem>>) src(%arg10 : memref<64x128xf32, #tpu.memory_space<vmem>>) dst(%dma_wait3A_169 : memref<10240x128xf32, #tpu.memory_space<vmem_shared>>)
        } else {
        }
        %scan3A_140 = arith.constant 0 : i32
        %scan3A_141 = arith.constant 0 : i32
        %scan3A_142 = arith.constant 4 : i32
        %scan3A_143 = arith.addi %scan3A_141, %scan3A_142 : i32
        %scan3A_144 = arith.constant 1 : i32
        scf.for %scan3A_167 = %scan3A_141 to %scan3A_143 step %scan3A_144  : i32 {
          %mul3A_168 = arith.constant 16 : i32
          %mul3A_169 = arith.muli %scan3A_167, %mul3A_168 : i32
          %get3A = arith.index_cast %mul3A_169 : i32 to index
          %get3A_170 = tpu.vector_load %arg18[%get3A] {strides = array<i32>} : memref<64xi32, #tpu.memory_space<vmem>>, vector<16xi32>,
          %swap3A = arith.index_cast %mul3A_169 : i32 to index
          %swap3A_171 = tpu.vector_load %arg20[%swap3A] {strides = array<i32>} : memref<64xi32, #tpu.memory_space<vmem>>, vector<16xi32>,
          tpu.vector_store %arg20[%swap3A], %get3A_170 {strides = array<i32>} : memref<64xi32, #tpu.memory_space<vmem>>, vector<16xi32>,
        }
        %scan3A_145 = arith.constant 4 : i32
        %parallel_loop3A_146 = arith.constant 0 : i32
        %parallel_loop3A_147 = arith.constant 64 : i32
        %parallel_loop3A_148 = arith.constant 1 : i32
        scf.for %parallel_loop3A_167 = %parallel_loop3A_146 to %parallel_loop3A_147 step %parallel_loop3A_148  : i32 {
          %parallel_loop3A_168 = vector.broadcast %parallel_loop3A_167 : i32 to vector<16xi32>
          %parallel_loop3A_169 = tpu.vector_load_idx %arg14[%parallel_loop3A_168] : memref<64xf32, #tpu.memory_space<vmem>>[vector<16xi32>], vector<16xf32>,
          %parallel_loop3A_170 = arith.index_cast %parallel_loop3A_167 : i32 to index
          %parallel_loop3A_171 = arith.constant 0 : index
          %parallel_loop3A_172 = tpu.vector_load %arg12[%parallel_loop3A_170, %parallel_loop3A_171] {strides = array<i32>} : memref<64x16xf32, #tpu.memory_space<vmem>>, vector<16xf32>,
          %parallel_loop3A_173 = arith.mulf %parallel_loop3A_172, %parallel_loop3A_169 : vector<16xf32>
          %parallel_loop3A_174 = arith.index_cast %parallel_loop3A_167 : i32 to index
          %parallel_loop3A_175 = arith.constant 0 : index
          %parallel_loop3A_176 = tpu.vector_load %arg10[%parallel_loop3A_174, %parallel_loop3A_175] {strides = array<i32>} : memref<64x128xf32, #tpu.memory_space<vmem>>, vector<16xf32>,
          tpu.vector_store %arg10[%parallel_loop3A_174, %parallel_loop3A_175], %parallel_loop3A_173 {strides = array<i32>} : memref<64x128xf32, #tpu.memory_space<vmem>>, vector<16xf32>,
        } {sc.loop_unroll_factor = 4 : i64, sc.parallel_access}
        %dma_start3A_149 = arith.constant 0 : i32
        %dma_start3A_150 = arith.constant 0 : i32
        %dma_start3A_151 = tpu.memref_slice %arg23[%dma_start3A_149, %dma_start3A_150] : memref<10240x128xf32, #tpu.memory_space<vmem_shared>> -> memref<10240x128xf32, #tpu.memory_space<vmem_shared>>
        tpu.enqueue_indirect_dma source(%arg10 : memref<64x128xf32, #tpu.memory_space<vmem>>) target(%dma_start3A_151 : memref<10240x128xf32, #tpu.memory_space<vmem_shared>>) offsets(%arg20 : memref<64xi32, #tpu.memory_space<vmem>>) semaphore(%arg28 : memref<!tpu.dma_semaphore, #tpu.memory_space<semaphore_mem>>) {add = true}
        %add3A_152 = arith.constant 2 : i32
        %add3A_153 = arith.addi %add3A_123, %add3A_152 : i32
        %min3A_154 = arith.constant 311 : i32
        %min3A_155 = arith.minsi %add3A_153, %min3A_154 : i32
        %mul3A_156 = arith.constant 64 : i32
        %mul3A_157 = arith.muli %min3A_155, %mul3A_156 : i32
        %add3A_158 = arith.addi %mul3A_0, %mul3A_157 : i32
        %dma_start3A_159 = tpu.memref_slice %arg3[%add3A_158] : memref<320000xi32, #tpu.memory_space<hbm>> -> memref<64xi32, #tpu.memory_space<hbm>>
        %dma_start3A_160 = tpu.memref_slice %arg3[%add3A_158] : memref<320000xi32, #tpu.memory_space<hbm>> -> memref<64xi32, #tpu.memory_space<hbm>>
        tpu.enqueue_dma source(%dma_start3A_160 : memref<64xi32, #tpu.memory_space<hbm>>) target(%arg18 : memref<64xi32, #tpu.memory_space<vmem>>) target_semaphore(%arg25 : memref<!tpu.dma_semaphore, #tpu.memory_space<semaphore_mem>>)
        %dma_start3A_161 = tpu.memref_slice %arg4[%add3A_158] : memref<320000xf32, #tpu.memory_space<hbm>> -> memref<64xf32, #tpu.memory_space<hbm>>
        %dma_start3A_162 = tpu.memref_slice %arg4[%add3A_158] : memref<320000xf32, #tpu.memory_space<hbm>> -> memref<64xf32, #tpu.memory_space<hbm>>
        tpu.enqueue_dma source(%dma_start3A_162 : memref<64xf32, #tpu.memory_space<hbm>>) target(%arg14 : memref<64xf32, #tpu.memory_space<vmem>>) target_semaphore(%arg25 : memref<!tpu.dma_semaphore, #tpu.memory_space<semaphore_mem>>)
        %dma_start3A_163 = arith.constant 0 : i32
        %dma_start3A_164 = tpu.memref_slice %arg6[%add3A_158, %dma_start3A_163] : memref<320000x16xf32, #tpu.memory_space<hbm>> -> memref<64x16xf32, #tpu.memory_space<hbm>>
        %dma_start3A_165 = arith.constant 0 : i32
        %dma_start3A_166 = tpu.memref_slice %arg6[%add3A_158, %dma_start3A_165] : memref<320000x16xf32, #tpu.memory_space<hbm>> -> memref<64x16xf32, #tpu.memory_space<hbm>>
        tpu.enqueue_dma source(%dma_start3A_166 : memref<64x16xf32, #tpu.memory_space<hbm>>) target(%arg12 : memref<64x16xf32, #tpu.memory_space<vmem>>) target_semaphore(%arg25 : memref<!tpu.dma_semaphore, #tpu.memory_space<semaphore_mem>>)
      }
      %scan3A_44 = arith.constant 156 : i32
      %add3A_45 = arith.constant 19904 : i32
      %add3A_46 = arith.addi %mul3A_0, %add3A_45 : i32
      %dma_wait3A = tpu.memref_slice %arg3[%add3A_46] : memref<320000xi32, #tpu.memory_space<hbm>> -> memref<64xi32, #tpu.memory_space<hbm>>
      %dma_wait3A_47 = tpu.memref_slice %arg3[%add3A_46] : memref<320000xi32, #tpu.memory_space<hbm>> -> memref<64xi32, #tpu.memory_space<hbm>>
      tpu.wait_dma2 semaphore(%arg24 : memref<!tpu.dma_semaphore, #tpu.memory_space<semaphore_mem>>) src(%dma_wait3A_47 : memref<64xi32, #tpu.memory_space<hbm>>) dst(%arg17 : memref<64xi32, #tpu.memory_space<vmem>>)
      %dma_wait3A_48 = tpu.memref_slice %arg4[%add3A_46] : memref<320000xf32, #tpu.memory_space<hbm>> -> memref<64xf32, #tpu.memory_space<hbm>>
      %dma_wait3A_49 = tpu.memref_slice %arg4[%add3A_46] : memref<320000xf32, #tpu.memory_space<hbm>> -> memref<64xf32, #tpu.memory_space<hbm>>
      tpu.wait_dma2 semaphore(%arg24 : memref<!tpu.dma_semaphore, #tpu.memory_space<semaphore_mem>>) src(%dma_wait3A_49 : memref<64xf32, #tpu.memory_space<hbm>>) dst(%arg13 : memref<64xf32, #tpu.memory_space<vmem>>)
      %dma_wait3A_50 = arith.constant 0 : i32
      %dma_wait3A_51 = tpu.memref_slice %arg6[%add3A_46, %dma_wait3A_50] : memref<320000x16xf32, #tpu.memory_space<hbm>> -> memref<64x16xf32, #tpu.memory_space<hbm>>
      %dma_wait3A_52 = arith.constant 0 : i32
      %dma_wait3A_53 = tpu.memref_slice %arg6[%add3A_46, %dma_wait3A_52] : memref<320000x16xf32, #tpu.memory_space<hbm>> -> memref<64x16xf32, #tpu.memory_space<hbm>>
      tpu.wait_dma2 semaphore(%arg24 : memref<!tpu.dma_semaphore, #tpu.memory_space<semaphore_mem>>) src(%dma_wait3A_53 : memref<64x16xf32, #tpu.memory_space<hbm>>) dst(%arg11 : memref<64x16xf32, #tpu.memory_space<vmem>>)
      %add3A_54 = arith.constant 19904 : i32
      %add3A_55 = arith.addi %mul3A_0, %add3A_54 : i32
      %dma_wait3A_56 = tpu.memref_slice %arg3[%add3A_55] : memref<320000xi32, #tpu.memory_space<hbm>> -> memref<64xi32, #tpu.memory_space<hbm>>
      %dma_wait3A_57 = tpu.memref_slice %arg3[%add3A_55] : memref<320000xi32, #tpu.memory_space<hbm>> -> memref<64xi32, #tpu.memory_space<hbm>>
      tpu.wait_dma2 semaphore(%arg25 : memref<!tpu.dma_semaphore, #tpu.memory_space<semaphore_mem>>) src(%dma_wait3A_57 : memref<64xi32, #tpu.memory_space<hbm>>) dst(%arg18 : memref<64xi32, #tpu.memory_space<vmem>>)
      %dma_wait3A_58 = tpu.memref_slice %arg4[%add3A_55] : memref<320000xf32, #tpu.memory_space<hbm>> -> memref<64xf32, #tpu.memory_space<hbm>>
      %dma_wait3A_59 = tpu.memref_slice %arg4[%add3A_55] : memref<320000xf32, #tpu.memory_space<hbm>> -> memref<64xf32, #tpu.memory_space<hbm>>
      tpu.wait_dma2 semaphore(%arg25 : memref<!tpu.dma_semaphore, #tpu.memory_space<semaphore_mem>>) src(%dma_wait3A_59 : memref<64xf32, #tpu.memory_space<hbm>>) dst(%arg14 : memref<64xf32, #tpu.memory_space<vmem>>)
      %dma_wait3A_60 = arith.constant 0 : i32
      %dma_wait3A_61 = tpu.memref_slice %arg6[%add3A_55, %dma_wait3A_60] : memref<320000x16xf32, #tpu.memory_space<hbm>> -> memref<64x16xf32, #tpu.memory_space<hbm>>
      %dma_wait3A_62 = arith.constant 0 : i32
      %dma_wait3A_63 = tpu.memref_slice %arg6[%add3A_55, %dma_wait3A_62] : memref<320000x16xf32, #tpu.memory_space<hbm>> -> memref<64x16xf32, #tpu.memory_space<hbm>>
      tpu.wait_dma2 semaphore(%arg25 : memref<!tpu.dma_semaphore, #tpu.memory_space<semaphore_mem>>) src(%dma_wait3A_63 : memref<64x16xf32, #tpu.memory_space<hbm>>) dst(%arg12 : memref<64x16xf32, #tpu.memory_space<vmem>>)
      %dma_wait3A_64 = arith.constant 0 : i32
      %dma_wait3A_65 = arith.constant 0 : i32
      %dma_wait3A_66 = tpu.memref_slice %arg23[%dma_wait3A_64, %dma_wait3A_65] : memref<10240x128xf32, #tpu.memory_space<vmem_shared>> -> memref<10240x128xf32, #tpu.memory_space<vmem_shared>>
      tpu.wait_indirect_dma semaphore(%arg27 : memref<!tpu.dma_semaphore, #tpu.memory_space<semaphore_mem>>) src(%arg9 : memref<64x128xf32, #tpu.memory_space<vmem>>) dst(%dma_wait3A_66 : memref<10240x128xf32, #tpu.memory_space<vmem_shared>>)
      %dma_wait3A_67 = arith.constant 0 : i32
      %dma_wait3A_68 = arith.constant 0 : i32
      %dma_wait3A_69 = tpu.memref_slice %arg23[%dma_wait3A_67, %dma_wait3A_68] : memref<10240x128xf32, #tpu.memory_space<vmem_shared>> -> memref<10240x128xf32, #tpu.memory_space<vmem_shared>>
      tpu.wait_indirect_dma semaphore(%arg28 : memref<!tpu.dma_semaphore, #tpu.memory_space<semaphore_mem>>) src(%arg10 : memref<64x128xf32, #tpu.memory_space<vmem>>) dst(%dma_wait3A_69 : memref<10240x128xf32, #tpu.memory_space<vmem_shared>>)
      %add3A_70 = arith.constant 19968 : i32
      %add3A_71 = arith.addi %mul3A_0, %add3A_70 : i32
      "tpu.region"() ({
        %run_scoped3A = tpu.sem_alloc : memref<!tpu.dma_semaphore, #tpu.memory_space<semaphore_mem>>
        %dma_start3A_78 = tpu.memref_slice %arg3[%add3A_71] : memref<320000xi32, #tpu.memory_space<hbm>> -> memref<32xi32, #tpu.memory_space<hbm>>
        %dma_start3A_79 = tpu.memref_slice %arg3[%add3A_71] : memref<320000xi32, #tpu.memory_space<hbm>> -> memref<32xi32, #tpu.memory_space<hbm>>
        tpu.enqueue_dma source(%dma_start3A_79 : memref<32xi32, #tpu.memory_space<hbm>>) target(%arg22 : memref<32xi32, #tpu.memory_space<vmem>>) target_semaphore(%run_scoped3A : memref<!tpu.dma_semaphore, #tpu.memory_space<semaphore_mem>>)
        %dma_wait3A_80 = tpu.memref_slice %arg3[%add3A_71] : memref<320000xi32, #tpu.memory_space<hbm>> -> memref<32xi32, #tpu.memory_space<hbm>>
        %dma_wait3A_81 = tpu.memref_slice %arg3[%add3A_71] : memref<320000xi32, #tpu.memory_space<hbm>> -> memref<32xi32, #tpu.memory_space<hbm>>
        tpu.wait_dma2 semaphore(%run_scoped3A : memref<!tpu.dma_semaphore, #tpu.memory_space<semaphore_mem>>) src(%dma_wait3A_81 : memref<32xi32, #tpu.memory_space<hbm>>) dst(%arg22 : memref<32xi32, #tpu.memory_space<vmem>>)
        tpu.yield
      }) : () -> ()
      "tpu.region"() ({
        %run_scoped3A = tpu.sem_alloc : memref<!tpu.dma_semaphore, #tpu.memory_space<semaphore_mem>>
        %dma_start3A_78 = arith.constant 0 : i32
        %dma_start3A_79 = tpu.memref_slice %arg13[%dma_start3A_78] : memref<64xf32, #tpu.memory_space<vmem>> -> memref<32xf32, #tpu.memory_space<vmem>>
        %dma_start3A_80 = tpu.memref_slice %arg4[%add3A_71] : memref<320000xf32, #tpu.memory_space<hbm>> -> memref<32xf32, #tpu.memory_space<hbm>>
        %dma_start3A_81 = arith.constant 0 : i32
        %dma_start3A_82 = tpu.memref_slice %arg13[%dma_start3A_81] : memref<64xf32, #tpu.memory_space<vmem>> -> memref<32xf32, #tpu.memory_space<vmem>>
        %dma_start3A_83 = tpu.memref_slice %arg4[%add3A_71] : memref<320000xf32, #tpu.memory_space<hbm>> -> memref<32xf32, #tpu.memory_space<hbm>>
        tpu.enqueue_dma source(%dma_start3A_83 : memref<32xf32, #tpu.memory_space<hbm>>) target(%dma_start3A_82 : memref<32xf32, #tpu.memory_space<vmem>>) target_semaphore(%run_scoped3A : memref<!tpu.dma_semaphore, #tpu.memory_space<semaphore_mem>>)
        %dma_wait3A_84 = arith.constant 0 : i32
        %dma_wait3A_85 = tpu.memref_slice %arg13[%dma_wait3A_84] : memref<64xf32, #tpu.memory_space<vmem>> -> memref<32xf32, #tpu.memory_space<vmem>>
        %dma_wait3A_86 = tpu.memref_slice %arg4[%add3A_71] : memref<320000xf32, #tpu.memory_space<hbm>> -> memref<32xf32, #tpu.memory_space<hbm>>
        %dma_wait3A_87 = arith.constant 0 : i32
        %dma_wait3A_88 = tpu.memref_slice %arg13[%dma_wait3A_87] : memref<64xf32, #tpu.memory_space<vmem>> -> memref<32xf32, #tpu.memory_space<vmem>>
        %dma_wait3A_89 = tpu.memref_slice %arg4[%add3A_71] : memref<320000xf32, #tpu.memory_space<hbm>> -> memref<32xf32, #tpu.memory_space<hbm>>
        tpu.wait_dma2 semaphore(%run_scoped3A : memref<!tpu.dma_semaphore, #tpu.memory_space<semaphore_mem>>) src(%dma_wait3A_89 : memref<32xf32, #tpu.memory_space<hbm>>) dst(%dma_wait3A_88 : memref<32xf32, #tpu.memory_space<vmem>>)
        tpu.yield
      }) : () -> ()
      "tpu.region"() ({
        %run_scoped3A = tpu.sem_alloc : memref<!tpu.dma_semaphore, #tpu.memory_space<semaphore_mem>>
        %dma_start3A_78 = arith.constant 0 : i32
        %dma_start3A_79 = arith.constant 0 : i32
        %dma_start3A_80 = tpu.memref_slice %arg11[%dma_start3A_78, %dma_start3A_79] : memref<64x16xf32, #tpu.memory_space<vmem>> -> memref<32x16xf32, #tpu.memory_space<vmem>>
        %dma_start3A_81 = arith.constant 0 : i32
        %dma_start3A_82 = tpu.memref_slice %arg6[%add3A_71, %dma_start3A_81] : memref<320000x16xf32, #tpu.memory_space<hbm>> -> memref<32x16xf32, #tpu.memory_space<hbm>>
        %dma_start3A_83 = arith.constant 0 : i32
        %dma_start3A_84 = arith.constant 0 : i32
        %dma_start3A_85 = tpu.memref_slice %arg11[%dma_start3A_83, %dma_start3A_84] : memref<64x16xf32, #tpu.memory_space<vmem>> -> memref<32x16xf32, #tpu.memory_space<vmem>>
        %dma_start3A_86 = arith.constant 0 : i32
        %dma_start3A_87 = tpu.memref_slice %arg6[%add3A_71, %dma_start3A_86] : memref<320000x16xf32, #tpu.memory_space<hbm>> -> memref<32x16xf32, #tpu.memory_space<hbm>>
        tpu.enqueue_dma source(%dma_start3A_87 : memref<32x16xf32, #tpu.memory_space<hbm>>) target(%dma_start3A_85 : memref<32x16xf32, #tpu.memory_space<vmem>>) target_semaphore(%run_scoped3A : memref<!tpu.dma_semaphore, #tpu.memory_space<semaphore_mem>>)
        %dma_wait3A_88 = arith.constant 0 : i32
        %dma_wait3A_89 = arith.constant 0 : i32
        %dma_wait3A_90 = tpu.memref_slice %arg11[%dma_wait3A_88, %dma_wait3A_89] : memref<64x16xf32, #tpu.memory_space<vmem>> -> memref<32x16xf32, #tpu.memory_space<vmem>>
        %dma_wait3A_91 = arith.constant 0 : i32
        %dma_wait3A_92 = tpu.memref_slice %arg6[%add3A_71, %dma_wait3A_91] : memref<320000x16xf32, #tpu.memory_space<hbm>> -> memref<32x16xf32, #tpu.memory_space<hbm>>
        %dma_wait3A_93 = arith.constant 0 : i32
        %dma_wait3A_94 = arith.constant 0 : i32
        %dma_wait3A_95 = tpu.memref_slice %arg11[%dma_wait3A_93, %dma_wait3A_94] : memref<64x16xf32, #tpu.memory_space<vmem>> -> memref<32x16xf32, #tpu.memory_space<vmem>>
        %dma_wait3A_96 = arith.constant 0 : i32
        %dma_wait3A_97 = tpu.memref_slice %arg6[%add3A_71, %dma_wait3A_96] : memref<320000x16xf32, #tpu.memory_space<hbm>> -> memref<32x16xf32, #tpu.memory_space<hbm>>
        tpu.wait_dma2 semaphore(%run_scoped3A : memref<!tpu.dma_semaphore, #tpu.memory_space<semaphore_mem>>) src(%dma_wait3A_97 : memref<32x16xf32, #tpu.memory_space<hbm>>) dst(%dma_wait3A_95 : memref<32x16xf32, #tpu.memory_space<vmem>>)
        tpu.yield
      }) : () -> ()
      %scan3A_72 = arith.constant 0 : i32
      %scan3A_73 = arith.constant 0 : i32
      %scan3A_74 = arith.constant 32 : i32
      %scan3A_75 = arith.addi %scan3A_73, %scan3A_74 : i32
      %scan3A_76 = arith.constant 1 : i32
      scf.for %scan3A_78 = %scan3A_73 to %scan3A_75 step %scan3A_76  : i32 {
        %broadcast_in_dim3A_79 = vector.broadcast %scan3A_78 : i32 to vector<16xi32>
        %gather3A = tpu.vector_load_idx %arg13[%broadcast_in_dim3A_79] : memref<64xf32, #tpu.memory_space<vmem>>[vector<16xi32>], vector<16xf32>,
        %get3A = arith.index_cast %scan3A_78 : i32 to index
        %get3A_80 = arith.constant 0 : index
        %get3A_81 = tpu.vector_load %arg11[%get3A, %get3A_80] {strides = array<i32>} : memref<64x16xf32, #tpu.memory_space<vmem>>, vector<16xf32>,
        %mul3A_82 = arith.mulf %get3A_81, %gather3A : vector<16xf32>
        %swap3A = arith.index_cast %scan3A_78 : i32 to index
        %swap3A_83 = arith.constant 0 : index
        %swap3A_84 = tpu.vector_load %arg9[%swap3A, %swap3A_83] {strides = array<i32>} : memref<64x128xf32, #tpu.memory_space<vmem>>, vector<16xf32>,
        tpu.vector_store %arg9[%swap3A, %swap3A_83], %mul3A_82 {strides = array<i32>} : memref<64x128xf32, #tpu.memory_space<vmem>>, vector<16xf32>,
      }
      %scan3A_77 = arith.constant 32 : i32
      "tpu.region"() ({
        %run_scoped3A = tpu.sem_alloc : memref<!tpu.dma_semaphore, #tpu.memory_space<semaphore_mem>>
        %dma_start3A_78 = arith.constant 0 : i32
        %dma_start3A_79 = arith.constant 0 : i32
        %dma_start3A_80 = tpu.memref_slice %arg9[%dma_start3A_78, %dma_start3A_79] : memref<64x128xf32, #tpu.memory_space<vmem>> -> memref<32x128xf32, #tpu.memory_space<vmem>>
        %dma_start3A_81 = arith.constant 0 : i32
        %dma_start3A_82 = arith.constant 0 : i32
        %dma_start3A_83 = tpu.memref_slice %arg23[%dma_start3A_81, %dma_start3A_82] : memref<10240x128xf32, #tpu.memory_space<vmem_shared>> -> memref<10240x128xf32, #tpu.memory_space<vmem_shared>>
        tpu.enqueue_indirect_dma source(%dma_start3A_80 : memref<32x128xf32, #tpu.memory_space<vmem>>) target(%dma_start3A_83 : memref<10240x128xf32, #tpu.memory_space<vmem_shared>>) offsets(%arg22 : memref<32xi32, #tpu.memory_space<vmem>>) semaphore(%run_scoped3A : memref<!tpu.dma_semaphore, #tpu.memory_space<semaphore_mem>>) {add = true}
        %dma_wait3A_84 = arith.constant 0 : i32
        %dma_wait3A_85 = arith.constant 0 : i32
        %dma_wait3A_86 = tpu.memref_slice %arg9[%dma_wait3A_84, %dma_wait3A_85] : memref<64x128xf32, #tpu.memory_space<vmem>> -> memref<32x128xf32, #tpu.memory_space<vmem>>
        %dma_wait3A_87 = arith.constant 0 : i32
        %dma_wait3A_88 = arith.constant 0 : i32
        %dma_wait3A_89 = tpu.memref_slice %arg23[%dma_wait3A_87, %dma_wait3A_88] : memref<10240x128xf32, #tpu.memory_space<vmem_shared>> -> memref<10240x128xf32, #tpu.memory_space<vmem_shared>>
        tpu.wait_indirect_dma semaphore(%run_scoped3A : memref<!tpu.dma_semaphore, #tpu.memory_space<semaphore_mem>>) src(%dma_wait3A_86 : memref<32x128xf32, #tpu.memory_space<vmem>>) dst(%dma_wait3A_89 : memref<10240x128xf32, #tpu.memory_space<vmem_shared>>)
        tpu.yield
      }) : () -> ()
    } else {
    }
    %barrier3A_16 = arith.constant 0 : index
    tpu.barrier barrier_id(%barrier3A_16)
    %eq3A_17 = arith.constant 0 : i32
    %eq3A_18 = arith.cmpi eq, %arg1, %eq3A_17 : i32
    %convert_element_type3A_19 = arith.extui %eq3A_18 : i1 to i32
    %cond3A_20 = arith.constant 0 : i32
    %cond3A_21 = arith.cmpi ne, %convert_element_type3A_19, %cond3A_20 : i32
    scf.if %cond3A_21 {
      %mul3A_22 = arith.constant 10240 : i32
      %mul3A_23 = arith.muli %arg0, %mul3A_22 : i32
      "tpu.region"() ({
        %run_scoped3A = tpu.sem_alloc : memref<!tpu.dma_semaphore, #tpu.memory_space<semaphore_mem>>
        %dma_start3A = arith.constant 0 : i32
        %dma_start3A_24 = tpu.memref_slice %arg8[%mul3A_23, %dma_start3A] : memref<20480x128xf32, #tpu.memory_space<hbm>> -> memref<10240x128xf32, #tpu.memory_space<hbm>>
        tpu.enqueue_dma source(%arg23 : memref<10240x128xf32, #tpu.memory_space<vmem_shared>>) target(%dma_start3A_24 : memref<10240x128xf32, #tpu.memory_space<hbm>>) target_semaphore(%run_scoped3A : memref<!tpu.dma_semaphore, #tpu.memory_space<semaphore_mem>>)
        %dma_wait3A = arith.constant 0 : i32
        %dma_wait3A_25 = tpu.memref_slice %arg8[%mul3A_23, %dma_wait3A] : memref<20480x128xf32, #tpu.memory_space<hbm>> -> memref<10240x128xf32, #tpu.memory_space<hbm>>
        tpu.wait_dma2 semaphore(%run_scoped3A : memref<!tpu.dma_semaphore, #tpu.memory_space<semaphore_mem>>) src(%arg23 : memref<10240x128xf32, #tpu.memory_space<vmem_shared>>) dst(%dma_wait3A_25 : memref<10240x128xf32, #tpu.memory_space<hbm>>)
        tpu.yield
      }) : () -> ()
    } else {
    }
    return
  }
}

#map = affine_map<(d0, d1) -> (0)>
module attributes {stable_mosaic.version = 14 : i64} {
  func.func @_sc_alpha(%arg0: i32, %arg1: i32, %arg2: memref<320000xi32, #tpu.memory_space<hbm>>, %arg3: memref<320000xf32, #tpu.memory_space<hbm>>, %arg4: memref<20480xf32, #tpu.memory_space<hbm>>, %arg5: memref<320000xf32, #tpu.memory_space<hbm>>, %arg6: memref<10000xi32, #tpu.memory_space<vmem>>, %arg7: memref<10000xf32, #tpu.memory_space<vmem>>, %arg8: memref<10240xf32, #tpu.memory_space<vmem>>, %arg9: memref<10240xf32, #tpu.memory_space<vmem>>) attributes {dimension_semantics = [#tpu.dimension_semantics<core_parallel>, #tpu.dimension_semantics<subcore_parallel>], iteration_bounds = array<i64: 2, 16>, scalar_prefetch = 0 : i64, scratch_operands = 4 : i64, tpu.core_type = #tpu.core_type<sc_vector_subcore>, window_params = [{transform_indices = #map}, {transform_indices = #map}, {transform_indices = #map}, {transform_indices = #map}]} {
    %mul3A = arith.constant 2 : i32
    %mul3A_0 = arith.muli %arg1, %mul3A : i32
    %add3A = arith.addi %mul3A_0, %arg0 : i32
    %mul3A_1 = arith.constant 10000 : i32
    %mul3A_2 = arith.muli %add3A, %mul3A_1 : i32
    "tpu.region"() ({
      %run_scoped3A = tpu.sem_alloc : memref<!tpu.dma_semaphore, #tpu.memory_space<semaphore_mem>>
      %dma_start3A = tpu.memref_slice %arg2[%mul3A_2] : memref<320000xi32, #tpu.memory_space<hbm>> -> memref<10000xi32, #tpu.memory_space<hbm>>
      %dma_start3A_8 = tpu.memref_slice %arg2[%mul3A_2] : memref<320000xi32, #tpu.memory_space<hbm>> -> memref<10000xi32, #tpu.memory_space<hbm>>
      tpu.enqueue_dma source(%dma_start3A_8 : memref<10000xi32, #tpu.memory_space<hbm>>) target(%arg6 : memref<10000xi32, #tpu.memory_space<vmem>>) target_semaphore(%run_scoped3A : memref<!tpu.dma_semaphore, #tpu.memory_space<semaphore_mem>>)
      %dma_wait3A = tpu.memref_slice %arg2[%mul3A_2] : memref<320000xi32, #tpu.memory_space<hbm>> -> memref<10000xi32, #tpu.memory_space<hbm>>
      %dma_wait3A_9 = tpu.memref_slice %arg2[%mul3A_2] : memref<320000xi32, #tpu.memory_space<hbm>> -> memref<10000xi32, #tpu.memory_space<hbm>>
      tpu.wait_dma2 semaphore(%run_scoped3A : memref<!tpu.dma_semaphore, #tpu.memory_space<semaphore_mem>>) src(%dma_wait3A_9 : memref<10000xi32, #tpu.memory_space<hbm>>) dst(%arg6 : memref<10000xi32, #tpu.memory_space<vmem>>)
      tpu.yield
    }) : () -> ()
    "tpu.region"() ({
      %run_scoped3A = tpu.sem_alloc : memref<!tpu.dma_semaphore, #tpu.memory_space<semaphore_mem>>
      %dma_start3A = tpu.memref_slice %arg3[%mul3A_2] : memref<320000xf32, #tpu.memory_space<hbm>> -> memref<10000xf32, #tpu.memory_space<hbm>>
      %dma_start3A_8 = tpu.memref_slice %arg3[%mul3A_2] : memref<320000xf32, #tpu.memory_space<hbm>> -> memref<10000xf32, #tpu.memory_space<hbm>>
      tpu.enqueue_dma source(%dma_start3A_8 : memref<10000xf32, #tpu.memory_space<hbm>>) target(%arg7 : memref<10000xf32, #tpu.memory_space<vmem>>) target_semaphore(%run_scoped3A : memref<!tpu.dma_semaphore, #tpu.memory_space<semaphore_mem>>)
      %dma_wait3A = tpu.memref_slice %arg3[%mul3A_2] : memref<320000xf32, #tpu.memory_space<hbm>> -> memref<10000xf32, #tpu.memory_space<hbm>>
      %dma_wait3A_9 = tpu.memref_slice %arg3[%mul3A_2] : memref<320000xf32, #tpu.memory_space<hbm>> -> memref<10000xf32, #tpu.memory_space<hbm>>
      tpu.wait_dma2 semaphore(%run_scoped3A : memref<!tpu.dma_semaphore, #tpu.memory_space<semaphore_mem>>) src(%dma_wait3A_9 : memref<10000xf32, #tpu.memory_space<hbm>>) dst(%arg7 : memref<10000xf32, #tpu.memory_space<vmem>>)
      tpu.yield
    }) : () -> ()
    "tpu.region"() ({
      %run_scoped3A = tpu.sem_alloc : memref<!tpu.dma_semaphore, #tpu.memory_space<semaphore_mem>>
      %dma_start3A = arith.constant 0 : i32
      %dma_start3A_8 = tpu.memref_slice %arg4[%dma_start3A] : memref<20480xf32, #tpu.memory_space<hbm>> -> memref<10240xf32, #tpu.memory_space<hbm>>
      %dma_start3A_9 = arith.constant 0 : i32
      %dma_start3A_10 = tpu.memref_slice %arg4[%dma_start3A_9] : memref<20480xf32, #tpu.memory_space<hbm>> -> memref<10240xf32, #tpu.memory_space<hbm>>
      tpu.enqueue_dma source(%dma_start3A_10 : memref<10240xf32, #tpu.memory_space<hbm>>) target(%arg8 : memref<10240xf32, #tpu.memory_space<vmem>>) target_semaphore(%run_scoped3A : memref<!tpu.dma_semaphore, #tpu.memory_space<semaphore_mem>>)
      %dma_wait3A = arith.constant 0 : i32
      %dma_wait3A_11 = tpu.memref_slice %arg4[%dma_wait3A] : memref<20480xf32, #tpu.memory_space<hbm>> -> memref<10240xf32, #tpu.memory_space<hbm>>
      %dma_wait3A_12 = arith.constant 0 : i32
      %dma_wait3A_13 = tpu.memref_slice %arg4[%dma_wait3A_12] : memref<20480xf32, #tpu.memory_space<hbm>> -> memref<10240xf32, #tpu.memory_space<hbm>>
      tpu.wait_dma2 semaphore(%run_scoped3A : memref<!tpu.dma_semaphore, #tpu.memory_space<semaphore_mem>>) src(%dma_wait3A_13 : memref<10240xf32, #tpu.memory_space<hbm>>) dst(%arg8 : memref<10240xf32, #tpu.memory_space<vmem>>)
      tpu.yield
    }) : () -> ()
    "tpu.region"() ({
      %run_scoped3A = tpu.sem_alloc : memref<!tpu.dma_semaphore, #tpu.memory_space<semaphore_mem>>
      %dma_start3A = arith.constant 10240 : i32
      %dma_start3A_8 = tpu.memref_slice %arg4[%dma_start3A] : memref<20480xf32, #tpu.memory_space<hbm>> -> memref<10240xf32, #tpu.memory_space<hbm>>
      %dma_start3A_9 = arith.constant 10240 : i32
      %dma_start3A_10 = tpu.memref_slice %arg4[%dma_start3A_9] : memref<20480xf32, #tpu.memory_space<hbm>> -> memref<10240xf32, #tpu.memory_space<hbm>>
      tpu.enqueue_dma source(%dma_start3A_10 : memref<10240xf32, #tpu.memory_space<hbm>>) target(%arg9 : memref<10240xf32, #tpu.memory_space<vmem>>) target_semaphore(%run_scoped3A : memref<!tpu.dma_semaphore, #tpu.memory_space<semaphore_mem>>)
      %dma_wait3A = arith.constant 10240 : i32
      %dma_wait3A_11 = tpu.memref_slice %arg4[%dma_wait3A] : memref<20480xf32, #tpu.memory_space<hbm>> -> memref<10240xf32, #tpu.memory_space<hbm>>
      %dma_wait3A_12 = arith.constant 10240 : i32
      %dma_wait3A_13 = tpu.memref_slice %arg4[%dma_wait3A_12] : memref<20480xf32, #tpu.memory_space<hbm>> -> memref<10240xf32, #tpu.memory_space<hbm>>
      tpu.wait_dma2 semaphore(%run_scoped3A : memref<!tpu.dma_semaphore, #tpu.memory_space<semaphore_mem>>) src(%dma_wait3A_13 : memref<10240xf32, #tpu.memory_space<hbm>>) dst(%arg9 : memref<10240xf32, #tpu.memory_space<vmem>>)
      tpu.yield
    }) : () -> ()
    %parallel_loop3A = arith.constant 0 : i32
    %parallel_loop3A_3 = arith.constant 640 : i32
    %parallel_loop3A_4 = arith.constant 1 : i32
    scf.for %parallel_loop3A_8 = %parallel_loop3A to %parallel_loop3A_3 step %parallel_loop3A_4  : i32 {
      %parallel_loop3A_9 = arith.constant 16 : i32
      %parallel_loop3A_10 = arith.muli %parallel_loop3A_8, %parallel_loop3A_9 : i32
      %parallel_loop3A_11 = arith.index_cast %parallel_loop3A_10 : i32 to index
      %parallel_loop3A_12 = tpu.vector_load %arg8[%parallel_loop3A_11] {strides = array<i32>} : memref<10240xf32, #tpu.memory_space<vmem>>, vector<16xf32>,
      %parallel_loop3A_13 = arith.index_cast %parallel_loop3A_10 : i32 to index
      %parallel_loop3A_14 = tpu.vector_load %arg9[%parallel_loop3A_13] {strides = array<i32>} : memref<10240xf32, #tpu.memory_space<vmem>>, vector<16xf32>,
      %parallel_loop3A_15 = arith.addf %parallel_loop3A_12, %parallel_loop3A_14 : vector<16xf32>
      %parallel_loop3A_16 = arith.constant 1.000000e+00 : f32
      %parallel_loop3A_17 = vector.broadcast %parallel_loop3A_16 : f32 to vector<16xf32>
      %parallel_loop3A_18 = arith.divf %parallel_loop3A_17, %parallel_loop3A_15 : vector<16xf32>
      %parallel_loop3A_19 = arith.index_cast %parallel_loop3A_10 : i32 to index
      %parallel_loop3A_20 = tpu.vector_load %arg8[%parallel_loop3A_19] {strides = array<i32>} : memref<10240xf32, #tpu.memory_space<vmem>>, vector<16xf32>,
      tpu.vector_store %arg8[%parallel_loop3A_19], %parallel_loop3A_18 {strides = array<i32>} : memref<10240xf32, #tpu.memory_space<vmem>>, vector<16xf32>,
    } {sc.loop_unroll_factor = 4 : i64, sc.parallel_access}
    %parallel_loop3A_5 = arith.constant 0 : i32
    %parallel_loop3A_6 = arith.constant 625 : i32
    %parallel_loop3A_7 = arith.constant 1 : i32
    scf.for %parallel_loop3A_8 = %parallel_loop3A_5 to %parallel_loop3A_6 step %parallel_loop3A_7  : i32 {
      %parallel_loop3A_9 = arith.constant 16 : i32
      %parallel_loop3A_10 = arith.muli %parallel_loop3A_8, %parallel_loop3A_9 : i32
      %parallel_loop3A_11 = arith.index_cast %parallel_loop3A_10 : i32 to index
      %parallel_loop3A_12 = tpu.vector_load %arg6[%parallel_loop3A_11] {strides = array<i32>} : memref<10000xi32, #tpu.memory_space<vmem>>, vector<16xi32>,
      %parallel_loop3A_13 = tpu.vector_load_idx %arg8[%parallel_loop3A_12] : memref<10240xf32, #tpu.memory_space<vmem>>[vector<16xi32>], vector<16xf32>,
      %parallel_loop3A_14 = arith.index_cast %parallel_loop3A_10 : i32 to index
      %parallel_loop3A_15 = tpu.vector_load %arg7[%parallel_loop3A_14] {strides = array<i32>} : memref<10000xf32, #tpu.memory_space<vmem>>, vector<16xf32>,
      %parallel_loop3A_16 = arith.mulf %parallel_loop3A_15, %parallel_loop3A_13 : vector<16xf32>
      %parallel_loop3A_17 = arith.index_cast %parallel_loop3A_10 : i32 to index
      %parallel_loop3A_18 = tpu.vector_load %arg7[%parallel_loop3A_17] {strides = array<i32>} : memref<10000xf32, #tpu.memory_space<vmem>>, vector<16xf32>,
      tpu.vector_store %arg7[%parallel_loop3A_17], %parallel_loop3A_16 {strides = array<i32>} : memref<10000xf32, #tpu.memory_space<vmem>>, vector<16xf32>,
    } {sc.loop_unroll_factor = 4 : i64, sc.parallel_access}
    "tpu.region"() ({
      %run_scoped3A = tpu.sem_alloc : memref<!tpu.dma_semaphore, #tpu.memory_space<semaphore_mem>>
      %dma_start3A = tpu.memref_slice %arg5[%mul3A_2] : memref<320000xf32, #tpu.memory_space<hbm>> -> memref<10000xf32, #tpu.memory_space<hbm>>
      %dma_start3A_8 = tpu.memref_slice %arg5[%mul3A_2] : memref<320000xf32, #tpu.memory_space<hbm>> -> memref<10000xf32, #tpu.memory_space<hbm>>
      tpu.enqueue_dma source(%arg7 : memref<10000xf32, #tpu.memory_space<vmem>>) target(%dma_start3A_8 : memref<10000xf32, #tpu.memory_space<hbm>>) target_semaphore(%run_scoped3A : memref<!tpu.dma_semaphore, #tpu.memory_space<semaphore_mem>>)
      %dma_wait3A = tpu.memref_slice %arg5[%mul3A_2] : memref<320000xf32, #tpu.memory_space<hbm>> -> memref<10000xf32, #tpu.memory_space<hbm>>
      %dma_wait3A_9 = tpu.memref_slice %arg5[%mul3A_2] : memref<320000xf32, #tpu.memory_space<hbm>> -> memref<10000xf32, #tpu.memory_space<hbm>>
      tpu.wait_dma2 semaphore(%run_scoped3A : memref<!tpu.dma_semaphore, #tpu.memory_space<semaphore_mem>>) src(%arg7 : memref<10000xf32, #tpu.memory_space<vmem>>) dst(%dma_wait3A_9 : memref<10000xf32, #tpu.memory_space<hbm>>)
      tpu.yield
    }) : () -> ()
    return
  }
}

#map = affine_map<(d0, d1) -> (0)>
module attributes {stable_mosaic.version = 14 : i64} {
  func.func @_sc_pass1(%arg0: i32, %arg1: i32, %arg2: memref<320000xi32, #tpu.memory_space<hbm>>, %arg3: memref<320000xi32, #tpu.memory_space<hbm>>, %arg4: memref<320000xf32, #tpu.memory_space<hbm>>, %arg5: memref<10240xf32, #tpu.memory_space<hbm>>, %arg6: memref<10240xf32, #tpu.memory_space<hbm>>, %arg7: memref<320000xf32, #tpu.memory_space<hbm>>, %arg8: memref<20480xf32, #tpu.memory_space<hbm>>, %arg9: memref<10000xi32, #tpu.memory_space<vmem>>, %arg10: memref<10000xi32, #tpu.memory_space<vmem>>, %arg11: memref<10000xf32, #tpu.memory_space<vmem>>, %arg12: memref<10240xf32, #tpu.memory_space<vmem>>, %arg13: memref<10240xf32, #tpu.memory_space<vmem>>, %arg14: memref<10000xf32, #tpu.memory_space<vmem>>, %arg15: memref<10240xf32, #tpu.memory_space<vmem>>, %arg16: memref<640xf32, #tpu.memory_space<vmem>>, %arg17: memref<640xf32, #tpu.memory_space<vmem>>, %arg18: memref<16x10240xf32, #tpu.memory_space<vmem_shared>>) attributes {dimension_semantics = [#tpu.dimension_semantics<core_parallel>, #tpu.dimension_semantics<subcore_parallel>], iteration_bounds = array<i64: 2, 16>, scalar_prefetch = 0 : i64, scratch_operands = 10 : i64, tpu.core_type = #tpu.core_type<sc_vector_subcore>, window_params = [{transform_indices = #map}, {transform_indices = #map}, {transform_indices = #map}, {transform_indices = #map}, {transform_indices = #map}, {transform_indices = #map}, {transform_indices = #map}]} {
    %mul3A = arith.constant 2 : i32
    %mul3A_0 = arith.muli %arg1, %mul3A : i32
    %add3A = arith.addi %mul3A_0, %arg0 : i32
    %mul3A_1 = arith.constant 10000 : i32
    %mul3A_2 = arith.muli %add3A, %mul3A_1 : i32
    "tpu.region"() ({
      %run_scoped3A_125 = tpu.sem_alloc : memref<!tpu.dma_semaphore, #tpu.memory_space<semaphore_mem>>
      %dma_start3A = tpu.memref_slice %arg2[%mul3A_2] : memref<320000xi32, #tpu.memory_space<hbm>> -> memref<10000xi32, #tpu.memory_space<hbm>>
      %dma_start3A_126 = tpu.memref_slice %arg2[%mul3A_2] : memref<320000xi32, #tpu.memory_space<hbm>> -> memref<10000xi32, #tpu.memory_space<hbm>>
      tpu.enqueue_dma source(%dma_start3A_126 : memref<10000xi32, #tpu.memory_space<hbm>>) target(%arg9 : memref<10000xi32, #tpu.memory_space<vmem>>) target_semaphore(%run_scoped3A_125 : memref<!tpu.dma_semaphore, #tpu.memory_space<semaphore_mem>>)
      %dma_wait3A = tpu.memref_slice %arg2[%mul3A_2] : memref<320000xi32, #tpu.memory_space<hbm>> -> memref<10000xi32, #tpu.memory_space<hbm>>
      %dma_wait3A_127 = tpu.memref_slice %arg2[%mul3A_2] : memref<320000xi32, #tpu.memory_space<hbm>> -> memref<10000xi32, #tpu.memory_space<hbm>>
      tpu.wait_dma2 semaphore(%run_scoped3A_125 : memref<!tpu.dma_semaphore, #tpu.memory_space<semaphore_mem>>) src(%dma_wait3A_127 : memref<10000xi32, #tpu.memory_space<hbm>>) dst(%arg9 : memref<10000xi32, #tpu.memory_space<vmem>>)
      tpu.yield
    }) : () -> ()
    "tpu.region"() ({
      %run_scoped3A_125 = tpu.sem_alloc : memref<!tpu.dma_semaphore, #tpu.memory_space<semaphore_mem>>
      %dma_start3A = tpu.memref_slice %arg3[%mul3A_2] : memref<320000xi32, #tpu.memory_space<hbm>> -> memref<10000xi32, #tpu.memory_space<hbm>>
      %dma_start3A_126 = tpu.memref_slice %arg3[%mul3A_2] : memref<320000xi32, #tpu.memory_space<hbm>> -> memref<10000xi32, #tpu.memory_space<hbm>>
      tpu.enqueue_dma source(%dma_start3A_126 : memref<10000xi32, #tpu.memory_space<hbm>>) target(%arg10 : memref<10000xi32, #tpu.memory_space<vmem>>) target_semaphore(%run_scoped3A_125 : memref<!tpu.dma_semaphore, #tpu.memory_space<semaphore_mem>>)
      %dma_wait3A = tpu.memref_slice %arg3[%mul3A_2] : memref<320000xi32, #tpu.memory_space<hbm>> -> memref<10000xi32, #tpu.memory_space<hbm>>
      %dma_wait3A_127 = tpu.memref_slice %arg3[%mul3A_2] : memref<320000xi32, #tpu.memory_space<hbm>> -> memref<10000xi32, #tpu.memory_space<hbm>>
      tpu.wait_dma2 semaphore(%run_scoped3A_125 : memref<!tpu.dma_semaphore, #tpu.memory_space<semaphore_mem>>) src(%dma_wait3A_127 : memref<10000xi32, #tpu.memory_space<hbm>>) dst(%arg10 : memref<10000xi32, #tpu.memory_space<vmem>>)
      tpu.yield
    }) : () -> ()
    "tpu.region"() ({
      %run_scoped3A_125 = tpu.sem_alloc : memref<!tpu.dma_semaphore, #tpu.memory_space<semaphore_mem>>
      %dma_start3A = tpu.memref_slice %arg4[%mul3A_2] : memref<320000xf32, #tpu.memory_space<hbm>> -> memref<10000xf32, #tpu.memory_space<hbm>>
      %dma_start3A_126 = tpu.memref_slice %arg4[%mul3A_2] : memref<320000xf32, #tpu.memory_space<hbm>> -> memref<10000xf32, #tpu.memory_space<hbm>>
      tpu.enqueue_dma source(%dma_start3A_126 : memref<10000xf32, #tpu.memory_space<hbm>>) target(%arg11 : memref<10000xf32, #tpu.memory_space<vmem>>) target_semaphore(%run_scoped3A_125 : memref<!tpu.dma_semaphore, #tpu.memory_space<semaphore_mem>>)
      %dma_wait3A = tpu.memref_slice %arg4[%mul3A_2] : memref<320000xf32, #tpu.memory_space<hbm>> -> memref<10000xf32, #tpu.memory_space<hbm>>
      %dma_wait3A_127 = tpu.memref_slice %arg4[%mul3A_2] : memref<320000xf32, #tpu.memory_space<hbm>> -> memref<10000xf32, #tpu.memory_space<hbm>>
      tpu.wait_dma2 semaphore(%run_scoped3A_125 : memref<!tpu.dma_semaphore, #tpu.memory_space<semaphore_mem>>) src(%dma_wait3A_127 : memref<10000xf32, #tpu.memory_space<hbm>>) dst(%arg11 : memref<10000xf32, #tpu.memory_space<vmem>>)
      tpu.yield
    }) : () -> ()
    "tpu.region"() ({
      %run_scoped3A_125 = tpu.sem_alloc : memref<!tpu.dma_semaphore, #tpu.memory_space<semaphore_mem>>
      tpu.enqueue_dma source(%arg5 : memref<10240xf32, #tpu.memory_space<hbm>>) target(%arg12 : memref<10240xf32, #tpu.memory_space<vmem>>) target_semaphore(%run_scoped3A_125 : memref<!tpu.dma_semaphore, #tpu.memory_space<semaphore_mem>>)
      tpu.wait_dma2 semaphore(%run_scoped3A_125 : memref<!tpu.dma_semaphore, #tpu.memory_space<semaphore_mem>>) src(%arg5 : memref<10240xf32, #tpu.memory_space<hbm>>) dst(%arg12 : memref<10240xf32, #tpu.memory_space<vmem>>)
      tpu.yield
    }) : () -> ()
    "tpu.region"() ({
      %run_scoped3A_125 = tpu.sem_alloc : memref<!tpu.dma_semaphore, #tpu.memory_space<semaphore_mem>>
      tpu.enqueue_dma source(%arg6 : memref<10240xf32, #tpu.memory_space<hbm>>) target(%arg13 : memref<10240xf32, #tpu.memory_space<vmem>>) target_semaphore(%run_scoped3A_125 : memref<!tpu.dma_semaphore, #tpu.memory_space<semaphore_mem>>)
      tpu.wait_dma2 semaphore(%run_scoped3A_125 : memref<!tpu.dma_semaphore, #tpu.memory_space<semaphore_mem>>) src(%arg6 : memref<10240xf32, #tpu.memory_space<hbm>>) dst(%arg13 : memref<10240xf32, #tpu.memory_space<vmem>>)
      tpu.yield
    }) : () -> ()
    %broadcast_in_dim3A = arith.constant 0.000000e+00 : f32
    %broadcast_in_dim3A_3 = vector.broadcast %broadcast_in_dim3A : f32 to vector<16xf32>
    %scan3A = arith.constant 0 : i32
    %scan3A_4 = arith.constant 0 : i32
    %scan3A_5 = arith.constant 640 : i32
    %scan3A_6 = arith.addi %scan3A_4, %scan3A_5 : i32
    %scan3A_7 = arith.constant 1 : i32
    scf.for %scan3A_125 = %scan3A_4 to %scan3A_6 step %scan3A_7  : i32 {
      %mul3A_126 = arith.constant 16 : i32
      %mul3A_127 = arith.muli %scan3A_125, %mul3A_126 : i32
      %swap3A = arith.index_cast %mul3A_127 : i32 to index
      %swap3A_128 = tpu.vector_load %arg15[%swap3A] {strides = array<i32>} : memref<10240xf32, #tpu.memory_space<vmem>>, vector<16xf32>,
      tpu.vector_store %arg15[%swap3A], %broadcast_in_dim3A_3 {strides = array<i32>} : memref<10240xf32, #tpu.memory_space<vmem>>, vector<16xf32>,
    }
    %scan3A_8 = arith.constant 640 : i32
    %scan3A_9 = arith.constant 0 : i32
    %scan3A_10 = arith.constant 0 : i32
    %scan3A_11 = arith.constant 625 : i32
    %scan3A_12 = arith.addi %scan3A_10, %scan3A_11 : i32
    %scan3A_13 = arith.constant 1 : i32
    scf.for %scan3A_125 = %scan3A_10 to %scan3A_12 step %scan3A_13  : i32 {
      %mul3A_126 = arith.constant 16 : i32
      %mul3A_127 = arith.muli %scan3A_125, %mul3A_126 : i32
      %get3A = arith.index_cast %mul3A_127 : i32 to index
      %get3A_128 = tpu.vector_load %arg9[%get3A] {strides = array<i32>} : memref<10000xi32, #tpu.memory_space<vmem>>, vector<16xi32>,
      %get3A_129 = arith.index_cast %mul3A_127 : i32 to index
      %get3A_130 = tpu.vector_load %arg10[%get3A_129] {strides = array<i32>} : memref<10000xi32, #tpu.memory_space<vmem>>, vector<16xi32>,
      %gather3A = tpu.vector_load_idx %arg12[%get3A_128] : memref<10240xf32, #tpu.memory_space<vmem>>[vector<16xi32>], vector<16xf32>,
      %gather3A_131 = tpu.vector_load_idx %arg13[%get3A_130] : memref<10240xf32, #tpu.memory_space<vmem>>[vector<16xi32>], vector<16xf32>,
      %add3A_132 = arith.addf %gather3A, %gather3A_131 : vector<16xf32>
      %get3A_133 = arith.index_cast %mul3A_127 : i32 to index
      %get3A_134 = tpu.vector_load %arg11[%get3A_133] {strides = array<i32>} : memref<10000xf32, #tpu.memory_space<vmem>>, vector<16xf32>,
      %add3A_135 = arith.addf %add3A_132, %get3A_134 : vector<16xf32>
      %ge3A = arith.constant 0.000000e+00 : f32
      %ge3A_136 = vector.broadcast %ge3A : f32 to vector<16xf32>
      %ge3A_137 = arith.cmpf oge, %add3A_135, %ge3A_136 : vector<16xf32>
      %mul3A_138 = arith.constant 2.000000e-01 : f32
      %mul3A_139 = vector.broadcast %mul3A_138 : f32 to vector<16xf32>
      %mul3A_140 = arith.mulf %add3A_135, %mul3A_139 : vector<16xf32>
      %select_n3A = arith.select %ge3A_137, %add3A_135, %mul3A_140 : vector<16xi1>, vector<16xf32>
      %exp3A = math.exp %select_n3A : vector<16xf32>
      %swap3A = arith.index_cast %mul3A_127 : i32 to index
      %swap3A_141 = tpu.vector_load %arg14[%swap3A] {strides = array<i32>} : memref<10000xf32, #tpu.memory_space<vmem>>, vector<16xf32>,
      tpu.vector_store %arg14[%swap3A], %exp3A {strides = array<i32>} : memref<10000xf32, #tpu.memory_space<vmem>>, vector<16xf32>,
      tpu.vector_store_idx %arg15[%get3A_130], %exp3A {add = true} : memref<10240xf32, #tpu.memory_space<vmem>>[vector<16xi32>], vector<16xf32>,
    }
    %scan3A_14 = arith.constant 625 : i32
    "tpu.region"() ({
      %run_scoped3A_125 = tpu.sem_alloc : memref<!tpu.dma_semaphore, #tpu.memory_space<semaphore_mem>>
      %dma_start3A = tpu.memref_slice %arg7[%mul3A_2] : memref<320000xf32, #tpu.memory_space<hbm>> -> memref<10000xf32, #tpu.memory_space<hbm>>
      %dma_start3A_126 = tpu.memref_slice %arg7[%mul3A_2] : memref<320000xf32, #tpu.memory_space<hbm>> -> memref<10000xf32, #tpu.memory_space<hbm>>
      tpu.enqueue_dma source(%arg14 : memref<10000xf32, #tpu.memory_space<vmem>>) target(%dma_start3A_126 : memref<10000xf32, #tpu.memory_space<hbm>>) target_semaphore(%run_scoped3A_125 : memref<!tpu.dma_semaphore, #tpu.memory_space<semaphore_mem>>)
      %dma_wait3A = tpu.memref_slice %arg7[%mul3A_2] : memref<320000xf32, #tpu.memory_space<hbm>> -> memref<10000xf32, #tpu.memory_space<hbm>>
      %dma_wait3A_127 = tpu.memref_slice %arg7[%mul3A_2] : memref<320000xf32, #tpu.memory_space<hbm>> -> memref<10000xf32, #tpu.memory_space<hbm>>
      tpu.wait_dma2 semaphore(%run_scoped3A_125 : memref<!tpu.dma_semaphore, #tpu.memory_space<semaphore_mem>>) src(%arg14 : memref<10000xf32, #tpu.memory_space<vmem>>) dst(%dma_wait3A_127 : memref<10000xf32, #tpu.memory_space<hbm>>)
      tpu.yield
    }) : () -> ()
    "tpu.region"() ({
      %run_scoped3A_125 = tpu.sem_alloc : memref<!tpu.dma_semaphore, #tpu.memory_space<semaphore_mem>>
      %dma_start3A = arith.constant 0 : i32
      %dma_start3A_126 = tpu.memref_slice %arg18[%arg1, %dma_start3A] : memref<16x10240xf32, #tpu.memory_space<vmem_shared>> -> memref<1x10240xf32, #tpu.memory_space<vmem_shared>>
      %dma_start3A_127 = tpu.memref_squeeze %dma_start3A_126 : memref<1x10240xf32, #tpu.memory_space<vmem_shared>> -> memref<10240xf32, #tpu.memory_space<vmem_shared>>
      %dma_start3A_128 = arith.constant 0 : i32
      %dma_start3A_129 = tpu.memref_slice %arg18[%arg1, %dma_start3A_128] : memref<16x10240xf32, #tpu.memory_space<vmem_shared>> -> memref<1x10240xf32, #tpu.memory_space<vmem_shared>>
      %dma_start3A_130 = tpu.memref_squeeze %dma_start3A_129 : memref<1x10240xf32, #tpu.memory_space<vmem_shared>> -> memref<10240xf32, #tpu.memory_space<vmem_shared>>
      tpu.enqueue_dma source(%arg15 : memref<10240xf32, #tpu.memory_space<vmem>>) target(%dma_start3A_130 : memref<10240xf32, #tpu.memory_space<vmem_shared>>) target_semaphore(%run_scoped3A_125 : memref<!tpu.dma_semaphore, #tpu.memory_space<semaphore_mem>>)
      %dma_wait3A = arith.constant 0 : i32
      %dma_wait3A_131 = tpu.memref_slice %arg18[%arg1, %dma_wait3A] : memref<16x10240xf32, #tpu.memory_space<vmem_shared>> -> memref<1x10240xf32, #tpu.memory_space<vmem_shared>>
      %dma_wait3A_132 = tpu.memref_squeeze %dma_wait3A_131 : memref<1x10240xf32, #tpu.memory_space<vmem_shared>> -> memref<10240xf32, #tpu.memory_space<vmem_shared>>
      %dma_wait3A_133 = arith.constant 0 : i32
      %dma_wait3A_134 = tpu.memref_slice %arg18[%arg1, %dma_wait3A_133] : memref<16x10240xf32, #tpu.memory_space<vmem_shared>> -> memref<1x10240xf32, #tpu.memory_space<vmem_shared>>
      %dma_wait3A_135 = tpu.memref_squeeze %dma_wait3A_134 : memref<1x10240xf32, #tpu.memory_space<vmem_shared>> -> memref<10240xf32, #tpu.memory_space<vmem_shared>>
      tpu.wait_dma2 semaphore(%run_scoped3A_125 : memref<!tpu.dma_semaphore, #tpu.memory_space<semaphore_mem>>) src(%arg15 : memref<10240xf32, #tpu.memory_space<vmem>>) dst(%dma_wait3A_135 : memref<10240xf32, #tpu.memory_space<vmem_shared>>)
      tpu.yield
    }) : () -> ()
    %barrier3A = arith.constant 0 : index
    tpu.barrier barrier_id(%barrier3A)
    %mul3A_15 = arith.constant 640 : i32
    %mul3A_16 = arith.muli %arg1, %mul3A_15 : i32
    %run_scoped3A = arith.constant 0 : i32
    "tpu.region"() ({
      %run_scoped3A_125 = tpu.sem_alloc : memref<!tpu.dma_semaphore, #tpu.memory_space<semaphore_mem>>
      %dma_start3A = tpu.memref_slice %arg18[%run_scoped3A, %mul3A_16] : memref<16x10240xf32, #tpu.memory_space<vmem_shared>> -> memref<1x640xf32, #tpu.memory_space<vmem_shared>>
      %dma_start3A_126 = tpu.memref_squeeze %dma_start3A : memref<1x640xf32, #tpu.memory_space<vmem_shared>> -> memref<640xf32, #tpu.memory_space<vmem_shared>>
      %dma_start3A_127 = tpu.memref_slice %arg18[%run_scoped3A, %mul3A_16] : memref<16x10240xf32, #tpu.memory_space<vmem_shared>> -> memref<1x640xf32, #tpu.memory_space<vmem_shared>>
      %dma_start3A_128 = tpu.memref_squeeze %dma_start3A_127 : memref<1x640xf32, #tpu.memory_space<vmem_shared>> -> memref<640xf32, #tpu.memory_space<vmem_shared>>
      tpu.enqueue_dma source(%dma_start3A_128 : memref<640xf32, #tpu.memory_space<vmem_shared>>) target(%arg16 : memref<640xf32, #tpu.memory_space<vmem>>) target_semaphore(%run_scoped3A_125 : memref<!tpu.dma_semaphore, #tpu.memory_space<semaphore_mem>>)
      %dma_wait3A = tpu.memref_slice %arg18[%run_scoped3A, %mul3A_16] : memref<16x10240xf32, #tpu.memory_space<vmem_shared>> -> memref<1x640xf32, #tpu.memory_space<vmem_shared>>
      %dma_wait3A_129 = tpu.memref_squeeze %dma_wait3A : memref<1x640xf32, #tpu.memory_space<vmem_shared>> -> memref<640xf32, #tpu.memory_space<vmem_shared>>
      %dma_wait3A_130 = tpu.memref_slice %arg18[%run_scoped3A, %mul3A_16] : memref<16x10240xf32, #tpu.memory_space<vmem_shared>> -> memref<1x640xf32, #tpu.memory_space<vmem_shared>>
      %dma_wait3A_131 = tpu.memref_squeeze %dma_wait3A_130 : memref<1x640xf32, #tpu.memory_space<vmem_shared>> -> memref<640xf32, #tpu.memory_space<vmem_shared>>
      tpu.wait_dma2 semaphore(%run_scoped3A_125 : memref<!tpu.dma_semaphore, #tpu.memory_space<semaphore_mem>>) src(%dma_wait3A_131 : memref<640xf32, #tpu.memory_space<vmem_shared>>) dst(%arg16 : memref<640xf32, #tpu.memory_space<vmem>>)
      tpu.yield
    }) : () -> ()
    %run_scoped3A_17 = arith.constant 1 : i32
    "tpu.region"() ({
      %run_scoped3A_125 = tpu.sem_alloc : memref<!tpu.dma_semaphore, #tpu.memory_space<semaphore_mem>>
      %dma_start3A = tpu.memref_slice %arg18[%run_scoped3A_17, %mul3A_16] : memref<16x10240xf32, #tpu.memory_space<vmem_shared>> -> memref<1x640xf32, #tpu.memory_space<vmem_shared>>
      %dma_start3A_126 = tpu.memref_squeeze %dma_start3A : memref<1x640xf32, #tpu.memory_space<vmem_shared>> -> memref<640xf32, #tpu.memory_space<vmem_shared>>
      %dma_start3A_127 = tpu.memref_slice %arg18[%run_scoped3A_17, %mul3A_16] : memref<16x10240xf32, #tpu.memory_space<vmem_shared>> -> memref<1x640xf32, #tpu.memory_space<vmem_shared>>
      %dma_start3A_128 = tpu.memref_squeeze %dma_start3A_127 : memref<1x640xf32, #tpu.memory_space<vmem_shared>> -> memref<640xf32, #tpu.memory_space<vmem_shared>>
      tpu.enqueue_dma source(%dma_start3A_128 : memref<640xf32, #tpu.memory_space<vmem_shared>>) target(%arg17 : memref<640xf32, #tpu.memory_space<vmem>>) target_semaphore(%run_scoped3A_125 : memref<!tpu.dma_semaphore, #tpu.memory_space<semaphore_mem>>)
      %dma_wait3A = tpu.memref_slice %arg18[%run_scoped3A_17, %mul3A_16] : memref<16x10240xf32, #tpu.memory_space<vmem_shared>> -> memref<1x640xf32, #tpu.memory_space<vmem_shared>>
      %dma_wait3A_129 = tpu.memref_squeeze %dma_wait3A : memref<1x640xf32, #tpu.memory_space<vmem_shared>> -> memref<640xf32, #tpu.memory_space<vmem_shared>>
      %dma_wait3A_130 = tpu.memref_slice %arg18[%run_scoped3A_17, %mul3A_16] : memref<16x10240xf32, #tpu.memory_space<vmem_shared>> -> memref<1x640xf32, #tpu.memory_space<vmem_shared>>
      %dma_wait3A_131 = tpu.memref_squeeze %dma_wait3A_130 : memref<1x640xf32, #tpu.memory_space<vmem_shared>> -> memref<640xf32, #tpu.memory_space<vmem_shared>>
      tpu.wait_dma2 semaphore(%run_scoped3A_125 : memref<!tpu.dma_semaphore, #tpu.memory_space<semaphore_mem>>) src(%dma_wait3A_131 : memref<640xf32, #tpu.memory_space<vmem_shared>>) dst(%arg17 : memref<640xf32, #tpu.memory_space<vmem>>)
      tpu.yield
    }) : () -> ()
    %scan3A_18 = arith.constant 0 : i32
    %scan3A_19 = arith.constant 0 : i32
    %scan3A_20 = arith.constant 40 : i32
    %scan3A_21 = arith.addi %scan3A_19, %scan3A_20 : i32
    %scan3A_22 = arith.constant 1 : i32
    scf.for %scan3A_125 = %scan3A_19 to %scan3A_21 step %scan3A_22  : i32 {
      %mul3A_126 = arith.constant 16 : i32
      %mul3A_127 = arith.muli %scan3A_125, %mul3A_126 : i32
      %get3A = arith.index_cast %mul3A_127 : i32 to index
      %get3A_128 = tpu.vector_load %arg16[%get3A] {strides = array<i32>} : memref<640xf32, #tpu.memory_space<vmem>>, vector<16xf32>,
      %get3A_129 = arith.index_cast %mul3A_127 : i32 to index
      %get3A_130 = tpu.vector_load %arg17[%get3A_129] {strides = array<i32>} : memref<640xf32, #tpu.memory_space<vmem>>, vector<16xf32>,
      %add3A_131 = arith.addf %get3A_128, %get3A_130 : vector<16xf32>
      %swap3A = arith.index_cast %mul3A_127 : i32 to index
      %swap3A_132 = tpu.vector_load %arg16[%swap3A] {strides = array<i32>} : memref<640xf32, #tpu.memory_space<vmem>>, vector<16xf32>,
      tpu.vector_store %arg16[%swap3A], %add3A_131 {strides = array<i32>} : memref<640xf32, #tpu.memory_space<vmem>>, vector<16xf32>,
    }
    %scan3A_23 = arith.constant 40 : i32
    %run_scoped3A_24 = arith.constant 2 : i32
    "tpu.region"() ({
      %run_scoped3A_125 = tpu.sem_alloc : memref<!tpu.dma_semaphore, #tpu.memory_space<semaphore_mem>>
      %dma_start3A = tpu.memref_slice %arg18[%run_scoped3A_24, %mul3A_16] : memref<16x10240xf32, #tpu.memory_space<vmem_shared>> -> memref<1x640xf32, #tpu.memory_space<vmem_shared>>
      %dma_start3A_126 = tpu.memref_squeeze %dma_start3A : memref<1x640xf32, #tpu.memory_space<vmem_shared>> -> memref<640xf32, #tpu.memory_space<vmem_shared>>
      %dma_start3A_127 = tpu.memref_slice %arg18[%run_scoped3A_24, %mul3A_16] : memref<16x10240xf32, #tpu.memory_space<vmem_shared>> -> memref<1x640xf32, #tpu.memory_space<vmem_shared>>
      %dma_start3A_128 = tpu.memref_squeeze %dma_start3A_127 : memref<1x640xf32, #tpu.memory_space<vmem_shared>> -> memref<640xf32, #tpu.memory_space<vmem_shared>>
      tpu.enqueue_dma source(%dma_start3A_128 : memref<640xf32, #tpu.memory_space<vmem_shared>>) target(%arg17 : memref<640xf32, #tpu.memory_space<vmem>>) target_semaphore(%run_scoped3A_125 : memref<!tpu.dma_semaphore, #tpu.memory_space<semaphore_mem>>)
      %dma_wait3A = tpu.memref_slice %arg18[%run_scoped3A_24, %mul3A_16] : memref<16x10240xf32, #tpu.memory_space<vmem_shared>> -> memref<1x640xf32, #tpu.memory_space<vmem_shared>>
      %dma_wait3A_129 = tpu.memref_squeeze %dma_wait3A : memref<1x640xf32, #tpu.memory_space<vmem_shared>> -> memref<640xf32, #tpu.memory_space<vmem_shared>>
      %dma_wait3A_130 = tpu.memref_slice %arg18[%run_scoped3A_24, %mul3A_16] : memref<16x10240xf32, #tpu.memory_space<vmem_shared>> -> memref<1x640xf32, #tpu.memory_space<vmem_shared>>
      %dma_wait3A_131 = tpu.memref_squeeze %dma_wait3A_130 : memref<1x640xf32, #tpu.memory_space<vmem_shared>> -> memref<640xf32, #tpu.memory_space<vmem_shared>>
      tpu.wait_dma2 semaphore(%run_scoped3A_125 : memref<!tpu.dma_semaphore, #tpu.memory_space<semaphore_mem>>) src(%dma_wait3A_131 : memref<640xf32, #tpu.memory_space<vmem_shared>>) dst(%arg17 : memref<640xf32, #tpu.memory_space<vmem>>)
      tpu.yield
    }) : () -> ()
    %scan3A_25 = arith.constant 0 : i32
    %scan3A_26 = arith.constant 0 : i32
    %scan3A_27 = arith.constant 40 : i32
    %scan3A_28 = arith.addi %scan3A_26, %scan3A_27 : i32
    %scan3A_29 = arith.constant 1 : i32
    scf.for %scan3A_125 = %scan3A_26 to %scan3A_28 step %scan3A_29  : i32 {
      %mul3A_126 = arith.constant 16 : i32
      %mul3A_127 = arith.muli %scan3A_125, %mul3A_126 : i32
      %get3A = arith.index_cast %mul3A_127 : i32 to index
      %get3A_128 = tpu.vector_load %arg16[%get3A] {strides = array<i32>} : memref<640xf32, #tpu.memory_space<vmem>>, vector<16xf32>,
      %get3A_129 = arith.index_cast %mul3A_127 : i32 to index
      %get3A_130 = tpu.vector_load %arg17[%get3A_129] {strides = array<i32>} : memref<640xf32, #tpu.memory_space<vmem>>, vector<16xf32>,
      %add3A_131 = arith.addf %get3A_128, %get3A_130 : vector<16xf32>
      %swap3A = arith.index_cast %mul3A_127 : i32 to index
      %swap3A_132 = tpu.vector_load %arg16[%swap3A] {strides = array<i32>} : memref<640xf32, #tpu.memory_space<vmem>>, vector<16xf32>,
      tpu.vector_store %arg16[%swap3A], %add3A_131 {strides = array<i32>} : memref<640xf32, #tpu.memory_space<vmem>>, vector<16xf32>,
    }
    %scan3A_30 = arith.constant 40 : i32
    %run_scoped3A_31 = arith.constant 3 : i32
    "tpu.region"() ({
      %run_scoped3A_125 = tpu.sem_alloc : memref<!tpu.dma_semaphore, #tpu.memory_space<semaphore_mem>>
      %dma_start3A = tpu.memref_slice %arg18[%run_scoped3A_31, %mul3A_16] : memref<16x10240xf32, #tpu.memory_space<vmem_shared>> -> memref<1x640xf32, #tpu.memory_space<vmem_shared>>
      %dma_start3A_126 = tpu.memref_squeeze %dma_start3A : memref<1x640xf32, #tpu.memory_space<vmem_shared>> -> memref<640xf32, #tpu.memory_space<vmem_shared>>
      %dma_start3A_127 = tpu.memref_slice %arg18[%run_scoped3A_31, %mul3A_16] : memref<16x10240xf32, #tpu.memory_space<vmem_shared>> -> memref<1x640xf32, #tpu.memory_space<vmem_shared>>
      %dma_start3A_128 = tpu.memref_squeeze %dma_start3A_127 : memref<1x640xf32, #tpu.memory_space<vmem_shared>> -> memref<640xf32, #tpu.memory_space<vmem_shared>>
      tpu.enqueue_dma source(%dma_start3A_128 : memref<640xf32, #tpu.memory_space<vmem_shared>>) target(%arg17 : memref<640xf32, #tpu.memory_space<vmem>>) target_semaphore(%run_scoped3A_125 : memref<!tpu.dma_semaphore, #tpu.memory_space<semaphore_mem>>)
      %dma_wait3A = tpu.memref_slice %arg18[%run_scoped3A_31, %mul3A_16] : memref<16x10240xf32, #tpu.memory_space<vmem_shared>> -> memref<1x640xf32, #tpu.memory_space<vmem_shared>>
      %dma_wait3A_129 = tpu.memref_squeeze %dma_wait3A : memref<1x640xf32, #tpu.memory_space<vmem_shared>> -> memref<640xf32, #tpu.memory_space<vmem_shared>>
      %dma_wait3A_130 = tpu.memref_slice %arg18[%run_scoped3A_31, %mul3A_16] : memref<16x10240xf32, #tpu.memory_space<vmem_shared>> -> memref<1x640xf32, #tpu.memory_space<vmem_shared>>
      %dma_wait3A_131 = tpu.memref_squeeze %dma_wait3A_130 : memref<1x640xf32, #tpu.memory_space<vmem_shared>> -> memref<640xf32, #tpu.memory_space<vmem_shared>>
      tpu.wait_dma2 semaphore(%run_scoped3A_125 : memref<!tpu.dma_semaphore, #tpu.memory_space<semaphore_mem>>) src(%dma_wait3A_131 : memref<640xf32, #tpu.memory_space<vmem_shared>>) dst(%arg17 : memref<640xf32, #tpu.memory_space<vmem>>)
      tpu.yield
    }) : () -> ()
    %scan3A_32 = arith.constant 0 : i32
    %scan3A_33 = arith.constant 0 : i32
    %scan3A_34 = arith.constant 40 : i32
    %scan3A_35 = arith.addi %scan3A_33, %scan3A_34 : i32
    %scan3A_36 = arith.constant 1 : i32
    scf.for %scan3A_125 = %scan3A_33 to %scan3A_35 step %scan3A_36  : i32 {
      %mul3A_126 = arith.constant 16 : i32
      %mul3A_127 = arith.muli %scan3A_125, %mul3A_126 : i32
      %get3A = arith.index_cast %mul3A_127 : i32 to index
      %get3A_128 = tpu.vector_load %arg16[%get3A] {strides = array<i32>} : memref<640xf32, #tpu.memory_space<vmem>>, vector<16xf32>,
      %get3A_129 = arith.index_cast %mul3A_127 : i32 to index
      %get3A_130 = tpu.vector_load %arg17[%get3A_129] {strides = array<i32>} : memref<640xf32, #tpu.memory_space<vmem>>, vector<16xf32>,
      %add3A_131 = arith.addf %get3A_128, %get3A_130 : vector<16xf32>
      %swap3A = arith.index_cast %mul3A_127 : i32 to index
      %swap3A_132 = tpu.vector_load %arg16[%swap3A] {strides = array<i32>} : memref<640xf32, #tpu.memory_space<vmem>>, vector<16xf32>,
      tpu.vector_store %arg16[%swap3A], %add3A_131 {strides = array<i32>} : memref<640xf32, #tpu.memory_space<vmem>>, vector<16xf32>,
    }
    %scan3A_37 = arith.constant 40 : i32
    %run_scoped3A_38 = arith.constant 4 : i32
    "tpu.region"() ({
      %run_scoped3A_125 = tpu.sem_alloc : memref<!tpu.dma_semaphore, #tpu.memory_space<semaphore_mem>>
      %dma_start3A = tpu.memref_slice %arg18[%run_scoped3A_38, %mul3A_16] : memref<16x10240xf32, #tpu.memory_space<vmem_shared>> -> memref<1x640xf32, #tpu.memory_space<vmem_shared>>
      %dma_start3A_126 = tpu.memref_squeeze %dma_start3A : memref<1x640xf32, #tpu.memory_space<vmem_shared>> -> memref<640xf32, #tpu.memory_space<vmem_shared>>
      %dma_start3A_127 = tpu.memref_slice %arg18[%run_scoped3A_38, %mul3A_16] : memref<16x10240xf32, #tpu.memory_space<vmem_shared>> -> memref<1x640xf32, #tpu.memory_space<vmem_shared>>
      %dma_start3A_128 = tpu.memref_squeeze %dma_start3A_127 : memref<1x640xf32, #tpu.memory_space<vmem_shared>> -> memref<640xf32, #tpu.memory_space<vmem_shared>>
      tpu.enqueue_dma source(%dma_start3A_128 : memref<640xf32, #tpu.memory_space<vmem_shared>>) target(%arg17 : memref<640xf32, #tpu.memory_space<vmem>>) target_semaphore(%run_scoped3A_125 : memref<!tpu.dma_semaphore, #tpu.memory_space<semaphore_mem>>)
      %dma_wait3A = tpu.memref_slice %arg18[%run_scoped3A_38, %mul3A_16] : memref<16x10240xf32, #tpu.memory_space<vmem_shared>> -> memref<1x640xf32, #tpu.memory_space<vmem_shared>>
      %dma_wait3A_129 = tpu.memref_squeeze %dma_wait3A : memref<1x640xf32, #tpu.memory_space<vmem_shared>> -> memref<640xf32, #tpu.memory_space<vmem_shared>>
      %dma_wait3A_130 = tpu.memref_slice %arg18[%run_scoped3A_38, %mul3A_16] : memref<16x10240xf32, #tpu.memory_space<vmem_shared>> -> memref<1x640xf32, #tpu.memory_space<vmem_shared>>
      %dma_wait3A_131 = tpu.memref_squeeze %dma_wait3A_130 : memref<1x640xf32, #tpu.memory_space<vmem_shared>> -> memref<640xf32, #tpu.memory_space<vmem_shared>>
      tpu.wait_dma2 semaphore(%run_scoped3A_125 : memref<!tpu.dma_semaphore, #tpu.memory_space<semaphore_mem>>) src(%dma_wait3A_131 : memref<640xf32, #tpu.memory_space<vmem_shared>>) dst(%arg17 : memref<640xf32, #tpu.memory_space<vmem>>)
      tpu.yield
    }) : () -> ()
    %scan3A_39 = arith.constant 0 : i32
    %scan3A_40 = arith.constant 0 : i32
    %scan3A_41 = arith.constant 40 : i32
    %scan3A_42 = arith.addi %scan3A_40, %scan3A_41 : i32
    %scan3A_43 = arith.constant 1 : i32
    scf.for %scan3A_125 = %scan3A_40 to %scan3A_42 step %scan3A_43  : i32 {
      %mul3A_126 = arith.constant 16 : i32
      %mul3A_127 = arith.muli %scan3A_125, %mul3A_126 : i32
      %get3A = arith.index_cast %mul3A_127 : i32 to index
      %get3A_128 = tpu.vector_load %arg16[%get3A] {strides = array<i32>} : memref<640xf32, #tpu.memory_space<vmem>>, vector<16xf32>,
      %get3A_129 = arith.index_cast %mul3A_127 : i32 to index
      %get3A_130 = tpu.vector_load %arg17[%get3A_129] {strides = array<i32>} : memref<640xf32, #tpu.memory_space<vmem>>, vector<16xf32>,
      %add3A_131 = arith.addf %get3A_128, %get3A_130 : vector<16xf32>
      %swap3A = arith.index_cast %mul3A_127 : i32 to index
      %swap3A_132 = tpu.vector_load %arg16[%swap3A] {strides = array<i32>} : memref<640xf32, #tpu.memory_space<vmem>>, vector<16xf32>,
      tpu.vector_store %arg16[%swap3A], %add3A_131 {strides = array<i32>} : memref<640xf32, #tpu.memory_space<vmem>>, vector<16xf32>,
    }
    %scan3A_44 = arith.constant 40 : i32
    %run_scoped3A_45 = arith.constant 5 : i32
    "tpu.region"() ({
      %run_scoped3A_125 = tpu.sem_alloc : memref<!tpu.dma_semaphore, #tpu.memory_space<semaphore_mem>>
      %dma_start3A = tpu.memref_slice %arg18[%run_scoped3A_45, %mul3A_16] : memref<16x10240xf32, #tpu.memory_space<vmem_shared>> -> memref<1x640xf32, #tpu.memory_space<vmem_shared>>
      %dma_start3A_126 = tpu.memref_squeeze %dma_start3A : memref<1x640xf32, #tpu.memory_space<vmem_shared>> -> memref<640xf32, #tpu.memory_space<vmem_shared>>
      %dma_start3A_127 = tpu.memref_slice %arg18[%run_scoped3A_45, %mul3A_16] : memref<16x10240xf32, #tpu.memory_space<vmem_shared>> -> memref<1x640xf32, #tpu.memory_space<vmem_shared>>
      %dma_start3A_128 = tpu.memref_squeeze %dma_start3A_127 : memref<1x640xf32, #tpu.memory_space<vmem_shared>> -> memref<640xf32, #tpu.memory_space<vmem_shared>>
      tpu.enqueue_dma source(%dma_start3A_128 : memref<640xf32, #tpu.memory_space<vmem_shared>>) target(%arg17 : memref<640xf32, #tpu.memory_space<vmem>>) target_semaphore(%run_scoped3A_125 : memref<!tpu.dma_semaphore, #tpu.memory_space<semaphore_mem>>)
      %dma_wait3A = tpu.memref_slice %arg18[%run_scoped3A_45, %mul3A_16] : memref<16x10240xf32, #tpu.memory_space<vmem_shared>> -> memref<1x640xf32, #tpu.memory_space<vmem_shared>>
      %dma_wait3A_129 = tpu.memref_squeeze %dma_wait3A : memref<1x640xf32, #tpu.memory_space<vmem_shared>> -> memref<640xf32, #tpu.memory_space<vmem_shared>>
      %dma_wait3A_130 = tpu.memref_slice %arg18[%run_scoped3A_45, %mul3A_16] : memref<16x10240xf32, #tpu.memory_space<vmem_shared>> -> memref<1x640xf32, #tpu.memory_space<vmem_shared>>
      %dma_wait3A_131 = tpu.memref_squeeze %dma_wait3A_130 : memref<1x640xf32, #tpu.memory_space<vmem_shared>> -> memref<640xf32, #tpu.memory_space<vmem_shared>>
      tpu.wait_dma2 semaphore(%run_scoped3A_125 : memref<!tpu.dma_semaphore, #tpu.memory_space<semaphore_mem>>) src(%dma_wait3A_131 : memref<640xf32, #tpu.memory_space<vmem_shared>>) dst(%arg17 : memref<640xf32, #tpu.memory_space<vmem>>)
      tpu.yield
    }) : () -> ()
    %scan3A_46 = arith.constant 0 : i32
    %scan3A_47 = arith.constant 0 : i32
    %scan3A_48 = arith.constant 40 : i32
    %scan3A_49 = arith.addi %scan3A_47, %scan3A_48 : i32
    %scan3A_50 = arith.constant 1 : i32
    scf.for %scan3A_125 = %scan3A_47 to %scan3A_49 step %scan3A_50  : i32 {
      %mul3A_126 = arith.constant 16 : i32
      %mul3A_127 = arith.muli %scan3A_125, %mul3A_126 : i32
      %get3A = arith.index_cast %mul3A_127 : i32 to index
      %get3A_128 = tpu.vector_load %arg16[%get3A] {strides = array<i32>} : memref<640xf32, #tpu.memory_space<vmem>>, vector<16xf32>,
      %get3A_129 = arith.index_cast %mul3A_127 : i32 to index
      %get3A_130 = tpu.vector_load %arg17[%get3A_129] {strides = array<i32>} : memref<640xf32, #tpu.memory_space<vmem>>, vector<16xf32>,
      %add3A_131 = arith.addf %get3A_128, %get3A_130 : vector<16xf32>
      %swap3A = arith.index_cast %mul3A_127 : i32 to index
      %swap3A_132 = tpu.vector_load %arg16[%swap3A] {strides = array<i32>} : memref<640xf32, #tpu.memory_space<vmem>>, vector<16xf32>,
      tpu.vector_store %arg16[%swap3A], %add3A_131 {strides = array<i32>} : memref<640xf32, #tpu.memory_space<vmem>>, vector<16xf32>,
    }
    %scan3A_51 = arith.constant 40 : i32
    %run_scoped3A_52 = arith.constant 6 : i32
    "tpu.region"() ({
      %run_scoped3A_125 = tpu.sem_alloc : memref<!tpu.dma_semaphore, #tpu.memory_space<semaphore_mem>>
      %dma_start3A = tpu.memref_slice %arg18[%run_scoped3A_52, %mul3A_16] : memref<16x10240xf32, #tpu.memory_space<vmem_shared>> -> memref<1x640xf32, #tpu.memory_space<vmem_shared>>
      %dma_start3A_126 = tpu.memref_squeeze %dma_start3A : memref<1x640xf32, #tpu.memory_space<vmem_shared>> -> memref<640xf32, #tpu.memory_space<vmem_shared>>
      %dma_start3A_127 = tpu.memref_slice %arg18[%run_scoped3A_52, %mul3A_16] : memref<16x10240xf32, #tpu.memory_space<vmem_shared>> -> memref<1x640xf32, #tpu.memory_space<vmem_shared>>
      %dma_start3A_128 = tpu.memref_squeeze %dma_start3A_127 : memref<1x640xf32, #tpu.memory_space<vmem_shared>> -> memref<640xf32, #tpu.memory_space<vmem_shared>>
      tpu.enqueue_dma source(%dma_start3A_128 : memref<640xf32, #tpu.memory_space<vmem_shared>>) target(%arg17 : memref<640xf32, #tpu.memory_space<vmem>>) target_semaphore(%run_scoped3A_125 : memref<!tpu.dma_semaphore, #tpu.memory_space<semaphore_mem>>)
      %dma_wait3A = tpu.memref_slice %arg18[%run_scoped3A_52, %mul3A_16] : memref<16x10240xf32, #tpu.memory_space<vmem_shared>> -> memref<1x640xf32, #tpu.memory_space<vmem_shared>>
      %dma_wait3A_129 = tpu.memref_squeeze %dma_wait3A : memref<1x640xf32, #tpu.memory_space<vmem_shared>> -> memref<640xf32, #tpu.memory_space<vmem_shared>>
      %dma_wait3A_130 = tpu.memref_slice %arg18[%run_scoped3A_52, %mul3A_16] : memref<16x10240xf32, #tpu.memory_space<vmem_shared>> -> memref<1x640xf32, #tpu.memory_space<vmem_shared>>
      %dma_wait3A_131 = tpu.memref_squeeze %dma_wait3A_130 : memref<1x640xf32, #tpu.memory_space<vmem_shared>> -> memref<640xf32, #tpu.memory_space<vmem_shared>>
      tpu.wait_dma2 semaphore(%run_scoped3A_125 : memref<!tpu.dma_semaphore, #tpu.memory_space<semaphore_mem>>) src(%dma_wait3A_131 : memref<640xf32, #tpu.memory_space<vmem_shared>>) dst(%arg17 : memref<640xf32, #tpu.memory_space<vmem>>)
      tpu.yield
    }) : () -> ()
    %scan3A_53 = arith.constant 0 : i32
    %scan3A_54 = arith.constant 0 : i32
    %scan3A_55 = arith.constant 40 : i32
    %scan3A_56 = arith.addi %scan3A_54, %scan3A_55 : i32
    %scan3A_57 = arith.constant 1 : i32
    scf.for %scan3A_125 = %scan3A_54 to %scan3A_56 step %scan3A_57  : i32 {
      %mul3A_126 = arith.constant 16 : i32
      %mul3A_127 = arith.muli %scan3A_125, %mul3A_126 : i32
      %get3A = arith.index_cast %mul3A_127 : i32 to index
      %get3A_128 = tpu.vector_load %arg16[%get3A] {strides = array<i32>} : memref<640xf32, #tpu.memory_space<vmem>>, vector<16xf32>,
      %get3A_129 = arith.index_cast %mul3A_127 : i32 to index
      %get3A_130 = tpu.vector_load %arg17[%get3A_129] {strides = array<i32>} : memref<640xf32, #tpu.memory_space<vmem>>, vector<16xf32>,
      %add3A_131 = arith.addf %get3A_128, %get3A_130 : vector<16xf32>
      %swap3A = arith.index_cast %mul3A_127 : i32 to index
      %swap3A_132 = tpu.vector_load %arg16[%swap3A] {strides = array<i32>} : memref<640xf32, #tpu.memory_space<vmem>>, vector<16xf32>,
      tpu.vector_store %arg16[%swap3A], %add3A_131 {strides = array<i32>} : memref<640xf32, #tpu.memory_space<vmem>>, vector<16xf32>,
    }
    %scan3A_58 = arith.constant 40 : i32
    %run_scoped3A_59 = arith.constant 7 : i32
    "tpu.region"() ({
      %run_scoped3A_125 = tpu.sem_alloc : memref<!tpu.dma_semaphore, #tpu.memory_space<semaphore_mem>>
      %dma_start3A = tpu.memref_slice %arg18[%run_scoped3A_59, %mul3A_16] : memref<16x10240xf32, #tpu.memory_space<vmem_shared>> -> memref<1x640xf32, #tpu.memory_space<vmem_shared>>
      %dma_start3A_126 = tpu.memref_squeeze %dma_start3A : memref<1x640xf32, #tpu.memory_space<vmem_shared>> -> memref<640xf32, #tpu.memory_space<vmem_shared>>
      %dma_start3A_127 = tpu.memref_slice %arg18[%run_scoped3A_59, %mul3A_16] : memref<16x10240xf32, #tpu.memory_space<vmem_shared>> -> memref<1x640xf32, #tpu.memory_space<vmem_shared>>
      %dma_start3A_128 = tpu.memref_squeeze %dma_start3A_127 : memref<1x640xf32, #tpu.memory_space<vmem_shared>> -> memref<640xf32, #tpu.memory_space<vmem_shared>>
      tpu.enqueue_dma source(%dma_start3A_128 : memref<640xf32, #tpu.memory_space<vmem_shared>>) target(%arg17 : memref<640xf32, #tpu.memory_space<vmem>>) target_semaphore(%run_scoped3A_125 : memref<!tpu.dma_semaphore, #tpu.memory_space<semaphore_mem>>)
      %dma_wait3A = tpu.memref_slice %arg18[%run_scoped3A_59, %mul3A_16] : memref<16x10240xf32, #tpu.memory_space<vmem_shared>> -> memref<1x640xf32, #tpu.memory_space<vmem_shared>>
      %dma_wait3A_129 = tpu.memref_squeeze %dma_wait3A : memref<1x640xf32, #tpu.memory_space<vmem_shared>> -> memref<640xf32, #tpu.memory_space<vmem_shared>>
      %dma_wait3A_130 = tpu.memref_slice %arg18[%run_scoped3A_59, %mul3A_16] : memref<16x10240xf32, #tpu.memory_space<vmem_shared>> -> memref<1x640xf32, #tpu.memory_space<vmem_shared>>
      %dma_wait3A_131 = tpu.memref_squeeze %dma_wait3A_130 : memref<1x640xf32, #tpu.memory_space<vmem_shared>> -> memref<640xf32, #tpu.memory_space<vmem_shared>>
      tpu.wait_dma2 semaphore(%run_scoped3A_125 : memref<!tpu.dma_semaphore, #tpu.memory_space<semaphore_mem>>) src(%dma_wait3A_131 : memref<640xf32, #tpu.memory_space<vmem_shared>>) dst(%arg17 : memref<640xf32, #tpu.memory_space<vmem>>)
      tpu.yield
    }) : () -> ()
    %scan3A_60 = arith.constant 0 : i32
    %scan3A_61 = arith.constant 0 : i32
    %scan3A_62 = arith.constant 40 : i32
    %scan3A_63 = arith.addi %scan3A_61, %scan3A_62 : i32
    %scan3A_64 = arith.constant 1 : i32
    scf.for %scan3A_125 = %scan3A_61 to %scan3A_63 step %scan3A_64  : i32 {
      %mul3A_126 = arith.constant 16 : i32
      %mul3A_127 = arith.muli %scan3A_125, %mul3A_126 : i32
      %get3A = arith.index_cast %mul3A_127 : i32 to index
      %get3A_128 = tpu.vector_load %arg16[%get3A] {strides = array<i32>} : memref<640xf32, #tpu.memory_space<vmem>>, vector<16xf32>,
      %get3A_129 = arith.index_cast %mul3A_127 : i32 to index
      %get3A_130 = tpu.vector_load %arg17[%get3A_129] {strides = array<i32>} : memref<640xf32, #tpu.memory_space<vmem>>, vector<16xf32>,
      %add3A_131 = arith.addf %get3A_128, %get3A_130 : vector<16xf32>
      %swap3A = arith.index_cast %mul3A_127 : i32 to index
      %swap3A_132 = tpu.vector_load %arg16[%swap3A] {strides = array<i32>} : memref<640xf32, #tpu.memory_space<vmem>>, vector<16xf32>,
      tpu.vector_store %arg16[%swap3A], %add3A_131 {strides = array<i32>} : memref<640xf32, #tpu.memory_space<vmem>>, vector<16xf32>,
    }
    %scan3A_65 = arith.constant 40 : i32
    %run_scoped3A_66 = arith.constant 8 : i32
    "tpu.region"() ({
      %run_scoped3A_125 = tpu.sem_alloc : memref<!tpu.dma_semaphore, #tpu.memory_space<semaphore_mem>>
      %dma_start3A = tpu.memref_slice %arg18[%run_scoped3A_66, %mul3A_16] : memref<16x10240xf32, #tpu.memory_space<vmem_shared>> -> memref<1x640xf32, #tpu.memory_space<vmem_shared>>
      %dma_start3A_126 = tpu.memref_squeeze %dma_start3A : memref<1x640xf32, #tpu.memory_space<vmem_shared>> -> memref<640xf32, #tpu.memory_space<vmem_shared>>
      %dma_start3A_127 = tpu.memref_slice %arg18[%run_scoped3A_66, %mul3A_16] : memref<16x10240xf32, #tpu.memory_space<vmem_shared>> -> memref<1x640xf32, #tpu.memory_space<vmem_shared>>
      %dma_start3A_128 = tpu.memref_squeeze %dma_start3A_127 : memref<1x640xf32, #tpu.memory_space<vmem_shared>> -> memref<640xf32, #tpu.memory_space<vmem_shared>>
      tpu.enqueue_dma source(%dma_start3A_128 : memref<640xf32, #tpu.memory_space<vmem_shared>>) target(%arg17 : memref<640xf32, #tpu.memory_space<vmem>>) target_semaphore(%run_scoped3A_125 : memref<!tpu.dma_semaphore, #tpu.memory_space<semaphore_mem>>)
      %dma_wait3A = tpu.memref_slice %arg18[%run_scoped3A_66, %mul3A_16] : memref<16x10240xf32, #tpu.memory_space<vmem_shared>> -> memref<1x640xf32, #tpu.memory_space<vmem_shared>>
      %dma_wait3A_129 = tpu.memref_squeeze %dma_wait3A : memref<1x640xf32, #tpu.memory_space<vmem_shared>> -> memref<640xf32, #tpu.memory_space<vmem_shared>>
      %dma_wait3A_130 = tpu.memref_slice %arg18[%run_scoped3A_66, %mul3A_16] : memref<16x10240xf32, #tpu.memory_space<vmem_shared>> -> memref<1x640xf32, #tpu.memory_space<vmem_shared>>
      %dma_wait3A_131 = tpu.memref_squeeze %dma_wait3A_130 : memref<1x640xf32, #tpu.memory_space<vmem_shared>> -> memref<640xf32, #tpu.memory_space<vmem_shared>>
      tpu.wait_dma2 semaphore(%run_scoped3A_125 : memref<!tpu.dma_semaphore, #tpu.memory_space<semaphore_mem>>) src(%dma_wait3A_131 : memref<640xf32, #tpu.memory_space<vmem_shared>>) dst(%arg17 : memref<640xf32, #tpu.memory_space<vmem>>)
      tpu.yield
    }) : () -> ()
    %scan3A_67 = arith.constant 0 : i32
    %scan3A_68 = arith.constant 0 : i32
    %scan3A_69 = arith.constant 40 : i32
    %scan3A_70 = arith.addi %scan3A_68, %scan3A_69 : i32
    %scan3A_71 = arith.constant 1 : i32
    scf.for %scan3A_125 = %scan3A_68 to %scan3A_70 step %scan3A_71  : i32 {
      %mul3A_126 = arith.constant 16 : i32
      %mul3A_127 = arith.muli %scan3A_125, %mul3A_126 : i32
      %get3A = arith.index_cast %mul3A_127 : i32 to index
      %get3A_128 = tpu.vector_load %arg16[%get3A] {strides = array<i32>} : memref<640xf32, #tpu.memory_space<vmem>>, vector<16xf32>,
      %get3A_129 = arith.index_cast %mul3A_127 : i32 to index
      %get3A_130 = tpu.vector_load %arg17[%get3A_129] {strides = array<i32>} : memref<640xf32, #tpu.memory_space<vmem>>, vector<16xf32>,
      %add3A_131 = arith.addf %get3A_128, %get3A_130 : vector<16xf32>
      %swap3A = arith.index_cast %mul3A_127 : i32 to index
      %swap3A_132 = tpu.vector_load %arg16[%swap3A] {strides = array<i32>} : memref<640xf32, #tpu.memory_space<vmem>>, vector<16xf32>,
      tpu.vector_store %arg16[%swap3A], %add3A_131 {strides = array<i32>} : memref<640xf32, #tpu.memory_space<vmem>>, vector<16xf32>,
    }
    %scan3A_72 = arith.constant 40 : i32
    %run_scoped3A_73 = arith.constant 9 : i32
    "tpu.region"() ({
      %run_scoped3A_125 = tpu.sem_alloc : memref<!tpu.dma_semaphore, #tpu.memory_space<semaphore_mem>>
      %dma_start3A = tpu.memref_slice %arg18[%run_scoped3A_73, %mul3A_16] : memref<16x10240xf32, #tpu.memory_space<vmem_shared>> -> memref<1x640xf32, #tpu.memory_space<vmem_shared>>
      %dma_start3A_126 = tpu.memref_squeeze %dma_start3A : memref<1x640xf32, #tpu.memory_space<vmem_shared>> -> memref<640xf32, #tpu.memory_space<vmem_shared>>
      %dma_start3A_127 = tpu.memref_slice %arg18[%run_scoped3A_73, %mul3A_16] : memref<16x10240xf32, #tpu.memory_space<vmem_shared>> -> memref<1x640xf32, #tpu.memory_space<vmem_shared>>
      %dma_start3A_128 = tpu.memref_squeeze %dma_start3A_127 : memref<1x640xf32, #tpu.memory_space<vmem_shared>> -> memref<640xf32, #tpu.memory_space<vmem_shared>>
      tpu.enqueue_dma source(%dma_start3A_128 : memref<640xf32, #tpu.memory_space<vmem_shared>>) target(%arg17 : memref<640xf32, #tpu.memory_space<vmem>>) target_semaphore(%run_scoped3A_125 : memref<!tpu.dma_semaphore, #tpu.memory_space<semaphore_mem>>)
      %dma_wait3A = tpu.memref_slice %arg18[%run_scoped3A_73, %mul3A_16] : memref<16x10240xf32, #tpu.memory_space<vmem_shared>> -> memref<1x640xf32, #tpu.memory_space<vmem_shared>>
      %dma_wait3A_129 = tpu.memref_squeeze %dma_wait3A : memref<1x640xf32, #tpu.memory_space<vmem_shared>> -> memref<640xf32, #tpu.memory_space<vmem_shared>>
      %dma_wait3A_130 = tpu.memref_slice %arg18[%run_scoped3A_73, %mul3A_16] : memref<16x10240xf32, #tpu.memory_space<vmem_shared>> -> memref<1x640xf32, #tpu.memory_space<vmem_shared>>
      %dma_wait3A_131 = tpu.memref_squeeze %dma_wait3A_130 : memref<1x640xf32, #tpu.memory_space<vmem_shared>> -> memref<640xf32, #tpu.memory_space<vmem_shared>>
      tpu.wait_dma2 semaphore(%run_scoped3A_125 : memref<!tpu.dma_semaphore, #tpu.memory_space<semaphore_mem>>) src(%dma_wait3A_131 : memref<640xf32, #tpu.memory_space<vmem_shared>>) dst(%arg17 : memref<640xf32, #tpu.memory_space<vmem>>)
      tpu.yield
    }) : () -> ()
    %scan3A_74 = arith.constant 0 : i32
    %scan3A_75 = arith.constant 0 : i32
    %scan3A_76 = arith.constant 40 : i32
    %scan3A_77 = arith.addi %scan3A_75, %scan3A_76 : i32
    %scan3A_78 = arith.constant 1 : i32
    scf.for %scan3A_125 = %scan3A_75 to %scan3A_77 step %scan3A_78  : i32 {
      %mul3A_126 = arith.constant 16 : i32
      %mul3A_127 = arith.muli %scan3A_125, %mul3A_126 : i32
      %get3A = arith.index_cast %mul3A_127 : i32 to index
      %get3A_128 = tpu.vector_load %arg16[%get3A] {strides = array<i32>} : memref<640xf32, #tpu.memory_space<vmem>>, vector<16xf32>,
      %get3A_129 = arith.index_cast %mul3A_127 : i32 to index
      %get3A_130 = tpu.vector_load %arg17[%get3A_129] {strides = array<i32>} : memref<640xf32, #tpu.memory_space<vmem>>, vector<16xf32>,
      %add3A_131 = arith.addf %get3A_128, %get3A_130 : vector<16xf32>
      %swap3A = arith.index_cast %mul3A_127 : i32 to index
      %swap3A_132 = tpu.vector_load %arg16[%swap3A] {strides = array<i32>} : memref<640xf32, #tpu.memory_space<vmem>>, vector<16xf32>,
      tpu.vector_store %arg16[%swap3A], %add3A_131 {strides = array<i32>} : memref<640xf32, #tpu.memory_space<vmem>>, vector<16xf32>,
    }
    %scan3A_79 = arith.constant 40 : i32
    %run_scoped3A_80 = arith.constant 10 : i32
    "tpu.region"() ({
      %run_scoped3A_125 = tpu.sem_alloc : memref<!tpu.dma_semaphore, #tpu.memory_space<semaphore_mem>>
      %dma_start3A = tpu.memref_slice %arg18[%run_scoped3A_80, %mul3A_16] : memref<16x10240xf32, #tpu.memory_space<vmem_shared>> -> memref<1x640xf32, #tpu.memory_space<vmem_shared>>
      %dma_start3A_126 = tpu.memref_squeeze %dma_start3A : memref<1x640xf32, #tpu.memory_space<vmem_shared>> -> memref<640xf32, #tpu.memory_space<vmem_shared>>
      %dma_start3A_127 = tpu.memref_slice %arg18[%run_scoped3A_80, %mul3A_16] : memref<16x10240xf32, #tpu.memory_space<vmem_shared>> -> memref<1x640xf32, #tpu.memory_space<vmem_shared>>
      %dma_start3A_128 = tpu.memref_squeeze %dma_start3A_127 : memref<1x640xf32, #tpu.memory_space<vmem_shared>> -> memref<640xf32, #tpu.memory_space<vmem_shared>>
      tpu.enqueue_dma source(%dma_start3A_128 : memref<640xf32, #tpu.memory_space<vmem_shared>>) target(%arg17 : memref<640xf32, #tpu.memory_space<vmem>>) target_semaphore(%run_scoped3A_125 : memref<!tpu.dma_semaphore, #tpu.memory_space<semaphore_mem>>)
      %dma_wait3A = tpu.memref_slice %arg18[%run_scoped3A_80, %mul3A_16] : memref<16x10240xf32, #tpu.memory_space<vmem_shared>> -> memref<1x640xf32, #tpu.memory_space<vmem_shared>>
      %dma_wait3A_129 = tpu.memref_squeeze %dma_wait3A : memref<1x640xf32, #tpu.memory_space<vmem_shared>> -> memref<640xf32, #tpu.memory_space<vmem_shared>>
      %dma_wait3A_130 = tpu.memref_slice %arg18[%run_scoped3A_80, %mul3A_16] : memref<16x10240xf32, #tpu.memory_space<vmem_shared>> -> memref<1x640xf32, #tpu.memory_space<vmem_shared>>
      %dma_wait3A_131 = tpu.memref_squeeze %dma_wait3A_130 : memref<1x640xf32, #tpu.memory_space<vmem_shared>> -> memref<640xf32, #tpu.memory_space<vmem_shared>>
      tpu.wait_dma2 semaphore(%run_scoped3A_125 : memref<!tpu.dma_semaphore, #tpu.memory_space<semaphore_mem>>) src(%dma_wait3A_131 : memref<640xf32, #tpu.memory_space<vmem_shared>>) dst(%arg17 : memref<640xf32, #tpu.memory_space<vmem>>)
      tpu.yield
    }) : () -> ()
    %scan3A_81 = arith.constant 0 : i32
    %scan3A_82 = arith.constant 0 : i32
    %scan3A_83 = arith.constant 40 : i32
    %scan3A_84 = arith.addi %scan3A_82, %scan3A_83 : i32
    %scan3A_85 = arith.constant 1 : i32
    scf.for %scan3A_125 = %scan3A_82 to %scan3A_84 step %scan3A_85  : i32 {
      %mul3A_126 = arith.constant 16 : i32
      %mul3A_127 = arith.muli %scan3A_125, %mul3A_126 : i32
      %get3A = arith.index_cast %mul3A_127 : i32 to index
      %get3A_128 = tpu.vector_load %arg16[%get3A] {strides = array<i32>} : memref<640xf32, #tpu.memory_space<vmem>>, vector<16xf32>,
      %get3A_129 = arith.index_cast %mul3A_127 : i32 to index
      %get3A_130 = tpu.vector_load %arg17[%get3A_129] {strides = array<i32>} : memref<640xf32, #tpu.memory_space<vmem>>, vector<16xf32>,
      %add3A_131 = arith.addf %get3A_128, %get3A_130 : vector<16xf32>
      %swap3A = arith.index_cast %mul3A_127 : i32 to index
      %swap3A_132 = tpu.vector_load %arg16[%swap3A] {strides = array<i32>} : memref<640xf32, #tpu.memory_space<vmem>>, vector<16xf32>,
      tpu.vector_store %arg16[%swap3A], %add3A_131 {strides = array<i32>} : memref<640xf32, #tpu.memory_space<vmem>>, vector<16xf32>,
    }
    %scan3A_86 = arith.constant 40 : i32
    %run_scoped3A_87 = arith.constant 11 : i32
    "tpu.region"() ({
      %run_scoped3A_125 = tpu.sem_alloc : memref<!tpu.dma_semaphore, #tpu.memory_space<semaphore_mem>>
      %dma_start3A = tpu.memref_slice %arg18[%run_scoped3A_87, %mul3A_16] : memref<16x10240xf32, #tpu.memory_space<vmem_shared>> -> memref<1x640xf32, #tpu.memory_space<vmem_shared>>
      %dma_start3A_126 = tpu.memref_squeeze %dma_start3A : memref<1x640xf32, #tpu.memory_space<vmem_shared>> -> memref<640xf32, #tpu.memory_space<vmem_shared>>
      %dma_start3A_127 = tpu.memref_slice %arg18[%run_scoped3A_87, %mul3A_16] : memref<16x10240xf32, #tpu.memory_space<vmem_shared>> -> memref<1x640xf32, #tpu.memory_space<vmem_shared>>
      %dma_start3A_128 = tpu.memref_squeeze %dma_start3A_127 : memref<1x640xf32, #tpu.memory_space<vmem_shared>> -> memref<640xf32, #tpu.memory_space<vmem_shared>>
      tpu.enqueue_dma source(%dma_start3A_128 : memref<640xf32, #tpu.memory_space<vmem_shared>>) target(%arg17 : memref<640xf32, #tpu.memory_space<vmem>>) target_semaphore(%run_scoped3A_125 : memref<!tpu.dma_semaphore, #tpu.memory_space<semaphore_mem>>)
      %dma_wait3A = tpu.memref_slice %arg18[%run_scoped3A_87, %mul3A_16] : memref<16x10240xf32, #tpu.memory_space<vmem_shared>> -> memref<1x640xf32, #tpu.memory_space<vmem_shared>>
      %dma_wait3A_129 = tpu.memref_squeeze %dma_wait3A : memref<1x640xf32, #tpu.memory_space<vmem_shared>> -> memref<640xf32, #tpu.memory_space<vmem_shared>>
      %dma_wait3A_130 = tpu.memref_slice %arg18[%run_scoped3A_87, %mul3A_16] : memref<16x10240xf32, #tpu.memory_space<vmem_shared>> -> memref<1x640xf32, #tpu.memory_space<vmem_shared>>
      %dma_wait3A_131 = tpu.memref_squeeze %dma_wait3A_130 : memref<1x640xf32, #tpu.memory_space<vmem_shared>> -> memref<640xf32, #tpu.memory_space<vmem_shared>>
      tpu.wait_dma2 semaphore(%run_scoped3A_125 : memref<!tpu.dma_semaphore, #tpu.memory_space<semaphore_mem>>) src(%dma_wait3A_131 : memref<640xf32, #tpu.memory_space<vmem_shared>>) dst(%arg17 : memref<640xf32, #tpu.memory_space<vmem>>)
      tpu.yield
    }) : () -> ()
    %scan3A_88 = arith.constant 0 : i32
    %scan3A_89 = arith.constant 0 : i32
    %scan3A_90 = arith.constant 40 : i32
    %scan3A_91 = arith.addi %scan3A_89, %scan3A_90 : i32
    %scan3A_92 = arith.constant 1 : i32
    scf.for %scan3A_125 = %scan3A_89 to %scan3A_91 step %scan3A_92  : i32 {
      %mul3A_126 = arith.constant 16 : i32
      %mul3A_127 = arith.muli %scan3A_125, %mul3A_126 : i32
      %get3A = arith.index_cast %mul3A_127 : i32 to index
      %get3A_128 = tpu.vector_load %arg16[%get3A] {strides = array<i32>} : memref<640xf32, #tpu.memory_space<vmem>>, vector<16xf32>,
      %get3A_129 = arith.index_cast %mul3A_127 : i32 to index
      %get3A_130 = tpu.vector_load %arg17[%get3A_129] {strides = array<i32>} : memref<640xf32, #tpu.memory_space<vmem>>, vector<16xf32>,
      %add3A_131 = arith.addf %get3A_128, %get3A_130 : vector<16xf32>
      %swap3A = arith.index_cast %mul3A_127 : i32 to index
      %swap3A_132 = tpu.vector_load %arg16[%swap3A] {strides = array<i32>} : memref<640xf32, #tpu.memory_space<vmem>>, vector<16xf32>,
      tpu.vector_store %arg16[%swap3A], %add3A_131 {strides = array<i32>} : memref<640xf32, #tpu.memory_space<vmem>>, vector<16xf32>,
    }
    %scan3A_93 = arith.constant 40 : i32
    %run_scoped3A_94 = arith.constant 12 : i32
    "tpu.region"() ({
      %run_scoped3A_125 = tpu.sem_alloc : memref<!tpu.dma_semaphore, #tpu.memory_space<semaphore_mem>>
      %dma_start3A = tpu.memref_slice %arg18[%run_scoped3A_94, %mul3A_16] : memref<16x10240xf32, #tpu.memory_space<vmem_shared>> -> memref<1x640xf32, #tpu.memory_space<vmem_shared>>
      %dma_start3A_126 = tpu.memref_squeeze %dma_start3A : memref<1x640xf32, #tpu.memory_space<vmem_shared>> -> memref<640xf32, #tpu.memory_space<vmem_shared>>
      %dma_start3A_127 = tpu.memref_slice %arg18[%run_scoped3A_94, %mul3A_16] : memref<16x10240xf32, #tpu.memory_space<vmem_shared>> -> memref<1x640xf32, #tpu.memory_space<vmem_shared>>
      %dma_start3A_128 = tpu.memref_squeeze %dma_start3A_127 : memref<1x640xf32, #tpu.memory_space<vmem_shared>> -> memref<640xf32, #tpu.memory_space<vmem_shared>>
      tpu.enqueue_dma source(%dma_start3A_128 : memref<640xf32, #tpu.memory_space<vmem_shared>>) target(%arg17 : memref<640xf32, #tpu.memory_space<vmem>>) target_semaphore(%run_scoped3A_125 : memref<!tpu.dma_semaphore, #tpu.memory_space<semaphore_mem>>)
      %dma_wait3A = tpu.memref_slice %arg18[%run_scoped3A_94, %mul3A_16] : memref<16x10240xf32, #tpu.memory_space<vmem_shared>> -> memref<1x640xf32, #tpu.memory_space<vmem_shared>>
      %dma_wait3A_129 = tpu.memref_squeeze %dma_wait3A : memref<1x640xf32, #tpu.memory_space<vmem_shared>> -> memref<640xf32, #tpu.memory_space<vmem_shared>>
      %dma_wait3A_130 = tpu.memref_slice %arg18[%run_scoped3A_94, %mul3A_16] : memref<16x10240xf32, #tpu.memory_space<vmem_shared>> -> memref<1x640xf32, #tpu.memory_space<vmem_shared>>
      %dma_wait3A_131 = tpu.memref_squeeze %dma_wait3A_130 : memref<1x640xf32, #tpu.memory_space<vmem_shared>> -> memref<640xf32, #tpu.memory_space<vmem_shared>>
      tpu.wait_dma2 semaphore(%run_scoped3A_125 : memref<!tpu.dma_semaphore, #tpu.memory_space<semaphore_mem>>) src(%dma_wait3A_131 : memref<640xf32, #tpu.memory_space<vmem_shared>>) dst(%arg17 : memref<640xf32, #tpu.memory_space<vmem>>)
      tpu.yield
    }) : () -> ()
    %scan3A_95 = arith.constant 0 : i32
    %scan3A_96 = arith.constant 0 : i32
    %scan3A_97 = arith.constant 40 : i32
    %scan3A_98 = arith.addi %scan3A_96, %scan3A_97 : i32
    %scan3A_99 = arith.constant 1 : i32
    scf.for %scan3A_125 = %scan3A_96 to %scan3A_98 step %scan3A_99  : i32 {
      %mul3A_126 = arith.constant 16 : i32
      %mul3A_127 = arith.muli %scan3A_125, %mul3A_126 : i32
      %get3A = arith.index_cast %mul3A_127 : i32 to index
      %get3A_128 = tpu.vector_load %arg16[%get3A] {strides = array<i32>} : memref<640xf32, #tpu.memory_space<vmem>>, vector<16xf32>,
      %get3A_129 = arith.index_cast %mul3A_127 : i32 to index
      %get3A_130 = tpu.vector_load %arg17[%get3A_129] {strides = array<i32>} : memref<640xf32, #tpu.memory_space<vmem>>, vector<16xf32>,
      %add3A_131 = arith.addf %get3A_128, %get3A_130 : vector<16xf32>
      %swap3A = arith.index_cast %mul3A_127 : i32 to index
      %swap3A_132 = tpu.vector_load %arg16[%swap3A] {strides = array<i32>} : memref<640xf32, #tpu.memory_space<vmem>>, vector<16xf32>,
      tpu.vector_store %arg16[%swap3A], %add3A_131 {strides = array<i32>} : memref<640xf32, #tpu.memory_space<vmem>>, vector<16xf32>,
    }
    %scan3A_100 = arith.constant 40 : i32
    %run_scoped3A_101 = arith.constant 13 : i32
    "tpu.region"() ({
      %run_scoped3A_125 = tpu.sem_alloc : memref<!tpu.dma_semaphore, #tpu.memory_space<semaphore_mem>>
      %dma_start3A = tpu.memref_slice %arg18[%run_scoped3A_101, %mul3A_16] : memref<16x10240xf32, #tpu.memory_space<vmem_shared>> -> memref<1x640xf32, #tpu.memory_space<vmem_shared>>
      %dma_start3A_126 = tpu.memref_squeeze %dma_start3A : memref<1x640xf32, #tpu.memory_space<vmem_shared>> -> memref<640xf32, #tpu.memory_space<vmem_shared>>
      %dma_start3A_127 = tpu.memref_slice %arg18[%run_scoped3A_101, %mul3A_16] : memref<16x10240xf32, #tpu.memory_space<vmem_shared>> -> memref<1x640xf32, #tpu.memory_space<vmem_shared>>
      %dma_start3A_128 = tpu.memref_squeeze %dma_start3A_127 : memref<1x640xf32, #tpu.memory_space<vmem_shared>> -> memref<640xf32, #tpu.memory_space<vmem_shared>>
      tpu.enqueue_dma source(%dma_start3A_128 : memref<640xf32, #tpu.memory_space<vmem_shared>>) target(%arg17 : memref<640xf32, #tpu.memory_space<vmem>>) target_semaphore(%run_scoped3A_125 : memref<!tpu.dma_semaphore, #tpu.memory_space<semaphore_mem>>)
      %dma_wait3A = tpu.memref_slice %arg18[%run_scoped3A_101, %mul3A_16] : memref<16x10240xf32, #tpu.memory_space<vmem_shared>> -> memref<1x640xf32, #tpu.memory_space<vmem_shared>>
      %dma_wait3A_129 = tpu.memref_squeeze %dma_wait3A : memref<1x640xf32, #tpu.memory_space<vmem_shared>> -> memref<640xf32, #tpu.memory_space<vmem_shared>>
      %dma_wait3A_130 = tpu.memref_slice %arg18[%run_scoped3A_101, %mul3A_16] : memref<16x10240xf32, #tpu.memory_space<vmem_shared>> -> memref<1x640xf32, #tpu.memory_space<vmem_shared>>
      %dma_wait3A_131 = tpu.memref_squeeze %dma_wait3A_130 : memref<1x640xf32, #tpu.memory_space<vmem_shared>> -> memref<640xf32, #tpu.memory_space<vmem_shared>>
      tpu.wait_dma2 semaphore(%run_scoped3A_125 : memref<!tpu.dma_semaphore, #tpu.memory_space<semaphore_mem>>) src(%dma_wait3A_131 : memref<640xf32, #tpu.memory_space<vmem_shared>>) dst(%arg17 : memref<640xf32, #tpu.memory_space<vmem>>)
      tpu.yield
    }) : () -> ()
    %scan3A_102 = arith.constant 0 : i32
    %scan3A_103 = arith.constant 0 : i32
    %scan3A_104 = arith.constant 40 : i32
    %scan3A_105 = arith.addi %scan3A_103, %scan3A_104 : i32
    %scan3A_106 = arith.constant 1 : i32
    scf.for %scan3A_125 = %scan3A_103 to %scan3A_105 step %scan3A_106  : i32 {
      %mul3A_126 = arith.constant 16 : i32
      %mul3A_127 = arith.muli %scan3A_125, %mul3A_126 : i32
      %get3A = arith.index_cast %mul3A_127 : i32 to index
      %get3A_128 = tpu.vector_load %arg16[%get3A] {strides = array<i32>} : memref<640xf32, #tpu.memory_space<vmem>>, vector<16xf32>,
      %get3A_129 = arith.index_cast %mul3A_127 : i32 to index
      %get3A_130 = tpu.vector_load %arg17[%get3A_129] {strides = array<i32>} : memref<640xf32, #tpu.memory_space<vmem>>, vector<16xf32>,
      %add3A_131 = arith.addf %get3A_128, %get3A_130 : vector<16xf32>
      %swap3A = arith.index_cast %mul3A_127 : i32 to index
      %swap3A_132 = tpu.vector_load %arg16[%swap3A] {strides = array<i32>} : memref<640xf32, #tpu.memory_space<vmem>>, vector<16xf32>,
      tpu.vector_store %arg16[%swap3A], %add3A_131 {strides = array<i32>} : memref<640xf32, #tpu.memory_space<vmem>>, vector<16xf32>,
    }
    %scan3A_107 = arith.constant 40 : i32
    %run_scoped3A_108 = arith.constant 14 : i32
    "tpu.region"() ({
      %run_scoped3A_125 = tpu.sem_alloc : memref<!tpu.dma_semaphore, #tpu.memory_space<semaphore_mem>>
      %dma_start3A = tpu.memref_slice %arg18[%run_scoped3A_108, %mul3A_16] : memref<16x10240xf32, #tpu.memory_space<vmem_shared>> -> memref<1x640xf32, #tpu.memory_space<vmem_shared>>
      %dma_start3A_126 = tpu.memref_squeeze %dma_start3A : memref<1x640xf32, #tpu.memory_space<vmem_shared>> -> memref<640xf32, #tpu.memory_space<vmem_shared>>
      %dma_start3A_127 = tpu.memref_slice %arg18[%run_scoped3A_108, %mul3A_16] : memref<16x10240xf32, #tpu.memory_space<vmem_shared>> -> memref<1x640xf32, #tpu.memory_space<vmem_shared>>
      %dma_start3A_128 = tpu.memref_squeeze %dma_start3A_127 : memref<1x640xf32, #tpu.memory_space<vmem_shared>> -> memref<640xf32, #tpu.memory_space<vmem_shared>>
      tpu.enqueue_dma source(%dma_start3A_128 : memref<640xf32, #tpu.memory_space<vmem_shared>>) target(%arg17 : memref<640xf32, #tpu.memory_space<vmem>>) target_semaphore(%run_scoped3A_125 : memref<!tpu.dma_semaphore, #tpu.memory_space<semaphore_mem>>)
      %dma_wait3A = tpu.memref_slice %arg18[%run_scoped3A_108, %mul3A_16] : memref<16x10240xf32, #tpu.memory_space<vmem_shared>> -> memref<1x640xf32, #tpu.memory_space<vmem_shared>>
      %dma_wait3A_129 = tpu.memref_squeeze %dma_wait3A : memref<1x640xf32, #tpu.memory_space<vmem_shared>> -> memref<640xf32, #tpu.memory_space<vmem_shared>>
      %dma_wait3A_130 = tpu.memref_slice %arg18[%run_scoped3A_108, %mul3A_16] : memref<16x10240xf32, #tpu.memory_space<vmem_shared>> -> memref<1x640xf32, #tpu.memory_space<vmem_shared>>
      %dma_wait3A_131 = tpu.memref_squeeze %dma_wait3A_130 : memref<1x640xf32, #tpu.memory_space<vmem_shared>> -> memref<640xf32, #tpu.memory_space<vmem_shared>>
      tpu.wait_dma2 semaphore(%run_scoped3A_125 : memref<!tpu.dma_semaphore, #tpu.memory_space<semaphore_mem>>) src(%dma_wait3A_131 : memref<640xf32, #tpu.memory_space<vmem_shared>>) dst(%arg17 : memref<640xf32, #tpu.memory_space<vmem>>)
      tpu.yield
    }) : () -> ()
    %scan3A_109 = arith.constant 0 : i32
    %scan3A_110 = arith.constant 0 : i32
    %scan3A_111 = arith.constant 40 : i32
    %scan3A_112 = arith.addi %scan3A_110, %scan3A_111 : i32
    %scan3A_113 = arith.constant 1 : i32
    scf.for %scan3A_125 = %scan3A_110 to %scan3A_112 step %scan3A_113  : i32 {
      %mul3A_126 = arith.constant 16 : i32
      %mul3A_127 = arith.muli %scan3A_125, %mul3A_126 : i32
      %get3A = arith.index_cast %mul3A_127 : i32 to index
      %get3A_128 = tpu.vector_load %arg16[%get3A] {strides = array<i32>} : memref<640xf32, #tpu.memory_space<vmem>>, vector<16xf32>,
      %get3A_129 = arith.index_cast %mul3A_127 : i32 to index
      %get3A_130 = tpu.vector_load %arg17[%get3A_129] {strides = array<i32>} : memref<640xf32, #tpu.memory_space<vmem>>, vector<16xf32>,
      %add3A_131 = arith.addf %get3A_128, %get3A_130 : vector<16xf32>
      %swap3A = arith.index_cast %mul3A_127 : i32 to index
      %swap3A_132 = tpu.vector_load %arg16[%swap3A] {strides = array<i32>} : memref<640xf32, #tpu.memory_space<vmem>>, vector<16xf32>,
      tpu.vector_store %arg16[%swap3A], %add3A_131 {strides = array<i32>} : memref<640xf32, #tpu.memory_space<vmem>>, vector<16xf32>,
    }
    %scan3A_114 = arith.constant 40 : i32
    %run_scoped3A_115 = arith.constant 15 : i32
    "tpu.region"() ({
      %run_scoped3A_125 = tpu.sem_alloc : memref<!tpu.dma_semaphore, #tpu.memory_space<semaphore_mem>>
      %dma_start3A = tpu.memref_slice %arg18[%run_scoped3A_115, %mul3A_16] : memref<16x10240xf32, #tpu.memory_space<vmem_shared>> -> memref<1x640xf32, #tpu.memory_space<vmem_shared>>
      %dma_start3A_126 = tpu.memref_squeeze %dma_start3A : memref<1x640xf32, #tpu.memory_space<vmem_shared>> -> memref<640xf32, #tpu.memory_space<vmem_shared>>
      %dma_start3A_127 = tpu.memref_slice %arg18[%run_scoped3A_115, %mul3A_16] : memref<16x10240xf32, #tpu.memory_space<vmem_shared>> -> memref<1x640xf32, #tpu.memory_space<vmem_shared>>
      %dma_start3A_128 = tpu.memref_squeeze %dma_start3A_127 : memref<1x640xf32, #tpu.memory_space<vmem_shared>> -> memref<640xf32, #tpu.memory_space<vmem_shared>>
      tpu.enqueue_dma source(%dma_start3A_128 : memref<640xf32, #tpu.memory_space<vmem_shared>>) target(%arg17 : memref<640xf32, #tpu.memory_space<vmem>>) target_semaphore(%run_scoped3A_125 : memref<!tpu.dma_semaphore, #tpu.memory_space<semaphore_mem>>)
      %dma_wait3A = tpu.memref_slice %arg18[%run_scoped3A_115, %mul3A_16] : memref<16x10240xf32, #tpu.memory_space<vmem_shared>> -> memref<1x640xf32, #tpu.memory_space<vmem_shared>>
      %dma_wait3A_129 = tpu.memref_squeeze %dma_wait3A : memref<1x640xf32, #tpu.memory_space<vmem_shared>> -> memref<640xf32, #tpu.memory_space<vmem_shared>>
      %dma_wait3A_130 = tpu.memref_slice %arg18[%run_scoped3A_115, %mul3A_16] : memref<16x10240xf32, #tpu.memory_space<vmem_shared>> -> memref<1x640xf32, #tpu.memory_space<vmem_shared>>
      %dma_wait3A_131 = tpu.memref_squeeze %dma_wait3A_130 : memref<1x640xf32, #tpu.memory_space<vmem_shared>> -> memref<640xf32, #tpu.memory_space<vmem_shared>>
      tpu.wait_dma2 semaphore(%run_scoped3A_125 : memref<!tpu.dma_semaphore, #tpu.memory_space<semaphore_mem>>) src(%dma_wait3A_131 : memref<640xf32, #tpu.memory_space<vmem_shared>>) dst(%arg17 : memref<640xf32, #tpu.memory_space<vmem>>)
      tpu.yield
    }) : () -> ()
    %scan3A_116 = arith.constant 0 : i32
    %scan3A_117 = arith.constant 0 : i32
    %scan3A_118 = arith.constant 40 : i32
    %scan3A_119 = arith.addi %scan3A_117, %scan3A_118 : i32
    %scan3A_120 = arith.constant 1 : i32
    scf.for %scan3A_125 = %scan3A_117 to %scan3A_119 step %scan3A_120  : i32 {
      %mul3A_126 = arith.constant 16 : i32
      %mul3A_127 = arith.muli %scan3A_125, %mul3A_126 : i32
      %get3A = arith.index_cast %mul3A_127 : i32 to index
      %get3A_128 = tpu.vector_load %arg16[%get3A] {strides = array<i32>} : memref<640xf32, #tpu.memory_space<vmem>>, vector<16xf32>,
      %get3A_129 = arith.index_cast %mul3A_127 : i32 to index
      %get3A_130 = tpu.vector_load %arg17[%get3A_129] {strides = array<i32>} : memref<640xf32, #tpu.memory_space<vmem>>, vector<16xf32>,
      %add3A_131 = arith.addf %get3A_128, %get3A_130 : vector<16xf32>
      %swap3A = arith.index_cast %mul3A_127 : i32 to index
      %swap3A_132 = tpu.vector_load %arg16[%swap3A] {strides = array<i32>} : memref<640xf32, #tpu.memory_space<vmem>>, vector<16xf32>,
      tpu.vector_store %arg16[%swap3A], %add3A_131 {strides = array<i32>} : memref<640xf32, #tpu.memory_space<vmem>>, vector<16xf32>,
    }
    %scan3A_121 = arith.constant 40 : i32
    %mul3A_122 = arith.constant 10240 : i32
    %mul3A_123 = arith.muli %arg0, %mul3A_122 : i32
    %add3A_124 = arith.addi %mul3A_123, %mul3A_16 : i32
    "tpu.region"() ({
      %run_scoped3A_125 = tpu.sem_alloc : memref<!tpu.dma_semaphore, #tpu.memory_space<semaphore_mem>>
      %dma_start3A = tpu.memref_slice %arg8[%add3A_124] : memref<20480xf32, #tpu.memory_space<hbm>> -> memref<640xf32, #tpu.memory_space<hbm>>
      %dma_start3A_126 = tpu.memref_slice %arg8[%add3A_124] : memref<20480xf32, #tpu.memory_space<hbm>> -> memref<640xf32, #tpu.memory_space<hbm>>
      tpu.enqueue_dma source(%arg16 : memref<640xf32, #tpu.memory_space<vmem>>) target(%dma_start3A_126 : memref<640xf32, #tpu.memory_space<hbm>>) target_semaphore(%run_scoped3A_125 : memref<!tpu.dma_semaphore, #tpu.memory_space<semaphore_mem>>)
      %dma_wait3A = tpu.memref_slice %arg8[%add3A_124] : memref<20480xf32, #tpu.memory_space<hbm>> -> memref<640xf32, #tpu.memory_space<hbm>>
      %dma_wait3A_127 = tpu.memref_slice %arg8[%add3A_124] : memref<20480xf32, #tpu.memory_space<hbm>> -> memref<640xf32, #tpu.memory_space<hbm>>
      tpu.wait_dma2 semaphore(%run_scoped3A_125 : memref<!tpu.dma_semaphore, #tpu.memory_space<semaphore_mem>>) src(%arg16 : memref<640xf32, #tpu.memory_space<vmem>>) dst(%dma_wait3A_127 : memref<640xf32, #tpu.memory_space<hbm>>)
      tpu.yield
    }) : () -> ()
    return
  }
}

module attributes {stable_mosaic.version = 14 : i64} {
  func.func @_zst_body(%arg0: i32, %arg1: memref<400x128xf32, #tpu.memory_space<vmem>>, %arg2: memref<128x128xf32, #tpu.memory_space<vmem>>, %arg3: memref<1x128xf32, #tpu.memory_space<vmem>>, %arg4: memref<128x128xf32, #tpu.memory_space<vmem>>, %arg5: memref<400x128xf32, #tpu.memory_space<vmem>>, %arg6: memref<400x128xf32, #tpu.memory_space<vmem>>) attributes {dimension_semantics = [#tpu.dimension_semantics<arbitrary>], iteration_bounds = array<i64: 25>, scalar_prefetch = 0 : i64, scratch_operands = 0 : i64, tpu.core_type = #tpu.core_type<tc>, window_params = [{transform_indices = @transform_0, window_bounds = array<i64: 400, 128>}, {pipeline_mode = #tpu.pipeline_mode<synchronous>, transform_indices = @transform_1, window_bounds = array<i64: 128, 128>}, {pipeline_mode = #tpu.pipeline_mode<synchronous>, transform_indices = @transform_2, window_bounds = array<i64: 1, 128>}, {pipeline_mode = #tpu.pipeline_mode<synchronous>, transform_indices = @transform_3, window_bounds = array<i64: 128, 128>}, {transform_indices = @transform_4, window_bounds = array<i64: 400, 128>}, {transform_indices = @transform_5, window_bounds = array<i64: 400, 128>}]} {
    %get3A = arith.constant 0 : index
    %get3A_0 = arith.constant 0 : index
    %get3A_1 = vector.load %arg1[%get3A, %get3A_0] : memref<400x128xf32, #tpu.memory_space<vmem>>, vector<400x128xf32>
    %get3A_2 = arith.constant 0 : index
    %get3A_3 = arith.constant 0 : index
    %get3A_4 = vector.load %arg2[%get3A_2, %get3A_3] : memref<128x128xf32, #tpu.memory_space<vmem>>, vector<128x128xf32>
    %dot_general3A = arith.constant dense<0.000000e+00> : vector<400x128xf32>
    %dot_general3A_5 = tpu.matmul %get3A_1, %get3A_4, %dot_general3A {dimension_numbers = #tpu.dot_dimension_numbers<[1], [0], [0], [1], [0, 0, 1, 1], [], []>, transpose_lhs_hint = false} : vector<400x128xf32>, vector<128x128xf32>, vector<400x128xf32> -> vector<400x128xf32>
    %get3A_6 = arith.constant 0 : index
    %get3A_7 = arith.constant 0 : index
    %get3A_8 = vector.load %arg3[%get3A_6, %get3A_7] : memref<1x128xf32, #tpu.memory_space<vmem>>, vector<1x128xf32>
    %add3A = vector.broadcast %get3A_8 : vector<1x128xf32> to vector<400x128xf32>
    %add3A_9 = arith.addf %dot_general3A_5, %add3A : vector<400x128xf32>
    %swap3A = arith.constant 0 : index
    %swap3A_10 = arith.constant 0 : index
    %swap3A_11 = vector.load %arg5[%swap3A, %swap3A_10] : memref<400x128xf32, #tpu.memory_space<vmem>>, vector<400x128xf32>
    tpu.vector_store %arg5[%swap3A, %swap3A_10], %add3A_9 {strides = array<i32>} : memref<400x128xf32, #tpu.memory_space<vmem>>, vector<400x128xf32>,
    %get3A_12 = arith.constant 0 : index
    %get3A_13 = arith.constant 0 : index
    %get3A_14 = vector.load %arg4[%get3A_12, %get3A_13] : memref<128x128xf32, #tpu.memory_space<vmem>>, vector<128x128xf32>
    %dot_general3A_15 = arith.constant dense<0.000000e+00> : vector<400x128xf32>
    %dot_general3A_16 = tpu.matmul %add3A_9, %get3A_14, %dot_general3A_15 {dimension_numbers = #tpu.dot_dimension_numbers<[1], [0], [0], [1], [0, 0, 1, 1], [], []>, transpose_lhs_hint = false} : vector<400x128xf32>, vector<128x128xf32>, vector<400x128xf32> -> vector<400x128xf32>
    %swap3A_17 = arith.constant 0 : index
    %swap3A_18 = arith.constant 0 : index
    %swap3A_19 = vector.load %arg6[%swap3A_17, %swap3A_18] : memref<400x128xf32, #tpu.memory_space<vmem>>, vector<400x128xf32>
    tpu.vector_store %arg6[%swap3A_17, %swap3A_18], %dot_general3A_16 {strides = array<i32>} : memref<400x128xf32, #tpu.memory_space<vmem>>, vector<400x128xf32>,
    return
  }
  func.func @transform_0(%arg0: i32) -> (i32, i32) {
    %c0_i32 = arith.constant 0 : i32
    %c0_i32_0 = arith.constant 0 : i32
    return %arg0, %c0_i32 : i32, i32
  }
  func.func @transform_1(%arg0: i32) -> (i32, i32) {
    %c0_i32 = arith.constant 0 : i32
    %c0_i32_0 = arith.constant 0 : i32
    %c0_i32_1 = arith.constant 0 : i32
    return %c0_i32, %c0_i32_0 : i32, i32
  }
  func.func @transform_2(%arg0: i32) -> (i32, i32) {
    %c0_i32 = arith.constant 0 : i32
    %c0_i32_0 = arith.constant 0 : i32
    %c0_i32_1 = arith.constant 0 : i32
    return %c0_i32, %c0_i32_0 : i32, i32
  }
  func.func @transform_3(%arg0: i32) -> (i32, i32) {
    %c0_i32 = arith.constant 0 : i32
    %c0_i32_0 = arith.constant 0 : i32
    %c0_i32_1 = arith.constant 0 : i32
    return %c0_i32, %c0_i32_0 : i32, i32
  }
  func.func @transform_4(%arg0: i32) -> (i32, i32) {
    %c0_i32 = arith.constant 0 : i32
    %c0_i32_0 = arith.constant 0 : i32
    return %arg0, %c0_i32 : i32, i32
  }
  func.func @transform_5(%arg0: i32) -> (i32, i32) {
    %c0_i32 = arith.constant 0 : i32
    %c0_i32_0 = arith.constant 0 : i32
    return %arg0, %c0_i32 : i32, i32
  }
}

module attributes {stable_mosaic.version = 14 : i64} {
  func.func @_u_body(%arg0: i32, %arg1: memref<2500x2048xf32, #tpu.memory_space<vmem>>, %arg2: memref<2048x128xf32, #tpu.memory_space<vmem>>, %arg3: memref<1x1xf32, #tpu.memory_space<vmem>>, %arg4: memref<2500x128xf32, #tpu.memory_space<vmem>>) attributes {dimension_semantics = [#tpu.dimension_semantics<arbitrary>], iteration_bounds = array<i64: 1>, scalar_prefetch = 0 : i64, scratch_operands = 0 : i64, tpu.core_type = #tpu.core_type<tc>, window_params = [{transform_indices = @transform_0, window_bounds = array<i64: 2500, 2048>}, {pipeline_mode = #tpu.pipeline_mode<synchronous>, transform_indices = @transform_1, window_bounds = array<i64: 2048, 128>}, {pipeline_mode = #tpu.pipeline_mode<synchronous>, transform_indices = @transform_2, window_bounds = array<i64: 1, 1>}, {transform_indices = @transform_3, window_bounds = array<i64: 2500, 128>}]} {
    %get3A = arith.constant 0 : index
    %get3A_0 = arith.constant 0 : index
    %get3A_1 = vector.load %arg1[%get3A, %get3A_0] : memref<2500x2048xf32, #tpu.memory_space<vmem>>, vector<2500x2048xf32>
    %get3A_2 = arith.constant 0 : index
    %get3A_3 = arith.constant 0 : index
    %get3A_4 = vector.load %arg2[%get3A_2, %get3A_3] : memref<2048x128xf32, #tpu.memory_space<vmem>>, vector<2048x128xf32>
    %dot_general3A = arith.constant dense<0.000000e+00> : vector<2500x128xf32>
    %dot_general3A_5 = tpu.matmul %get3A_1, %get3A_4, %dot_general3A {dimension_numbers = #tpu.dot_dimension_numbers<[1], [0], [0], [1], [0, 0, 1, 1], [], []>, transpose_lhs_hint = false} : vector<2500x2048xf32>, vector<2048x128xf32>, vector<2500x128xf32> -> vector<2500x128xf32>
    %get3A_6 = arith.constant 0 : index
    %get3A_7 = arith.constant 0 : index
    %get3A_8 = vector.load %arg3[%get3A_6, %get3A_7] : memref<1x1xf32, #tpu.memory_space<vmem>>, vector<1x1xf32>
    %add3A = vector.broadcast %get3A_8 : vector<1x1xf32> to vector<2500x128xf32>
    %add3A_9 = arith.addf %dot_general3A_5, %add3A : vector<2500x128xf32>
    %swap3A = arith.constant 0 : index
    %swap3A_10 = arith.constant 0 : index
    %swap3A_11 = vector.load %arg4[%swap3A, %swap3A_10] : memref<2500x128xf32, #tpu.memory_space<vmem>>, vector<2500x128xf32>
    tpu.vector_store %arg4[%swap3A, %swap3A_10], %add3A_9 {strides = array<i32>} : memref<2500x128xf32, #tpu.memory_space<vmem>>, vector<2500x128xf32>,
    return
  }
  func.func @transform_0(%arg0: i32) -> (i32, i32) {
    %c0_i32 = arith.constant 0 : i32
    %c0_i32_0 = arith.constant 0 : i32
    return %arg0, %c0_i32 : i32, i32
  }
  func.func @transform_1(%arg0: i32) -> (i32, i32) {
    %c0_i32 = arith.constant 0 : i32
    %c0_i32_0 = arith.constant 0 : i32
    %c0_i32_1 = arith.constant 0 : i32
    return %c0_i32, %c0_i32_0 : i32, i32
  }
  func.func @transform_2(%arg0: i32) -> (i32, i32) {
    %c0_i32 = arith.constant 0 : i32
    %c0_i32_0 = arith.constant 0 : i32
    %c0_i32_1 = arith.constant 0 : i32
    return %c0_i32, %c0_i32_0 : i32, i32
  }
  func.func @transform_3(%arg0: i32) -> (i32, i32) {
    %c0_i32 = arith.constant 0 : i32
    %c0_i32_0 = arith.constant 0 : i32
    return %arg0, %c0_i32 : i32, i32
  }
}

module attributes {stable_mosaic.version = 14 : i64} {
  func.func @_fin_body(%arg0: i32, %arg1: memref<2x400x128xf32, #tpu.memory_space<vmem>>, %arg2: memref<2x400x1xf32, #tpu.memory_space<vmem>>, %arg3: memref<16x128xf32, #tpu.memory_space<vmem>>, %arg4: memref<1x128xf32, #tpu.memory_space<vmem>>, %arg5: memref<400x128xf32, #tpu.memory_space<vmem>>) attributes {dimension_semantics = [#tpu.dimension_semantics<arbitrary>], iteration_bounds = array<i64: 25>, scalar_prefetch = 0 : i64, scratch_operands = 0 : i64, tpu.core_type = #tpu.core_type<tc>, window_params = [{transform_indices = @transform_0, window_bounds = array<i64: 2, 400, 128>}, {transform_indices = @transform_1, window_bounds = array<i64: 2, 400, 1>}, {pipeline_mode = #tpu.pipeline_mode<synchronous>, transform_indices = @transform_2, window_bounds = array<i64: 16, 128>}, {pipeline_mode = #tpu.pipeline_mode<synchronous>, transform_indices = @transform_3, window_bounds = array<i64: 1, 128>}, {transform_indices = @transform_4, window_bounds = array<i64: 400, 128>}]} {
    %get3A = arith.constant 0 : index
    %get3A_0 = arith.constant 0 : index
    %get3A_1 = arith.constant 0 : index
    %get3A_2 = vector.load %arg1[%get3A, %get3A_0, %get3A_1] : memref<2x400x128xf32, #tpu.memory_space<vmem>>, vector<1x400x128xf32>
    %get3A_3 = vector.shape_cast %get3A_2 : vector<1x400x128xf32> to vector<400x128xf32>
    %get3A_4 = arith.constant 1 : index
    %get3A_5 = arith.constant 0 : index
    %get3A_6 = arith.constant 0 : index
    %get3A_7 = vector.load %arg1[%get3A_4, %get3A_5, %get3A_6] : memref<2x400x128xf32, #tpu.memory_space<vmem>>, vector<1x400x128xf32>
    %get3A_8 = vector.shape_cast %get3A_7 : vector<1x400x128xf32> to vector<400x128xf32>
    %slice3A = vector.extract_strided_slice %get3A_8 {offsets = [0, 0], sizes = [400, 16], strides = [1, 1]} : vector<400x128xf32> to vector<400x16xf32>
    %get3A_9 = arith.constant 0 : index
    %get3A_10 = arith.constant 0 : index
    %get3A_11 = arith.constant 0 : index
    %get3A_12 = vector.load %arg2[%get3A_9, %get3A_10, %get3A_11] : memref<2x400x1xf32, #tpu.memory_space<vmem>>, vector<1x400x1xf32>
    %get3A_13 = vector.shape_cast %get3A_12 : vector<1x400x1xf32> to vector<400x1xf32>
    %get3A_14 = arith.constant 1 : index
    %get3A_15 = arith.constant 0 : index
    %get3A_16 = arith.constant 0 : index
    %get3A_17 = vector.load %arg2[%get3A_14, %get3A_15, %get3A_16] : memref<2x400x1xf32, #tpu.memory_space<vmem>>, vector<1x400x1xf32>
    %get3A_18 = vector.shape_cast %get3A_17 : vector<1x400x1xf32> to vector<400x1xf32>
    %add3A = arith.addf %get3A_13, %get3A_18 : vector<400x1xf32>
    %gt3A = arith.constant 0.000000e+00 : f32
    %gt3A_19 = vector.broadcast %gt3A : f32 to vector<400x1xf32>
    %gt3A_20 = arith.cmpf ogt, %add3A, %gt3A_19 : vector<400x1xf32>
    %jit3A = arith.constant 1.000000e+00 : f32
    %jit3A_21 = arith.constant 0.000000e+00 : f32
    %broadcast_in_dim3A = vector.broadcast %jit3A : f32 to vector<400x1xf32>
    %broadcast_in_dim3A_22 = vector.broadcast %jit3A_21 : f32 to vector<400x1xf32>
    %select_n3A = arith.select %gt3A_20, %broadcast_in_dim3A, %broadcast_in_dim3A_22 : vector<400x1xi1>, vector<400x1xf32>
    %get3A_23 = arith.constant 0 : index
    %get3A_24 = arith.constant 0 : index
    %get3A_25 = vector.load %arg3[%get3A_23, %get3A_24] : memref<16x128xf32, #tpu.memory_space<vmem>>, vector<16x128xf32>
    %dot_general3A = arith.constant dense<0.000000e+00> : vector<400x128xf32>
    %dot_general3A_26 = tpu.matmul %slice3A, %get3A_25, %dot_general3A {dimension_numbers = #tpu.dot_dimension_numbers<[1], [0], [0], [1], [0, 0, 1, 1], [], []>, transpose_lhs_hint = false} : vector<400x16xf32>, vector<16x128xf32>, vector<400x128xf32> -> vector<400x128xf32>
    %add3A_27 = arith.addf %get3A_3, %dot_general3A_26 : vector<400x128xf32>
    %get3A_28 = arith.constant 0 : index
    %get3A_29 = arith.constant 0 : index
    %get3A_30 = vector.load %arg4[%get3A_28, %get3A_29] : memref<1x128xf32, #tpu.memory_space<vmem>>, vector<1x128xf32>
    %mul3A = vector.broadcast %select_n3A : vector<400x1xf32> to vector<400x128xf32>
    %mul3A_31 = vector.broadcast %get3A_30 : vector<1x128xf32> to vector<400x128xf32>
    %mul3A_32 = arith.mulf %mul3A, %mul3A_31 : vector<400x128xf32>
    %add3A_33 = arith.addf %add3A_27, %mul3A_32 : vector<400x128xf32>
    %swap3A = arith.constant 0 : index
    %swap3A_34 = arith.constant 0 : index
    %swap3A_35 = vector.load %arg5[%swap3A, %swap3A_34] : memref<400x128xf32, #tpu.memory_space<vmem>>, vector<400x128xf32>
    tpu.vector_store %arg5[%swap3A, %swap3A_34], %add3A_33 {strides = array<i32>} : memref<400x128xf32, #tpu.memory_space<vmem>>, vector<400x128xf32>,
    return
  }
  func.func @transform_0(%arg0: i32) -> (i32, i32, i32) {
    %c0_i32 = arith.constant 0 : i32
    %c0_i32_0 = arith.constant 0 : i32
    %c0_i32_1 = arith.constant 0 : i32
    return %c0_i32, %arg0, %c0_i32_0 : i32, i32, i32
  }
  func.func @transform_1(%arg0: i32) -> (i32, i32, i32) {
    %c0_i32 = arith.constant 0 : i32
    %c0_i32_0 = arith.constant 0 : i32
    %c0_i32_1 = arith.constant 0 : i32
    return %c0_i32, %arg0, %c0_i32_0 : i32, i32, i32
  }
  func.func @transform_2(%arg0: i32) -> (i32, i32) {
    %c0_i32 = arith.constant 0 : i32
    %c0_i32_0 = arith.constant 0 : i32
    %c0_i32_1 = arith.constant 0 : i32
    return %c0_i32, %c0_i32_0 : i32, i32
  }
  func.func @transform_3(%arg0: i32) -> (i32, i32) {
    %c0_i32 = arith.constant 0 : i32
    %c0_i32_0 = arith.constant 0 : i32
    %c0_i32_1 = arith.constant 0 : i32
    return %c0_i32, %c0_i32_0 : i32, i32
  }
  func.func @transform_4(%arg0: i32) -> (i32, i32) {
    %c0_i32 = arith.constant 0 : i32
    %c0_i32_0 = arith.constant 0 : i32
    return %arg0, %c0_i32 : i32, i32
  }
}

</mosaic_0001>

<sc_bundles>
// kernel: kernel.11.cloned.1.call-start
scs
__scs_entry_jumppad:
0x0: {  	(pc) =	sbr.rel $0x88, $3  }
0x1: {  	(tag) =	ssettag $0x0;
	lr =	simm.s32 $0x1  }
0x2: {  	[smem:$0x3F96] =	sst lr;
	_ =	strace $0xD0000000  }
0x3: {  	_ = 	snop  }
0x4: {  	_ = 	snop  }
0x5: {  	_ = 	snop  }
0x6: {  	_ = 	snop  }
0x7: {  	_ = 	snop  }
__scs_overlays_trampoline_lowered:
0x8: {  	[smem:$0x3FA5] =	sst s0  }
0x9: {  	[smem:$0x3FA6] =	sst s1  }
0xa: {  	[smem:$0x3FA7] =	sst s2  }
0xb: {  	[smem:$0x3FA8] =	sst s3  }
0xc: {  	[smem:$0x3FA9] =	sst s4  }
0xd: {  	[smem:$0x3FAA] =	sst s5  }
0xe: {  	[smem:$0x3FAB] =	sst s6  }
0xf: {  	[smem:$0x3FAC] =	sst s7  }
0x10: {  	[smem:$0x3FAD] =	sst s8  }
0x11: {  	[smem:$0x3FAE] =	sst s9;
	s0 =	simm.s32 @!p0 $0x0  }
0x12: {  	s1 =	sld [smem:$0x3F94];
	s0 =	simm.s32 @p0 $0x1  }
0x13: {  	[smem:$0x3FAF] =	sst s0;
	s0 =	simm.s32 @!p1 $0x0  }
0x14: {  	s2 =	sld [smem:$0x3F93];
	s0 =	simm.s32 @p1 $0x1  }
0x15: {  	[smem:$0x3FB0] =	sst s0;
	s0 =	simm.s32 @!p2 $0x0  }
0x16: {  	s3 =	sld [smem:$0x3FDB];
	s0 =	simm.s32 @p2 $0x1  }
0x17: {  	s4 =	simm.s32 $0x1BF5;
	[smem:$0x3FB2] =	sst s0  }
0x18: {  	s0 =	sld [smem:$0x3F95];
	_ =	swait.ge [sflag:s4], $0x0  }
0x19: {  	s7 =	sld [smem:$0x3F96]  }
0x1a: {  	s8 =	sadd.s32 $0xFFFFE003, lr  }
0x1b: {  	s9 =	sadd.s32 $0xFFFFFEF7, lr;
	s5 =	simm.s32 $0xFFFFFFFF;
	p2 =	slt.u32 s8, $0xFFFFF086  }
0x1c: {  	p1 =	slt.u32 s9, $0xF7A;
	s5 =	simm.s32 @!p2 $0x0  }
0x1d: {  	s5 =	simm.s32 @p1 $0x1;
	p0 =	seq.s32 s7, s2  }
0x1e: {  	s7 =	smul.u32 @!p0 $0xF7A, s2;
	p2 =	seq.s32 @!p0 s5, $0x0  }
0x1f: {  	s9 =	smul.u32 $0xF7A, s1;
	s8 =	simm.s32 @!p0 $0x1BF5;
	p2 =	por !p2, p0  }
0x20: {  	[sflag:s8] =	ssyncset.s32 @!p0 $0xFFFFF086;
	s6 =	sadd.s32 @!p0 s3, s7;
	s7 =	simm.s32 @!p0 $0x108  }
0x21: {  	s3 =	sadd.s32 s3, s9;
	s6 =	sadd.s32 @!p0 $0x88, s6;
	s7 =	simm.s32 @p2 $0x1082  }
0x22: {  	[simem:s7], [sflag:s8] =	dma.local @!p0 [hbm:s6], $0xF7A  }
0x23: {  	s9 =	sor.u32 $0xD0000000, s2;
	s6 =	simm.s32 $0x108;
	_ =	swait.ge @!p0 [sflag:s8], $0x0  }
0x24: {  	s3 =	sadd.s32 $0x88, s3;
	s6 =	simm.s32 @!p1 $0x1082;
	[sflag:s4] =	ssyncset.s32 $0xFFFFF086  }
0x25: {  	[simem:s6], [sflag:s4] =	dma.local [hbm:s3], $0xF7A  }
0x26: {  	[smem:$0x3F96] =	sst s1;
	(tag) =	ssettag s2;
	_ =	strace s9  }
0x27: {  	s1 =	sld [smem:$0x3FA6]  }
0x28: {  	s2 =	sld [smem:$0x3FA7]  }
0x29: {  	s4 =	sld [smem:$0x3FA9]  }
0x2a: {  	p0 =	seq.s32 s5, $0x0;
	s5 =	sld [smem:$0x3FAA]  }
0x2b: {  	s6 =	sld [smem:$0x3FAB]  }
0x2c: {  	s7 =	sld [smem:$0x3FAC]  }
0x2d: {  	s3 =	simm.s32 $0x108;
	s8 =	sld [smem:$0x3FAD]  }
0x2e: {  	s3 =	simm.s32 @!p0 $0x1082;
	s9 =	sld [smem:$0x3FAE]  }
0x2f: {  	lr =	sadd.s32 s0, s3;
	s0 =	sld [smem:$0x3FA5]  }
0x30: {  	s3 =	sld [smem:$0x3FA8]  }
0x31: {  	[smem:$0x3FB1] =	sst s10  }
0x32: {  	s10 =	sld [smem:$0x3FAF];
	_ =	sdelay $0x3  }
0x33: {  	p0 =	seq.s32 s10, $0x1;
	s10 =	sld [smem:$0x3FB1];
	_ =	sdelay $0x3  }
0x34: {  	[smem:$0x3FB1] =	sst s10  }
0x35: {  	s10 =	sld [smem:$0x3FB0];
	_ =	sdelay $0x3  }
0x36: {  	p1 =	seq.s32 s10, $0x1;
	s10 =	sld [smem:$0x3FB1];
	_ =	sdelay $0x3  }
0x37: {  	[smem:$0x3FB1] =	sst s10  }
0x38: {  	s10 =	sld [smem:$0x3FB2]  }
0x39: {  	_ = 	snop;
	(pc) =	sbr.ind lr, $3  }
0x3a: {  	_ = 	snop  }
0x3b: {  	_ = 	snop  }
0x3c: {  	p2 =	seq.s32 s10, $0x1;
	s10 =	sld [smem:$0x3FB1]  }
0x3d: {  	_ =	shalt  }
0x3e: {  	_ =	shalt  }
0x3f: {  	_ =	shalt  }
0x40: {  	_ =	shalt  }
0x41: {  	_ =	shalt  }
0x42: {  	_ =	shalt  }
0x43: {  	_ =	shalt  }
0x44: {  	_ =	shalt  }
0x45: {  	_ =	shalt  }
0x46: {  	_ =	shalt  }
0x47: {  	_ =	shalt  }
0x48: {  	_ =	shalt  }
0x49: {  	_ =	shalt  }
0x4a: {  	_ =	shalt  }
0x4b: {  	_ =	shalt  }
0x4c: {  	_ =	shalt  }
0x4d: {  	_ =	shalt  }
0x4e: {  	_ =	shalt  }
0x4f: {  	_ =	shalt  }
0x50: {  	_ =	shalt  }
0x51: {  	_ =	shalt  }
0x52: {  	_ =	shalt  }
0x53: {  	_ =	shalt  }
0x54: {  	_ =	shalt  }
0x55: {  	_ =	shalt  }
0x56: {  	_ =	shalt  }
0x57: {  	_ =	shalt  }
0x58: {  	_ =	shalt  }
0x59: {  	_ =	shalt  }
0x5a: {  	_ =	shalt  }
0x5b: {  	_ =	shalt  }
0x5c: {  	_ =	shalt  }
0x5d: {  	_ =	shalt  }
0x5e: {  	_ =	shalt  }
0x5f: {  	_ =	shalt  }
0x60: {  	_ =	shalt  }
0x61: {  	_ =	shalt  }
0x62: {  	_ =	shalt  }
0x63: {  	_ =	shalt  }
0x64: {  	_ =	shalt  }
0x65: {  	_ =	shalt  }
0x66: {  	_ =	shalt  }
0x67: {  	_ =	shalt  }
0x68: {  	_ =	shalt  }
0x69: {  	_ =	shalt  }
0x6a: {  	_ =	shalt  }
0x6b: {  	_ =	shalt  }
0x6c: {  	_ =	shalt  }
0x6d: {  	_ =	shalt  }
0x6e: {  	_ =	shalt  }
0x6f: {  	_ =	shalt  }
0x70: {  	_ =	shalt  }
0x71: {  	_ =	shalt  }
0x72: {  	_ =	shalt  }
0x73: {  	_ =	shalt  }
0x74: {  	_ =	shalt  }
0x75: {  	_ =	shalt  }
0x76: {  	_ =	shalt  }
0x77: {  	_ =	shalt  }
0x78: {  	_ =	shalt  }
0x79: {  	_ =	shalt  }
0x7a: {  	_ =	shalt  }
0x7b: {  	_ =	shalt  }
0x7c: {  	_ =	shalt  }
0x7d: {  	_ =	shalt  }
0x7e: {  	_ =	shalt  }
0x7f: {  	_ =	shalt  }
0x80: {  	_ =	shalt  }
0x81: {  	_ =	shalt  }
0x82: {  	_ =	shalt  }
0x83: {  	_ =	shalt  }
0x84: {  	_ =	shalt  }
0x85: {  	_ =	shalt  }
0x86: {  	_ =	shalt  }
0x87: {  	_ =	shalt  }
.Lfunc_end0:
.L_simem_size_0:
called_computation.1_lowered:
.L_overlay_start_0:
0x88: {  	s2 =	sld [smem:$0x3FD9]  }
0x89: {  	s3 =	sld [smem:$0x3FFE];
	_ =	sdelay $0x1  }
0x8a: {  	s1 =	srdreg.scid  }
0x8b: {  	s0 =	sand.u32 $0x1, s1  }
0x8c: {  	s14 =	sshll.u32 s0, $0xA;
	s2 =	sadd.s32 s3, s2  }
0x8d: {  	s2 =	sadd.s32 s2, s14  }
0x8e: {  	[smem:$0x3FBD] =	sst s2  }
0x8f: {  	_ = 	snop  }
0x90: {  	s2 =	sld [smem:$0x3FD0];
	_ =	sdelay $0x2  }
0x91: {  	s15 =	simm.s32 $0xA;
	s4 =	simm.s32 $0x10  }
0x92: {  	[smem:s4], [sflag:s15] =	dma.local [hbm:s2], $0x1  }
0x93: {  	_ =	swait.eq [sflag:s15], $0x1  }
0x94: {  	[sflag:s15] =	ssyncset.done $0x0  }
0x95: {  	[sflag:s15] =	ssyncadd.s32 $0xFFFFFFFF  }
0x96: {  	s16 =	sld [smem:$0x11];
	(tm) =	ssettm $0x1  }
0x97: {  	s17 =	sld [smem:$0x3FFB];
	_ =	sdelay $0x3  }
0x98: {  	_ =	strace s17  }
0x99: {  	s3 =	sld [smem:$0x3FFC];
	_ =	sdelay $0x3  }
0x9a: {  	_ =	strace s3  }
0x9b: {  	s3 =	sld [smem:$0x3FFD];
	_ =	sdelay $0x3  }
0x9c: {  	_ =	strace s3  }
0x9d: {  	_ =	strace $0x8FFFFFFF  }
0x9e: {  	s18 =	sld [smem:$0x3FDB];
	_ =	sdelay $0x1  }
0x9f: {  	s19 =	simm.s32 $_scs_section_size  }
0xa0: {  	s5 =	simm.s32 $_size__tile_overlayer_lowered;
	s6 =	simm.s32 $_tile_overlayer_lowered  }
0xa1: {  	s22 =	simm.s32 $0x1BFF;
	s21 =	sshll.u32 s6, $0x1;
	s3 =	sadd.s32 s19, s18  }
0xa2: {  	s7 =	simm.s32 $0x0;
	s20 =	sshll.u32 s5, $0x1;
	s5 =	sadd.s32 s21, s3  }
0xa3: {  	[timem:s7], [sflag:s22] =	dma.local [hbm:s5], s20  }
0xa4: {  	_ =	swait.ge [sflag:s22], s20  }
0xa5: {  	s4 =	ssub.s32 $0x0, s20;
	[sflag:s22] =	ssyncset.done $0x0  }
0xa6: {  	[sflag:s22] =	ssyncadd.s32 s4;
	_ =	sdelay $0x1  }
0xa7: {  	s23 =	simm.s32 $0x1B8B  }
0xa8: {  	_ =	swait.ge [sflag:s23], $0x1  }
0xa9: {  	[sflag:s23] =	ssyncset.done $0x0  }
0xaa: {  	s25 =	simm.s32 $0x1B8E;
	s24 =	sld [smem:$0x3FFE];
	[sflag:s23] =	ssyncadd.s32 $0xFFFFFFFF  }
0xab: {  	s26 =	simm.s32 $execute0_lowered;
	[smem:$0x3FD2] =	sst s25  }
0xac: {  	s5 =	sshll.u32 s26, $0x1;
	_ =	strace $0x80000049;
	[dreg:$0x1] =	wrdreg $0xFFFFFFFF  }
0xad: {  	s28 =	simm.s32 $_size_execute0_lowered;
	s3 =	sadd.s32 s3, s5;
	[dreg:$0x0] =	wrdreg $0x0  }
0xae: {  	s5 =	sshll.u32 s28, $0x1;
	[dreg:$0x2] =	wrdreg s3  }
0xaf: {  	[dreg:$0x3] =	wrdreg s5  }
0xb0: {  	[dreg:$0x4] =	wrdreg $0xC0  }
0xb1: {  	_ =	task [dreg:s7], $0x5FFFF  }
0xb2: {  	[dreg:$0x1] =	wrdreg $0xFFFFFFFF  }
0xb3: {  	[dreg:$0x0] =	wrdreg $0x60  }
0xb4: {  	[dreg:$0x2] =	wrdreg s24  }
0xb5: {  	[dreg:$0x3] =	wrdreg s16  }
0xb6: {  	[dreg:$0x4] =	wrdreg $0x9  }
0xb7: {  	_ =	task.clear_ibuf [dreg:s7], $0x5FFFF;
	_ =	strace $0x90000049  }
0xb8: {  	s29 =	simm.s32 $0x9;
	_ =	strace $0x8000004B  }
0xb9: {  	_ =	swait.ge [sflag:s29], $0x1  }
0xba: {  	[sflag:s29] =	ssyncadd.s32 $0xFFFFFFFF  }
0xbb: {  	_ =	strace $0x9000004B  }
0xbc: {  	_ =	sfence  }
0xbd: {  	s30 =	sld [smem:$0x0];
	_ =	sdelay $0x2  }
0xbe: {  	s31 =	sshll.u32 s1, $0xD;
	s1 =	sshrl.u32 s1, $0x2  }
0xbf: {  	s3 =	sand.u32 $0x4000, s31;
	s1 =	sadd.s32 s1, s30  }
0xc0: {  	s0 =	sor.u32 s3, s0;
	s1 =	sshll.u32 s1, $0x11  }
0xc1: {  	s0 =	sor.u32 s1, s0  }
0xc2: {  	s0 =	sadd.s32 $0x8F2B, s0  }
0xc3: {  	[sflag:s0] =	ssyncadd.remote.s32 $0x1  }
0xc4: {  	_ =	sfence.sel $0xFFFF  }
0xc5: {  	[dreg:$0x0] =	wrdreg $0xFFFFFFFF;
	(pc) =	sbr.abs _section_cstart, $3  }
0xc6: {  	[dreg:$0x1] =	wrdreg $0xFFFFFFFF  }
0xc7: {  	_ =	task.clear_ibuf [dreg:s7], $0x2FFFF;
	_ =	strace $0x9FFFFFFF  }
0xc8: {  	(tm) =	ssettm $0x7FFFFFFF  }
0xc9: {  	_ =	shalt  }
tec
execute0_lowered:
.L_overlay_start_1:
0x0: {  	(tag) =	ssettag $0x1  }
0x1: {  	s1 =	srdreg.scid;
	s5 =	rddreg [dreg:$0x0]  }
0x2: {  	s0 =	stileid.u32;
	s2 =	rddreg [dreg:$0x1];
	s3 =	simm.s32 $0x0  }
0x3: {  	s9 =	simm.s32 $0x1;
	s10 =	simm.s32 $0x2780;
	s11 =	simm.s32 $0x4F00  }
0x4: {  	s12 =	simm.s32 $0x7700;
	s4 =	sand.u32 $0x1, s1;
	s30 =	sshll.u32 s0, $0x1  }
0x5: {  	s13 =	simm.s32 $0x0;
	s1 =	sor.u32 s4, s30;
	s4 =	ssub.s32 $0x2, s4  }
0x6: {  	[smem:$0x7FF] =	sst s3;
	s6 =	smul.u32 $0x4E2, s1;
	s31 =	sshrl.u32 s4, $0x1  }
0x7: {  	s1 =	rddreg [dreg:$0x2];
	_ =	strace $0x8000004A;
	s8 =	ssub.s32 s4, s31  }
0x8: {  	s7 =	sadd.s32 s6, s5;
	s6 =	sadd.s32 $0x500, s2;
	s8 =	smax.u32 s8, $0x1  }
0x9: {  	s4 =	sadd.s32 $0x1600, s7;
	s5 =	sadd.s32 $0x501000, s7;
	s7 =	sadd.s32 $0x4F7200, s7  }
.LBB2_1:
0xa: {  	[tilespmem:s3], [sflag:$0x1] =	stream.linear.gather [hbm4b:s4+s3], $0x2710, $0x38;
	[tilespmem:$0x9F00] =	vst v63  }
0xb: {  	_ =	swait.ge [sflag:s9], $0x2710  }
0xc: {  	[sflag:s9] =	ssyncset.done $0x0  }
0xd: {  	[sflag:s9] =	ssyncadd.s32 $0xFFFFD8F0  }
0xe: {  	[tilespmem:s10], [sflag:$0x1] =	stream.linear.gather [hbm4b:s5+s3], $0x2710, $0x38;
	[tilespmem:$0x9F00] =	vst v63  }
0xf: {  	_ =	swait.ge [sflag:s9], $0x2710  }
0x10: {  	[sflag:s9] =	ssyncset.done $0x0  }
0x11: {  	[sflag:s9] =	ssyncadd.s32 $0xFFFFD8F0  }
0x12: {  	[tilespmem:s11], [sflag:$0x1] =	stream.linear.gather [hbm4b:s2+s3], $0x2800, $0x38;
	[tilespmem:$0x9F00] =	vst v63  }
0x13: {  	_ =	swait.ge [sflag:s9], $0x2800  }
0x14: {  	[sflag:s9] =	ssyncset.done $0x0  }
0x15: {  	[sflag:s9] =	ssyncadd.s32 $0xFFFFD800  }
0x16: {  	[tilespmem:s12], [sflag:$0x1] =	stream.linear.gather [hbm4b:s6+s3], $0x2800, $0x38;
	[tilespmem:$0x9F00] =	vst v63  }
0x17: {  	_ =	swait.ge [sflag:s9], $0x2800  }
0x18: {  	[sflag:s9] =	ssyncset.done $0x0  }
0x19: {  	s15 =	simm.s32 $0x4F20;
	[sflag:s9] =	ssyncadd.s32 $0xFFFFD800  }
0x1a: {  	s14 =	simm.s32 $0x7720;
	v0 =	vld [tilespmem:s15+$0x10]  }
0x1b: {  	v1 =	vld [tilespmem:s14+$0x10]  }
0x1c: {  	v2 =	vld [tilespmem:s14+$0xFFFFFFE0]  }
0x1d: {  	v3 =	vld [tilespmem:s15+$0xFFFFFFF0]  }
0x1e: {  	v4 =	vld [tilespmem:s14+$0xFFFFFFF0]  }
0x1f: {  	v5 =	vld [tilespmem:s15+$0x0]  }
0x20: {  	v6 =	vld [tilespmem:s14+$0x0]  }
0x21: {  	s16 =	simm.s32 $0x4F60;
	v7 =	vld [tilespmem:s15+$0xFFFFFFE0]  }
0x22: {  	s31 =	simm.s32 $0x7760;
	v8 =	vld [tilespmem:s16+$0x10];
	v0 =	vadd.f32 v1, v0  }
0x23: {  	v1 =	vld [tilespmem:s31+$0x10]  }
0x24: {  	v3 =	vadd.f32 v4, v3;
	v4 =	vld [tilespmem:s31+$0xFFFFFFE0];
	(erf) = vrcp.f32 v0  }
0x25: {  	v5 =	vadd.f32 v6, v5;
	v0 =	vld [tilespmem:s16+$0xFFFFFFF0]  }
0x26: {  	v2 =	vadd.f32 v2, v7;
	(erf) = vrcp.f32 v3;
	v3 =	vld [tilespmem:s31+$0xFFFFFFF0]  }
0x27: {  	v6 =	vld [tilespmem:s16+$0x0];
	(erf) = vrcp.f32 v5  }
0x28: {  	v5 =	vld [tilespmem:s31+$0x0];
	(erf) = vrcp.f32 v2;
	v8 =	vadd.f32 v1, v8  }
0x29: {  	s18 =	simm.s32 $0x77A0;
	v2 =	vld [tilespmem:s16+$0xFFFFFFE0]  }
0x2a: {  	s17 =	simm.s32 $0x4FA0;
	v9 =	vld [tilespmem:s18+$0x10];
	(erf) = vrcp.f32 v8  }
0x2b: {  	v7 =	vld [tilespmem:s17+$0x10];
	v10 =	vadd.f32 v3, v0  }
0x2c: {  	v1 =	vld [tilespmem:s18+$0xFFFFFFE0]  }
0x2d: {  	v0 =	vld [tilespmem:s17+$0xFFFFFFF0];
	v5 =	vadd.f32 v5, v6;
	v8 =	vpop (erf);
	(erf) = vrcp.f32 v10  }
0x2e: {  	v3 =	vld [tilespmem:s18+$0xFFFFFFF0];
	[tilespmem:s15+$0x10] =	vst v8;
	v8 =	vadd.f32 v4, v2  }
0x2f: {  	v4 =	vpop (erf);
	v2 =	vld [tilespmem:s17+$0x0];
	(erf) = vrcp.f32 v5  }
0x30: {  	v6 =	vadd.f32 v9, v7;
	[tilespmem:s15+$0xFFFFFFF0] =	vst v4;
	v4 =	vld [tilespmem:s18+$0x0];
	v63 =	vpop (erf);
	(erf) = vrcp.f32 v8  }
0x31: {  	s19 =	simm.s32 $0x8;
	s20 =	simm.s32 $0x4FE0;
	s14 =	simm.s32 $0x4;
	v5 =	vld [tilespmem:s17+$0xFFFFFFE0];
	[tilespmem:s15+$0x0] =	vst v63;
	v7 =	vpop (erf)  }
.LBB2_2:
0x32: {  	v8 =	vld [tilespmem:s20+$0x10];
	s18 =	sadd.s32 $0x40, s18;
	(erf) = vrcp.f32 v6;
	[tilespmem:s15+$0xFFFFFFE0] =	vst v7;
	s15 =	smov.u32 s16;
	s16 =	smov.u32 s17  }
0x33: {  	s19 =	sadd.s32 $0x4, s19;
	s17 =	smov.u32 s20;
	v6 =	vld [tilespmem:s18+$0x10];
	v3 =	vadd.f32 v3, v0;
	v0 =	vpop (erf)  }
0x34: {  	p0 =	slt.u32 s19, $0x27C;
	v9 =	vld [tilespmem:s18+$0xFFFFFFE0];
	[tilespmem:s15+$0x10] =	vst v0  }
.Ltmp0:
0x35: {  	v0 =	vld [tilespmem:s20+$0xFFFFFFF0];
	v4 =	vadd.f32 v4, v2;
	(erf) = vrcp.f32 v3;
	(pc) =	sbr.rel @p0 .LBB2_2-.Ltmp0, $4  }
0x36: {  	v3 =	vld [tilespmem:s18+$0xFFFFFFF0];
	v10 =	vadd.f32 v1, v5;
	v5 =	vpop (erf)  }
0x37: {  	v2 =	vld [tilespmem:s20+$0x0];
	(erf) = vrcp.f32 v4;
	[tilespmem:s15+$0xFFFFFFF0] =	vst v5  }
0x38: {  	v4 =	vld [tilespmem:s18+$0x0];
	v6 =	vadd.f32 v6, v8;
	(erf) = vrcp.f32 v10;
	v1 =	vpop (erf)  }
0x39: {  	s20 =	sadd.s32 $0x40, s20;
	v5 =	vld [tilespmem:s17+$0xFFFFFFE0];
	[tilespmem:s15+$0x0] =	vst v1;
	v7 =	vpop (erf);
	v1 =	vmov v9  }
0x3a: {  	_ =	sdelay $0x1  }
0x3b: {  	v0 =	vadd.f32 v3, v0  }
0x3c: {  	(erf) = vrcp.f32 v6;
	v2 =	vadd.f32 v4, v2  }
0x3d: {  	(erf) = vrcp.f32 v0;
	v0 =	vadd.f32 v1, v5  }
0x3e: {  	(erf) = vrcp.f32 v2  }
0x3f: {  	(erf) = vrcp.f32 v0;
	_ =	sdelay $0x1  }
0x40: {  	[tilespmem:s15+$0xFFFFFFE0] =	vst v7;
	v0 =	vpop (erf)  }
0x41: {  	v1 =	vpop (erf);
	[tilespmem:s16+$0x10] =	vst v0  }
0x42: {  	[tilespmem:s16+$0xFFFFFFF0] =	vst v1;
	v0 =	vpop (erf)  }
0x43: {  	[tilespmem:s16+$0x0] =	vst v0;
	v0 =	vpop (erf)  }
0x44: {  	[tilespmem:s16+$0xFFFFFFE0] =	vst v0;
	v0 =	vpop (erf)  }
0x45: {  	[tilespmem:s17+$0x10] =	vst v0;
	v0 =	vpop (erf)  }
0x46: {  	[tilespmem:s17+$0xFFFFFFF0] =	vst v0;
	v0 =	vpop (erf)  }
0x47: {  	[tilespmem:s17+$0x0] =	vst v0;
	v0 =	vpop (erf)  }
0x48: {  	s30 =	simm.s32 $0x20;
	[tilespmem:s17+$0xFFFFFFE0] =	vst v0  }
0x49: {  	v0 =	vld [tilespmem:s30+$0x10]  }
0x4a: {  	v1 =	vld [tilespmem:s30+$0xFFFFFFF0]  }
0x4b: {  	v2 =	vld [tilespmem:s30+$0xFFFFFFE0]  }
0x4c: {  	s15 =	simm.s32 $0x27A0;
	v3 =	vld [tilespmem:s30+$0x0]  }
0x4d: {  	s31 =	simm.s32 $0x60;
	v6 =	vld [tilespmem:s15+$0x10]  }
0x4e: {  	v4 =	vld [tilespmem:s31+$0x10]  }
0x4f: {  	v9 =	vld [tilespmem:s31+$0xFFFFFFF0]  }
0x50: {  	v10 =	vld [tilespmem:s31+$0xFFFFFFE0]  }
0x51: {  	v11 =	vld [tilespmem:s15+$0xFFFFFFE0]  }
0x52: {  	v12 =	vld [tilespmem:s15+$0xFFFFFFF0]  }
0x53: {  	v5 =	vld [tilespmem:s15+$0x0]  }
0x54: {  	v0 =	vld.idx.msk [tilespmem:v0+s11+$0x0], $0xffff  }
0x55: {  	v8 =	vld.idx.msk [tilespmem:v1+s11+$0x0], $0xffff  }
0x56: {  	v7 =	vld.idx.msk [tilespmem:v2+s11+$0x0], $0xffff  }
0x57: {  	v1 =	vld [tilespmem:s31+$0x0]  }
0x58: {  	v2 =	vld.idx.msk [tilespmem:v3+s11+$0x0], $0xffff  }
0x59: {  	s16 =	simm.s32 $0x27E0;
	v4 =	vld.idx.msk [tilespmem:v4+s11+$0x0], $0xffff  }
0x5a: {  	v0 =	vmul.f32 v6, v0;
	v6 =	vld [tilespmem:s16+$0x10]  }
0x5b: {  	v3 =	vld.idx.msk [tilespmem:v9+s11+$0x0], $0xffff;
	v7 =	vmul.f32 v11, v7  }
0x5c: {  	s17 =	simm.s32 $0xA0;
	v8 =	vmul.f32 v12, v8;
	[tilespmem:s15+$0x10] =	vst v0;
	v0 =	vld.idx.msk [tilespmem:v10+s11+$0x0], $0xffff  }
.LBB2_4:
0x5d: {  	v9 =	vld [tilespmem:s17+$0x10];
	s14 =	sadd.s32 $0x4, s14;
	[tilespmem:s15+$0xFFFFFFE0] =	vst v7;
	v2 =	vmul.f32 v5, v2  }
0x5e: {  	v7 =	vld [tilespmem:s17+$0xFFFFFFF0];
	p0 =	slt.u32 s14, $0x26C;
	[tilespmem:s15+$0xFFFFFFF0] =	vst v8  }
0x5f: {  	v8 =	vld [tilespmem:s17+$0x0];
	v4 =	vmul.f32 v6, v4;
	[tilespmem:s15+$0x0] =	vst v2;
	s15 =	smov.u32 s16  }
0x60: {  	v10 =	vld [tilespmem:s17+$0xFFFFFFE0]  }
0x61: {  	v11 =	vmov v3;
	v2 =	vld.idx.msk [tilespmem:v1+s11+$0x0], $0xffff;
	[tilespmem:s16+$0x10] =	vst v4  }
0x62: {  	v12 =	vld [tilespmem:s16+$0xFFFFFFE0]  }
0x63: {  	v13 =	vld [tilespmem:s16+$0xFFFFFFF0]  }
.Ltmp1:
0x64: {  	v5 =	vld [tilespmem:s16+$0x0];
	v1 =	vmov v8;
	(pc) =	sbr.rel @p0 .LBB2_4-.Ltmp1, $4  }
0x65: {  	s16 =	sadd.s32 $0x40, s16;
	v4 =	vld.idx.msk [tilespmem:v9+s11+$0x0], $0xffff  }
0x66: {  	v6 =	vld [tilespmem:s16+$0x10]  }
0x67: {  	v3 =	vld.idx.msk [tilespmem:v7+s11+$0x0], $0xffff;
	v7 =	vmul.f32 v12, v0  }
0x68: {  	s17 =	sadd.s32 $0x40, s17;
	v0 =	vld.idx.msk [tilespmem:v10+s11+$0x0], $0xffff;
	v8 =	vmul.f32 v13, v11  }
0x69: {  	_ =	sdelay $0x3  }
0x6a: {  	v1 =	vld.idx.msk [tilespmem:v1+s11+$0x0], $0xffff  }
0x6b: {  	v9 =	vld [tilespmem:s16+$0xFFFFFFE0]  }
0x6c: {  	v10 =	vld [tilespmem:s16+$0xFFFFFFF0]  }
0x6d: {  	v11 =	vld [tilespmem:s16+$0x0]  }
0x6e: {  	[tilespmem:s15+$0xFFFFFFE0] =	vst v7;
	v2 =	vmul.f32 v5, v2  }
0x6f: {  	[tilespmem:s15+$0xFFFFFFF0] =	vst v8;
	v4 =	vmul.f32 v6, v4  }
0x70: {  	[tilespmem:s15+$0x0] =	vst v2;
	v0 =	vmul.f32 v9, v0  }
0x71: {  	[tilespmem:s16+$0x10] =	vst v4;
	v61 =	vmul.f32 v10, v3  }
0x72: {  	v62 =	vmul.f32 v11, v1;
	[tilespmem:s16+$0xFFFFFFE0] =	vst v0  }
0x73: {  	[tilespmem:s16+$0xFFFFFFF0] =	vst v61  }
0x74: {  	[tilespmem:s16+$0x0] =	vst v62  }
0x75: {  	v0 =	vld [tilespmem:$0x2700];
	_ =	sdelay $0x6  }
0x76: {  	v63 =	vld [tilespmem:$0x4E80]  }
0x77: {  	v0 =	vld.idx.msk [tilespmem:v0+s11+$0x0], $0xffff;
	_ =	sdelay $0x4  }
0x78: {  	s13 =	sadd.s32 $0x1, s13;
	v0 =	vmul.f32 v63, v0  }
0x79: {  	p0 =	sne.s32 s13, s8  }
.Ltmp2:
0x7a: {  	[tilespmem:$0x4E80] =	vst v0;
	(pc) =	sbr.rel @p0 .LBB2_1-.Ltmp2, $4  }
0x7b: {  	[hbm4b:s7+s3] =	stream.linear.scatter [tilespmem:s10], [sflag:$0x1], $0x2710, $0x38;
	[tilespmem:$0x9F00] =	vst v63  }
0x7c: {  	_ =	swait.ge [sflag:s9], $0x2710  }
0x7d: {  	[sflag:s9] =	ssyncset.done $0x0  }
0x7e: {  	[sflag:s9] =	ssyncadd.s32 $0xFFFFD8F0  }
0x7f: {  	_ =	sfence.sel $0x180000  }
0x80: {  	[bflag:$0x0] =	sbarrier.arrive $0xFFFF  }
0x81: {  	p0 =	sne.s32 s0, $0x0;
	_ =	strace $0x9000004A  }
0x82: {  	s0 =	sadd.s32 @!p0 $0x100000, s1;
	[bflag:$0x2] =	sbarrier.arrive $0xFFFF  }
0x83: {  	[sflag:s0] =	ssyncadd.tile.s32 @!p0 $0x1;
	_ =	shalt  }
.Lfunc_end2:
_tile_overlayer_lowered:
.L_overlay_start_2:
0x84: {  	(tag) =	ssettag $0x2  }
0x85: {  	s0 =	rddreg [dreg:$0x0];
	s2 =	stileid.u32  }
0x86: {  	s1 =	rddreg [dreg:$0x1];
	p0 =	sne.s32 s2, $0x0  }
0x87: {  	s3 =	rddreg [dreg:$0x2];
	[bflag:$0x3] =	sbarrier.arrive $0xFFFF;
	s2 =	simm.s32 @!p0 $0x1C01  }
0x88: {  	[timem:s3], [sflag:s2] =	dma.local @!p0 [hbm:s0], s1  }
0x89: {  	s0 =	simm.s32 @!p0 $0x1  }
0x8a: {  	_ =	swait.ge @!p0 [sflag:s0], s1  }
0x8b: {  	s1 =	ssub.s32 @!p0 $0x0, s1;
	[sflag:s0] =	ssyncset.done @!p0 $0x0  }
0x8c: {  	[sflag:s0] =	ssyncadd.s32 @!p0 s1  }
0x8d: {  	[bflag:$0x3] =	sbarrier.arrive $0xFFFF  }
0x8e: {  	_ =	shalt  }

// kernel: kernel.14.cloned.1.call-start
scs
__scs_entry_jumppad:
0x0: {  	(pc) =	sbr.rel $0x88, $3  }
0x1: {  	(tag) =	ssettag $0x0;
	lr =	simm.s32 $0x1  }
0x2: {  	[smem:$0x3F96] =	sst lr;
	_ =	strace $0xD0000000  }
0x3: {  	_ = 	snop  }
0x4: {  	_ = 	snop  }
0x5: {  	_ = 	snop  }
0x6: {  	_ = 	snop  }
0x7: {  	_ = 	snop  }
__scs_overlays_trampoline_lowered:
0x8: {  	[smem:$0x3FA5] =	sst s0  }
0x9: {  	[smem:$0x3FA6] =	sst s1  }
0xa: {  	[smem:$0x3FA7] =	sst s2  }
0xb: {  	[smem:$0x3FA8] =	sst s3  }
0xc: {  	[smem:$0x3FA9] =	sst s4  }
0xd: {  	[smem:$0x3FAA] =	sst s5  }
0xe: {  	[smem:$0x3FAB] =	sst s6  }
0xf: {  	[smem:$0x3FAC] =	sst s7  }
0x10: {  	[smem:$0x3FAD] =	sst s8  }
0x11: {  	[smem:$0x3FAE] =	sst s9;
	s0 =	simm.s32 @!p0 $0x0  }
0x12: {  	s1 =	sld [smem:$0x3F94];
	s0 =	simm.s32 @p0 $0x1  }
0x13: {  	[smem:$0x3FAF] =	sst s0;
	s0 =	simm.s32 @!p1 $0x0  }
0x14: {  	s2 =	sld [smem:$0x3F93];
	s0 =	simm.s32 @p1 $0x1  }
0x15: {  	[smem:$0x3FB0] =	sst s0;
	s0 =	simm.s32 @!p2 $0x0  }
0x16: {  	s3 =	sld [smem:$0x3FDB];
	s0 =	simm.s32 @p2 $0x1  }
0x17: {  	s4 =	simm.s32 $0x1BF5;
	[smem:$0x3FB2] =	sst s0  }
0x18: {  	s0 =	sld [smem:$0x3F95];
	_ =	swait.ge [sflag:s4], $0x0  }
0x19: {  	s7 =	sld [smem:$0x3F96]  }
0x1a: {  	s8 =	sadd.s32 $0xFFFFE003, lr  }
0x1b: {  	s9 =	sadd.s32 $0xFFFFFEF7, lr;
	s5 =	simm.s32 $0xFFFFFFFF;
	p2 =	slt.u32 s8, $0xFFFFF086  }
0x1c: {  	p1 =	slt.u32 s9, $0xF7A;
	s5 =	simm.s32 @!p2 $0x0  }
0x1d: {  	s5 =	simm.s32 @p1 $0x1;
	p0 =	seq.s32 s7, s2  }
0x1e: {  	s7 =	smul.u32 @!p0 $0xF7A, s2;
	p2 =	seq.s32 @!p0 s5, $0x0  }
0x1f: {  	s9 =	smul.u32 $0xF7A, s1;
	s8 =	simm.s32 @!p0 $0x1BF5;
	p2 =	por !p2, p0  }
0x20: {  	[sflag:s8] =	ssyncset.s32 @!p0 $0xFFFFF086;
	s6 =	sadd.s32 @!p0 s3, s7;
	s7 =	simm.s32 @!p0 $0x108  }
0x21: {  	s3 =	sadd.s32 s3, s9;
	s6 =	sadd.s32 @!p0 $0x88, s6;
	s7 =	simm.s32 @p2 $0x1082  }
0x22: {  	[simem:s7], [sflag:s8] =	dma.local @!p0 [hbm:s6], $0xF7A  }
0x23: {  	s9 =	sor.u32 $0xD0000000, s2;
	s6 =	simm.s32 $0x108;
	_ =	swait.ge @!p0 [sflag:s8], $0x0  }
0x24: {  	s3 =	sadd.s32 $0x88, s3;
	s6 =	simm.s32 @!p1 $0x1082;
	[sflag:s4] =	ssyncset.s32 $0xFFFFF086  }
0x25: {  	[simem:s6], [sflag:s4] =	dma.local [hbm:s3], $0xF7A  }
0x26: {  	[smem:$0x3F96] =	sst s1;
	(tag) =	ssettag s2;
	_ =	strace s9  }
0x27: {  	s1 =	sld [smem:$0x3FA6]  }
0x28: {  	s2 =	sld [smem:$0x3FA7]  }
0x29: {  	s4 =	sld [smem:$0x3FA9]  }
0x2a: {  	p0 =	seq.s32 s5, $0x0;
	s5 =	sld [smem:$0x3FAA]  }
0x2b: {  	s6 =	sld [smem:$0x3FAB]  }
0x2c: {  	s7 =	sld [smem:$0x3FAC]  }
0x2d: {  	s3 =	simm.s32 $0x108;
	s8 =	sld [smem:$0x3FAD]  }
0x2e: {  	s3 =	simm.s32 @!p0 $0x1082;
	s9 =	sld [smem:$0x3FAE]  }
0x2f: {  	lr =	sadd.s32 s0, s3;
	s0 =	sld [smem:$0x3FA5]  }
0x30: {  	s3 =	sld [smem:$0x3FA8]  }
0x31: {  	[smem:$0x3FB1] =	sst s10  }
0x32: {  	s10 =	sld [smem:$0x3FAF];
	_ =	sdelay $0x3  }
0x33: {  	p0 =	seq.s32 s10, $0x1;
	s10 =	sld [smem:$0x3FB1];
	_ =	sdelay $0x3  }
0x34: {  	[smem:$0x3FB1] =	sst s10  }
0x35: {  	s10 =	sld [smem:$0x3FB0];
	_ =	sdelay $0x3  }
0x36: {  	p1 =	seq.s32 s10, $0x1;
	s10 =	sld [smem:$0x3FB1];
	_ =	sdelay $0x3  }
0x37: {  	[smem:$0x3FB1] =	sst s10  }
0x38: {  	s10 =	sld [smem:$0x3FB2]  }
0x39: {  	_ = 	snop;
	(pc) =	sbr.ind lr, $3  }
0x3a: {  	_ = 	snop  }
0x3b: {  	_ = 	snop  }
0x3c: {  	p2 =	seq.s32 s10, $0x1;
	s10 =	sld [smem:$0x3FB1]  }
0x3d: {  	_ =	shalt  }
0x3e: {  	_ =	shalt  }
0x3f: {  	_ =	shalt  }
0x40: {  	_ =	shalt  }
0x41: {  	_ =	shalt  }
0x42: {  	_ =	shalt  }
0x43: {  	_ =	shalt  }
0x44: {  	_ =	shalt  }
0x45: {  	_ =	shalt  }
0x46: {  	_ =	shalt  }
0x47: {  	_ =	shalt  }
0x48: {  	_ =	shalt  }
0x49: {  	_ =	shalt  }
0x4a: {  	_ =	shalt  }
0x4b: {  	_ =	shalt  }
0x4c: {  	_ =	shalt  }
0x4d: {  	_ =	shalt  }
0x4e: {  	_ =	shalt  }
0x4f: {  	_ =	shalt  }
0x50: {  	_ =	shalt  }
0x51: {  	_ =	shalt  }
0x52: {  	_ =	shalt  }
0x53: {  	_ =	shalt  }
0x54: {  	_ =	shalt  }
0x55: {  	_ =	shalt  }
0x56: {  	_ =	shalt  }
0x57: {  	_ =	shalt  }
0x58: {  	_ =	shalt  }
0x59: {  	_ =	shalt  }
0x5a: {  	_ =	shalt  }
0x5b: {  	_ =	shalt  }
0x5c: {  	_ =	shalt  }
0x5d: {  	_ =	shalt  }
0x5e: {  	_ =	shalt  }
0x5f: {  	_ =	shalt  }
0x60: {  	_ =	shalt  }
0x61: {  	_ =	shalt  }
0x62: {  	_ =	shalt  }
0x63: {  	_ =	shalt  }
0x64: {  	_ =	shalt  }
0x65: {  	_ =	shalt  }
0x66: {  	_ =	shalt  }
0x67: {  	_ =	shalt  }
0x68: {  	_ =	shalt  }
0x69: {  	_ =	shalt  }
0x6a: {  	_ =	shalt  }
0x6b: {  	_ =	shalt  }
0x6c: {  	_ =	shalt  }
0x6d: {  	_ =	shalt  }
0x6e: {  	_ =	shalt  }
0x6f: {  	_ =	shalt  }
0x70: {  	_ =	shalt  }
0x71: {  	_ =	shalt  }
0x72: {  	_ =	shalt  }
0x73: {  	_ =	shalt  }
0x74: {  	_ =	shalt  }
0x75: {  	_ =	shalt  }
0x76: {  	_ =	shalt  }
0x77: {  	_ =	shalt  }
0x78: {  	_ =	shalt  }
0x79: {  	_ =	shalt  }
0x7a: {  	_ =	shalt  }
0x7b: {  	_ =	shalt  }
0x7c: {  	_ =	shalt  }
0x7d: {  	_ =	shalt  }
0x7e: {  	_ =	shalt  }
0x7f: {  	_ =	shalt  }
0x80: {  	_ =	shalt  }
0x81: {  	_ =	shalt  }
0x82: {  	_ =	shalt  }
0x83: {  	_ =	shalt  }
0x84: {  	_ =	shalt  }
0x85: {  	_ =	shalt  }
0x86: {  	_ =	shalt  }
0x87: {  	_ =	shalt  }
.Lfunc_end0:
.L_simem_size_0:
called_computation.2_lowered:
.L_overlay_start_0:
0x88: {  	s2 =	sld [smem:$0x3FD9]  }
0x89: {  	s3 =	sld [smem:$0x3FFE];
	_ =	sdelay $0x1  }
0x8a: {  	s1 =	srdreg.scid  }
0x8b: {  	s0 =	sand.u32 $0x1, s1  }
0x8c: {  	s14 =	sshll.u32 s0, $0xA;
	s2 =	sadd.s32 s3, s2  }
0x8d: {  	s2 =	sadd.s32 s2, s14  }
0x8e: {  	[smem:$0x3FBD] =	sst s2  }
0x8f: {  	_ = 	snop  }
0x90: {  	s2 =	sld [smem:$0x3FD0];
	_ =	sdelay $0x2  }
0x91: {  	s15 =	simm.s32 $0xA;
	s4 =	simm.s32 $0x10  }
0x92: {  	[smem:s4], [sflag:s15] =	dma.local [hbm:s2], $0x1  }
0x93: {  	_ =	swait.eq [sflag:s15], $0x1  }
0x94: {  	[sflag:s15] =	ssyncset.done $0x0  }
0x95: {  	[sflag:s15] =	ssyncadd.s32 $0xFFFFFFFF  }
0x96: {  	s16 =	sld [smem:$0x10];
	(tm) =	ssettm $0x1  }
0x97: {  	s17 =	sld [smem:$0x3FFB];
	_ =	sdelay $0x3  }
0x98: {  	_ =	strace s17  }
0x99: {  	s3 =	sld [smem:$0x3FFC];
	_ =	sdelay $0x3  }
0x9a: {  	_ =	strace s3  }
0x9b: {  	s3 =	sld [smem:$0x3FFD];
	_ =	sdelay $0x3  }
0x9c: {  	_ =	strace s3  }
0x9d: {  	_ =	strace $0x8FFFFFFF  }
0x9e: {  	s18 =	sld [smem:$0x3FDB];
	_ =	sdelay $0x1  }
0x9f: {  	s19 =	simm.s32 $_scs_section_size  }
0xa0: {  	s5 =	simm.s32 $_size__tile_overlayer_lowered;
	s6 =	simm.s32 $_tile_overlayer_lowered  }
0xa1: {  	s22 =	simm.s32 $0x1BFF;
	s21 =	sshll.u32 s6, $0x1;
	s3 =	sadd.s32 s19, s18  }
0xa2: {  	s7 =	simm.s32 $0x0;
	s20 =	sshll.u32 s5, $0x1;
	s5 =	sadd.s32 s21, s3  }
0xa3: {  	[timem:s7], [sflag:s22] =	dma.local [hbm:s5], s20  }
0xa4: {  	_ =	swait.ge [sflag:s22], s20  }
0xa5: {  	s4 =	ssub.s32 $0x0, s20;
	[sflag:s22] =	ssyncset.done $0x0  }
0xa6: {  	[sflag:s22] =	ssyncadd.s32 s4;
	_ =	sdelay $0x1  }
0xa7: {  	s23 =	simm.s32 $0x1B8B  }
0xa8: {  	_ =	swait.ge [sflag:s23], $0x1  }
0xa9: {  	[sflag:s23] =	ssyncset.done $0x0  }
0xaa: {  	s25 =	simm.s32 $0x1B8E;
	s24 =	sld [smem:$0x3FFE];
	[sflag:s23] =	ssyncadd.s32 $0xFFFFFFFF  }
0xab: {  	s26 =	simm.s32 $execute0_lowered;
	[smem:$0x3FD2] =	sst s25  }
0xac: {  	s5 =	sshll.u32 s26, $0x1;
	_ =	strace $0x8000004C;
	[dreg:$0x1] =	wrdreg $0xFFFFFFFF  }
0xad: {  	s28 =	simm.s32 $_size_execute0_lowered;
	s3 =	sadd.s32 s3, s5;
	[dreg:$0x0] =	wrdreg $0x0  }
0xae: {  	s5 =	sshll.u32 s28, $0x1;
	[dreg:$0x2] =	wrdreg s3  }
0xaf: {  	[dreg:$0x3] =	wrdreg s5  }
0xb0: {  	[dreg:$0x4] =	wrdreg $0xC0  }
0xb1: {  	_ =	task [dreg:s7], $0x5FFFF  }
0xb2: {  	[dreg:$0x1] =	wrdreg $0xFFFFFFFF  }
0xb3: {  	[dreg:$0x0] =	wrdreg $0x60  }
0xb4: {  	[dreg:$0x2] =	wrdreg s24  }
0xb5: {  	[dreg:$0x3] =	wrdreg s16  }
0xb6: {  	[dreg:$0x4] =	wrdreg $0x85000  }
0xb7: {  	[dreg:$0x5] =	wrdreg $0x9  }
0xb8: {  	_ =	task.clear_ibuf [dreg:s7], $0x6FFFF;
	_ =	strace $0x9000004C  }
0xb9: {  	s29 =	simm.s32 $0x9;
	_ =	strace $0x8000004E  }
0xba: {  	_ =	swait.ge [sflag:s29], $0x1  }
0xbb: {  	[sflag:s29] =	ssyncadd.s32 $0xFFFFFFFF  }
0xbc: {  	_ =	strace $0x9000004E  }
0xbd: {  	_ =	sfence  }
0xbe: {  	s30 =	sld [smem:$0x0];
	_ =	sdelay $0x2  }
0xbf: {  	s31 =	sshll.u32 s1, $0xD;
	s1 =	sshrl.u32 s1, $0x2  }
0xc0: {  	s3 =	sand.u32 $0x4000, s31;
	s1 =	sadd.s32 s1, s30  }
0xc1: {  	s0 =	sor.u32 s3, s0;
	s1 =	sshll.u32 s1, $0x11  }
0xc2: {  	s0 =	sor.u32 s1, s0  }
0xc3: {  	s0 =	sadd.s32 $0x8F2B, s0  }
0xc4: {  	[sflag:s0] =	ssyncadd.remote.s32 $0x1  }
0xc5: {  	_ =	sfence.sel $0xFFFF  }
0xc6: {  	[dreg:$0x0] =	wrdreg $0xFFFFFFFF;
	(pc) =	sbr.abs _section_cstart, $3  }
0xc7: {  	[dreg:$0x1] =	wrdreg $0xFFFFFFFF  }
0xc8: {  	_ =	task.clear_ibuf [dreg:s7], $0x2FFFF;
	_ =	strace $0x9FFFFFFF  }
0xc9: {  	(tm) =	ssettm $0x7FFFFFFF  }
tec
execute0_lowered:
.L_overlay_start_1:
0x0: {  	(tag) =	ssettag $0x1  }
0x1: {  	s0 =	rddreg [dreg:$0x0]  }
0x2: {  	s1 =	rddreg [dreg:$0x1]  }
0x3: {  	s2 =	rddreg [dreg:$0x2];
	s3 =	simm.s32 $0x0;
	s7 =	srdreg.scid  }
0x4: {  	s10 =	stileid.u32;
	s29 =	simm.s32 $0x8280;
	s30 =	simm.s32 $0x8080  }
0x5: {  	[smem:$0x7FF] =	sst s3;
	s4 =	sadd.s32 $0xB400, s0;
	s5 =	sadd.s32 $0x1600, s0  }
0x6: {  	s6 =	sadd.s32 $0x4F7200, s0;
	s8 =	sand.u32 $0x1, s7;
	s13 =	smul.u32 $0x4E20, s10  }
0x7: {  	s7 =	sadd.s32 $0x15200, s0;
	s14 =	sadd.s32 $0x501000, s0;
	s24 =	smul.u32 $0x4E200, s10  }
0x8: {  	p1 =	sne.s32 s10, $0x0;
	_ =	strace $0x8000004D;
	s9 =	smul.u32 $0x28000, s8  }
0x9: {  	s11 =	ssub.s32 $0x2, s8;
	[dreg:$0x4] =	wrdreg s14;
	p0 =	seq.s32 s8, $0x1  }
0xa: {  	s14 =	simm.s32 $0x3;
	s12 =	sshrl.u32 s11, $0x1;
	s28 =	sshrl.u32 s13, $0x3  }
0xb: {  	s31 =	sadd.s32 $0x40, s13;
	s15 =	sadd.s32 $0x80, s13;
	s22 =	sadd.s32 $0x4E00, s13  }
0xc: {  	s0 =	sadd.s32 s9, s0;
	s9 =	ssub.s32 s11, s12;
	s16 =	sadd.s32 s4, s28  }
0xd: {  	s17 =	sadd.s32 s5, s28;
	s18 =	sshrl.u32 s31, $0x3;
	[dreg:$0x5] =	wrdreg s16  }
0xe: {  	s8 =	sadd.s32 s6, s28;
	s23 =	sshrl.u32 s22, $0x3;
	[dreg:$0x6] =	wrdreg s17  }
0xf: {  	s28 =	sadd.s32 s7, s24;
	s11 =	sshll.u32 s31, $0x4;
	[dreg:$0x7] =	wrdreg s8  }
0x10: {  	s19 =	sadd.s32 s4, s18;
	s20 =	sadd.s32 s5, s18;
	[dreg:$0xe] =	wrdreg s28  }
0x11: {  	s21 =	sadd.s32 s6, s18;
	s16 =	sadd.s32 $0xC0, s13;
	[dreg:$0x8] =	wrdreg s19  }
0x12: {  	s25 =	sadd.s32 s4, s23;
	s26 =	sadd.s32 s5, s23;
	[dreg:$0x9] =	wrdreg s20  }
0x13: {  	s12 =	sadd.s32 s6, s23;
	s8 =	sshll.u32 s22, $0x4;
	[dreg:$0xa] =	wrdreg s21  }
0x14: {  	s11 =	sadd.s32 s7, s11;
	s0 =	sadd.s32 $0x529000, s0;
	[dreg:$0xb] =	wrdreg s25  }
0x15: {  	s31 =	smax.u32 s9, $0x1;
	s9 =	simm.s32 $0x40;
	[dreg:$0xc] =	wrdreg s26  }
0x16: {  	s17 =	simm.s32 $0x2;
	s22 =	simm.s32 $0x4;
	[dreg:$0xd] =	wrdreg s12  }
.Ltmp0:
0x17: {  	s13 =	simm.s32 $0x8180;
	[dreg:$0xf] =	wrdreg s11;
	(pc) =	sbr.rel .LBB2_1-.Ltmp0, $4  }
0x18: {  	s18 =	simm.s32 $0x0;
	s8 =	sadd.s32 s7, s8;
	[dreg:$0x11] =	wrdreg s0  }
0x19: {  	[dreg:$0x12] =	wrdreg s31;
	s25 =	simm.s32 $0x8200;
	s26 =	simm.s32 $0x8000  }
0x1a: {  	s0 =	simm.s32 $0x1;
	s12 =	simm.s32 $0x8300;
	s20 =	simm.s32 $0x8380  }
0x1b: {  	v0 =	vimm.f32 $0.0e+00;
	s21 =	simm.s32 $0x2000;
	s11 =	simm.s32 $0x8100;
	[dreg:$0x10] =	wrdreg s8  }
.LBB2_22:
0x1c: {  	s8 =	simm.s32 $0x20  }
0x1d: {  	[spmem:s2] =	stream.indirect.scatter.add.f32 [tilespmem:s3], [sflag:$0x6], $0x80, s23, s8, $0xb8;
	[tilespmem:$0x1C500] =	vst v63  }
0x1e: {  	_ =	swait.ge [sflag:s24], $0x1000  }
0x1f: {  	[sflag:s24] =	ssyncset.done $0x0  }
0x20: {  	[sflag:s24] =	ssyncadd.s32 $0xFFFFF000  }
0x21: {  	[bflag:$0x0] =	sbarrier.arrive $0xFFFF  }
0x22: {  	s10 =	rddreg [dreg:$0x11]  }
0x23: {  	s8 =	simm.s32 @!p1 $0x1C06;
	s19 =	rddreg [dreg:$0x14]  }
0x24: {  	[hbm:s10], [sflag:s8] =	dma.local @!p1 [spmem:s19], $0x28000  }
0x25: {  	s8 =	simm.s32 @!p1 $0x6  }
0x26: {  	_ =	swait.ge @!p1 [sflag:s8], $0x28000  }
0x27: {  	s18 =	sadd.s32 $0x1, s18;
	s31 =	rddreg [dreg:$0x12]  }
0x28: {  	p2 =	sne.s32 s18, s31  }
.Ltmp1:
0x29: {  	_ = 	snop;
	(pc) =	sbr.rel @!p2 .LBB2_23-.Ltmp1, $3  }
0x2a: {  	_ =	sdelay $0x1  }
0x2b: {  	[sflag:s8] =	ssyncset.done @!p1 $0x0  }
0x2c: {  	[sflag:s8] =	ssyncadd.s32 @!p1 $0xFFFD8000  }
.LBB2_1:
0x2d: {  	s19 =	sshrl.u32 @!p1 s2, $0x3;
	s10 =	rddreg [dreg:$0x4]  }
0x2e: {  	s8 =	simm.s32 @!p1 $0x1C06;
	[dreg:$0x14] =	wrdreg s19  }
0x2f: {  	[spmem:s19], [sflag:s8] =	dma.local @!p1 [hbm:s10], $0x28000  }
0x30: {  	s8 =	simm.s32 @!p1 $0x6  }
0x31: {  	_ =	swait.ge @!p1 [sflag:s8], $0x28000  }
0x32: {  	[sflag:s8] =	ssyncset.done @!p1 $0x0  }
0x33: {  	s19 =	simm.s32 $0x100;
	[sflag:s8] =	ssyncadd.s32 @!p1 $0xFFFD8000  }
0x34: {  	[tilespmem:s19+$0xFFFFFF80] =	vst v0  }
0x35: {  	[tilespmem:s19+$0xFFFFFF00] =	vst v0  }
0x36: {  	[tilespmem:s19+$0x0] =	vst v0  }
0x37: {  	s8 =	simm.s32 $0x2100;
	[tilespmem:s19+$0x80] =	vst v0  }
0x38: {  	[tilespmem:s8+$0x80] =	vst v0  }
0x39: {  	[tilespmem:s8+$0xFFFFFF00] =	vst v0  }
0x3a: {  	[tilespmem:s8+$0xFFFFFF80] =	vst v0  }
0x3b: {  	[tilespmem:s8+$0x0] =	vst v0  }
0x3c: {  	[tilespmem:s19+$0x90] =	vst v0  }
0x3d: {  	[tilespmem:s19+$0xFFFFFF10] =	vst v0  }
0x3e: {  	[tilespmem:s19+$0xFFFFFF90] =	vst v0  }
0x3f: {  	[tilespmem:s8+$0x90] =	vst v0  }
0x40: {  	[tilespmem:s8+$0xFFFFFF10] =	vst v0  }
0x41: {  	[tilespmem:s8+$0xFFFFFF90] =	vst v0  }
0x42: {  	[tilespmem:s19+$0xA0] =	vst v0  }
0x43: {  	[tilespmem:s19+$0xFFFFFFA0] =	vst v0  }
0x44: {  	[tilespmem:s19+$0xFFFFFF20] =	vst v0  }
0x45: {  	[tilespmem:s8+$0xA0] =	vst v0  }
0x46: {  	[tilespmem:s8+$0xFFFFFFA0] =	vst v0  }
0x47: {  	[tilespmem:s8+$0xFFFFFF20] =	vst v0  }
0x48: {  	[tilespmem:s19+$0xB0] =	vst v0  }
0x49: {  	[tilespmem:s19+$0xFFFFFFB0] =	vst v0  }
0x4a: {  	[tilespmem:s19+$0xFFFFFF30] =	vst v0  }
0x4b: {  	s23 =	simm.s32 $0x0;
	s24 =	simm.s32 $0x2100;
	s10 =	simm.s32 $0x100;
	[tilespmem:s8+$0xB0] =	vst v0  }
.LBB2_2:
0x4c: {  	s23 =	sadd.s32 $0x4, s23;
	[tilespmem:s8+$0xFFFFFFB0] =	vst v0;
	s19 =	sadd.s32 $0x200, s19;
	s24 =	sadd.s32 $0x200, s24  }
0x4d: {  	p2 =	slt.u32 s23, $0x3C;
	[tilespmem:s10+$0x10] =	vst v0  }
0x4e: {  	[tilespmem:s10+$0xFFFFFFC0] =	vst v0  }
0x4f: {  	[tilespmem:s8+$0xFFFFFFC0] =	vst v0  }
0x50: {  	[tilespmem:s10+$0xFFFFFFD0] =	vst v0  }
0x51: {  	[tilespmem:s8+$0xFFFFFFD0] =	vst v0  }
0x52: {  	[tilespmem:s10+$0xFFFFFFE0] =	vst v0  }
0x53: {  	[tilespmem:s8+$0x10] =	vst v0  }
0x54: {  	[tilespmem:s10+$0x20] =	vst v0  }
0x55: {  	[tilespmem:s8+$0x20] =	vst v0  }
0x56: {  	[tilespmem:s10+$0x30] =	vst v0  }
0x57: {  	[tilespmem:s8+$0x30] =	vst v0  }
0x58: {  	[tilespmem:s19+$0xFFFFFF80] =	vst v0  }
0x59: {  	[tilespmem:s8+$0xFFFFFF30] =	vst v0  }
0x5a: {  	[tilespmem:s10+$0xC0] =	vst v0  }
0x5b: {  	[tilespmem:s8+$0xC0] =	vst v0  }
0x5c: {  	[tilespmem:s10+$0xD0] =	vst v0  }
0x5d: {  	[tilespmem:s10+$0x40] =	vst v0  }
0x5e: {  	[tilespmem:s8+$0x40] =	vst v0  }
0x5f: {  	[tilespmem:s10+$0x50] =	vst v0  }
0x60: {  	[tilespmem:s8+$0xFFFFFFE0] =	vst v0  }
0x61: {  	[tilespmem:s10+$0xFFFFFFF0] =	vst v0  }
0x62: {  	[tilespmem:s8+$0x50] =	vst v0  }
0x63: {  	[tilespmem:s10+$0xFFFFFF40] =	vst v0  }
0x64: {  	[tilespmem:s8+$0xFFFFFF40] =	vst v0  }
0x65: {  	[tilespmem:s10+$0xFFFFFF50] =	vst v0  }
0x66: {  	[tilespmem:s8+$0xFFFFFF50] =	vst v0  }
0x67: {  	[tilespmem:s10+$0x60] =	vst v0  }
0x68: {  	[tilespmem:s8+$0xFFFFFFF0] =	vst v0  }
0x69: {  	[tilespmem:s8+$0xD0] =	vst v0  }
0x6a: {  	[tilespmem:s10+$0xFFFFFF60] =	vst v0  }
0x6b: {  	[tilespmem:s8+$0x60] =	vst v0  }
0x6c: {  	[tilespmem:s10+$0x70] =	vst v0  }
0x6d: {  	[tilespmem:s10+$0xE0] =	vst v0  }
0x6e: {  	[tilespmem:s8+$0xE0] =	vst v0  }
0x6f: {  	[tilespmem:s10+$0xF0] =	vst v0  }
0x70: {  	[tilespmem:s8+$0x70] =	vst v0  }
0x71: {  	[tilespmem:s8+$0xFFFFFF60] =	vst v0  }
0x72: {  	[tilespmem:s10+$0xFFFFFF70] =	vst v0;
	s10 =	smov.u32 s19  }
0x73: {  	[tilespmem:s8+$0xFFFFFF70] =	vst v0  }
0x74: {  	[tilespmem:s8+$0xF0] =	vst v0;
	s8 =	smov.u32 s24  }
0x75: {  	[tilespmem:s19+$0xFFFFFF00] =	vst v0  }
0x76: {  	[tilespmem:s19+$0x0] =	vst v0  }
0x77: {  	[tilespmem:s19+$0x80] =	vst v0  }
0x78: {  	[tilespmem:s24+$0x80] =	vst v0  }
0x79: {  	[tilespmem:s19+$0x90] =	vst v0  }
0x7a: {  	[tilespmem:s24+$0x90] =	vst v0  }
0x7b: {  	[tilespmem:s19+$0xA0] =	vst v0  }
0x7c: {  	[tilespmem:s24+$0xFFFFFF00] =	vst v0  }
0x7d: {  	[tilespmem:s19+$0xFFFFFF10] =	vst v0  }
0x7e: {  	[tilespmem:s24+$0xFFFFFF10] =	vst v0  }
0x7f: {  	[tilespmem:s24+$0xA0] =	vst v0  }
0x80: {  	[tilespmem:s19+$0xB0] =	vst v0  }
0x81: {  	[tilespmem:s24+$0xFFFFFF80] =	vst v0  }
0x82: {  	[tilespmem:s24+$0xB0] =	vst v0  }
0x83: {  	[tilespmem:s24+$0x0] =	vst v0  }
0x84: {  	[tilespmem:s19+$0xFFFFFF90] =	vst v0  }
0x85: {  	[tilespmem:s24+$0xFFFFFF90] =	vst v0  }
0x86: {  	[tilespmem:s19+$0xFFFFFFA0] =	vst v0  }
.Ltmp2:
0x87: {  	[tilespmem:s24+$0xFFFFFFA0] =	vst v0;
	(pc) =	sbr.rel @p2 .LBB2_2-.Ltmp2, $4  }
0x88: {  	[tilespmem:s19+$0xFFFFFFB0] =	vst v0  }
0x89: {  	[tilespmem:s19+$0xFFFFFF20] =	vst v0  }
0x8a: {  	[tilespmem:s24+$0xFFFFFF20] =	vst v0  }
0x8b: {  	[tilespmem:s19+$0xFFFFFF30] =	vst v0  }
0x8c: {  	[tilespmem:s8+$0xFFFFFFB0] =	vst v0  }
0x8d: {  	[tilespmem:s10+$0x10] =	vst v0  }
0x8e: {  	[tilespmem:s8+$0xFFFFFF30] =	vst v0  }
0x8f: {  	[tilespmem:s10+$0xC0] =	vst v0  }
0x90: {  	[tilespmem:s10+$0xFFFFFFC0] =	vst v0  }
0x91: {  	[tilespmem:s8+$0x10] =	vst v0  }
0x92: {  	[tilespmem:s8+$0xC0] =	vst v0  }
0x93: {  	[tilespmem:s10+$0xFFFFFF40] =	vst v0  }
0x94: {  	[tilespmem:s8+$0xFFFFFFC0] =	vst v0  }
0x95: {  	[tilespmem:s10+$0x20] =	vst v0  }
0x96: {  	[tilespmem:s10+$0xD0] =	vst v0  }
0x97: {  	[tilespmem:s8+$0xFFFFFF40] =	vst v0  }
0x98: {  	[tilespmem:s10+$0xFFFFFFD0] =	vst v0  }
0x99: {  	[tilespmem:s8+$0x20] =	vst v0  }
0x9a: {  	[tilespmem:s10+$0xFFFFFF50] =	vst v0  }
0x9b: {  	[tilespmem:s8+$0xD0] =	vst v0  }
0x9c: {  	[tilespmem:s8+$0xFFFFFFD0] =	vst v0  }
0x9d: {  	[tilespmem:s10+$0x30] =	vst v0  }
0x9e: {  	[tilespmem:s8+$0xFFFFFF50] =	vst v0  }
0x9f: {  	[tilespmem:s10+$0xE0] =	vst v0  }
0xa0: {  	[tilespmem:s10+$0xFFFFFFE0] =	vst v0  }
0xa1: {  	[tilespmem:s8+$0x30] =	vst v0  }
0xa2: {  	[tilespmem:s10+$0xFFFFFF60] =	vst v0  }
0xa3: {  	[tilespmem:s8+$0xE0] =	vst v0  }
0xa4: {  	[tilespmem:s10+$0x40] =	vst v0  }
0xa5: {  	[tilespmem:s8+$0xFFFFFFE0] =	vst v0  }
0xa6: {  	[tilespmem:s10+$0xF0] =	vst v0  }
0xa7: {  	[tilespmem:s8+$0xFFFFFF60] =	vst v0  }
0xa8: {  	[tilespmem:s8+$0x40] =	vst v0  }
0xa9: {  	[tilespmem:s10+$0xFFFFFFF0] =	vst v0  }
0xaa: {  	[tilespmem:s10+$0xFFFFFF70] =	vst v0  }
0xab: {  	[tilespmem:s8+$0xF0] =	vst v0  }
0xac: {  	[tilespmem:s10+$0x50] =	vst v0  }
0xad: {  	[tilespmem:s8+$0xFFFFFFF0] =	vst v0  }
0xae: {  	[tilespmem:s8+$0xFFFFFF70] =	vst v0  }
0xaf: {  	[tilespmem:s8+$0x50] =	vst v0  }
0xb0: {  	[tilespmem:s10+$0x60] =	vst v0  }
.Ltmp3:
0xb1: {  	[tilespmem:s8+$0x60] =	vst v0;
	(pc) =	sbr.rel @!p0 .LBB2_4-.Ltmp3, $4  }
0xb2: {  	[tilespmem:s10+$0x70] =	vst v0  }
0xb3: {  	[tilespmem:s8+$0x70] =	vst v0  }
0xb4: {  	[bflag:$0x0] =	sbarrier.arrive $0xFFFF  }
0xb5: {  	[dreg:$0x13] =	wrdreg s18  }
0xb6: {  	s8 =	simm.s32 $0x0;
	s10 =	rddreg [dreg:$0x6]  }
0xb7: {  	[tilespmem:s25], [sflag:$0x1] =	stream.linear.gather [hbm4b:s10+s8], $0x40, $0x38;
	[tilespmem:$0x1C500] =	vst v63  }
0xb8: {  	s18 =	rddreg [dreg:$0x7]  }
0xb9: {  	[tilespmem:s26], [sflag:$0x1] =	stream.linear.gather [hbm4b:s18+s8], $0x40, $0x38;
	[tilespmem:$0x1C500] =	vst v63  }
0xba: {  	s19 =	rddreg [dreg:$0xe];
	s18 =	simm.s32 $0x4000  }
0xbb: {  	[tilespmem:s18], [sflag:$0x1] =	stream.linear.gather [hbm4b:s19+s8], $0x2000, $0x38;
	[tilespmem:$0x1C500] =	vst v63  }
0xbc: {  	s23 =	rddreg [dreg:$0x9]  }
0xbd: {  	[tilespmem:s29], [sflag:$0x2] =	stream.linear.gather [hbm4b:s23+s8], $0x40, $0x38;
	[tilespmem:$0x1C500] =	vst v63  }
0xbe: {  	s24 =	rddreg [dreg:$0xa]  }
0xbf: {  	[tilespmem:s30], [sflag:$0x2] =	stream.linear.gather [hbm4b:s24+s8], $0x40, $0x38;
	[tilespmem:$0x1C500] =	vst v63  }
0xc0: {  	s28 =	rddreg [dreg:$0xf];
	s31 =	simm.s32 $0x6000;
	s19 =	simm.s32 $0x0  }
0xc1: {  	[tilespmem:s31], [sflag:$0x2] =	stream.linear.gather [hbm4b:s28+s8], $0x2000, $0x38;
	[tilespmem:$0x1C500] =	vst v63  }
.LBB2_14:
0xc2: {  	_ =	swait.ge [sflag:s0], $0x40  }
0xc3: {  	[sflag:s0] =	ssyncset.done $0x0  }
0xc4: {  	[sflag:s0] =	ssyncadd.s32 $0xFFFFFFC0  }
0xc5: {  	_ =	swait.ge [sflag:s0], $0x40  }
0xc6: {  	[sflag:s0] =	ssyncset.done $0x0  }
0xc7: {  	[sflag:s0] =	ssyncadd.s32 $0xFFFFFFC0  }
0xc8: {  	_ =	swait.ge [sflag:s0], $0x2000  }
0xc9: {  	p2 =	seq.s32 s19, $0x0;
	[sflag:s0] =	ssyncset.done $0x0  }
0xca: {  	s10 =	simm.s32 @!p2 $0x4;
	[sflag:s0] =	ssyncadd.s32 $0xFFFFE000  }
0xcb: {  	_ =	swait.ge @!p2 [sflag:s10], $0x2000  }
0xcc: {  	[sflag:s10] =	ssyncset.done @!p2 $0x0  }
0xcd: {  	[sflag:s10] =	ssyncadd.s32 @!p2 $0xFFFFE000  }
0xce: {  	v1 =	vld [tilespmem:$0x8200]  }
0xcf: {  	v2 =	vld [tilespmem:$0x8210]  }
0xd0: {  	v4 =	vmov s8;
	s31 =	simm.s32 $0x3;
	s18 =	simm.s32 $0x1;
	v3 =	vld [tilespmem:$0x8220]  }
0xd1: {  	v4 =	vand.u32 $0xFFFFFFFC, v4;
	v6 =	vmov s31;
	v7 =	vmov s18;
	s18 =	simm.s32 $0x2;
	v5 =	vld [tilespmem:$0x8230]  }
0xd2: {  	v4 =	vbroadcast v4, $0x0;
	v7 =	vand.u32 $0xFFFFFFFD, v7;
	v8 =	vmov s18  }
0xd3: {  	v7 =	vbroadcast v7, $0x0;
	[tilespmem:$0x8300] =	vst v1;
	v1 =	vand.u32 $0xFFFFFFFE, v8  }
0xd4: {  	[tilespmem:$0x8310] =	vst v2;
	v2 =	vbroadcast v1, $0x0  }
0xd5: {  	[tilespmem:$0x8320] =	vst v3  }
0xd6: {  	[tilespmem:$0x8330] =	vst v5  }
0xd7: {  	s23 =	simm.s32 $0x4;
	v1 =	vld.idx.msk [tilespmem:v6+s26+$0x0], $0xffff  }
0xd8: {  	s24 =	simm.s32 $0x5;
	s31 =	simm.s32 $0x7;
	v3 =	vmov s23;
	v12 =	vld.idx.msk [tilespmem:v4+s26+$0x0], $0xffff  }
0xd9: {  	s18 =	simm.s32 $0x6;
	v3 =	vand.u32 $0xFFFFFFFC, v3;
	v4 =	vmov s24;
	v5 =	vld.idx.msk [tilespmem:v7+s26+$0x0], $0xffff;
	v7 =	vmov s31  }
0xda: {  	s23 =	simm.s32 $0x4100;
	v9 =	vbroadcast v3, $0x0;
	v3 =	vand.u32 $0xFFFFFFFD, v4;
	v11 =	vld.idx.msk [tilespmem:v2+s26+$0x0], $0xffff;
	v2 =	vmov s18  }
0xdb: {  	v13 =	vld [tilespmem:s23+$0x0];
	v14 =	vbroadcast v3, $0x0;
	v2 =	vand.u32 $0xFFFFFFFE, v2  }
0xdc: {  	v15 =	vld [tilespmem:s23+$0xFFFFFF00];
	v10 =	vbroadcast v2, $0x0  }
0xdd: {  	v6 =	vld [tilespmem:s23+$0xFFFFFF80]  }
0xde: {  	s24 =	simm.s32 $0x8;
	v3 =	vld [tilespmem:s23+$0x80]  }
0xdf: {  	s31 =	simm.s32 $0xB;
	v4 =	vmov s24;
	v2 =	vld.idx.msk [tilespmem:v7+s26+$0x0], $0xffff  }
0xe0: {  	s28 =	simm.s32 $0x9;
	s10 =	sshll.u32 s19, $0x1;
	v8 =	vmov s31;
	v7 =	vand.u32 $0xFFFFFFFC, v4;
	v4 =	vld.idx.msk [tilespmem:v9+s26+$0x0], $0xffff;
	v11 =	vmul.f32 v13, v11  }
0xe1: {  	s24 =	simm.s32 $0x100;
	v12 =	vmul.f32 v15, v12;
	s18 =	simm.s32 $0xC;
	v9 =	vbroadcast v7, $0x0;
	v7 =	vld.idx.msk [tilespmem:v14+s26+$0x0], $0xffff;
	v13 =	vmov s28;
	s28 =	simm.s32 $0xA  }
.LBB2_15:
0xe2: {  	p3 =	slt.u32 s18, $0x3C;
	v13 =	vand.u32 $0xFFFFFFFD, v13;
	v14 =	vmov s28;
	v15 =	vld.idx.msk [tilespmem:v10+s26+$0x0], $0xffff;
	v5 =	vmul.f32 v6, v5;
	[tilespmem:s24+$0x0] =	vst v11;
	s23 =	sadd.s32 $0x200, s23  }
0xe3: {  	v16 =	vbroadcast v13, $0x0;
	v6 =	vand.u32 $0xFFFFFFFE, v14;
	v11 =	vld [tilespmem:s23+$0x0];
	[tilespmem:s24+$0xFFFFFF00] =	vst v12;
	v3 =	vmul.f32 v3, v1  }
0xe4: {  	v10 =	vbroadcast v6, $0x0;
	v12 =	vld [tilespmem:s23+$0xFFFFFF00];
	[tilespmem:s24+$0xFFFFFF80] =	vst v5  }
.Ltmp4:
0xe5: {  	v1 =	vmov v2;
	v6 =	vld [tilespmem:s23+$0xFFFFFF80];
	[tilespmem:s24+$0x80] =	vst v3;
	(pc) =	sbr.rel @p3 .LBB2_15-.Ltmp4, $4  }
0xe6: {  	v14 =	vmov v4;
	v3 =	vld [tilespmem:s23+$0x80]  }
0xe7: {  	s28 =	sadd.s32 $0x3, s18;
	v4 =	vmov s18;
	v5 =	vmov v7;
	v2 =	vld.idx.msk [tilespmem:v8+s26+$0x0], $0xffff  }
0xe8: {  	s31 =	sadd.s32 $0x1, s18;
	v7 =	vand.u32 $0xFFFFFFFC, v4;
	v8 =	vmov s28;
	v4 =	vld.idx.msk [tilespmem:v9+s26+$0x0], $0xffff;
	v11 =	vmul.f32 v11, v15  }
0xe9: {  	v13 =	vmov s31;
	s24 =	sadd.s32 $0x200, s24;
	s28 =	sadd.s32 $0x2, s18;
	s18 =	sadd.s32 $0x4, s18;
	v9 =	vbroadcast v7, $0x0;
	v7 =	vld.idx.msk [tilespmem:v16+s26+$0x0], $0xffff;
	v12 =	vmul.f32 v12, v14  }
0xea: {  	_ =	sdelay $0x3  }
0xeb: {  	v10 =	vld.idx.msk [tilespmem:v10+s26+$0x0], $0xffff  }
0xec: {  	s18 =	sadd.s32 $0x200, s23;
	v8 =	vld.idx.msk [tilespmem:v8+s26+$0x0], $0xffff  }
0xed: {  	v14 =	vmov s28;
	v15 =	vld [tilespmem:s18+$0x0]  }
0xee: {  	v14 =	vand.u32 $0xFFFFFFFE, v14;
	v16 =	vld [tilespmem:s18+$0xFFFFFF00]  }
0xef: {  	v13 =	vand.u32 $0xFFFFFFFD, v13;
	v17 =	vld [tilespmem:s18+$0xFFFFFF80];
	v14 =	vbroadcast v14, $0x0  }
0xf0: {  	v13 =	vbroadcast v13, $0x0;
	v18 =	vld [tilespmem:s18+$0x80]  }
0xf1: {  	v5 =	vmul.f32 v6, v5;
	v9 =	vld.idx.msk [tilespmem:v9+s26+$0x0], $0xffff;
	s18 =	sadd.s32 $0x200, s18  }
0xf2: {  	v1 =	vmul.f32 v3, v1;
	v3 =	vld [tilespmem:s18+$0x0]  }
0xf3: {  	[tilespmem:s24+$0xFFFFFF80] =	vst v5;
	v5 =	vmul.f32 v15, v10;
	v10 =	vld [tilespmem:s18+$0xFFFFFF00]  }
0xf4: {  	[tilespmem:s24+$0x80] =	vst v1;
	v1 =	vmul.f32 v16, v4;
	v4 =	vld [tilespmem:s18+$0xFFFFFF80]  }
0xf5: {  	[tilespmem:s24+$0x0] =	vst v11;
	s31 =	sadd.s32 $0x200, s24;
	v6 =	vld.idx.msk [tilespmem:v14+s26+$0x0], $0xffff  }
0xf6: {  	v13 =	vld.idx.msk [tilespmem:v13+s26+$0x0], $0xffff;
	[tilespmem:s31+$0x0] =	vst v5  }
0xf7: {  	v5 =	vld [tilespmem:s18+$0x80];
	[tilespmem:s31+$0xFFFFFF00] =	vst v1;
	v1 =	vmul.f32 v18, v2  }
0xf8: {  	[tilespmem:s24+$0xFFFFFF00] =	vst v12;
	v7 =	vmul.f32 v17, v7  }
0xf9: {  	[tilespmem:s31+$0x80] =	vst v1;
	v1 =	vmul.f32 v10, v9  }
0xfa: {  	s23 =	sadd.s32 $0x200, s31;
	[tilespmem:s31+$0xFFFFFF80] =	vst v7;
	v2 =	vmul.f32 v3, v6  }
0xfb: {  	s24 =	smin.u32 s10, $0x135;
	v3 =	vmul.f32 v4, v13;
	[tilespmem:s23+$0xFFFFFF00] =	vst v1  }
0xfc: {  	s18 =	sshll.u32 s24, $0x6;
	v1 =	vmul.f32 v5, v8;
	[tilespmem:s23+$0x0] =	vst v2  }
0xfd: {  	s18 =	sadd.s32 s18, s15;
	[tilespmem:s23+$0xFFFFFF80] =	vst v3  }
0xfe: {  	[tilespmem:s23+$0x80] =	vst v1;
	s23 =	sshrl.u32 s18, $0x3  }
0xff: {  	[spmem:s2] =	stream.indirect.scatter.add.f32 [tilespmem:s3], [sflag:$0x4], $0x80, s12, s9, $0xb8;
	[tilespmem:$0x1C500] =	vst v63  }
0x100: {  	s31 =	sadd.s32 s5, s23  }
0x101: {  	[tilespmem:s25], [sflag:$0x1] =	stream.linear.gather [hbm4b:s31+s3], $0x40, $0x38;
	[tilespmem:$0x1C500] =	vst v63  }
0x102: {  	s18 =	sshll.u32 s18, $0x4;
	s23 =	sadd.s32 s6, s23  }
0x103: {  	[tilespmem:s26], [sflag:$0x1] =	stream.linear.gather [hbm4b:s23+s3], $0x40, $0x38;
	[tilespmem:$0x1C500] =	vst v63  }
0x104: {  	s24 =	simm.s32 $0x4000;
	s18 =	sadd.s32 s7, s18  }
0x105: {  	[tilespmem:s24], [sflag:$0x1] =	stream.linear.gather [hbm4b:s18+s3], $0x2000, $0x38;
	[tilespmem:$0x1C500] =	vst v63  }
0x106: {  	_ =	swait.ge [sflag:s17], $0x40  }
0x107: {  	[sflag:s17] =	ssyncset.done $0x0  }
0x108: {  	[sflag:s17] =	ssyncadd.s32 $0xFFFFFFC0  }
0x109: {  	_ =	swait.ge [sflag:s17], $0x40  }
0x10a: {  	[sflag:s17] =	ssyncset.done $0x0  }
0x10b: {  	[sflag:s17] =	ssyncadd.s32 $0xFFFFFFC0  }
0x10c: {  	_ =	swait.ge [sflag:s17], $0x2000  }
0x10d: {  	[sflag:s17] =	ssyncset.done $0x0  }
0x10e: {  	s18 =	simm.s32 @!p2 $0x5;
	[sflag:s17] =	ssyncadd.s32 $0xFFFFE000  }
0x10f: {  	_ =	swait.ge @!p2 [sflag:s18], $0x2000  }
0x110: {  	[sflag:s18] =	ssyncset.done @!p2 $0x0  }
0x111: {  	[sflag:s18] =	ssyncadd.s32 @!p2 $0xFFFFE000  }
0x112: {  	s31 =	simm.s32 $0x0;
	v1 =	vld [tilespmem:$0x8280]  }
0x113: {  	v4 =	vmov s31;
	s24 =	simm.s32 $0x1;
	v2 =	vld [tilespmem:$0x8290]  }
0x114: {  	v4 =	vand.u32 $0xFFFFFFFC, v4;
	v7 =	vmov s24;
	v3 =	vld [tilespmem:$0x82A0]  }
0x115: {  	s31 =	simm.s32 $0x2;
	v4 =	vbroadcast v4, $0x0;
	v7 =	vand.u32 $0xFFFFFFFD, v7;
	v5 =	vld [tilespmem:$0x82B0]  }
0x116: {  	v8 =	vmov s31;
	v7 =	vbroadcast v7, $0x0  }
0x117: {  	[tilespmem:$0x8380] =	vst v1;
	v1 =	vand.u32 $0xFFFFFFFE, v8  }
0x118: {  	[tilespmem:$0x8390] =	vst v2;
	v2 =	vbroadcast v1, $0x0  }
0x119: {  	[tilespmem:$0x83A0] =	vst v3  }
0x11a: {  	s23 =	simm.s32 $0x3;
	[tilespmem:$0x83B0] =	vst v5  }
0x11b: {  	v6 =	vmov s23;
	s23 =	simm.s32 $0x4;
	s24 =	simm.s32 $0x5;
	v12 =	vld.idx.msk [tilespmem:v4+s30+$0x0], $0xffff  }
0x11c: {  	s31 =	simm.s32 $0x7;
	v3 =	vmov s23;
	v4 =	vmov s24;
	v5 =	vld.idx.msk [tilespmem:v7+s30+$0x0], $0xffff;
	s24 =	simm.s32 $0x6100  }
0x11d: {  	v3 =	vand.u32 $0xFFFFFFFC, v3;
	v7 =	vmov s31;
	s31 =	simm.s32 $0x6;
	v13 =	vld [tilespmem:s24+$0x0]  }
0x11e: {  	v9 =	vbroadcast v3, $0x0;
	v3 =	vand.u32 $0xFFFFFFFD, v4;
	v11 =	vld.idx.msk [tilespmem:v2+s30+$0x0], $0xffff;
	v2 =	vmov s31  }
0x11f: {  	v15 =	vld [tilespmem:s24+$0xFFFFFF00];
	v14 =	vbroadcast v3, $0x0;
	v2 =	vand.u32 $0xFFFFFFFE, v2  }
0x120: {  	v1 =	vld.idx.msk [tilespmem:v6+s30+$0x0], $0xffff;
	v10 =	vbroadcast v2, $0x0  }
0x121: {  	v6 =	vld [tilespmem:s24+$0xFFFFFF80]  }
0x122: {  	s23 =	simm.s32 $0x8;
	v3 =	vld [tilespmem:s24+$0x80]  }
0x123: {  	v4 =	vmov s23;
	v2 =	vld.idx.msk [tilespmem:v7+s30+$0x0], $0xffff  }
0x124: {  	s28 =	simm.s32 $0x9;
	s31 =	simm.s32 $0xB;
	v12 =	vmul.f32 v15, v12;
	v7 =	vand.u32 $0xFFFFFFFC, v4;
	v4 =	vld.idx.msk [tilespmem:v9+s30+$0x0], $0xffff;
	v11 =	vmul.f32 v13, v11  }
0x125: {  	s18 =	simm.s32 $0xC;
	s23 =	simm.s32 $0x2100;
	v8 =	vmov s31;
	v9 =	vbroadcast v7, $0x0;
	v7 =	vld.idx.msk [tilespmem:v14+s30+$0x0], $0xffff;
	v13 =	vmov s28;
	s28 =	simm.s32 $0xA  }
.LBB2_17:
0x126: {  	p2 =	slt.u32 s18, $0x3C;
	v13 =	vand.u32 $0xFFFFFFFD, v13;
	v14 =	vmov s28;
	v15 =	vld.idx.msk [tilespmem:v10+s30+$0x0], $0xffff;
	v5 =	vmul.f32 v6, v5;
	[tilespmem:s23+$0x0] =	vst v11;
	s24 =	sadd.s32 $0x200, s24  }
0x127: {  	v16 =	vbroadcast v13, $0x0;
	v6 =	vand.u32 $0xFFFFFFFE, v14;
	v11 =	vld [tilespmem:s24+$0x0];
	[tilespmem:s23+$0xFFFFFF00] =	vst v12;
	v3 =	vmul.f32 v3, v1  }
0x128: {  	v10 =	vbroadcast v6, $0x0;
	v12 =	vld [tilespmem:s24+$0xFFFFFF00];
	[tilespmem:s23+$0xFFFFFF80] =	vst v5  }
.Ltmp5:
0x129: {  	v1 =	vmov v2;
	v6 =	vld [tilespmem:s24+$0xFFFFFF80];
	[tilespmem:s23+$0x80] =	vst v3;
	(pc) =	sbr.rel @p2 .LBB2_17-.Ltmp5, $4  }
0x12a: {  	v14 =	vmov v4;
	v3 =	vld [tilespmem:s24+$0x80]  }
0x12b: {  	s28 =	sadd.s32 $0x3, s18;
	v4 =	vmov s18;
	v5 =	vmov v7;
	v2 =	vld.idx.msk [tilespmem:v8+s30+$0x0], $0xffff  }
0x12c: {  	s31 =	sadd.s32 $0x1, s18;
	v7 =	vand.u32 $0xFFFFFFFC, v4;
	v8 =	vmov s28;
	v4 =	vld.idx.msk [tilespmem:v9+s30+$0x0], $0xffff;
	v11 =	vmul.f32 v11, v15  }
0x12d: {  	v13 =	vmov s31;
	s23 =	sadd.s32 $0x200, s23;
	s28 =	sadd.s32 $0x2, s18;
	s18 =	sadd.s32 $0x4, s18;
	v9 =	vbroadcast v7, $0x0;
	v7 =	vld.idx.msk [tilespmem:v16+s30+$0x0], $0xffff;
	v12 =	vmul.f32 v12, v14  }
0x12e: {  	_ =	sdelay $0x3  }
0x12f: {  	v10 =	vld.idx.msk [tilespmem:v10+s30+$0x0], $0xffff  }
0x130: {  	s18 =	sadd.s32 $0x200, s24;
	v8 =	vld.idx.msk [tilespmem:v8+s30+$0x0], $0xffff  }
0x131: {  	v15 =	vld [tilespmem:s18+$0x0]  }
0x132: {  	v14 =	vmov s28;
	v16 =	vld [tilespmem:s18+$0xFFFFFF00]  }
0x133: {  	v14 =	vand.u32 $0xFFFFFFFE, v14;
	v17 =	vld [tilespmem:s18+$0xFFFFFF80]  }
0x134: {  	v13 =	vand.u32 $0xFFFFFFFD, v13;
	v18 =	vld [tilespmem:s18+$0x80];
	v14 =	vbroadcast v14, $0x0  }
0x135: {  	v13 =	vbroadcast v13, $0x0;
	v9 =	vld.idx.msk [tilespmem:v9+s30+$0x0], $0xffff;
	s18 =	sadd.s32 $0x200, s18  }
0x136: {  	v1 =	vmul.f32 v3, v1;
	v3 =	vld [tilespmem:s18+$0x0]  }
0x137: {  	[tilespmem:s23+$0x0] =	vst v11;
	v61 =	vld [tilespmem:s18+$0xFFFFFF00]  }
0x138: {  	v62 =	vld [tilespmem:s18+$0xFFFFFF80];
	[tilespmem:s23+$0x80] =	vst v1;
	v1 =	vmul.f32 v16, v4  }
0x139: {  	v5 =	vmul.f32 v6, v5;
	s31 =	sadd.s32 $0x200, s23;
	[tilespmem:s23+$0xFFFFFF00] =	vst v12;
	v63 =	vld [tilespmem:s18+$0x80]  }
0x13a: {  	v59 =	vld.idx.msk [tilespmem:v14+s30+$0x0], $0xffff;
	[tilespmem:s31+$0xFFFFFF00] =	vst v1;
	v1 =	vmul.f32 v18, v2  }
0x13b: {  	[tilespmem:s23+$0xFFFFFF80] =	vst v5;
	v60 =	vmul.f32 v15, v10;
	v13 =	vld.idx.msk [tilespmem:v13+s30+$0x0], $0xffff  }
0x13c: {  	[tilespmem:s31+$0x80] =	vst v1;
	v1 =	vmul.f32 v61, v9  }
0x13d: {  	s23 =	sadd.s32 $0x200, s31;
	v7 =	vmul.f32 v17, v7;
	[tilespmem:s31+$0x0] =	vst v60  }
0x13e: {  	[tilespmem:s23+$0xFFFFFF00] =	vst v1;
	v1 =	vmul.f32 v63, v8  }
0x13f: {  	s10 =	smin.u32 s10, $0x134;
	[tilespmem:s31+$0xFFFFFF80] =	vst v7;
	v2 =	vmul.f32 v3, v59  }
0x140: {  	s10 =	sshll.u32 s10, $0x6;
	v3 =	vmul.f32 v62, v13;
	[tilespmem:s23+$0x80] =	vst v1  }
0x141: {  	s10 =	sadd.s32 s10, s16;
	[tilespmem:s23+$0x0] =	vst v2  }
0x142: {  	s19 =	sadd.s32 $0x1, s19;
	s24 =	sshrl.u32 s10, $0x3;
	[tilespmem:s23+$0xFFFFFF80] =	vst v3  }
0x143: {  	[spmem:s2] =	stream.indirect.scatter.add.f32 [tilespmem:s21], [sflag:$0x5], $0x80, s20, s9, $0xb8;
	[tilespmem:$0x1C500] =	vst v63  }
0x144: {  	p2 =	sne.s32 s19, $0x9C;
	s28 =	sadd.s32 s5, s24  }
0x145: {  	[tilespmem:s29], [sflag:$0x2] =	stream.linear.gather [hbm4b:s28+s3], $0x40, $0x38;
	[tilespmem:$0x1C500] =	vst v63  }
.Ltmp6:
0x146: {  	_ = 	snop;
	(pc) =	sbr.rel @p2 .LBB2_14-.Ltmp6, $4  }
0x147: {  	s10 =	sshll.u32 s10, $0x4;
	s18 =	sadd.s32 s6, s24  }
0x148: {  	[tilespmem:s30], [sflag:$0x2] =	stream.linear.gather [hbm4b:s18+s3], $0x40, $0x38;
	[tilespmem:$0x1C500] =	vst v63  }
0x149: {  	s10 =	sadd.s32 s7, s10;
	s31 =	simm.s32 $0x6000  }
0x14a: {  	[tilespmem:s31], [sflag:$0x2] =	stream.linear.gather [hbm4b:s10+s3], $0x2000, $0x38;
	[tilespmem:$0x1C500] =	vst v63  }
0x14b: {  	_ =	swait.ge [sflag:s0], $0x40  }
0x14c: {  	[sflag:s0] =	ssyncset.done $0x0  }
0x14d: {  	[sflag:s0] =	ssyncadd.s32 $0xFFFFFFC0  }
0x14e: {  	_ =	swait.ge [sflag:s0], $0x40  }
0x14f: {  	[sflag:s0] =	ssyncset.done $0x0  }
0x150: {  	[sflag:s0] =	ssyncadd.s32 $0xFFFFFFC0  }
0x151: {  	_ =	swait.ge [sflag:s0], $0x2000  }
0x152: {  	[sflag:s0] =	ssyncset.done $0x0  }
0x153: {  	[sflag:s0] =	ssyncadd.s32 $0xFFFFE000  }
0x154: {  	_ =	swait.ge [sflag:s17], $0x40  }
0x155: {  	[sflag:s17] =	ssyncset.done $0x0  }
0x156: {  	[sflag:s17] =	ssyncadd.s32 $0xFFFFFFC0  }
0x157: {  	_ =	swait.ge [sflag:s17], $0x40  }
0x158: {  	[sflag:s17] =	ssyncset.done $0x0  }
0x159: {  	[sflag:s17] =	ssyncadd.s32 $0xFFFFFFC0  }
0x15a: {  	_ =	swait.ge [sflag:s17], $0x2000  }
0x15b: {  	[sflag:s17] =	ssyncset.done $0x0  }
0x15c: {  	[sflag:s17] =	ssyncadd.s32 $0xFFFFE000  }
0x15d: {  	_ =	swait.ge [sflag:s22], $0x2000  }
0x15e: {  	[sflag:s22] =	ssyncset.done $0x0  }
0x15f: {  	s8 =	simm.s32 $0x5;
	[sflag:s22] =	ssyncadd.s32 $0xFFFFE000  }
0x160: {  	_ =	swait.ge [sflag:s8], $0x2000  }
0x161: {  	s23 =	simm.s32 $0x8480;
	s24 =	simm.s32 $0x6;
	[sflag:s8] =	ssyncset.done $0x0  }
0x162: {  	s10 =	rddreg [dreg:$0xc];
	[sflag:s8] =	ssyncadd.s32 $0xFFFFE000;
	s8 =	simm.s32 $0x0  }
0x163: {  	[tilespmem:s23], [sflag:$0x6] =	stream.linear.gather [hbm4b:s10+s8], $0x20, $0x38;
	[tilespmem:$0x1C500] =	vst v63  }
0x164: {  	_ =	swait.ge [sflag:s24], $0x20  }
0x165: {  	[sflag:s24] =	ssyncset.done $0x0  }
0x166: {  	s18 =	rddreg [dreg:$0xd];
	[sflag:s24] =	ssyncadd.s32 $0xFFFFFFE0  }
0x167: {  	[tilespmem:s26], [sflag:$0x6] =	stream.linear.gather [hbm4b:s18+s8], $0x20, $0x38;
	[tilespmem:$0x1C500] =	vst v63  }
0x168: {  	_ =	swait.ge [sflag:s24], $0x20  }
0x169: {  	[sflag:s24] =	ssyncset.done $0x0  }
0x16a: {  	s19 =	simm.s32 $0x4000;
	v1 =	vmov s8;
	s18 =	rddreg [dreg:$0x10];
	[sflag:s24] =	ssyncadd.s32 $0xFFFFFFE0  }
0x16b: {  	[tilespmem:s19], [sflag:$0x6] =	stream.linear.gather [hbm4b:s18+s8], $0x1000, $0x38;
	[tilespmem:$0x1C500] =	vst v63  }
0x16c: {  	_ =	swait.ge [sflag:s24], $0x1000  }
0x16d: {  	[sflag:s24] =	ssyncset.done $0x0  }
0x16e: {  	[sflag:s24] =	ssyncadd.s32 $0xFFFFF000  }
0x16f: {  	v1 =	vld.idx.msk [tilespmem:v1+s26+$0x0], $0xffff  }
0x170: {  	v2 =	vld [tilespmem:s19+$0x0];
	_ =	sdelay $0x1  }
0x171: {  	s28 =	simm.s32 $0x1  }
0x172: {  	v3 =	vmov s28;
	_ =	sdelay $0x1  }
0x173: {  	v1 =	vmul.f32 v2, v1;
	_ =	sdelay $0x1  }
0x174: {  	[tilespmem:s8+$0x0] =	vst v1  }
0x175: {  	s10 =	simm.s32 $0x4080;
	v1 =	vld.idx.msk [tilespmem:v3+s26+$0x0], $0xffff  }
0x176: {  	v3 =	vld [tilespmem:s10+$0x0];
	_ =	sdelay $0x1  }
0x177: {  	s31 =	simm.s32 $0x2  }
0x178: {  	s18 =	simm.s32 $0x3;
	v2 =	vmov s31  }
.LBB2_20:
0x179: {  	p2 =	sne.s32 s18, $0x1F  }
0x17a: {  	v1 =	vmul.f32 v3, v1  }
0x17b: {  	s8 =	sadd.s32 $0x80, s8  }
0x17c: {  	[tilespmem:s8+$0x0] =	vst v1  }
.Ltmp7:
0x17d: {  	s10 =	sadd.s32 $0x80, s10;
	v1 =	vld.idx.msk [tilespmem:v2+s26+$0x0], $0xffff;
	(pc) =	sbr.rel @p2 .LBB2_20-.Ltmp7, $2  }
0x17e: {  	v3 =	vld [tilespmem:s10+$0x0];
	_ =	sdelay $0x2  }
0x17f: {  	v2 =	vmov s18;
	s18 =	sadd.s32 $0x1, s18  }
0x180: {  	_ = 	snop  }
0x181: {  	v1 =	vmul.f32 v3, v1  }
0x182: {  	s8 =	sadd.s32 $0x80, s8  }
0x183: {  	[tilespmem:s8+$0x0] =	vst v1  }
0x184: {  	s10 =	sadd.s32 $0x80, s10;
	v1 =	vld.idx.msk [tilespmem:v2+s26+$0x0], $0xffff  }
0x185: {  	v2 =	vld [tilespmem:s10+$0x0];
	_ =	sdelay $0x2  }
.Ltmp8:
0x186: {  	_ = 	snop;
	(pc) =	sbr.rel .LBB2_22-.Ltmp8, $4  }
0x187: {  	_ = 	snop  }
0x188: {  	v1 =	vmul.f32 v2, v1  }
0x189: {  	s8 =	sadd.s32 $0x80, s8  }
0x18a: {  	s18 =	rddreg [dreg:$0x13];
	[tilespmem:s8+$0x0] =	vst v1  }
.LBB2_4:
0x18b: {  	s23 =	simm.s32 $0x0;
	s8 =	rddreg [dreg:$0x5]  }
0x18c: {  	[tilespmem:s11], [sflag:$0x1] =	stream.linear.gather [hbm4b:s8+s23], $0x40, $0x38;
	[tilespmem:$0x1C500] =	vst v63  }
0x18d: {  	s18 =	rddreg [dreg:$0x6]  }
0x18e: {  	[tilespmem:s25], [sflag:$0x1] =	stream.linear.gather [hbm4b:s18+s23], $0x40, $0x38;
	[tilespmem:$0x1C500] =	vst v63  }
0x18f: {  	s19 =	rddreg [dreg:$0x7]  }
0x190: {  	[tilespmem:s26], [sflag:$0x1] =	stream.linear.gather [hbm4b:s19+s23], $0x40, $0x38;
	[tilespmem:$0x1C500] =	vst v63  }
0x191: {  	_ =	swait.ge [sflag:s0], $0x40  }
0x192: {  	[sflag:s0] =	ssyncset.done $0x0  }
0x193: {  	[sflag:s0] =	ssyncadd.s32 $0xFFFFFFC0  }
0x194: {  	_ =	swait.ge [sflag:s0], $0x40  }
0x195: {  	[sflag:s0] =	ssyncset.done $0x0  }
0x196: {  	[sflag:s0] =	ssyncadd.s32 $0xFFFFFFC0  }
0x197: {  	_ =	swait.ge [sflag:s0], $0x40  }
0x198: {  	[sflag:s0] =	ssyncset.done $0x0  }
0x199: {  	[sflag:s0] =	ssyncadd.s32 $0xFFFFFFC0  }
0x19a: {  	[tilespmem:s23], [sflag:$0x3] =	stream.indirect.gather [hbm4b:s1+s9], $0x80, s11, s9, $0xb8;
	[tilespmem:$0x1C500] =	vst v63  }
0x19b: {  	s24 =	rddreg [dreg:$0x8]  }
0x19c: {  	[tilespmem:s13], [sflag:$0x2] =	stream.linear.gather [hbm4b:s24+s23], $0x40, $0x38;
	[tilespmem:$0x1C500] =	vst v63  }
0x19d: {  	s28 =	rddreg [dreg:$0x9]  }
0x19e: {  	[tilespmem:s29], [sflag:$0x2] =	stream.linear.gather [hbm4b:s28+s23], $0x40, $0x38;
	[tilespmem:$0x1C500] =	vst v63  }
0x19f: {  	s31 =	rddreg [dreg:$0xa];
	s24 =	simm.s32 $0x0  }
0x1a0: {  	[tilespmem:s30], [sflag:$0x2] =	stream.linear.gather [hbm4b:s31+s23], $0x40, $0x38;
	[tilespmem:$0x1C500] =	vst v63  }
.LBB2_5:
0x1a1: {  	_ =	swait.ge [sflag:s17], $0x40  }
0x1a2: {  	[sflag:s17] =	ssyncset.done $0x0  }
0x1a3: {  	[sflag:s17] =	ssyncadd.s32 $0xFFFFFFC0  }
0x1a4: {  	_ =	swait.ge [sflag:s17], $0x40  }
0x1a5: {  	[sflag:s17] =	ssyncset.done $0x0  }
0x1a6: {  	[sflag:s17] =	ssyncadd.s32 $0xFFFFFFC0  }
0x1a7: {  	_ =	swait.ge [sflag:s17], $0x40  }
0x1a8: {  	[sflag:s17] =	ssyncset.done $0x0  }
0x1a9: {  	[sflag:s17] =	ssyncadd.s32 $0xFFFFFFC0  }
0x1aa: {  	_ =	swait.ge [sflag:s14], $0x2000  }
0x1ab: {  	p2 =	seq.s32 s24, $0x0;
	[sflag:s14] =	ssyncset.done $0x0  }
0x1ac: {  	s8 =	simm.s32 @!p2 $0x5;
	[sflag:s14] =	ssyncadd.s32 $0xFFFFE000  }
0x1ad: {  	_ =	swait.ge @!p2 [sflag:s8], $0x2000  }
0x1ae: {  	[sflag:s8] =	ssyncset.done @!p2 $0x0  }
0x1af: {  	[sflag:s8] =	ssyncadd.s32 @!p2 $0xFFFFE000  }
0x1b0: {  	[tilespmem:s21], [sflag:$0x3] =	stream.indirect.gather [hbm4b:s1+s9], $0x80, s13, s9, $0xb8;
	[tilespmem:$0x1C500] =	vst v63  }
0x1b1: {  	v1 =	vld [tilespmem:$0x8200]  }
0x1b2: {  	v3 =	vmov s23;
	s31 =	simm.s32 $0x6;
	v2 =	vld [tilespmem:$0x8210]  }
0x1b3: {  	v3 =	vand.u32 $0xFFFFFFF8, v3;
	v5 =	vmov s31;
	v4 =	vld [tilespmem:$0x8220]  }
0x1b4: {  	v3 =	vbroadcast v3, $0x0;
	v5 =	vand.u32 $0xFFFFFFFE, v5;
	v6 =	vld [tilespmem:$0x8230]  }
0x1b5: {  	v5 =	vbroadcast v5, $0x0  }
0x1b6: {  	[tilespmem:$0x8300] =	vst v1  }
0x1b7: {  	[tilespmem:$0x8310] =	vst v2  }
0x1b8: {  	[tilespmem:$0x8320] =	vst v4  }
0x1b9: {  	[tilespmem:$0x8330] =	vst v6  }
0x1ba: {  	v1 =	vld.idx.msk [tilespmem:v3+s26+$0x0], $0xffff  }
0x1bb: {  	s19 =	simm.s32 $0x200;
	v2 =	vld.idx.msk [tilespmem:v5+s26+$0x0], $0xffff  }
0x1bc: {  	v4 =	vld [tilespmem:s19+$0x170]  }
0x1bd: {  	v5 =	vld [tilespmem:s19+$0xFFFFFE00]  }
0x1be: {  	v6 =	vld [tilespmem:s19+$0xFFFFFE10]  }
0x1bf: {  	v7 =	vld [tilespmem:s19+$0xFFFFFE20]  }
0x1c0: {  	v8 =	vld [tilespmem:s19+$0xFFFFFE30]  }
0x1c1: {  	v9 =	vld [tilespmem:s19+$0xFFFFFE40]  }
0x1c2: {  	s10 =	simm.s32 $0x1;
	v10 =	vld [tilespmem:s19+$0xFFFFFE50]  }
0x1c3: {  	v3 =	vmov s10;
	v11 =	vld [tilespmem:s19+$0xFFFFFE60]  }
0x1c4: {  	v12 =	vld [tilespmem:s19+$0xFFFFFE70];
	v3 =	vand.u32 $0xFFFFFFF9, v3  }
0x1c5: {  	v13 =	vld [tilespmem:s19+$0xFFFFFE80];
	v3 =	vbroadcast v3, $0x0  }
0x1c6: {  	v14 =	vld [tilespmem:s19+$0xFFFFFE90];
	v5 =	vmul.f32 v5, v1  }
0x1c7: {  	v15 =	vld [tilespmem:s19+$0xFFFFFEA0];
	v4 =	vmul.f32 v4, v2  }
0x1c8: {  	v16 =	vld [tilespmem:s19+$0xFFFFFEB0];
	v8 =	vmul.f32 v8, v1;
	[tilespmem:s19+$0xFFFFFE00] =	vst v5  }
0x1c9: {  	s18 =	simm.s32 $0x2;
	[tilespmem:s19+$0x170] =	vst v4;
	v4 =	vmul.f32 v7, v1;
	v7 =	vld [tilespmem:s19+$0xFFFFFEC0]  }
0x1ca: {  	v9 =	vmul.f32 v9, v1;
	v5 =	vmov s18;
	[tilespmem:s19+$0xFFFFFE30] =	vst v8;
	v8 =	vmul.f32 v10, v1;
	v10 =	vld [tilespmem:s19+$0xFFFFFEF0]  }
0x1cb: {  	v6 =	vmul.f32 v6, v1;
	v3 =	vld.idx.msk [tilespmem:v3+s26+$0x0], $0xffff;
	v5 =	vand.u32 $0xFFFFFFFA, v5  }
0x1cc: {  	[tilespmem:s19+$0xFFFFFE40] =	vst v9;
	v9 =	vmul.f32 v11, v1;
	v11 =	vld [tilespmem:s19+$0xFFFFFF00];
	v5 =	vbroadcast v5, $0x0  }
0x1cd: {  	[tilespmem:s19+$0xFFFFFE10] =	vst v6;
	v1 =	vmul.f32 v12, v1;
	v12 =	vld [tilespmem:s19+$0xFFFFFF20]  }
0x1ce: {  	[tilespmem:s19+$0xFFFFFE20] =	vst v4;
	v4 =	vld [tilespmem:s19+$0xFFFFFEE0]  }
0x1cf: {  	[tilespmem:s19+$0xFFFFFE50] =	vst v8;
	v8 =	vld [tilespmem:s19+$0xFFFFFF10]  }
0x1d0: {  	[tilespmem:s19+$0xFFFFFE60] =	vst v9;
	v6 =	vmul.f32 v13, v3;
	v13 =	vld [tilespmem:s19+$0xFFFFFED0]  }
0x1d1: {  	[tilespmem:s19+$0xFFFFFE70] =	vst v1;
	v9 =	vmul.f32 v14, v3;
	v14 =	vld [tilespmem:s19+$0xFFFFFF30]  }
0x1d2: {  	s28 =	simm.s32 $0x3;
	v7 =	vmul.f32 v7, v3;
	v5 =	vld.idx.msk [tilespmem:v5+s26+$0x0], $0xffff;
	[tilespmem:s19+$0xFFFFFE80] =	vst v6  }
0x1d3: {  	v1 =	vmul.f32 v15, v3;
	v15 =	vld [tilespmem:s19+$0xFFFFFF40];
	v6 =	vmov s28;
	[tilespmem:s19+$0xFFFFFE90] =	vst v9;
	v9 =	vmul.f32 v16, v3  }
0x1d4: {  	[tilespmem:s19+$0xFFFFFEC0] =	vst v7;
	v7 =	vld [tilespmem:s19+$0xFFFFFF70];
	v6 =	vand.u32 $0xFFFFFFFB, v6  }
0x1d5: {  	v4 =	vmul.f32 v4, v3;
	v6 =	vbroadcast v6, $0x0;
	[tilespmem:s19+$0xFFFFFEB0] =	vst v9;
	v9 =	vld [tilespmem:s19+$0xFFFFFF60]  }
0x1d6: {  	[tilespmem:s19+$0xFFFFFEA0] =	vst v1;
	v13 =	vmul.f32 v13, v3;
	v3 =	vmul.f32 v10, v3;
	v10 =	vld [tilespmem:s19+$0xFFFFFF80]  }
0x1d7: {  	[tilespmem:s19+$0xFFFFFEE0] =	vst v4;
	v1 =	vmul.f32 v11, v5;
	v11 =	vld [tilespmem:s19+$0xFFFFFF50]  }
0x1d8: {  	[tilespmem:s19+$0xFFFFFED0] =	vst v13;
	v4 =	vmul.f32 v8, v5;
	v8 =	vld [tilespmem:s19+$0xFFFFFF90]  }
0x1d9: {  	[tilespmem:s19+$0xFFFFFEF0] =	vst v3;
	v3 =	vmul.f32 v12, v5;
	v12 =	vld [tilespmem:s19+$0xFFFFFFA0]  }
0x1da: {  	s31 =	simm.s32 $0x4;
	v13 =	vld [tilespmem:s19+$0xFFFFFFB0];
	[tilespmem:s19+$0xFFFFFF00] =	vst v1  }
0x1db: {  	v1 =	vmov s31;
	[tilespmem:s19+$0xFFFFFF20] =	vst v3;
	v3 =	vmul.f32 v15, v5;
	v6 =	vld.idx.msk [tilespmem:v6+s26+$0x0], $0xffff  }
0x1dc: {  	[tilespmem:s19+$0xFFFFFF10] =	vst v4;
	v4 =	vmul.f32 v14, v5;
	v14 =	vld [tilespmem:s19+$0xFFFFFFC0];
	v9 =	vmul.f32 v9, v5;
	v1 =	vand.u32 $0xFFFFFFFC, v1  }
0x1dd: {  	v1 =	vbroadcast v1, $0x0;
	[tilespmem:s19+$0xFFFFFF40] =	vst v3;
	v3 =	vld [tilespmem:s19+$0xFFFFFFE0]  }
0x1de: {  	[tilespmem:s19+$0xFFFFFF60] =	vst v9;
	v9 =	vld [tilespmem:s19+$0x0];
	v11 =	vmul.f32 v11, v5  }
0x1df: {  	[tilespmem:s19+$0xFFFFFF30] =	vst v4;
	v5 =	vmul.f32 v7, v5;
	v7 =	vld [tilespmem:s19+$0xFFFFFFF0]  }
0x1e0: {  	[tilespmem:s19+$0xFFFFFF50] =	vst v11;
	v11 =	vld [tilespmem:s19+$0x10];
	v4 =	vmul.f32 v10, v6  }
0x1e1: {  	[tilespmem:s19+$0xFFFFFF70] =	vst v5;
	v10 =	vld [tilespmem:s19+$0xFFFFFFD0];
	v8 =	vmul.f32 v8, v6  }
0x1e2: {  	v5 =	vmul.f32 v12, v6;
	v12 =	vld [tilespmem:s19+$0x20];
	[tilespmem:s19+$0xFFFFFF80] =	vst v4  }
0x1e3: {  	s10 =	simm.s32 $0x5;
	v3 =	vmul.f32 v3, v6;
	v1 =	vld.idx.msk [tilespmem:v1+s26+$0x0], $0xffff;
	[tilespmem:s19+$0xFFFFFF90] =	vst v8  }
0x1e4: {  	v4 =	vmov s10;
	v8 =	vmul.f32 v13, v6;
	[tilespmem:s19+$0xFFFFFFA0] =	vst v5;
	v13 =	vld [tilespmem:s19+$0x30]  }
0x1e5: {  	v5 =	vmul.f32 v14, v6;
	v14 =	vld [tilespmem:s19+$0x180];
	v4 =	vand.u32 $0xFFFFFFFD, v4;
	[tilespmem:s19+$0xFFFFFFE0] =	vst v3  }
0x1e6: {  	v4 =	vbroadcast v4, $0x0;
	[tilespmem:s19+$0xFFFFFFB0] =	vst v8;
	v8 =	vmul.f32 v10, v6;
	v10 =	vld [tilespmem:s19+$0x40]  }
0x1e7: {  	[tilespmem:s19+$0xFFFFFFC0] =	vst v5;
	v6 =	vmul.f32 v7, v6;
	v7 =	vld [tilespmem:s19+$0x80]  }
0x1e8: {  	v5 =	vmul.f32 v9, v1;
	v9 =	vld [tilespmem:s19+$0x50];
	[tilespmem:s19+$0xFFFFFFD0] =	vst v8  }
0x1e9: {  	v8 =	vld [tilespmem:s19+$0x60];
	v3 =	vmul.f32 v11, v1;
	[tilespmem:s19+$0xFFFFFFF0] =	vst v6  }
0x1ea: {  	v6 =	vmul.f32 v12, v1;
	v11 =	vld [tilespmem:s19+$0x90];
	[tilespmem:s19+$0x0] =	vst v5  }
0x1eb: {  	v5 =	vld [tilespmem:s19+$0x70];
	[tilespmem:s19+$0x10] =	vst v3;
	v3 =	vmul.f32 v13, v1  }
0x1ec: {  	[tilespmem:s19+$0x20] =	vst v6;
	v4 =	vld.idx.msk [tilespmem:v4+s26+$0x0], $0xffff;
	v6 =	vmul.f32 v10, v1  }
0x1ed: {  	v10 =	vld [tilespmem:s19+$0xA0];
	[tilespmem:s19+$0x30] =	vst v3  }
0x1ee: {  	v3 =	vmul.f32 v9, v1;
	v9 =	vld [tilespmem:s19+$0xB0];
	[tilespmem:s19+$0x40] =	vst v6;
	v6 =	vmul.f32 v8, v1  }
0x1ef: {  	v8 =	vld [tilespmem:s19+$0xC0]  }
0x1f0: {  	s18 =	simm.s32 $0x7;
	v5 =	vmul.f32 v5, v1;
	[tilespmem:s19+$0x60] =	vst v6;
	v6 =	vld [tilespmem:s19+$0xE0]  }
0x1f1: {  	v12 =	vmov s18;
	[tilespmem:s19+$0x50] =	vst v3;
	v3 =	vmul.f32 v7, v4;
	v7 =	vld [tilespmem:s19+$0xD0]  }
0x1f2: {  	v11 =	vmul.f32 v11, v4;
	[tilespmem:s19+$0x70] =	vst v5;
	v5 =	vld [tilespmem:s19+$0xF0]  }
0x1f3: {  	[tilespmem:s19+$0x80] =	vst v3;
	v3 =	vmul.f32 v10, v4;
	v10 =	vld [tilespmem:s19+$0x100]  }
0x1f4: {  	[tilespmem:s19+$0x90] =	vst v11;
	v9 =	vmul.f32 v9, v4;
	v11 =	vld [tilespmem:s19+$0x150]  }
0x1f5: {  	[tilespmem:s19+$0xA0] =	vst v3;
	v3 =	vmul.f32 v8, v4;
	v8 =	vld [tilespmem:s19+$0x110]  }
0x1f6: {  	v1 =	vld.idx.msk [tilespmem:v12+s26+$0x0], $0xffff;
	[tilespmem:s19+$0xB0] =	vst v9;
	v7 =	vmul.f32 v7, v4  }
0x1f7: {  	v9 =	vld [tilespmem:s19+$0x120];
	[tilespmem:s19+$0xC0] =	vst v3;
	v3 =	vmul.f32 v6, v4  }
0x1f8: {  	s18 =	simm.s32 $0xA;
	v6 =	vld [tilespmem:s19+$0x130];
	v4 =	vmul.f32 v5, v4;
	[tilespmem:s19+$0xD0] =	vst v7  }
0x1f9: {  	s28 =	simm.s32 $0x8;
	v13 =	vmov s18;
	v5 =	vld [tilespmem:s19+$0x140];
	v10 =	vmul.f32 v10, v2;
	[tilespmem:s19+$0xE0] =	vst v3  }
0x1fa: {  	s10 =	simm.s32 $0x9;
	v7 =	vmov s28;
	v11 =	vmul.f32 v11, v2;
	[tilespmem:s19+$0xF0] =	vst v4;
	v4 =	vmul.f32 v8, v2;
	v8 =	vld [tilespmem:s19+$0x160]  }
0x1fb: {  	s31 =	simm.s32 $0xF;
	v12 =	vmov s10;
	v14 =	vmul.f32 v14, v1;
	s28 =	simm.s32 $0xC;
	v7 =	vand.u32 $0xFFFFFFF8, v7;
	[tilespmem:s19+$0x100] =	vst v10  }
0x1fc: {  	v17 =	vld [tilespmem:s19+$0x190];
	s18 =	simm.s32 $0xB;
	v3 =	vmov s31;
	v15 =	vmov s28;
	v9 =	vmul.f32 v9, v2;
	[tilespmem:s19+$0x150] =	vst v11  }
0x1fd: {  	v10 =	vmov s18;
	[tilespmem:s19+$0x110] =	vst v4;
	v16 =	vmul.f32 v6, v2;
	v4 =	vbroadcast v7, $0x0;
	v6 =	vld [tilespmem:s19+$0x1A0]  }
0x1fe: {  	[tilespmem:s19+$0x120] =	vst v9;
	v9 =	vmul.f32 v5, v2;
	v5 =	vand.u32 $0xFFFFFFF9, v12;
	v12 =	vand.u32 $0xFFFFFFFA, v13;
	v7 =	vld [tilespmem:s19+$0x1B0]  }
0x1ff: {  	s31 =	simm.s32 $0xD;
	v13 =	vand.u32 $0xFFFFFFFB, v10;
	v5 =	vbroadcast v5, $0x0;
	[tilespmem:s19+$0x130] =	vst v16;
	v16 =	vmul.f32 v8, v2;
	v8 =	vld [tilespmem:s19+$0x1C0]  }
0x200: {  	v18 =	vmov s31;
	v10 =	vbroadcast v12, $0x0;
	v12 =	vbroadcast v13, $0x0;
	[tilespmem:s19+$0x140] =	vst v9;
	v9 =	vld [tilespmem:s19+$0x1D0]  }
0x201: {  	s8 =	sshll.u32 s24, $0x1;
	s10 =	simm.s32 $0x10;
	s18 =	simm.s32 $0xE;
	v11 =	vld [tilespmem:s19+$0x1E0];
	v13 =	vmul.f32 v17, v1;
	v2 =	vand.u32 $0xFFFFFFFC, v15;
	v15 =	vand.u32 $0xFFFFFFFD, v18;
	[tilespmem:s19+$0x160] =	vst v16  }
.LBB2_6:
0x202: {  	p2 =	slt.u32 s10, $0x38;
	v2 =	vbroadcast v2, $0x0;
	v16 =	vmov s18;
	[tilespmem:s19+$0x180] =	vst v14;
	v6 =	vmul.f32 v6, v1;
	v14 =	vld [tilespmem:s19+$0x1F0]  }
0x203: {  	v15 =	vbroadcast v15, $0x0;
	v16 =	vand.u32 $0xFFFFFFFE, v16;
	v17 =	vld.idx.msk [tilespmem:v3+s26+$0x0], $0xffff;
	[tilespmem:s19+$0x190] =	vst v13;
	v3 =	vmul.f32 v7, v1  }
0x204: {  	v7 =	vld.idx.msk [tilespmem:v4+s26+$0x0], $0xffff;
	v13 =	vbroadcast v16, $0x0;
	[tilespmem:s19+$0x1A0] =	vst v6;
	v4 =	vmul.f32 v8, v1  }
0x205: {  	v6 =	vld.idx.msk [tilespmem:v5+s26+$0x0], $0xffff;
	[tilespmem:s19+$0x1B0] =	vst v3;
	v3 =	vmul.f32 v9, v1  }
0x206: {  	v8 =	vld.idx.msk [tilespmem:v10+s26+$0x0], $0xffff;
	[tilespmem:s19+$0x1C0] =	vst v4;
	v9 =	vmul.f32 v11, v1  }
0x207: {  	v5 =	vld.idx.msk [tilespmem:v12+s26+$0x0], $0xffff;
	[tilespmem:s19+$0x1D0] =	vst v3;
	v10 =	vmul.f32 v14, v1  }
0x208: {  	v4 =	vld.idx.msk [tilespmem:v2+s26+$0x0], $0xffff;
	[tilespmem:s19+$0x1E0] =	vst v9  }
0x209: {  	v1 =	vmov v17;
	v3 =	vld.idx.msk [tilespmem:v15+s26+$0x0], $0xffff;
	[tilespmem:s19+$0x1F0] =	vst v10  }
0x20a: {  	s19 =	sadd.s32 $0x400, s19;
	v2 =	vld.idx.msk [tilespmem:v13+s26+$0x0], $0xffff  }
0x20b: {  	v9 =	vld [tilespmem:s19+$0x170]  }
0x20c: {  	v10 =	vld [tilespmem:s19+$0xFFFFFE00]  }
0x20d: {  	v11 =	vld [tilespmem:s19+$0xFFFFFE10]  }
0x20e: {  	v12 =	vld [tilespmem:s19+$0xFFFFFE20]  }
0x20f: {  	v13 =	vld [tilespmem:s19+$0xFFFFFE30]  }
0x210: {  	v14 =	vld [tilespmem:s19+$0xFFFFFE40];
	v9 =	vmul.f32 v9, v2  }
0x211: {  	v10 =	vmul.f32 v10, v7;
	v15 =	vld [tilespmem:s19+$0xFFFFFE50]  }
0x212: {  	v11 =	vmul.f32 v11, v7;
	v16 =	vld [tilespmem:s19+$0xFFFFFE60];
	[tilespmem:s19+$0x170] =	vst v9  }
0x213: {  	[tilespmem:s19+$0xFFFFFE00] =	vst v10;
	v9 =	vmul.f32 v12, v7;
	v10 =	vld [tilespmem:s19+$0xFFFFFE70]  }
0x214: {  	[tilespmem:s19+$0xFFFFFE10] =	vst v11;
	v11 =	vmul.f32 v13, v7;
	v12 =	vld [tilespmem:s19+$0xFFFFFE80]  }
0x215: {  	[tilespmem:s19+$0xFFFFFE20] =	vst v9;
	v9 =	vmul.f32 v14, v7;
	v13 =	vld [tilespmem:s19+$0xFFFFFE90]  }
0x216: {  	[tilespmem:s19+$0xFFFFFE30] =	vst v11;
	v11 =	vmul.f32 v15, v7;
	v14 =	vld [tilespmem:s19+$0xFFFFFEA0]  }
0x217: {  	[tilespmem:s19+$0xFFFFFE40] =	vst v9;
	v9 =	vmul.f32 v16, v7;
	v15 =	vld [tilespmem:s19+$0xFFFFFEB0]  }
0x218: {  	[tilespmem:s19+$0xFFFFFE50] =	vst v11;
	v7 =	vmul.f32 v10, v7;
	v10 =	vld [tilespmem:s19+$0xFFFFFEC0]  }
0x219: {  	[tilespmem:s19+$0xFFFFFE60] =	vst v9;
	v9 =	vmul.f32 v12, v6;
	v11 =	vld [tilespmem:s19+$0xFFFFFED0]  }
0x21a: {  	[tilespmem:s19+$0xFFFFFE70] =	vst v7;
	v7 =	vmul.f32 v13, v6;
	v12 =	vld [tilespmem:s19+$0xFFFFFEE0]  }
0x21b: {  	[tilespmem:s19+$0xFFFFFE80] =	vst v9;
	v9 =	vmul.f32 v14, v6;
	v13 =	vld [tilespmem:s19+$0xFFFFFEF0]  }
0x21c: {  	[tilespmem:s19+$0xFFFFFE90] =	vst v7;
	v7 =	vmul.f32 v15, v6;
	v14 =	vld [tilespmem:s19+$0xFFFFFF00]  }
0x21d: {  	[tilespmem:s19+$0xFFFFFEA0] =	vst v9;
	v9 =	vmul.f32 v10, v6;
	v10 =	vld [tilespmem:s19+$0xFFFFFF10]  }
0x21e: {  	[tilespmem:s19+$0xFFFFFEB0] =	vst v7;
	v7 =	vmul.f32 v11, v6;
	v11 =	vld [tilespmem:s19+$0xFFFFFF20]  }
0x21f: {  	[tilespmem:s19+$0xFFFFFEC0] =	vst v9;
	v9 =	vmul.f32 v12, v6;
	v12 =	vld [tilespmem:s19+$0xFFFFFF30]  }
0x220: {  	[tilespmem:s19+$0xFFFFFED0] =	vst v7;
	v6 =	vmul.f32 v13, v6;
	v7 =	vld [tilespmem:s19+$0xFFFFFF40]  }
0x221: {  	[tilespmem:s19+$0xFFFFFEE0] =	vst v9;
	v9 =	vmul.f32 v14, v8;
	v13 =	vld [tilespmem:s19+$0xFFFFFF50]  }
0x222: {  	[tilespmem:s19+$0xFFFFFEF0] =	vst v6;
	v6 =	vmul.f32 v10, v8;
	v10 =	vld [tilespmem:s19+$0xFFFFFF60]  }
0x223: {  	[tilespmem:s19+$0xFFFFFF00] =	vst v9;
	v9 =	vmul.f32 v11, v8;
	v11 =	vld [tilespmem:s19+$0xFFFFFF70]  }
0x224: {  	[tilespmem:s19+$0xFFFFFF10] =	vst v6;
	v6 =	vmul.f32 v12, v8;
	v12 =	vld [tilespmem:s19+$0xFFFFFF80]  }
0x225: {  	[tilespmem:s19+$0xFFFFFF20] =	vst v9;
	v7 =	vmul.f32 v7, v8;
	v9 =	vld [tilespmem:s19+$0xFFFFFF90]  }
0x226: {  	[tilespmem:s19+$0xFFFFFF30] =	vst v6;
	v6 =	vmul.f32 v13, v8;
	v13 =	vld [tilespmem:s19+$0xFFFFFFA0]  }
0x227: {  	[tilespmem:s19+$0xFFFFFF40] =	vst v7;
	v7 =	vmul.f32 v10, v8;
	v10 =	vld [tilespmem:s19+$0xFFFFFFB0]  }
0x228: {  	[tilespmem:s19+$0xFFFFFF50] =	vst v6;
	v6 =	vmul.f32 v11, v8;
	v8 =	vld [tilespmem:s19+$0xFFFFFFC0]  }
0x229: {  	[tilespmem:s19+$0xFFFFFF60] =	vst v7;
	v7 =	vmul.f32 v12, v5;
	v11 =	vld [tilespmem:s19+$0xFFFFFFD0]  }
0x22a: {  	[tilespmem:s19+$0xFFFFFF70] =	vst v6;
	v6 =	vmul.f32 v9, v5;
	v9 =	vld [tilespmem:s19+$0xFFFFFFE0]  }
0x22b: {  	[tilespmem:s19+$0xFFFFFF80] =	vst v7;
	v7 =	vmul.f32 v13, v5;
	v12 =	vld [tilespmem:s19+$0xFFFFFFF0]  }
0x22c: {  	[tilespmem:s19+$0xFFFFFF90] =	vst v6;
	v6 =	vmul.f32 v10, v5;
	v10 =	vld [tilespmem:s19+$0x0]  }
0x22d: {  	[tilespmem:s19+$0xFFFFFFA0] =	vst v7;
	v7 =	vmul.f32 v8, v5;
	v8 =	vld [tilespmem:s19+$0x10]  }
0x22e: {  	[tilespmem:s19+$0xFFFFFFB0] =	vst v6;
	v6 =	vmul.f32 v11, v5;
	v11 =	vld [tilespmem:s19+$0x20]  }
0x22f: {  	[tilespmem:s19+$0xFFFFFFC0] =	vst v7;
	v7 =	vmul.f32 v9, v5;
	v9 =	vld [tilespmem:s19+$0x30]  }
0x230: {  	[tilespmem:s19+$0xFFFFFFD0] =	vst v6;
	v5 =	vmul.f32 v12, v5;
	v6 =	vld [tilespmem:s19+$0x40]  }
0x231: {  	[tilespmem:s19+$0xFFFFFFE0] =	vst v7;
	v7 =	vmul.f32 v10, v4;
	v10 =	vld [tilespmem:s19+$0x50]  }
0x232: {  	[tilespmem:s19+$0xFFFFFFF0] =	vst v5;
	v5 =	vmul.f32 v8, v4;
	v8 =	vld [tilespmem:s19+$0x60]  }
0x233: {  	[tilespmem:s19+$0x0] =	vst v7;
	v7 =	vmul.f32 v11, v4;
	v11 =	vld [tilespmem:s19+$0x70]  }
0x234: {  	[tilespmem:s19+$0x10] =	vst v5;
	v5 =	vmul.f32 v9, v4;
	v9 =	vld [tilespmem:s19+$0x80]  }
0x235: {  	[tilespmem:s19+$0x20] =	vst v7;
	v6 =	vmul.f32 v6, v4;
	v7 =	vld [tilespmem:s19+$0x90]  }
0x236: {  	[tilespmem:s19+$0x30] =	vst v5;
	v5 =	vmul.f32 v10, v4;
	v10 =	vld [tilespmem:s19+$0xA0]  }
0x237: {  	[tilespmem:s19+$0x40] =	vst v6;
	v6 =	vmul.f32 v8, v4;
	v8 =	vld [tilespmem:s19+$0xB0]  }
0x238: {  	[tilespmem:s19+$0x50] =	vst v5;
	v4 =	vmul.f32 v11, v4;
	v5 =	vld [tilespmem:s19+$0xC0]  }
0x239: {  	[tilespmem:s19+$0x60] =	vst v6;
	v6 =	vmul.f32 v9, v3;
	v9 =	vld [tilespmem:s19+$0xD0]  }
0x23a: {  	[tilespmem:s19+$0x70] =	vst v4;
	v4 =	vmul.f32 v7, v3;
	v7 =	vld [tilespmem:s19+$0xE0]  }
0x23b: {  	[tilespmem:s19+$0x80] =	vst v6;
	v6 =	vmul.f32 v10, v3;
	v10 =	vld [tilespmem:s19+$0xF0]  }
0x23c: {  	[tilespmem:s19+$0x90] =	vst v4;
	v4 =	vmul.f32 v8, v3;
	v8 =	vld [tilespmem:s19+$0x100]  }
0x23d: {  	[tilespmem:s19+$0xA0] =	vst v6;
	v5 =	vmul.f32 v5, v3;
	v6 =	vld [tilespmem:s19+$0x110]  }
0x23e: {  	[tilespmem:s19+$0xB0] =	vst v4;
	v4 =	vmul.f32 v9, v3;
	v9 =	vld [tilespmem:s19+$0x120]  }
0x23f: {  	[tilespmem:s19+$0xC0] =	vst v5;
	v5 =	vmul.f32 v7, v3;
	v7 =	vld [tilespmem:s19+$0x130]  }
0x240: {  	[tilespmem:s19+$0xD0] =	vst v4;
	v4 =	vmul.f32 v10, v3;
	v10 =	vld [tilespmem:s19+$0x140]  }
0x241: {  	s18 =	sadd.s32 $0x7, s10;
	v3 =	vmov s10;
	[tilespmem:s19+$0xE0] =	vst v5;
	v5 =	vmul.f32 v8, v2;
	v8 =	vld [tilespmem:s19+$0x150]  }
0x242: {  	s28 =	sadd.s32 $0x1, s10;
	s31 =	sadd.s32 $0x2, s10;
	v11 =	vand.u32 $0xFFFFFFF8, v3;
	v3 =	vmov s18;
	[tilespmem:s19+$0xF0] =	vst v4;
	v4 =	vmul.f32 v6, v2;
	v12 =	vld [tilespmem:s19+$0x160]  }
0x243: {  	v14 =	vmov s31;
	v13 =	vmov s28;
	s28 =	sadd.s32 $0x4, s10;
	s18 =	sadd.s32 $0x3, s10;
	[tilespmem:s19+$0x100] =	vst v5;
	v5 =	vmul.f32 v9, v2;
	v9 =	vld [tilespmem:s19+$0x180]  }
0x244: {  	v16 =	vmov s28;
	v15 =	vmov s18;
	s18 =	sadd.s32 $0x5, s10;
	[tilespmem:s19+$0x110] =	vst v4;
	v7 =	vmul.f32 v7, v2;
	v17 =	vld [tilespmem:s19+$0x190]  }
.Ltmp9:
0x245: {  	v4 =	vbroadcast v11, $0x0;
	v11 =	vmov s18;
	[tilespmem:s19+$0x120] =	vst v5;
	v10 =	vmul.f32 v10, v2;
	v6 =	vld [tilespmem:s19+$0x1A0];
	(pc) =	sbr.rel @p2 .LBB2_6-.Ltmp9, $4  }
0x246: {  	v5 =	vand.u32 $0xFFFFFFF9, v13;
	v13 =	vand.u32 $0xFFFFFFFA, v14;
	[tilespmem:s19+$0x130] =	vst v7;
	v14 =	vmul.f32 v8, v2;
	v7 =	vld [tilespmem:s19+$0x1B0]  }
0x247: {  	v15 =	vand.u32 $0xFFFFFFFB, v15;
	v5 =	vbroadcast v5, $0x0;
	[tilespmem:s19+$0x140] =	vst v10;
	v18 =	vmul.f32 v12, v2;
	v8 =	vld [tilespmem:s19+$0x1C0]  }
0x248: {  	v10 =	vbroadcast v13, $0x0;
	v2 =	vand.u32 $0xFFFFFFFC, v16;
	[tilespmem:s19+$0x150] =	vst v14;
	v14 =	vmul.f32 v9, v1;
	v9 =	vld [tilespmem:s19+$0x1D0]  }
0x249: {  	s18 =	sadd.s32 $0x6, s10;
	s10 =	sadd.s32 $0x8, s10;
	v12 =	vbroadcast v15, $0x0;
	v15 =	vand.u32 $0xFFFFFFFD, v11;
	[tilespmem:s19+$0x160] =	vst v18;
	v13 =	vmul.f32 v17, v1;
	v11 =	vld [tilespmem:s19+$0x1E0]  }
0x24a: {  	_ =	sdelay $0x2  }
0x24b: {  	v16 =	vld [tilespmem:s19+$0x1F0]  }
0x24c: {  	v18 =	vld.idx.msk [tilespmem:v4+s26+$0x0], $0xffff  }
0x24d: {  	[tilespmem:s19+$0x180] =	vst v14;
	v14 =	vbroadcast v2, $0x0;
	v2 =	vmov s18;
	v10 =	vld.idx.msk [tilespmem:v10+s26+$0x0], $0xffff  }
0x24e: {  	v17 =	vand.u32 $0xFFFFFFFE, v2;
	v2 =	vld.idx.msk [tilespmem:v3+s26+$0x0], $0xffff  }
0x24f: {  	s10 =	sadd.s32 $0x400, s19;
	v12 =	vld.idx.msk [tilespmem:v12+s26+$0x0], $0xffff  }
0x250: {  	v15 =	vbroadcast v15, $0x0;
	v6 =	vmul.f32 v6, v1;
	[tilespmem:s19+$0x190] =	vst v13;
	v13 =	vld [tilespmem:s10+$0x170]  }
0x251: {  	v7 =	vmul.f32 v7, v1;
	v3 =	vbroadcast v17, $0x0;
	v17 =	vld.idx.msk [tilespmem:v5+s26+$0x0], $0xffff  }
0x252: {  	[tilespmem:s19+$0x1A0] =	vst v6;
	v6 =	vmul.f32 v8, v1;
	v8 =	vld [tilespmem:s10+$0xFFFFFE00]  }
0x253: {  	[tilespmem:s19+$0x1B0] =	vst v7;
	v7 =	vmul.f32 v9, v1;
	v9 =	vld [tilespmem:s10+$0xFFFFFE10]  }
0x254: {  	[tilespmem:s19+$0x1C0] =	vst v6;
	v6 =	vmul.f32 v11, v1;
	v11 =	vld [tilespmem:s10+$0xFFFFFE20]  }
0x255: {  	[tilespmem:s19+$0x1D0] =	vst v7;
	v7 =	vld [tilespmem:s10+$0xFFFFFE30]  }
0x256: {  	v5 =	vld.idx.msk [tilespmem:v14+s26+$0x0], $0xffff  }
0x257: {  	v1 =	vmul.f32 v16, v1;
	v4 =	vld.idx.msk [tilespmem:v15+s26+$0x0], $0xffff  }
0x258: {  	[tilespmem:s19+$0x1E0] =	vst v6;
	v6 =	vld [tilespmem:s10+$0xFFFFFE40]  }
0x259: {  	[tilespmem:s19+$0x1F0] =	vst v1;
	v1 =	vmul.f32 v8, v18;
	v3 =	vld.idx.msk [tilespmem:v3+s26+$0x0], $0xffff  }
0x25a: {  	v8 =	vld [tilespmem:s10+$0xFFFFFE50];
	v9 =	vmul.f32 v9, v18  }
0x25b: {  	v14 =	vld [tilespmem:s10+$0xFFFFFE60];
	[tilespmem:s10+$0xFFFFFE00] =	vst v1;
	v1 =	vmul.f32 v11, v18  }
0x25c: {  	v11 =	vld [tilespmem:s10+$0xFFFFFE70];
	[tilespmem:s10+$0xFFFFFE10] =	vst v9;
	v7 =	vmul.f32 v7, v18  }
0x25d: {  	v9 =	vld [tilespmem:s10+$0xFFFFFE80];
	[tilespmem:s10+$0xFFFFFE20] =	vst v1;
	v1 =	vmul.f32 v6, v18  }
0x25e: {  	v6 =	vld [tilespmem:s10+$0xFFFFFE90];
	[tilespmem:s10+$0xFFFFFE30] =	vst v7;
	v13 =	vmul.f32 v13, v3  }
0x25f: {  	v7 =	vmul.f32 v8, v18;
	v8 =	vld [tilespmem:s10+$0xFFFFFEA0];
	[tilespmem:s10+$0xFFFFFE40] =	vst v1  }
0x260: {  	v1 =	vmul.f32 v14, v18;
	[tilespmem:s10+$0x170] =	vst v13;
	v13 =	vld [tilespmem:s10+$0xFFFFFEB0]  }
0x261: {  	[tilespmem:s10+$0xFFFFFE50] =	vst v7;
	v7 =	vmul.f32 v11, v18;
	v11 =	vld [tilespmem:s10+$0xFFFFFEC0]  }
0x262: {  	[tilespmem:s10+$0xFFFFFE60] =	vst v1;
	v1 =	vmul.f32 v9, v17;
	v9 =	vld [tilespmem:s10+$0xFFFFFED0]  }
0x263: {  	[tilespmem:s10+$0xFFFFFE70] =	vst v7;
	v6 =	vmul.f32 v6, v17;
	v7 =	vld [tilespmem:s10+$0xFFFFFEE0]  }
0x264: {  	[tilespmem:s10+$0xFFFFFE80] =	vst v1;
	v1 =	vmul.f32 v8, v17;
	v8 =	vld [tilespmem:s10+$0xFFFFFEF0]  }
0x265: {  	[tilespmem:s10+$0xFFFFFE90] =	vst v6;
	v6 =	vmul.f32 v13, v17;
	v13 =	vld [tilespmem:s10+$0xFFFFFF00]  }
0x266: {  	[tilespmem:s10+$0xFFFFFEA0] =	vst v1;
	v1 =	vmul.f32 v11, v17;
	v11 =	vld [tilespmem:s10+$0xFFFFFF10]  }
0x267: {  	[tilespmem:s10+$0xFFFFFEB0] =	vst v6;
	v6 =	vmul.f32 v9, v17;
	v9 =	vld [tilespmem:s10+$0xFFFFFF20]  }
0x268: {  	[tilespmem:s10+$0xFFFFFEC0] =	vst v1;
	v1 =	vmul.f32 v7, v17;
	v7 =	vld [tilespmem:s10+$0xFFFFFF30]  }
0x269: {  	[tilespmem:s10+$0xFFFFFED0] =	vst v6;
	v6 =	vmul.f32 v8, v17;
	v8 =	vld [tilespmem:s10+$0xFFFFFF40]  }
0x26a: {  	[tilespmem:s10+$0xFFFFFEE0] =	vst v1;
	v1 =	vmul.f32 v13, v10;
	v13 =	vld [tilespmem:s10+$0xFFFFFF50]  }
0x26b: {  	[tilespmem:s10+$0xFFFFFEF0] =	vst v6;
	v6 =	vmul.f32 v11, v10;
	v11 =	vld [tilespmem:s10+$0xFFFFFF60]  }
0x26c: {  	[tilespmem:s10+$0xFFFFFF00] =	vst v1;
	v1 =	vmul.f32 v9, v10;
	v9 =	vld [tilespmem:s10+$0xFFFFFF70]  }
0x26d: {  	[tilespmem:s10+$0xFFFFFF10] =	vst v6;
	v6 =	vmul.f32 v7, v10;
	v7 =	vld [tilespmem:s10+$0xFFFFFF80]  }
0x26e: {  	[tilespmem:s10+$0xFFFFFF20] =	vst v1;
	v1 =	vmul.f32 v8, v10;
	v8 =	vld [tilespmem:s10+$0xFFFFFF90]  }
0x26f: {  	[tilespmem:s10+$0xFFFFFF30] =	vst v6;
	v6 =	vmul.f32 v13, v10;
	v13 =	vld [tilespmem:s10+$0xFFFFFFA0]  }
0x270: {  	[tilespmem:s10+$0xFFFFFF40] =	vst v1;
	v1 =	vmul.f32 v11, v10;
	v11 =	vld [tilespmem:s10+$0xFFFFFFB0]  }
0x271: {  	[tilespmem:s10+$0xFFFFFF50] =	vst v6;
	v6 =	vmul.f32 v9, v10;
	v9 =	vld [tilespmem:s10+$0xFFFFFFC0]  }
0x272: {  	[tilespmem:s10+$0xFFFFFF60] =	vst v1;
	v1 =	vmul.f32 v7, v12;
	v7 =	vld [tilespmem:s10+$0xFFFFFFD0]  }
0x273: {  	[tilespmem:s10+$0xFFFFFF70] =	vst v6;
	v6 =	vmul.f32 v8, v12;
	v8 =	vld [tilespmem:s10+$0xFFFFFFE0]  }
0x274: {  	v10 =	vld [tilespmem:s10+$0xFFFFFFF0];
	[tilespmem:s10+$0xFFFFFF80] =	vst v1;
	v1 =	vmul.f32 v13, v12  }
0x275: {  	[tilespmem:s10+$0xFFFFFF90] =	vst v6;
	v6 =	vmul.f32 v11, v12;
	v11 =	vld [tilespmem:s10+$0x0]  }
0x276: {  	[tilespmem:s10+$0xFFFFFFA0] =	vst v1;
	v1 =	vmul.f32 v9, v12;
	v9 =	vld [tilespmem:s10+$0x10]  }
0x277: {  	[tilespmem:s10+$0xFFFFFFB0] =	vst v6;
	v6 =	vmul.f32 v7, v12;
	v7 =	vld [tilespmem:s10+$0x20]  }
0x278: {  	[tilespmem:s10+$0xFFFFFFC0] =	vst v1;
	v1 =	vmul.f32 v8, v12;
	v8 =	vld [tilespmem:s10+$0x30]  }
0x279: {  	[tilespmem:s10+$0xFFFFFFD0] =	vst v6;
	v6 =	vmul.f32 v10, v12;
	v10 =	vld [tilespmem:s10+$0x40]  }
0x27a: {  	[tilespmem:s10+$0xFFFFFFE0] =	vst v1;
	v1 =	vmul.f32 v11, v5;
	v11 =	vld [tilespmem:s10+$0x50]  }
0x27b: {  	[tilespmem:s10+$0xFFFFFFF0] =	vst v6;
	v6 =	vmul.f32 v9, v5;
	v9 =	vld [tilespmem:s10+$0x60]  }
0x27c: {  	[tilespmem:s10+$0x0] =	vst v1;
	v1 =	vmul.f32 v7, v5;
	v7 =	vld [tilespmem:s10+$0x70]  }
0x27d: {  	[tilespmem:s10+$0x10] =	vst v6;
	v6 =	vmul.f32 v8, v5;
	v8 =	vld [tilespmem:s10+$0x80]  }
0x27e: {  	[tilespmem:s10+$0x20] =	vst v1;
	v1 =	vmul.f32 v10, v5;
	v10 =	vld [tilespmem:s10+$0x90]  }
0x27f: {  	[tilespmem:s10+$0x30] =	vst v6;
	v6 =	vmul.f32 v11, v5;
	v11 =	vld [tilespmem:s10+$0xA0]  }
0x280: {  	[tilespmem:s10+$0x40] =	vst v1;
	v1 =	vmul.f32 v9, v5;
	v9 =	vld [tilespmem:s10+$0xB0]  }
0x281: {  	[tilespmem:s10+$0x50] =	vst v6;
	v5 =	vmul.f32 v7, v5;
	v6 =	vld [tilespmem:s10+$0xC0]  }
0x282: {  	v7 =	vld [tilespmem:s10+$0xD0];
	[tilespmem:s10+$0x60] =	vst v1;
	v1 =	vmul.f32 v8, v4  }
0x283: {  	v8 =	vld [tilespmem:s10+$0xE0];
	[tilespmem:s10+$0x70] =	vst v5;
	v5 =	vmul.f32 v10, v4  }
0x284: {  	v10 =	vld [tilespmem:s10+$0xF0];
	[tilespmem:s10+$0x80] =	vst v1;
	v1 =	vmul.f32 v11, v4  }
0x285: {  	[tilespmem:s10+$0x90] =	vst v5;
	v5 =	vmul.f32 v9, v4;
	v9 =	vld [tilespmem:s10+$0x100]  }
0x286: {  	[tilespmem:s10+$0xA0] =	vst v1;
	v1 =	vmul.f32 v6, v4;
	v6 =	vld [tilespmem:s10+$0x110]  }
0x287: {  	[tilespmem:s10+$0xB0] =	vst v5;
	v5 =	vmul.f32 v7, v4;
	v7 =	vld [tilespmem:s10+$0x120]  }
0x288: {  	[tilespmem:s10+$0xC0] =	vst v1;
	v1 =	vmul.f32 v8, v4;
	v8 =	vld [tilespmem:s10+$0x130]  }
0x289: {  	v4 =	vmul.f32 v10, v4;
	[tilespmem:s10+$0xD0] =	vst v5;
	v5 =	vld [tilespmem:s10+$0x140]  }
0x28a: {  	[tilespmem:s10+$0xE0] =	vst v1;
	v1 =	vmul.f32 v9, v3;
	v9 =	vld [tilespmem:s10+$0x150]  }
0x28b: {  	[tilespmem:s10+$0xF0] =	vst v4;
	v4 =	vmul.f32 v6, v3;
	v6 =	vld [tilespmem:s10+$0x160]  }
0x28c: {  	[tilespmem:s10+$0x100] =	vst v1;
	v1 =	vmul.f32 v7, v3;
	v7 =	vld [tilespmem:s10+$0x180]  }
0x28d: {  	[tilespmem:s10+$0x110] =	vst v4;
	v4 =	vmul.f32 v8, v3;
	v8 =	vld [tilespmem:s10+$0x190]  }
0x28e: {  	[tilespmem:s10+$0x120] =	vst v1;
	v1 =	vmul.f32 v5, v3;
	v5 =	vld [tilespmem:s10+$0x1A0]  }
0x28f: {  	[tilespmem:s10+$0x130] =	vst v4;
	v4 =	vmul.f32 v9, v3;
	v9 =	vld [tilespmem:s10+$0x1B0]  }
0x290: {  	[tilespmem:s10+$0x140] =	vst v1;
	v1 =	vmul.f32 v6, v3;
	v3 =	vld [tilespmem:s10+$0x1C0]  }
0x291: {  	v6 =	vld [tilespmem:s10+$0x1D0];
	[tilespmem:s10+$0x150] =	vst v4;
	v4 =	vmul.f32 v7, v2  }
0x292: {  	v7 =	vld [tilespmem:s10+$0x1E0];
	[tilespmem:s10+$0x160] =	vst v1;
	v1 =	vmul.f32 v8, v2  }
0x293: {  	[tilespmem:s10+$0x180] =	vst v4;
	v4 =	vmul.f32 v5, v2;
	v5 =	vld [tilespmem:s10+$0x1F0]  }
0x294: {  	[tilespmem:s10+$0x190] =	vst v1;
	v1 =	vmul.f32 v9, v2  }
0x295: {  	[tilespmem:s10+$0x1A0] =	vst v4;
	v3 =	vmul.f32 v3, v2  }
0x296: {  	[tilespmem:s10+$0x1B0] =	vst v1;
	v1 =	vmul.f32 v6, v2  }
0x297: {  	s19 =	smin.u32 s8, $0x135;
	[tilespmem:s10+$0x1C0] =	vst v3;
	v3 =	vmul.f32 v7, v2  }
0x298: {  	s18 =	sshll.u32 s19, $0x6;
	[tilespmem:s10+$0x1D0] =	vst v1;
	v1 =	vmul.f32 v5, v2  }
0x299: {  	s18 =	sadd.s32 s18, s15;
	[tilespmem:s10+$0x1E0] =	vst v3  }
0x29a: {  	s18 =	sshrl.u32 s18, $0x3;
	[tilespmem:s10+$0x1F0] =	vst v1;
	s10 =	simm.s32 $0x0  }
0x29b: {  	[spmem:s2] =	stream.indirect.scatter.add.f32 [tilespmem:s10], [sflag:$0x4], $0x80, s12, s9, $0xb8;
	[tilespmem:$0x1C500] =	vst v63  }
0x29c: {  	s28 =	sadd.s32 s4, s18  }
0x29d: {  	[tilespmem:s11], [sflag:$0x1] =	stream.linear.gather [hbm4b:s28+s10], $0x40, $0x38;
	[tilespmem:$0x1C500] =	vst v63  }
0x29e: {  	s31 =	sadd.s32 s5, s18  }
0x29f: {  	[tilespmem:s25], [sflag:$0x1] =	stream.linear.gather [hbm4b:s31+s10], $0x40, $0x38;
	[tilespmem:$0x1C500] =	vst v63  }
0x2a0: {  	s18 =	sadd.s32 s6, s18  }
0x2a1: {  	[tilespmem:s26], [sflag:$0x1] =	stream.linear.gather [hbm4b:s18+s10], $0x40, $0x38;
	[tilespmem:$0x1C500] =	vst v63  }
0x2a2: {  	_ =	swait.ge [sflag:s0], $0x40  }
0x2a3: {  	[sflag:s0] =	ssyncset.done $0x0  }
0x2a4: {  	[sflag:s0] =	ssyncadd.s32 $0xFFFFFFC0  }
0x2a5: {  	_ =	swait.ge [sflag:s0], $0x40  }
0x2a6: {  	[sflag:s0] =	ssyncset.done $0x0  }
0x2a7: {  	[sflag:s0] =	ssyncadd.s32 $0xFFFFFFC0  }
0x2a8: {  	_ =	swait.ge [sflag:s0], $0x40  }
0x2a9: {  	[sflag:s0] =	ssyncset.done $0x0  }
0x2aa: {  	[sflag:s0] =	ssyncadd.s32 $0xFFFFFFC0  }
0x2ab: {  	_ =	swait.ge [sflag:s14], $0x2000  }
0x2ac: {  	[sflag:s14] =	ssyncset.done $0x0  }
0x2ad: {  	[sflag:s14] =	ssyncadd.s32 $0xFFFFE000  }
0x2ae: {  	_ =	swait.ge [sflag:s22], $0x2000  }
0x2af: {  	[sflag:s22] =	ssyncset.done $0x0  }
0x2b0: {  	[sflag:s22] =	ssyncadd.s32 $0xFFFFE000  }
0x2b1: {  	[tilespmem:s10], [sflag:$0x3] =	stream.indirect.gather [hbm4b:s1+s9], $0x80, s11, s9, $0xb8;
	[tilespmem:$0x1C500] =	vst v63  }
0x2b2: {  	v1 =	vld [tilespmem:$0x8280]  }
0x2b3: {  	v3 =	vmov s10;
	s28 =	simm.s32 $0x6;
	v2 =	vld [tilespmem:$0x8290]  }
0x2b4: {  	v3 =	vand.u32 $0xFFFFFFF8, v3;
	v5 =	vmov s28;
	v4 =	vld [tilespmem:$0x82A0]  }
0x2b5: {  	v3 =	vbroadcast v3, $0x0;
	v5 =	vand.u32 $0xFFFFFFFE, v5;
	v6 =	vld [tilespmem:$0x82B0]  }
0x2b6: {  	v5 =	vbroadcast v5, $0x0  }
0x2b7: {  	[tilespmem:$0x8380] =	vst v1  }
0x2b8: {  	[tilespmem:$0x8390] =	vst v2  }
0x2b9: {  	[tilespmem:$0x83A0] =	vst v4  }
0x2ba: {  	[tilespmem:$0x83B0] =	vst v6  }
0x2bb: {  	v1 =	vld.idx.msk [tilespmem:v3+s30+$0x0], $0xffff  }
0x2bc: {  	s19 =	simm.s32 $0x2200;
	v2 =	vld.idx.msk [tilespmem:v5+s30+$0x0], $0xffff  }
0x2bd: {  	v4 =	vld [tilespmem:s19+$0x170]  }
0x2be: {  	v5 =	vld [tilespmem:s19+$0xFFFFFE00]  }
0x2bf: {  	v6 =	vld [tilespmem:s19+$0xFFFFFE10]  }
0x2c0: {  	v7 =	vld [tilespmem:s19+$0xFFFFFE20]  }
0x2c1: {  	v8 =	vld [tilespmem:s19+$0xFFFFFE30]  }
0x2c2: {  	s31 =	simm.s32 $0x1;
	v9 =	vld [tilespmem:s19+$0xFFFFFE40]  }
0x2c3: {  	v3 =	vmov s31;
	v10 =	vld [tilespmem:s19+$0xFFFFFE50]  }
0x2c4: {  	v11 =	vld [tilespmem:s19+$0xFFFFFE60];
	v3 =	vand.u32 $0xFFFFFFF9, v3  }
0x2c5: {  	v12 =	vld [tilespmem:s19+$0xFFFFFE70];
	v3 =	vbroadcast v3, $0x0  }
0x2c6: {  	v13 =	vld [tilespmem:s19+$0xFFFFFE80]  }
0x2c7: {  	v14 =	vld [tilespmem:s19+$0xFFFFFE90];
	v5 =	vmul.f32 v5, v1  }
0x2c8: {  	v15 =	vld [tilespmem:s19+$0xFFFFFEA0];
	v4 =	vmul.f32 v4, v2  }
0x2c9: {  	v16 =	vld [tilespmem:s19+$0xFFFFFEB0];
	v6 =	vmul.f32 v6, v1;
	[tilespmem:s19+$0xFFFFFE00] =	vst v5  }
0x2ca: {  	s18 =	simm.s32 $0x2;
	v8 =	vmul.f32 v8, v1;
	[tilespmem:s19+$0x170] =	vst v4;
	v4 =	vmul.f32 v7, v1;
	v7 =	vld [tilespmem:s19+$0xFFFFFEC0]  }
0x2cb: {  	v9 =	vmul.f32 v9, v1;
	v5 =	vmov s18;
	[tilespmem:s19+$0xFFFFFE10] =	vst v6;
	v3 =	vld.idx.msk [tilespmem:v3+s30+$0x0], $0xffff  }
0x2cc: {  	[tilespmem:s19+$0xFFFFFE30] =	vst v8;
	v8 =	vmul.f32 v10, v1;
	v10 =	vld [tilespmem:s19+$0xFFFFFEF0];
	v5 =	vand.u32 $0xFFFFFFFA, v5  }
0x2cd: {  	[tilespmem:s19+$0xFFFFFE40] =	vst v9;
	v9 =	vmul.f32 v11, v1;
	v11 =	vld [tilespmem:s19+$0xFFFFFF00];
	v5 =	vbroadcast v5, $0x0  }
0x2ce: {  	v1 =	vmul.f32 v12, v1;
	v12 =	vld [tilespmem:s19+$0xFFFFFF20];
	[tilespmem:s19+$0xFFFFFE20] =	vst v4  }
0x2cf: {  	v4 =	vld [tilespmem:s19+$0xFFFFFEE0];
	[tilespmem:s19+$0xFFFFFE50] =	vst v8  }
0x2d0: {  	v8 =	vld [tilespmem:s19+$0xFFFFFF10];
	[tilespmem:s19+$0xFFFFFE60] =	vst v9;
	v6 =	vmul.f32 v13, v3  }
0x2d1: {  	[tilespmem:s19+$0xFFFFFE70] =	vst v1;
	v13 =	vld [tilespmem:s19+$0xFFFFFED0];
	v9 =	vmul.f32 v14, v3  }
0x2d2: {  	s28 =	simm.s32 $0x3;
	v1 =	vmul.f32 v15, v3;
	v14 =	vld [tilespmem:s19+$0xFFFFFF30];
	[tilespmem:s19+$0xFFFFFE80] =	vst v6  }
0x2d3: {  	v7 =	vmul.f32 v7, v3;
	v5 =	vld.idx.msk [tilespmem:v5+s30+$0x0], $0xffff;
	v6 =	vmov s28;
	[tilespmem:s19+$0xFFFFFE90] =	vst v9  }
0x2d4: {  	v15 =	vld [tilespmem:s19+$0xFFFFFF40];
	v9 =	vmul.f32 v16, v3;
	[tilespmem:s19+$0xFFFFFEA0] =	vst v1;
	v6 =	vand.u32 $0xFFFFFFFB, v6  }
0x2d5: {  	v4 =	vmul.f32 v4, v3;
	[tilespmem:s19+$0xFFFFFEC0] =	vst v7;
	v7 =	vld [tilespmem:s19+$0xFFFFFF70];
	v6 =	vbroadcast v6, $0x0  }
0x2d6: {  	[tilespmem:s19+$0xFFFFFEB0] =	vst v9;
	v9 =	vld [tilespmem:s19+$0xFFFFFF60];
	v13 =	vmul.f32 v13, v3  }
0x2d7: {  	[tilespmem:s19+$0xFFFFFEE0] =	vst v4;
	v3 =	vmul.f32 v10, v3;
	v10 =	vld [tilespmem:s19+$0xFFFFFF80]  }
0x2d8: {  	v1 =	vmul.f32 v11, v5;
	v11 =	vld [tilespmem:s19+$0xFFFFFF50];
	[tilespmem:s19+$0xFFFFFED0] =	vst v13  }
0x2d9: {  	v4 =	vmul.f32 v8, v5;
	v8 =	vld [tilespmem:s19+$0xFFFFFF90];
	[tilespmem:s19+$0xFFFFFEF0] =	vst v3  }
0x2da: {  	s31 =	simm.s32 $0x4;
	v3 =	vmul.f32 v12, v5;
	v12 =	vld [tilespmem:s19+$0xFFFFFFA0];
	[tilespmem:s19+$0xFFFFFF00] =	vst v1  }
0x2db: {  	v1 =	vmov s31;
	[tilespmem:s19+$0xFFFFFF10] =	vst v4;
	v4 =	vmul.f32 v14, v5;
	v6 =	vld.idx.msk [tilespmem:v6+s30+$0x0], $0xffff  }
0x2dc: {  	v13 =	vld [tilespmem:s19+$0xFFFFFFB0];
	[tilespmem:s19+$0xFFFFFF20] =	vst v3;
	v3 =	vmul.f32 v15, v5;
	v1 =	vand.u32 $0xFFFFFFFC, v1  }
0x2dd: {  	v14 =	vld [tilespmem:s19+$0xFFFFFFC0];
	v9 =	vmul.f32 v9, v5;
	v1 =	vbroadcast v1, $0x0;
	[tilespmem:s19+$0xFFFFFF30] =	vst v4  }
0x2de: {  	[tilespmem:s19+$0xFFFFFF40] =	vst v3;
	v3 =	vld [tilespmem:s19+$0xFFFFFFE0];
	v11 =	vmul.f32 v11, v5  }
0x2df: {  	[tilespmem:s19+$0xFFFFFF60] =	vst v9;
	v9 =	vld [tilespmem:s19+$0x0];
	v5 =	vmul.f32 v7, v5  }
0x2e0: {  	v7 =	vld [tilespmem:s19+$0xFFFFFFF0];
	[tilespmem:s19+$0xFFFFFF50] =	vst v11;
	v4 =	vmul.f32 v10, v6  }
0x2e1: {  	[tilespmem:s19+$0xFFFFFF70] =	vst v5;
	v10 =	vld [tilespmem:s19+$0xFFFFFFD0];
	v8 =	vmul.f32 v8, v6  }
0x2e2: {  	v11 =	vld [tilespmem:s19+$0x10];
	v5 =	vmul.f32 v12, v6;
	[tilespmem:s19+$0xFFFFFF80] =	vst v4  }
0x2e3: {  	s18 =	simm.s32 $0x5;
	v3 =	vmul.f32 v3, v6;
	v1 =	vld.idx.msk [tilespmem:v1+s30+$0x0], $0xffff;
	[tilespmem:s19+$0xFFFFFF90] =	vst v8  }
0x2e4: {  	v12 =	vld [tilespmem:s19+$0x20];
	v4 =	vmov s18;
	v8 =	vmul.f32 v13, v6;
	[tilespmem:s19+$0xFFFFFFA0] =	vst v5  }
0x2e5: {  	v5 =	vmul.f32 v14, v6;
	v13 =	vld [tilespmem:s19+$0x30];
	v4 =	vand.u32 $0xFFFFFFFD, v4;
	[tilespmem:s19+$0xFFFFFFE0] =	vst v3  }
0x2e6: {  	v4 =	vbroadcast v4, $0x0;
	[tilespmem:s19+$0xFFFFFFB0] =	vst v8;
	v8 =	vmul.f32 v10, v6;
	v10 =	vld [tilespmem:s19+$0x40]  }
0x2e7: {  	[tilespmem:s19+$0xFFFFFFC0] =	vst v5;
	v6 =	vmul.f32 v7, v6;
	v7 =	vld [tilespmem:s19+$0x80]  }
0x2e8: {  	v5 =	vmul.f32 v9, v1;
	v9 =	vld [tilespmem:s19+$0x50];
	[tilespmem:s19+$0xFFFFFFD0] =	vst v8  }
0x2e9: {  	v8 =	vld [tilespmem:s19+$0x60];
	v3 =	vmul.f32 v11, v1;
	[tilespmem:s19+$0xFFFFFFF0] =	vst v6  }
0x2ea: {  	v6 =	vmul.f32 v12, v1;
	v11 =	vld [tilespmem:s19+$0x90];
	[tilespmem:s19+$0x0] =	vst v5  }
0x2eb: {  	v5 =	vld [tilespmem:s19+$0x70];
	[tilespmem:s19+$0x10] =	vst v3;
	v3 =	vmul.f32 v13, v1  }
0x2ec: {  	[tilespmem:s19+$0x20] =	vst v6;
	v4 =	vld.idx.msk [tilespmem:v4+s30+$0x0], $0xffff;
	v6 =	vmul.f32 v10, v1  }
0x2ed: {  	v10 =	vld [tilespmem:s19+$0xA0];
	[tilespmem:s19+$0x30] =	vst v3  }
0x2ee: {  	v3 =	vmul.f32 v9, v1;
	v9 =	vld [tilespmem:s19+$0xB0];
	[tilespmem:s19+$0x40] =	vst v6;
	v6 =	vmul.f32 v8, v1  }
0x2ef: {  	v8 =	vld [tilespmem:s19+$0xC0]  }
0x2f0: {  	v5 =	vmul.f32 v5, v1;
	[tilespmem:s19+$0x60] =	vst v6;
	v6 =	vld [tilespmem:s19+$0xE0]  }
0x2f1: {  	[tilespmem:s19+$0x50] =	vst v3;
	v3 =	vmul.f32 v7, v4;
	v7 =	vld [tilespmem:s19+$0xD0]  }
0x2f2: {  	v11 =	vmul.f32 v11, v4;
	[tilespmem:s19+$0x70] =	vst v5;
	v5 =	vld [tilespmem:s19+$0xF0]  }
0x2f3: {  	[tilespmem:s19+$0x80] =	vst v3;
	v3 =	vmul.f32 v10, v4;
	v10 =	vld [tilespmem:s19+$0x100]  }
0x2f4: {  	[tilespmem:s19+$0x90] =	vst v11;
	v9 =	vmul.f32 v9, v4;
	v11 =	vld [tilespmem:s19+$0x150]  }
0x2f5: {  	s28 =	simm.s32 $0x7;
	[tilespmem:s19+$0xA0] =	vst v3;
	v3 =	vmul.f32 v8, v4;
	v8 =	vld [tilespmem:s19+$0x110]  }
0x2f6: {  	v14 =	vld [tilespmem:s19+$0x180];
	v12 =	vmov s28;
	[tilespmem:s19+$0xB0] =	vst v9;
	v7 =	vmul.f32 v7, v4  }
0x2f7: {  	v9 =	vld [tilespmem:s19+$0x120];
	[tilespmem:s19+$0xC0] =	vst v3;
	v3 =	vmul.f32 v6, v4  }
0x2f8: {  	s28 =	simm.s32 $0xA;
	v6 =	vld [tilespmem:s19+$0x130];
	v4 =	vmul.f32 v5, v4;
	[tilespmem:s19+$0xD0] =	vst v7  }
0x2f9: {  	s31 =	simm.s32 $0x8;
	v13 =	vmov s28;
	v5 =	vld [tilespmem:s19+$0x140];
	v10 =	vmul.f32 v10, v2;
	[tilespmem:s19+$0xE0] =	vst v3  }
0x2fa: {  	s18 =	simm.s32 $0xF;
	s28 =	simm.s32 $0xC;
	v7 =	vmov s31;
	v11 =	vmul.f32 v11, v2;
	[tilespmem:s19+$0xF0] =	vst v4;
	v4 =	vmul.f32 v8, v2;
	v8 =	vld [tilespmem:s19+$0x160]  }
0x2fb: {  	v15 =	vmov s28;
	v1 =	vld.idx.msk [tilespmem:v12+s30+$0x0], $0xffff;
	s31 =	simm.s32 $0x9;
	v7 =	vand.u32 $0xFFFFFFF8, v7;
	v3 =	vmov s18;
	s18 =	simm.s32 $0xB;
	[tilespmem:s19+$0x100] =	vst v10  }
0x2fc: {  	v17 =	vld [tilespmem:s19+$0x190];
	v12 =	vmov s31;
	s31 =	simm.s32 $0xD;
	v9 =	vmul.f32 v9, v2;
	v10 =	vmov s18;
	[tilespmem:s19+$0x150] =	vst v11  }
0x2fd: {  	v63 =	vmov s31;
	[tilespmem:s19+$0x110] =	vst v4;
	v16 =	vmul.f32 v6, v2;
	v4 =	vbroadcast v7, $0x0;
	v6 =	vld [tilespmem:s19+$0x1A0]  }
0x2fe: {  	[tilespmem:s19+$0x120] =	vst v9;
	v9 =	vmul.f32 v5, v2;
	v5 =	vand.u32 $0xFFFFFFF9, v12;
	v12 =	vand.u32 $0xFFFFFFFA, v13;
	v7 =	vld [tilespmem:s19+$0x1B0]  }
0x2ff: {  	v13 =	vand.u32 $0xFFFFFFFB, v10;
	v5 =	vbroadcast v5, $0x0;
	[tilespmem:s19+$0x130] =	vst v16;
	v16 =	vmul.f32 v8, v2;
	v8 =	vld [tilespmem:s19+$0x1C0]  }
0x300: {  	v10 =	vbroadcast v12, $0x0;
	[tilespmem:s19+$0x140] =	vst v9;
	v9 =	vld [tilespmem:s19+$0x1D0];
	v2 =	vand.u32 $0xFFFFFFFC, v15;
	v15 =	vmul.f32 v14, v1  }
0x301: {  	s10 =	simm.s32 $0x10;
	s18 =	simm.s32 $0xE;
	v11 =	vld [tilespmem:s19+$0x1E0];
	v12 =	vbroadcast v13, $0x0;
	v13 =	vmul.f32 v17, v1;
	v14 =	vand.u32 $0xFFFFFFFD, v63;
	[tilespmem:s19+$0x160] =	vst v16  }
.LBB2_8:
0x302: {  	p2 =	slt.u32 s10, $0x38;
	v2 =	vbroadcast v2, $0x0;
	v16 =	vmov s18;
	[tilespmem:s19+$0x180] =	vst v15;
	v6 =	vmul.f32 v6, v1;
	v15 =	vld [tilespmem:s19+$0x1F0]  }
0x303: {  	v14 =	vbroadcast v14, $0x0;
	v16 =	vand.u32 $0xFFFFFFFE, v16;
	v17 =	vld.idx.msk [tilespmem:v3+s30+$0x0], $0xffff;
	[tilespmem:s19+$0x190] =	vst v13;
	v3 =	vmul.f32 v7, v1  }
0x304: {  	v7 =	vld.idx.msk [tilespmem:v4+s30+$0x0], $0xffff;
	v13 =	vbroadcast v16, $0x0;
	[tilespmem:s19+$0x1A0] =	vst v6;
	v4 =	vmul.f32 v8, v1  }
0x305: {  	v6 =	vld.idx.msk [tilespmem:v5+s30+$0x0], $0xffff;
	[tilespmem:s19+$0x1B0] =	vst v3;
	v3 =	vmul.f32 v9, v1  }
0x306: {  	v8 =	vld.idx.msk [tilespmem:v10+s30+$0x0], $0xffff;
	[tilespmem:s19+$0x1C0] =	vst v4;
	v9 =	vmul.f32 v11, v1  }
0x307: {  	v5 =	vld.idx.msk [tilespmem:v12+s30+$0x0], $0xffff;
	[tilespmem:s19+$0x1D0] =	vst v3;
	v10 =	vmul.f32 v15, v1  }
0x308: {  	v4 =	vld.idx.msk [tilespmem:v2+s30+$0x0], $0xffff;
	[tilespmem:s19+$0x1E0] =	vst v9  }
0x309: {  	v1 =	vmov v17;
	v3 =	vld.idx.msk [tilespmem:v14+s30+$0x0], $0xffff;
	[tilespmem:s19+$0x1F0] =	vst v10  }
0x30a: {  	s19 =	sadd.s32 $0x400, s19;
	v2 =	vld.idx.msk [tilespmem:v13+s30+$0x0], $0xffff  }
0x30b: {  	v9 =	vld [tilespmem:s19+$0x170]  }
0x30c: {  	v10 =	vld [tilespmem:s19+$0xFFFFFE00]  }
0x30d: {  	v11 =	vld [tilespmem:s19+$0xFFFFFE10]  }
0x30e: {  	v12 =	vld [tilespmem:s19+$0xFFFFFE20]  }
0x30f: {  	v13 =	vld [tilespmem:s19+$0xFFFFFE30]  }
0x310: {  	v14 =	vld [tilespmem:s19+$0xFFFFFE40];
	v9 =	vmul.f32 v9, v2  }
0x311: {  	v10 =	vmul.f32 v10, v7;
	v15 =	vld [tilespmem:s19+$0xFFFFFE50]  }
0x312: {  	v11 =	vmul.f32 v11, v7;
	v16 =	vld [tilespmem:s19+$0xFFFFFE60];
	[tilespmem:s19+$0x170] =	vst v9  }
0x313: {  	[tilespmem:s19+$0xFFFFFE00] =	vst v10;
	v9 =	vmul.f32 v12, v7;
	v10 =	vld [tilespmem:s19+$0xFFFFFE70]  }
0x314: {  	[tilespmem:s19+$0xFFFFFE10] =	vst v11;
	v11 =	vmul.f32 v13, v7;
	v12 =	vld [tilespmem:s19+$0xFFFFFE80]  }
0x315: {  	[tilespmem:s19+$0xFFFFFE20] =	vst v9;
	v9 =	vmul.f32 v14, v7;
	v13 =	vld [tilespmem:s19+$0xFFFFFE90]  }
0x316: {  	[tilespmem:s19+$0xFFFFFE30] =	vst v11;
	v11 =	vmul.f32 v15, v7;
	v14 =	vld [tilespmem:s19+$0xFFFFFEA0]  }
0x317: {  	[tilespmem:s19+$0xFFFFFE40] =	vst v9;
	v9 =	vmul.f32 v16, v7;
	v15 =	vld [tilespmem:s19+$0xFFFFFEB0]  }
0x318: {  	[tilespmem:s19+$0xFFFFFE50] =	vst v11;
	v7 =	vmul.f32 v10, v7;
	v10 =	vld [tilespmem:s19+$0xFFFFFEC0]  }
0x319: {  	[tilespmem:s19+$0xFFFFFE60] =	vst v9;
	v9 =	vmul.f32 v12, v6;
	v11 =	vld [tilespmem:s19+$0xFFFFFED0]  }
0x31a: {  	[tilespmem:s19+$0xFFFFFE70] =	vst v7;
	v7 =	vmul.f32 v13, v6;
	v12 =	vld [tilespmem:s19+$0xFFFFFEE0]  }
0x31b: {  	[tilespmem:s19+$0xFFFFFE80] =	vst v9;
	v9 =	vmul.f32 v14, v6;
	v13 =	vld [tilespmem:s19+$0xFFFFFEF0]  }
0x31c: {  	[tilespmem:s19+$0xFFFFFE90] =	vst v7;
	v7 =	vmul.f32 v15, v6;
	v14 =	vld [tilespmem:s19+$0xFFFFFF00]  }
0x31d: {  	[tilespmem:s19+$0xFFFFFEA0] =	vst v9;
	v9 =	vmul.f32 v10, v6;
	v10 =	vld [tilespmem:s19+$0xFFFFFF10]  }
0x31e: {  	[tilespmem:s19+$0xFFFFFEB0] =	vst v7;
	v7 =	vmul.f32 v11, v6;
	v11 =	vld [tilespmem:s19+$0xFFFFFF20]  }
0x31f: {  	[tilespmem:s19+$0xFFFFFEC0] =	vst v9;
	v9 =	vmul.f32 v12, v6;
	v12 =	vld [tilespmem:s19+$0xFFFFFF30]  }
0x320: {  	[tilespmem:s19+$0xFFFFFED0] =	vst v7;
	v6 =	vmul.f32 v13, v6;
	v7 =	vld [tilespmem:s19+$0xFFFFFF40]  }
0x321: {  	[tilespmem:s19+$0xFFFFFEE0] =	vst v9;
	v9 =	vmul.f32 v14, v8;
	v13 =	vld [tilespmem:s19+$0xFFFFFF50]  }
0x322: {  	[tilespmem:s19+$0xFFFFFEF0] =	vst v6;
	v6 =	vmul.f32 v10, v8;
	v10 =	vld [tilespmem:s19+$0xFFFFFF60]  }
0x323: {  	[tilespmem:s19+$0xFFFFFF00] =	vst v9;
	v9 =	vmul.f32 v11, v8;
	v11 =	vld [tilespmem:s19+$0xFFFFFF70]  }
0x324: {  	[tilespmem:s19+$0xFFFFFF10] =	vst v6;
	v6 =	vmul.f32 v12, v8;
	v12 =	vld [tilespmem:s19+$0xFFFFFF80]  }
0x325: {  	[tilespmem:s19+$0xFFFFFF20] =	vst v9;
	v7 =	vmul.f32 v7, v8;
	v9 =	vld [tilespmem:s19+$0xFFFFFF90]  }
0x326: {  	[tilespmem:s19+$0xFFFFFF30] =	vst v6;
	v6 =	vmul.f32 v13, v8;
	v13 =	vld [tilespmem:s19+$0xFFFFFFA0]  }
0x327: {  	[tilespmem:s19+$0xFFFFFF40] =	vst v7;
	v7 =	vmul.f32 v10, v8;
	v10 =	vld [tilespmem:s19+$0xFFFFFFB0]  }
0x328: {  	[tilespmem:s19+$0xFFFFFF50] =	vst v6;
	v6 =	vmul.f32 v11, v8;
	v8 =	vld [tilespmem:s19+$0xFFFFFFC0]  }
0x329: {  	[tilespmem:s19+$0xFFFFFF60] =	vst v7;
	v7 =	vmul.f32 v12, v5;
	v11 =	vld [tilespmem:s19+$0xFFFFFFD0]  }
0x32a: {  	[tilespmem:s19+$0xFFFFFF70] =	vst v6;
	v6 =	vmul.f32 v9, v5;
	v9 =	vld [tilespmem:s19+$0xFFFFFFE0]  }
0x32b: {  	[tilespmem:s19+$0xFFFFFF80] =	vst v7;
	v7 =	vmul.f32 v13, v5;
	v12 =	vld [tilespmem:s19+$0xFFFFFFF0]  }
0x32c: {  	[tilespmem:s19+$0xFFFFFF90] =	vst v6;
	v6 =	vmul.f32 v10, v5;
	v10 =	vld [tilespmem:s19+$0x0]  }
0x32d: {  	[tilespmem:s19+$0xFFFFFFA0] =	vst v7;
	v7 =	vmul.f32 v8, v5;
	v8 =	vld [tilespmem:s19+$0x10]  }
0x32e: {  	[tilespmem:s19+$0xFFFFFFB0] =	vst v6;
	v6 =	vmul.f32 v11, v5;
	v11 =	vld [tilespmem:s19+$0x20]  }
0x32f: {  	[tilespmem:s19+$0xFFFFFFC0] =	vst v7;
	v7 =	vmul.f32 v9, v5;
	v9 =	vld [tilespmem:s19+$0x30]  }
0x330: {  	[tilespmem:s19+$0xFFFFFFD0] =	vst v6;
	v5 =	vmul.f32 v12, v5;
	v6 =	vld [tilespmem:s19+$0x40]  }
0x331: {  	[tilespmem:s19+$0xFFFFFFE0] =	vst v7;
	v7 =	vmul.f32 v10, v4;
	v10 =	vld [tilespmem:s19+$0x50]  }
0x332: {  	[tilespmem:s19+$0xFFFFFFF0] =	vst v5;
	v5 =	vmul.f32 v8, v4;
	v8 =	vld [tilespmem:s19+$0x60]  }
0x333: {  	[tilespmem:s19+$0x0] =	vst v7;
	v7 =	vmul.f32 v11, v4;
	v11 =	vld [tilespmem:s19+$0x70]  }
0x334: {  	[tilespmem:s19+$0x10] =	vst v5;
	v5 =	vmul.f32 v9, v4;
	v9 =	vld [tilespmem:s19+$0x80]  }
0x335: {  	[tilespmem:s19+$0x20] =	vst v7;
	v6 =	vmul.f32 v6, v4;
	v7 =	vld [tilespmem:s19+$0x90]  }
0x336: {  	[tilespmem:s19+$0x30] =	vst v5;
	v5 =	vmul.f32 v10, v4;
	v10 =	vld [tilespmem:s19+$0xA0]  }
0x337: {  	[tilespmem:s19+$0x40] =	vst v6;
	v6 =	vmul.f32 v8, v4;
	v8 =	vld [tilespmem:s19+$0xB0]  }
0x338: {  	[tilespmem:s19+$0x50] =	vst v5;
	v4 =	vmul.f32 v11, v4;
	v5 =	vld [tilespmem:s19+$0xC0]  }
0x339: {  	[tilespmem:s19+$0x60] =	vst v6;
	v6 =	vmul.f32 v9, v3;
	v9 =	vld [tilespmem:s19+$0xD0]  }
0x33a: {  	[tilespmem:s19+$0x70] =	vst v4;
	v4 =	vmul.f32 v7, v3;
	v7 =	vld [tilespmem:s19+$0xE0]  }
0x33b: {  	[tilespmem:s19+$0x80] =	vst v6;
	v6 =	vmul.f32 v10, v3;
	v10 =	vld [tilespmem:s19+$0xF0]  }
0x33c: {  	[tilespmem:s19+$0x90] =	vst v4;
	v4 =	vmul.f32 v8, v3;
	v8 =	vld [tilespmem:s19+$0x100]  }
0x33d: {  	[tilespmem:s19+$0xA0] =	vst v6;
	v5 =	vmul.f32 v5, v3;
	v6 =	vld [tilespmem:s19+$0x110]  }
0x33e: {  	[tilespmem:s19+$0xB0] =	vst v4;
	v4 =	vmul.f32 v9, v3;
	v9 =	vld [tilespmem:s19+$0x120]  }
0x33f: {  	[tilespmem:s19+$0xC0] =	vst v5;
	v5 =	vmul.f32 v7, v3;
	v7 =	vld [tilespmem:s19+$0x130]  }
0x340: {  	[tilespmem:s19+$0xD0] =	vst v4;
	v4 =	vmul.f32 v10, v3;
	v10 =	vld [tilespmem:s19+$0x140]  }
0x341: {  	s18 =	sadd.s32 $0x7, s10;
	v3 =	vmov s10;
	[tilespmem:s19+$0xE0] =	vst v5;
	v5 =	vmul.f32 v8, v2;
	v8 =	vld [tilespmem:s19+$0x150]  }
0x342: {  	s28 =	sadd.s32 $0x1, s10;
	s31 =	sadd.s32 $0x2, s10;
	v11 =	vand.u32 $0xFFFFFFF8, v3;
	v3 =	vmov s18;
	[tilespmem:s19+$0xF0] =	vst v4;
	v4 =	vmul.f32 v6, v2;
	v12 =	vld [tilespmem:s19+$0x160]  }
0x343: {  	v14 =	vmov s31;
	v13 =	vmov s28;
	s28 =	sadd.s32 $0x4, s10;
	s18 =	sadd.s32 $0x3, s10;
	[tilespmem:s19+$0x100] =	vst v5;
	v5 =	vmul.f32 v9, v2;
	v9 =	vld [tilespmem:s19+$0x180]  }
0x344: {  	v16 =	vmov s28;
	v15 =	vmov s18;
	s18 =	sadd.s32 $0x5, s10;
	[tilespmem:s19+$0x110] =	vst v4;
	v7 =	vmul.f32 v7, v2;
	v17 =	vld [tilespmem:s19+$0x190]  }
.Ltmp10:
0x345: {  	v4 =	vbroadcast v11, $0x0;
	v11 =	vmov s18;
	[tilespmem:s19+$0x120] =	vst v5;
	v10 =	vmul.f32 v10, v2;
	v6 =	vld [tilespmem:s19+$0x1A0];
	(pc) =	sbr.rel @p2 .LBB2_8-.Ltmp10, $4  }
0x346: {  	v5 =	vand.u32 $0xFFFFFFF9, v13;
	v13 =	vand.u32 $0xFFFFFFFA, v14;
	[tilespmem:s19+$0x130] =	vst v7;
	v14 =	vmul.f32 v8, v2;
	v7 =	vld [tilespmem:s19+$0x1B0]  }
0x347: {  	v18 =	vand.u32 $0xFFFFFFFB, v15;
	v5 =	vbroadcast v5, $0x0;
	[tilespmem:s19+$0x140] =	vst v10;
	v19 =	vmul.f32 v12, v2;
	v8 =	vld [tilespmem:s19+$0x1C0]  }
0x348: {  	v10 =	vbroadcast v13, $0x0;
	v2 =	vand.u32 $0xFFFFFFFC, v16;
	[tilespmem:s19+$0x150] =	vst v14;
	v15 =	vmul.f32 v9, v1;
	v9 =	vld [tilespmem:s19+$0x1D0]  }
0x349: {  	s18 =	sadd.s32 $0x6, s10;
	s10 =	sadd.s32 $0x8, s10;
	v12 =	vbroadcast v18, $0x0;
	v14 =	vand.u32 $0xFFFFFFFD, v11;
	[tilespmem:s19+$0x160] =	vst v19;
	v13 =	vmul.f32 v17, v1;
	v11 =	vld [tilespmem:s19+$0x1E0]  }
0x34a: {  	_ =	sdelay $0x2  }
0x34b: {  	v16 =	vld [tilespmem:s19+$0x1F0]  }
0x34c: {  	v18 =	vld.idx.msk [tilespmem:v4+s30+$0x0], $0xffff  }
0x34d: {  	v23 =	vld.idx.msk [tilespmem:v5+s30+$0x0], $0xffff  }
0x34e: {  	v22 =	vbroadcast v2, $0x0;
	v2 =	vmov s18;
	v10 =	vld.idx.msk [tilespmem:v10+s30+$0x0], $0xffff  }
0x34f: {  	v17 =	vand.u32 $0xFFFFFFFE, v2;
	v2 =	vld.idx.msk [tilespmem:v3+s30+$0x0], $0xffff  }
0x350: {  	s10 =	sadd.s32 $0x400, s19;
	v12 =	vld.idx.msk [tilespmem:v12+s30+$0x0], $0xffff  }
0x351: {  	v24 =	vld [tilespmem:s10+$0x170]  }
0x352: {  	v26 =	vld [tilespmem:s10+$0xFFFFFE00]  }
0x353: {  	v28 =	vld [tilespmem:s10+$0xFFFFFE10]  }
0x354: {  	[tilespmem:s19+$0x180] =	vst v15;
	v6 =	vmul.f32 v6, v1;
	v30 =	vld [tilespmem:s10+$0xFFFFFE20]  }
0x355: {  	[tilespmem:s19+$0x190] =	vst v13;
	v7 =	vmul.f32 v7, v1;
	v31 =	vld [tilespmem:s10+$0xFFFFFE30]  }
0x356: {  	v32 =	vld [tilespmem:s10+$0xFFFFFE40];
	[tilespmem:s19+$0x1A0] =	vst v6;
	v25 =	vmul.f32 v8, v1  }
0x357: {  	v33 =	vld [tilespmem:s10+$0xFFFFFE50];
	[tilespmem:s19+$0x1B0] =	vst v7;
	v27 =	vmul.f32 v9, v1  }
0x358: {  	v34 =	vld [tilespmem:s10+$0xFFFFFE60];
	[tilespmem:s19+$0x1C0] =	vst v25;
	v29 =	vmul.f32 v11, v1  }
0x359: {  	v35 =	vld [tilespmem:s10+$0xFFFFFE70];
	[tilespmem:s19+$0x1D0] =	vst v27;
	v1 =	vmul.f32 v16, v1  }
0x35a: {  	v36 =	vld [tilespmem:s10+$0xFFFFFE80];
	[tilespmem:s19+$0x1E0] =	vst v29;
	v9 =	vmul.f32 v28, v18  }
0x35b: {  	v37 =	vld [tilespmem:s10+$0xFFFFFE90];
	[tilespmem:s19+$0x1F0] =	vst v1;
	v1 =	vmul.f32 v26, v18  }
0x35c: {  	v39 =	vld [tilespmem:s10+$0xFFFFFEA0];
	v7 =	vmul.f32 v31, v18;
	[tilespmem:s10+$0xFFFFFE10] =	vst v9  }
0x35d: {  	v40 =	vld [tilespmem:s10+$0xFFFFFEB0];
	[tilespmem:s10+$0xFFFFFE00] =	vst v1;
	v1 =	vmul.f32 v30, v18  }
0x35e: {  	v42 =	vld [tilespmem:s10+$0xFFFFFEC0];
	v38 =	vmul.f32 v33, v18;
	[tilespmem:s10+$0xFFFFFE30] =	vst v7  }
0x35f: {  	v43 =	vld [tilespmem:s10+$0xFFFFFED0];
	[tilespmem:s10+$0xFFFFFE20] =	vst v1;
	v1 =	vmul.f32 v32, v18  }
0x360: {  	v44 =	vld [tilespmem:s10+$0xFFFFFEE0];
	v41 =	vmul.f32 v35, v18;
	[tilespmem:s10+$0xFFFFFE50] =	vst v38  }
0x361: {  	v45 =	vld [tilespmem:s10+$0xFFFFFEF0];
	[tilespmem:s10+$0xFFFFFE40] =	vst v1;
	v1 =	vmul.f32 v34, v18  }
0x362: {  	v47 =	vld [tilespmem:s10+$0xFFFFFF00];
	v6 =	vmul.f32 v37, v23;
	[tilespmem:s10+$0xFFFFFE70] =	vst v41  }
0x363: {  	v48 =	vld [tilespmem:s10+$0xFFFFFF10];
	[tilespmem:s10+$0xFFFFFE60] =	vst v1;
	v1 =	vmul.f32 v36, v23  }
0x364: {  	v50 =	vld [tilespmem:s10+$0xFFFFFF20];
	v46 =	vmul.f32 v40, v23;
	[tilespmem:s10+$0xFFFFFE90] =	vst v6  }
0x365: {  	v51 =	vld [tilespmem:s10+$0xFFFFFF30];
	[tilespmem:s10+$0xFFFFFE80] =	vst v1;
	v1 =	vmul.f32 v39, v23  }
0x366: {  	v53 =	vld [tilespmem:s10+$0xFFFFFF40];
	v49 =	vmul.f32 v43, v23;
	[tilespmem:s10+$0xFFFFFEB0] =	vst v46  }
0x367: {  	v54 =	vld [tilespmem:s10+$0xFFFFFF50];
	[tilespmem:s10+$0xFFFFFEA0] =	vst v1;
	v1 =	vmul.f32 v42, v23  }
0x368: {  	v56 =	vld [tilespmem:s10+$0xFFFFFF60];
	v52 =	vmul.f32 v45, v23;
	[tilespmem:s10+$0xFFFFFED0] =	vst v49  }
0x369: {  	v57 =	vld [tilespmem:s10+$0xFFFFFF70];
	[tilespmem:s10+$0xFFFFFEC0] =	vst v1;
	v1 =	vmul.f32 v44, v23  }
0x36a: {  	v14 =	vbroadcast v14, $0x0;
	v59 =	vld [tilespmem:s10+$0xFFFFFF80];
	v55 =	vmul.f32 v48, v10;
	[tilespmem:s10+$0xFFFFFEF0] =	vst v52  }
0x36b: {  	v60 =	vld [tilespmem:s10+$0xFFFFFF90];
	[tilespmem:s10+$0xFFFFFEE0] =	vst v1;
	v1 =	vmul.f32 v47, v10  }
0x36c: {  	v62 =	vld [tilespmem:s10+$0xFFFFFFA0];
	v58 =	vmul.f32 v51, v10;
	[tilespmem:s10+$0xFFFFFF10] =	vst v55  }
0x36d: {  	v63 =	vld [tilespmem:s10+$0xFFFFFFB0];
	v3 =	vbroadcast v17, $0x0;
	[tilespmem:s10+$0xFFFFFF00] =	vst v1;
	v1 =	vmul.f32 v50, v10  }
0x36e: {  	v15 =	vld [tilespmem:s10+$0xFFFFFFC0];
	v61 =	vmul.f32 v54, v10;
	[tilespmem:s10+$0xFFFFFF30] =	vst v58  }
0x36f: {  	v19 =	vld [tilespmem:s10+$0xFFFFFFF0];
	[tilespmem:s10+$0xFFFFFF20] =	vst v1;
	v1 =	vmul.f32 v53, v10  }
0x370: {  	v4 =	vld.idx.msk [tilespmem:v14+s30+$0x0], $0xffff;
	v14 =	vmul.f32 v57, v10;
	[tilespmem:s10+$0xFFFFFF50] =	vst v61  }
0x371: {  	v5 =	vld.idx.msk [tilespmem:v22+s30+$0x0], $0xffff;
	[tilespmem:s10+$0xFFFFFF40] =	vst v1;
	v1 =	vmul.f32 v56, v10  }
0x372: {  	v17 =	vmul.f32 v60, v12;
	v22 =	vld [tilespmem:s10+$0x10];
	[tilespmem:s10+$0xFFFFFF70] =	vst v14  }
0x373: {  	v3 =	vld.idx.msk [tilespmem:v3+s30+$0x0], $0xffff;
	[tilespmem:s10+$0xFFFFFF60] =	vst v1;
	v1 =	vmul.f32 v59, v12  }
0x374: {  	v20 =	vmul.f32 v63, v12;
	[tilespmem:s10+$0xFFFFFF90] =	vst v17;
	v18 =	vld [tilespmem:s10+$0xFFFFFFE0]  }
0x375: {  	v25 =	vld [tilespmem:s10+$0x30];
	[tilespmem:s10+$0xFFFFFF80] =	vst v1;
	v1 =	vmul.f32 v62, v12  }
0x376: {  	v21 =	vld [tilespmem:s10+$0x0];
	v26 =	vmul.f32 v19, v12;
	[tilespmem:s10+$0xFFFFFFB0] =	vst v20  }
0x377: {  	v28 =	vld [tilespmem:s10+$0x50];
	[tilespmem:s10+$0xFFFFFFA0] =	vst v1;
	v1 =	vmul.f32 v15, v12  }
0x378: {  	[tilespmem:s10+$0xFFFFFFF0] =	vst v26;
	v29 =	vmul.f32 v22, v5;
	v13 =	vmul.f32 v24, v3;
	v24 =	vld [tilespmem:s10+$0x20]  }
0x379: {  	v37 =	vld [tilespmem:s10+$0xB0];
	[tilespmem:s10+$0xFFFFFFC0] =	vst v1;
	v1 =	vmul.f32 v18, v12  }
0x37a: {  	v27 =	vld [tilespmem:s10+$0x40];
	v32 =	vmul.f32 v25, v5;
	[tilespmem:s10+$0x10] =	vst v29  }
0x37b: {  	[tilespmem:s10+$0xFFFFFFE0] =	vst v1;
	v1 =	vmul.f32 v21, v5  }
0x37c: {  	v30 =	vld [tilespmem:s10+$0x60];
	v35 =	vmul.f32 v28, v5;
	[tilespmem:s10+$0x30] =	vst v32  }
0x37d: {  	v45 =	vld [tilespmem:s10+$0x110];
	[tilespmem:s10+$0x0] =	vst v1;
	v1 =	vmul.f32 v24, v5  }
0x37e: {  	v33 =	vld [tilespmem:s10+$0x80];
	v43 =	vmul.f32 v37, v4;
	[tilespmem:s10+$0x50] =	vst v35  }
0x37f: {  	v48 =	vld [tilespmem:s10+$0x130];
	[tilespmem:s10+$0x20] =	vst v1;
	v1 =	vmul.f32 v27, v5  }
0x380: {  	[tilespmem:s10+$0xB0] =	vst v43;
	v36 =	vld [tilespmem:s10+$0xA0]  }
0x381: {  	v34 =	vld [tilespmem:s10+$0x90];
	[tilespmem:s10+$0x40] =	vst v1;
	v1 =	vmul.f32 v30, v5  }
0x382: {  	v38 =	vld [tilespmem:s10+$0xC0];
	v51 =	vmul.f32 v45, v3;
	[tilespmem:s10+$0x170] =	vst v13  }
0x383: {  	v16 =	vld [tilespmem:s10+$0xFFFFFFD0];
	[tilespmem:s10+$0x60] =	vst v1;
	v1 =	vmul.f32 v33, v4  }
0x384: {  	v41 =	vld [tilespmem:s10+$0xE0];
	v54 =	vmul.f32 v48, v3;
	[tilespmem:s10+$0x110] =	vst v51  }
0x385: {  	v39 =	vld [tilespmem:s10+$0xD0];
	[tilespmem:s10+$0x80] =	vst v1;
	v1 =	vmul.f32 v36, v4  }
0x386: {  	[tilespmem:s10+$0x130] =	vst v54;
	v40 =	vmul.f32 v34, v4;
	v44 =	vld [tilespmem:s10+$0x100]  }
0x387: {  	v50 =	vld [tilespmem:s10+$0x150];
	[tilespmem:s10+$0xA0] =	vst v1;
	v1 =	vmul.f32 v38, v4  }
0x388: {  	[tilespmem:s10+$0x90] =	vst v40;
	v23 =	vmul.f32 v16, v12;
	v47 =	vld [tilespmem:s10+$0x120]  }
0x389: {  	v53 =	vld [tilespmem:s10+$0x180];
	[tilespmem:s10+$0xC0] =	vst v1;
	v1 =	vmul.f32 v41, v4  }
0x38a: {  	v49 =	vld [tilespmem:s10+$0x140];
	v46 =	vmul.f32 v39, v4;
	[tilespmem:s10+$0xFFFFFFD0] =	vst v23  }
0x38b: {  	v56 =	vld [tilespmem:s10+$0x1A0];
	[tilespmem:s10+$0xE0] =	vst v1;
	v1 =	vmul.f32 v44, v3  }
0x38c: {  	v52 =	vld [tilespmem:s10+$0x160];
	[tilespmem:s10+$0xD0] =	vst v46;
	v57 =	vmul.f32 v50, v3  }
0x38d: {  	v31 =	vld [tilespmem:s10+$0x70];
	[tilespmem:s10+$0x100] =	vst v1;
	v1 =	vmul.f32 v47, v3  }
0x38e: {  	v55 =	vld [tilespmem:s10+$0x190];
	[tilespmem:s10+$0x150] =	vst v57;
	v59 =	vmul.f32 v53, v2  }
0x38f: {  	v42 =	vld [tilespmem:s10+$0xF0];
	[tilespmem:s10+$0x120] =	vst v1;
	v1 =	vmul.f32 v49, v3  }
0x390: {  	v58 =	vld [tilespmem:s10+$0x1B0];
	[tilespmem:s10+$0x180] =	vst v59;
	v62 =	vmul.f32 v56, v2  }
0x391: {  	[tilespmem:s10+$0x140] =	vst v1;
	v1 =	vmul.f32 v52, v3;
	v3 =	vld [tilespmem:s10+$0x1C0]  }
0x392: {  	v60 =	vld [tilespmem:s10+$0x1D0];
	[tilespmem:s10+$0x1A0] =	vst v62;
	v5 =	vmul.f32 v31, v5  }
0x393: {  	v61 =	vld [tilespmem:s10+$0x1E0];
	[tilespmem:s10+$0x160] =	vst v1;
	v1 =	vmul.f32 v55, v2  }
0x394: {  	v63 =	vld [tilespmem:s10+$0x1F0];
	[tilespmem:s10+$0x70] =	vst v5;
	v4 =	vmul.f32 v42, v4  }
0x395: {  	[tilespmem:s10+$0x190] =	vst v1;
	v1 =	vmul.f32 v58, v2  }
0x396: {  	[tilespmem:s10+$0xF0] =	vst v4;
	v3 =	vmul.f32 v3, v2  }
0x397: {  	[tilespmem:s10+$0x1B0] =	vst v1;
	v1 =	vmul.f32 v60, v2  }
0x398: {  	s8 =	smin.u32 s8, $0x134;
	[tilespmem:s10+$0x1C0] =	vst v3;
	v3 =	vmul.f32 v61, v2  }
0x399: {  	s8 =	sshll.u32 s8, $0x6;
	[tilespmem:s10+$0x1D0] =	vst v1;
	v1 =	vmul.f32 v63, v2  }
0x39a: {  	s8 =	sadd.s32 s8, s16;
	[tilespmem:s10+$0x1E0] =	vst v3  }
0x39b: {  	s24 =	sadd.s32 $0x1, s24;
	s8 =	sshrl.u32 s8, $0x3;
	[tilespmem:s10+$0x1F0] =	vst v1  }
0x39c: {  	[spmem:s2] =	stream.indirect.scatter.add.f32 [tilespmem:s21], [sflag:$0x5], $0x80, s20, s9, $0xb8;
	[tilespmem:$0x1C500] =	vst v63  }
0x39d: {  	p2 =	sne.s32 s24, $0x9C;
	s28 =	sadd.s32 s4, s8  }
0x39e: {  	[tilespmem:s13], [sflag:$0x2] =	stream.linear.gather [hbm4b:s28+s3], $0x40, $0x38;
	[tilespmem:$0x1C500] =	vst v63  }
.Ltmp11:
0x39f: {  	_ = 	snop;
	(pc) =	sbr.rel @p2 .LBB2_5-.Ltmp11, $4  }
0x3a0: {  	s31 =	sadd.s32 s5, s8  }
0x3a1: {  	[tilespmem:s29], [sflag:$0x2] =	stream.linear.gather [hbm4b:s31+s3], $0x40, $0x38;
	[tilespmem:$0x1C500] =	vst v63  }
0x3a2: {  	s8 =	sadd.s32 s6, s8  }
0x3a3: {  	[tilespmem:s30], [sflag:$0x2] =	stream.linear.gather [hbm4b:s8+s3], $0x40, $0x38;
	[tilespmem:$0x1C500] =	vst v63  }
0x3a4: {  	_ =	swait.ge [sflag:s14], $0x2000  }
0x3a5: {  	[sflag:s14] =	ssyncset.done $0x0  }
0x3a6: {  	[sflag:s14] =	ssyncadd.s32 $0xFFFFE000  }
0x3a7: {  	_ =	swait.ge [sflag:s17], $0x40  }
0x3a8: {  	[sflag:s17] =	ssyncset.done $0x0  }
0x3a9: {  	[sflag:s17] =	ssyncadd.s32 $0xFFFFFFC0  }
0x3aa: {  	_ =	swait.ge [sflag:s17], $0x40  }
0x3ab: {  	[sflag:s17] =	ssyncset.done $0x0  }
0x3ac: {  	[sflag:s17] =	ssyncadd.s32 $0xFFFFFFC0  }
0x3ad: {  	_ =	swait.ge [sflag:s17], $0x40  }
0x3ae: {  	[sflag:s17] =	ssyncset.done $0x0  }
0x3af: {  	s8 =	simm.s32 $0x5;
	[sflag:s17] =	ssyncadd.s32 $0xFFFFFFC0  }
0x3b0: {  	_ =	swait.ge [sflag:s8], $0x2000  }
0x3b1: {  	s18 =	simm.s32 $0x8400;
	s24 =	simm.s32 $0x6;
	[sflag:s8] =	ssyncset.done $0x0  }
0x3b2: {  	s10 =	rddreg [dreg:$0xb];
	[sflag:s8] =	ssyncadd.s32 $0xFFFFE000;
	s8 =	simm.s32 $0x0  }
0x3b3: {  	[tilespmem:s18], [sflag:$0x6] =	stream.linear.gather [hbm4b:s10+s8], $0x20, $0x38;
	[tilespmem:$0x1C500] =	vst v63  }
0x3b4: {  	_ =	swait.ge [sflag:s24], $0x20  }
0x3b5: {  	[sflag:s24] =	ssyncset.done $0x0  }
0x3b6: {  	s23 =	simm.s32 $0x8480;
	s19 =	rddreg [dreg:$0xc];
	[sflag:s24] =	ssyncadd.s32 $0xFFFFFFE0  }
0x3b7: {  	[tilespmem:s23], [sflag:$0x6] =	stream.linear.gather [hbm4b:s19+s8], $0x20, $0x38;
	[tilespmem:$0x1C500] =	vst v63  }
0x3b8: {  	_ =	swait.ge [sflag:s24], $0x20  }
0x3b9: {  	[sflag:s24] =	ssyncset.done $0x0  }
0x3ba: {  	s28 =	simm.s32 $0x20;
	[sflag:s24] =	ssyncadd.s32 $0xFFFFFFE0  }
0x3bb: {  	[tilespmem:s8], [sflag:$0x3] =	stream.indirect.gather [hbm4b:s1+s28], $0x80, s18, s28, $0xb8;
	[tilespmem:$0x1C500] =	vst v63  }
0x3bc: {  	_ =	swait.ge [sflag:s14], $0x1000  }
0x3bd: {  	[sflag:s14] =	ssyncset.done $0x0  }
0x3be: {  	s31 =	rddreg [dreg:$0xd];
	[sflag:s14] =	ssyncadd.s32 $0xFFFFF000  }
0x3bf: {  	[tilespmem:s26], [sflag:$0x6] =	stream.linear.gather [hbm4b:s31+s8], $0x20, $0x38;
	[tilespmem:$0x1C500] =	vst v63  }
0x3c0: {  	_ =	swait.ge [sflag:s24], $0x20  }
0x3c1: {  	v1 =	vmov s8;
	[sflag:s24] =	ssyncset.done $0x0  }
0x3c2: {  	s8 =	simm.s32 $0x40;
	[sflag:s24] =	ssyncadd.s32 $0xFFFFFFE0  }
0x3c3: {  	v5 =	vld [tilespmem:s8+$0x30]  }
0x3c4: {  	v8 =	vld [tilespmem:s8+$0x10]  }
0x3c5: {  	v6 =	vld [tilespmem:s8+$0xFFFFFFC0]  }
0x3c6: {  	v2 =	vld.idx.msk [tilespmem:v1+s26+$0x0], $0xffff  }
0x3c7: {  	v10 =	vld [tilespmem:s8+$0xFFFFFFE0]  }
0x3c8: {  	v1 =	vld [tilespmem:s8+$0xFFFFFFF0]  }
0x3c9: {  	v3 =	vld [tilespmem:s8+$0x20]  }
0x3ca: {  	v4 =	vld [tilespmem:s8+$0xFFFFFFD0]  }
0x3cb: {  	v9 =	vmul.f32 v5, v2;
	v5 =	vld [tilespmem:s8+$0x0]  }
0x3cc: {  	v7 =	vmul.f32 v6, v2  }
0x3cd: {  	s10 =	simm.s32 $0x1;
	s19 =	simm.s32 $0x40;
	v6 =	vmul.f32 v10, v2;
	v8 =	vmul.f32 v8, v2  }
.LBB2_11:
0x3ce: {  	p2 =	seq.s32 s10, $0x1F  }
0x3cf: {  	v4 =	vmul.f32 v4, v2;
	v3 =	vmul.f32 v3, v2;
	[tilespmem:s8+$0x30] =	vst v9;
	s19 =	sadd.s32 $0x80, s19;
	s18 =	smov.u32 s10;
	s10 =	sadd.s32 $0x1, s10  }
0x3d0: {  	[tilespmem:s8+$0xFFFFFFC0] =	vst v7;
	v7 =	vmul.f32 v1, v2;
	v2 =	vmul.f32 v5, v2  }
0x3d1: {  	[tilespmem:s8+$0x10] =	vst v8  }
0x3d2: {  	v5 =	vmov s18;
	[tilespmem:s8+$0xFFFFFFE0] =	vst v6  }
0x3d3: {  	v1 =	vld [tilespmem:s19+$0xFFFFFFF0];
	[tilespmem:s8+$0xFFFFFFF0] =	vst v7  }
0x3d4: {  	v6 =	vld [tilespmem:s19+$0x30];
	[tilespmem:s8+$0x0] =	vst v2  }
0x3d5: {  	v8 =	vld [tilespmem:s19+$0x10];
	[tilespmem:s8+$0x20] =	vst v3  }
0x3d6: {  	v7 =	vld [tilespmem:s19+$0xFFFFFFC0];
	[tilespmem:s8+$0xFFFFFFD0] =	vst v4;
	s8 =	smov.u32 s19  }
0x3d7: {  	v2 =	vld.idx.msk [tilespmem:v5+s26+$0x0], $0xffff  }
0x3d8: {  	v10 =	vld [tilespmem:s19+$0xFFFFFFE0]  }
0x3d9: {  	v3 =	vld [tilespmem:s19+$0x20]  }
.Ltmp12:
0x3da: {  	v4 =	vld [tilespmem:s19+$0xFFFFFFD0];
	(pc) =	sbr.rel @!p2 .LBB2_11-.Ltmp12, $3  }
0x3db: {  	v5 =	vld [tilespmem:s19+$0x0];
	_ =	sdelay $0x1  }
0x3dc: {  	v7 =	vmul.f32 v7, v2;
	v9 =	vmul.f32 v6, v2  }
0x3dd: {  	v8 =	vmul.f32 v8, v2;
	v6 =	vmul.f32 v10, v2  }
0x3de: {  	[tilespmem:s8+$0x30] =	vst v9  }
0x3df: {  	[tilespmem:s8+$0xFFFFFFC0] =	vst v7  }
0x3e0: {  	v1 =	vmul.f32 v1, v2;
	[tilespmem:s8+$0x10] =	vst v8  }
.Ltmp13:
0x3e1: {  	v3 =	vmul.f32 v3, v2;
	[tilespmem:s8+$0xFFFFFFE0] =	vst v6;
	(pc) =	sbr.rel .LBB2_22-.Ltmp13, $4  }
0x3e2: {  	v5 =	vmul.f32 v5, v2;
	[tilespmem:s8+$0xFFFFFFF0] =	vst v1  }
0x3e3: {  	v1 =	vmul.f32 v4, v2;
	[tilespmem:s8+$0x20] =	vst v3  }
0x3e4: {  	[tilespmem:s8+$0x0] =	vst v5  }
0x3e5: {  	s18 =	rddreg [dreg:$0x13];
	[tilespmem:s8+$0xFFFFFFD0] =	vst v1  }
.LBB2_23:
0x3e6: {  	_ =	sfence.sel $0x180000  }
0x3e7: {  	[bflag:$0x0] =	sbarrier.arrive $0xFFFF  }
0x3e8: {  	_ =	strace $0x9000004D  }
0x3e9: {  	[bflag:$0x2] =	sbarrier.arrive $0xFFFF  }
0x3ea: {  	s0 =	rddreg [dreg:$0x3]  }
0x3eb: {  	s0 =	sadd.s32 @!p1 $0x100000, s0  }
0x3ec: {  	[sflag:s0] =	ssyncadd.tile.s32 @!p1 $0x1;
	_ =	shalt  }
.Lfunc_end2:
_tile_overlayer_lowered:
.L_overlay_start_2:
0x3ed: {  	(tag) =	ssettag $0x2  }
0x3ee: {  	s0 =	rddreg [dreg:$0x0];
	s2 =	stileid.u32  }
0x3ef: {  	s1 =	rddreg [dreg:$0x1];
	p0 =	sne.s32 s2, $0x0  }
0x3f0: {  	s3 =	rddreg [dreg:$0x2];
	[bflag:$0x3] =	sbarrier.arrive $0xFFFF;
	s2 =	simm.s32 @!p0 $0x1C06  }
0x3f1: {  	[timem:s3], [sflag:s2] =	dma.local @!p0 [hbm:s0], s1  }
0x3f2: {  	s0 =	simm.s32 @!p0 $0x6  }
0x3f3: {  	_ =	swait.ge @!p0 [sflag:s0], s1  }
0x3f4: {  	s1 =	ssub.s32 @!p0 $0x0, s1;
	[sflag:s0] =	ssyncset.done @!p0 $0x0  }
0x3f5: {  	[sflag:s0] =	ssyncadd.s32 @!p0 s1  }
0x3f6: {  	[bflag:$0x3] =	sbarrier.arrive $0xFFFF  }
0x3f7: {  	_ =	shalt  }

// kernel: kernel.8.cloned.1.call-start
scs
__scs_entry_jumppad:
0x0: {  	(pc) =	sbr.rel $0x88, $3  }
0x1: {  	(tag) =	ssettag $0x0;
	lr =	simm.s32 $0x1  }
0x2: {  	[smem:$0x3F96] =	sst lr;
	_ =	strace $0xD0000000  }
0x3: {  	_ = 	snop  }
0x4: {  	_ = 	snop  }
0x5: {  	_ = 	snop  }
0x6: {  	_ = 	snop  }
0x7: {  	_ = 	snop  }
__scs_overlays_trampoline_lowered:
0x8: {  	[smem:$0x3FA5] =	sst s0  }
0x9: {  	[smem:$0x3FA6] =	sst s1  }
0xa: {  	[smem:$0x3FA7] =	sst s2  }
0xb: {  	[smem:$0x3FA8] =	sst s3  }
0xc: {  	[smem:$0x3FA9] =	sst s4  }
0xd: {  	[smem:$0x3FAA] =	sst s5  }
0xe: {  	[smem:$0x3FAB] =	sst s6  }
0xf: {  	[smem:$0x3FAC] =	sst s7  }
0x10: {  	[smem:$0x3FAD] =	sst s8  }
0x11: {  	[smem:$0x3FAE] =	sst s9;
	s0 =	simm.s32 @!p0 $0x0  }
0x12: {  	s1 =	sld [smem:$0x3F94];
	s0 =	simm.s32 @p0 $0x1  }
0x13: {  	[smem:$0x3FAF] =	sst s0;
	s0 =	simm.s32 @!p1 $0x0  }
0x14: {  	s2 =	sld [smem:$0x3F93];
	s0 =	simm.s32 @p1 $0x1  }
0x15: {  	[smem:$0x3FB0] =	sst s0;
	s0 =	simm.s32 @!p2 $0x0  }
0x16: {  	s3 =	sld [smem:$0x3FDB];
	s0 =	simm.s32 @p2 $0x1  }
0x17: {  	s4 =	simm.s32 $0x1BF5;
	[smem:$0x3FB2] =	sst s0  }
0x18: {  	s0 =	sld [smem:$0x3F95];
	_ =	swait.ge [sflag:s4], $0x0  }
0x19: {  	s7 =	sld [smem:$0x3F96]  }
0x1a: {  	s8 =	sadd.s32 $0xFFFFE003, lr  }
0x1b: {  	s9 =	sadd.s32 $0xFFFFFEF7, lr;
	s5 =	simm.s32 $0xFFFFFFFF;
	p2 =	slt.u32 s8, $0xFFFFF086  }
0x1c: {  	p1 =	slt.u32 s9, $0xF7A;
	s5 =	simm.s32 @!p2 $0x0  }
0x1d: {  	s5 =	simm.s32 @p1 $0x1;
	p0 =	seq.s32 s7, s2  }
0x1e: {  	s7 =	smul.u32 @!p0 $0xF7A, s2;
	p2 =	seq.s32 @!p0 s5, $0x0  }
0x1f: {  	s9 =	smul.u32 $0xF7A, s1;
	s8 =	simm.s32 @!p0 $0x1BF5;
	p2 =	por !p2, p0  }
0x20: {  	[sflag:s8] =	ssyncset.s32 @!p0 $0xFFFFF086;
	s6 =	sadd.s32 @!p0 s3, s7;
	s7 =	simm.s32 @!p0 $0x108  }
0x21: {  	s3 =	sadd.s32 s3, s9;
	s6 =	sadd.s32 @!p0 $0x88, s6;
	s7 =	simm.s32 @p2 $0x1082  }
0x22: {  	[simem:s7], [sflag:s8] =	dma.local @!p0 [hbm:s6], $0xF7A  }
0x23: {  	s9 =	sor.u32 $0xD0000000, s2;
	s6 =	simm.s32 $0x108;
	_ =	swait.ge @!p0 [sflag:s8], $0x0  }
0x24: {  	s3 =	sadd.s32 $0x88, s3;
	s6 =	simm.s32 @!p1 $0x1082;
	[sflag:s4] =	ssyncset.s32 $0xFFFFF086  }
0x25: {  	[simem:s6], [sflag:s4] =	dma.local [hbm:s3], $0xF7A  }
0x26: {  	[smem:$0x3F96] =	sst s1;
	(tag) =	ssettag s2;
	_ =	strace s9  }
0x27: {  	s1 =	sld [smem:$0x3FA6]  }
0x28: {  	s2 =	sld [smem:$0x3FA7]  }
0x29: {  	s4 =	sld [smem:$0x3FA9]  }
0x2a: {  	p0 =	seq.s32 s5, $0x0;
	s5 =	sld [smem:$0x3FAA]  }
0x2b: {  	s6 =	sld [smem:$0x3FAB]  }
0x2c: {  	s7 =	sld [smem:$0x3FAC]  }
0x2d: {  	s3 =	simm.s32 $0x108;
	s8 =	sld [smem:$0x3FAD]  }
0x2e: {  	s3 =	simm.s32 @!p0 $0x1082;
	s9 =	sld [smem:$0x3FAE]  }
0x2f: {  	lr =	sadd.s32 s0, s3;
	s0 =	sld [smem:$0x3FA5]  }
0x30: {  	s3 =	sld [smem:$0x3FA8]  }
0x31: {  	[smem:$0x3FB1] =	sst s10  }
0x32: {  	s10 =	sld [smem:$0x3FAF];
	_ =	sdelay $0x3  }
0x33: {  	p0 =	seq.s32 s10, $0x1;
	s10 =	sld [smem:$0x3FB1];
	_ =	sdelay $0x3  }
0x34: {  	[smem:$0x3FB1] =	sst s10  }
0x35: {  	s10 =	sld [smem:$0x3FB0];
	_ =	sdelay $0x3  }
0x36: {  	p1 =	seq.s32 s10, $0x1;
	s10 =	sld [smem:$0x3FB1];
	_ =	sdelay $0x3  }
0x37: {  	[smem:$0x3FB1] =	sst s10  }
0x38: {  	s10 =	sld [smem:$0x3FB2]  }
0x39: {  	_ = 	snop;
	(pc) =	sbr.ind lr, $3  }
0x3a: {  	_ = 	snop  }
0x3b: {  	_ = 	snop  }
0x3c: {  	p2 =	seq.s32 s10, $0x1;
	s10 =	sld [smem:$0x3FB1]  }
0x3d: {  	_ =	shalt  }
0x3e: {  	_ =	shalt  }
0x3f: {  	_ =	shalt  }
0x40: {  	_ =	shalt  }
0x41: {  	_ =	shalt  }
0x42: {  	_ =	shalt  }
0x43: {  	_ =	shalt  }
0x44: {  	_ =	shalt  }
0x45: {  	_ =	shalt  }
0x46: {  	_ =	shalt  }
0x47: {  	_ =	shalt  }
0x48: {  	_ =	shalt  }
0x49: {  	_ =	shalt  }
0x4a: {  	_ =	shalt  }
0x4b: {  	_ =	shalt  }
0x4c: {  	_ =	shalt  }
0x4d: {  	_ =	shalt  }
0x4e: {  	_ =	shalt  }
0x4f: {  	_ =	shalt  }
0x50: {  	_ =	shalt  }
0x51: {  	_ =	shalt  }
0x52: {  	_ =	shalt  }
0x53: {  	_ =	shalt  }
0x54: {  	_ =	shalt  }
0x55: {  	_ =	shalt  }
0x56: {  	_ =	shalt  }
0x57: {  	_ =	shalt  }
0x58: {  	_ =	shalt  }
0x59: {  	_ =	shalt  }
0x5a: {  	_ =	shalt  }
0x5b: {  	_ =	shalt  }
0x5c: {  	_ =	shalt  }
0x5d: {  	_ =	shalt  }
0x5e: {  	_ =	shalt  }
0x5f: {  	_ =	shalt  }
0x60: {  	_ =	shalt  }
0x61: {  	_ =	shalt  }
0x62: {  	_ =	shalt  }
0x63: {  	_ =	shalt  }
0x64: {  	_ =	shalt  }
0x65: {  	_ =	shalt  }
0x66: {  	_ =	shalt  }
0x67: {  	_ =	shalt  }
0x68: {  	_ =	shalt  }
0x69: {  	_ =	shalt  }
0x6a: {  	_ =	shalt  }
0x6b: {  	_ =	shalt  }
0x6c: {  	_ =	shalt  }
0x6d: {  	_ =	shalt  }
0x6e: {  	_ =	shalt  }
0x6f: {  	_ =	shalt  }
0x70: {  	_ =	shalt  }
0x71: {  	_ =	shalt  }
0x72: {  	_ =	shalt  }
0x73: {  	_ =	shalt  }
0x74: {  	_ =	shalt  }
0x75: {  	_ =	shalt  }
0x76: {  	_ =	shalt  }
0x77: {  	_ =	shalt  }
0x78: {  	_ =	shalt  }
0x79: {  	_ =	shalt  }
0x7a: {  	_ =	shalt  }
0x7b: {  	_ =	shalt  }
0x7c: {  	_ =	shalt  }
0x7d: {  	_ =	shalt  }
0x7e: {  	_ =	shalt  }
0x7f: {  	_ =	shalt  }
0x80: {  	_ =	shalt  }
0x81: {  	_ =	shalt  }
0x82: {  	_ =	shalt  }
0x83: {  	_ =	shalt  }
0x84: {  	_ =	shalt  }
0x85: {  	_ =	shalt  }
0x86: {  	_ =	shalt  }
0x87: {  	_ =	shalt  }
.Lfunc_end0:
.L_simem_size_0:
called_computation_lowered:
.L_overlay_start_0:
0x88: {  	s2 =	sld [smem:$0x3FD9]  }
0x89: {  	s3 =	sld [smem:$0x3FFE];
	_ =	sdelay $0x1  }
0x8a: {  	s1 =	srdreg.scid  }
0x8b: {  	s0 =	sand.u32 $0x1, s1  }
0x8c: {  	s14 =	sshll.u32 s0, $0xA;
	s2 =	sadd.s32 s3, s2  }
0x8d: {  	s2 =	sadd.s32 s2, s14  }
0x8e: {  	[smem:$0x3FBD] =	sst s2  }
0x8f: {  	_ = 	snop  }
0x90: {  	s2 =	sld [smem:$0x3FD0];
	_ =	sdelay $0x2  }
0x91: {  	s15 =	simm.s32 $0xA;
	s4 =	simm.s32 $0x10  }
0x92: {  	[smem:s4], [sflag:s15] =	dma.local [hbm:s2], $0x1  }
0x93: {  	_ =	swait.eq [sflag:s15], $0x1  }
0x94: {  	[sflag:s15] =	ssyncset.done $0x0  }
0x95: {  	[sflag:s15] =	ssyncadd.s32 $0xFFFFFFFF  }
0x96: {  	s16 =	sld [smem:$0x11];
	(tm) =	ssettm $0x1  }
0x97: {  	s17 =	sld [smem:$0x3FFB];
	_ =	sdelay $0x3  }
0x98: {  	_ =	strace s17  }
0x99: {  	s3 =	sld [smem:$0x3FFC];
	_ =	sdelay $0x3  }
0x9a: {  	_ =	strace s3  }
0x9b: {  	s3 =	sld [smem:$0x3FFD];
	_ =	sdelay $0x3  }
0x9c: {  	_ =	strace s3  }
0x9d: {  	_ =	strace $0x8FFFFFFF  }
0x9e: {  	s18 =	sld [smem:$0x3FDB];
	_ =	sdelay $0x1  }
0x9f: {  	s19 =	simm.s32 $_scs_section_size  }
0xa0: {  	s5 =	simm.s32 $_size__tile_overlayer_lowered;
	s6 =	simm.s32 $_tile_overlayer_lowered  }
0xa1: {  	s22 =	simm.s32 $0x1BFF;
	s21 =	sshll.u32 s6, $0x1;
	s3 =	sadd.s32 s19, s18  }
0xa2: {  	s7 =	simm.s32 $0x0;
	s20 =	sshll.u32 s5, $0x1;
	s5 =	sadd.s32 s21, s3  }
0xa3: {  	[timem:s7], [sflag:s22] =	dma.local [hbm:s5], s20  }
0xa4: {  	_ =	swait.ge [sflag:s22], s20  }
0xa5: {  	s4 =	ssub.s32 $0x0, s20;
	[sflag:s22] =	ssyncset.done $0x0  }
0xa6: {  	[sflag:s22] =	ssyncadd.s32 s4;
	_ =	sdelay $0x1  }
0xa7: {  	s23 =	simm.s32 $0x1B8B  }
0xa8: {  	_ =	swait.ge [sflag:s23], $0x1  }
0xa9: {  	[sflag:s23] =	ssyncset.done $0x0  }
0xaa: {  	s25 =	simm.s32 $0x1B8E;
	s24 =	sld [smem:$0x3FFE];
	[sflag:s23] =	ssyncadd.s32 $0xFFFFFFFF  }
0xab: {  	s26 =	simm.s32 $execute0_lowered;
	[smem:$0x3FD2] =	sst s25  }
0xac: {  	s5 =	sshll.u32 s26, $0x1;
	_ =	strace $0x80000046;
	[dreg:$0x1] =	wrdreg $0xFFFFFFFF  }
0xad: {  	s28 =	simm.s32 $_size_execute0_lowered;
	s3 =	sadd.s32 s3, s5;
	[dreg:$0x0] =	wrdreg $0x0  }
0xae: {  	s5 =	sshll.u32 s28, $0x1;
	[dreg:$0x2] =	wrdreg s3  }
0xaf: {  	[dreg:$0x3] =	wrdreg s5  }
0xb0: {  	[dreg:$0x4] =	wrdreg $0xC0  }
0xb1: {  	_ =	task [dreg:s7], $0x5FFFF  }
0xb2: {  	[dreg:$0x1] =	wrdreg $0xFFFFFFFF  }
0xb3: {  	[dreg:$0x0] =	wrdreg $0x60  }
0xb4: {  	[dreg:$0x2] =	wrdreg s24  }
0xb5: {  	[dreg:$0x3] =	wrdreg s16  }
0xb6: {  	[dreg:$0x4] =	wrdreg $0x11B000  }
0xb7: {  	[dreg:$0x5] =	wrdreg $0x9  }
0xb8: {  	_ =	task.clear_ibuf [dreg:s7], $0x6FFFF;
	_ =	strace $0x90000046  }
0xb9: {  	s29 =	simm.s32 $0x9;
	_ =	strace $0x80000048  }
0xba: {  	_ =	swait.ge [sflag:s29], $0x1  }
0xbb: {  	[sflag:s29] =	ssyncadd.s32 $0xFFFFFFFF  }
0xbc: {  	_ =	strace $0x90000048  }
0xbd: {  	_ =	sfence  }
0xbe: {  	s30 =	sld [smem:$0x0];
	_ =	sdelay $0x2  }
0xbf: {  	s31 =	sshll.u32 s1, $0xD;
	s1 =	sshrl.u32 s1, $0x2  }
0xc0: {  	s3 =	sand.u32 $0x4000, s31;
	s1 =	sadd.s32 s1, s30  }
0xc1: {  	s0 =	sor.u32 s3, s0;
	s1 =	sshll.u32 s1, $0x11  }
0xc2: {  	s0 =	sor.u32 s1, s0  }
0xc3: {  	s0 =	sadd.s32 $0x8F2B, s0  }
0xc4: {  	[sflag:s0] =	ssyncadd.remote.s32 $0x1  }
0xc5: {  	_ =	sfence.sel $0xFFFF  }
0xc6: {  	[dreg:$0x0] =	wrdreg $0xFFFFFFFF;
	(pc) =	sbr.abs _section_cstart, $3  }
0xc7: {  	[dreg:$0x1] =	wrdreg $0xFFFFFFFF  }
0xc8: {  	_ =	task.clear_ibuf [dreg:s7], $0x2FFFF;
	_ =	strace $0x9FFFFFFF  }
0xc9: {  	(tm) =	ssettm $0x7FFFFFFF  }
tec
execute0_lowered:
.L_overlay_start_1:
0x0: {  	(tag) =	ssettag $0x1  }
0x1: {  	s0 =	rddreg [dreg:$0x0]  }
0x2: {  	s1 =	rddreg [dreg:$0x1]  }
0x3: {  	s3 =	rddreg [dreg:$0x2]  }
0x4: {  	s2 =	simm.s32 $0x0;
	s4 =	srdreg.scid;
	s9 =	stileid.u32  }
0x5: {  	s29 =	simm.s32 $0x1;
	s30 =	simm.s32 $0xEE00;
	s31 =	simm.s32 $0x80  }
0x6: {  	[smem:$0x7FF] =	sst s2;
	s4 =	sand.u32 $0x1, s4;
	s6 =	sadd.s32 $0x593C00, s0  }
0x7: {  	s5 =	sshll.u32 s9, $0x1;
	s7 =	sadd.s32 $0x594200, s0;
	s21 =	smul.u32 $0x5000, s9  }
0x8: {  	s8 =	sshrl.u32 s9, $0x3;
	s23 =	sshll.u32 s9, $0x7;
	s25 =	smul.u32 $0x280, s9  }
0x9: {  	_ =	strace $0x80000047;
	s5 =	sor.u32 s4, s5;
	s18 =	smul.u32 $0x50000, s8  }
0xa: {  	[dreg:$0x4] =	wrdreg s6;
	s16 =	ssub.s32 $0x2, s4;
	s26 =	smul.u32 $0x2800, s4  }
0xb: {  	[dreg:$0x5] =	wrdreg s7;
	s8 =	sand.u32 $0x380, s23;
	s5 =	smul.u32 $0x4E2, s5  }
0xc: {  	s4 =	simm.s32 $0x11600;
	s17 =	sshrl.u32 s16, $0x1;
	s7 =	sshrl.u32 s21, $0x2  }
0xd: {  	s6 =	sshrl.u32 s18, $0x2;
	s10 =	sadd.s32 s7, s3;
	s0 =	sadd.s32 s5, s0  }
0xe: {  	s5 =	ssub.s32 s16, s17;
	s6 =	sadd.s32 s6, s3;
	s11 =	sadd.s32 $0x80, s10  }
0xf: {  	s12 =	sadd.s32 $0x100, s10;
	s13 =	sadd.s32 $0x180, s10;
	s14 =	sadd.s32 $0x200, s10  }
0x10: {  	s15 =	sadd.s32 $0x280, s10;
	s16 =	sadd.s32 $0x300, s10;
	s19 =	sadd.s32 $0xB400, s0  }
0x11: {  	s17 =	sadd.s32 $0x380, s10;
	s20 =	sadd.s32 $0x1600, s0;
	[dreg:$0x6] =	wrdreg s19  }
0x12: {  	s18 =	sadd.s32 $0x14000, s10;
	s22 =	sadd.s32 $0x4F7200, s0;
	[dreg:$0x7] =	wrdreg s20  }
0x13: {  	s21 =	sadd.s32 $0x14180, s10;
	s0 =	sadd.s32 $0x501000, s0;
	[dreg:$0x8] =	wrdreg s22  }
0x14: {  	s28 =	sadd.s32 $0x14380, s10;
	s24 =	sadd.s32 s8, s6;
	[dreg:$0x9] =	wrdreg s0  }
0x15: {  	s3 =	simm.s32 $0x400;
	s6 =	simm.s32 $0x0;
	[dreg:$0xa] =	wrdreg s24  }
0x16: {  	s19 =	sadd.s32 $0x14080, s10;
	s0 =	sadd.s32 s25, s26;
	s20 =	sadd.s32 $0x14100, s10  }
0x17: {  	s22 =	sadd.s32 $0x14200, s10;
	s24 =	sadd.s32 $0x14280, s10;
	s25 =	smax.u32 s5, $0x1  }
0x18: {  	s26 =	sadd.s32 $0x14300, s10;
	s5 =	simm.s32 $0x11880;
	s0 =	sshrl.u32 s0, $0x3  }
0x19: {  	v0 =	vimm.f32 $0.0e+00;
	s23 =	sadd.s32 s1, s0;
	s0 =	simm.s32 $0x7680;
	s1 =	simm.s32 $0x9E80  }
.LBB2_1:
0x1a: {  	s7 =	rddreg [dreg:$0x6]  }
0x1b: {  	[tilespmem:s2], [sflag:$0x1] =	stream.linear.gather [hbm4b:s7+s2], $0x2710, $0x38;
	[tilespmem:$0x14300] =	vst v63  }
0x1c: {  	_ =	swait.ge [sflag:s29], $0x2710  }
0x1d: {  	[sflag:s29] =	ssyncset.done $0x0  }
0x1e: {  	s8 =	simm.s32 $0x2780;
	s9 =	rddreg [dreg:$0x7];
	[sflag:s29] =	ssyncadd.s32 $0xFFFFD8F0  }
0x1f: {  	[tilespmem:s8], [sflag:$0x1] =	stream.linear.gather [hbm4b:s9+s2], $0x2710, $0x38;
	[tilespmem:$0x14300] =	vst v63  }
0x20: {  	_ =	swait.ge [sflag:s29], $0x2710  }
0x21: {  	[sflag:s29] =	ssyncset.done $0x0  }
0x22: {  	s9 =	simm.s32 $0x4F00;
	s8 =	rddreg [dreg:$0x8];
	[sflag:s29] =	ssyncadd.s32 $0xFFFFD8F0  }
0x23: {  	[tilespmem:s9], [sflag:$0x1] =	stream.linear.gather [hbm4b:s8+s2], $0x2710, $0x38;
	[tilespmem:$0x14300] =	vst v63  }
0x24: {  	_ =	swait.ge [sflag:s29], $0x2710  }
0x25: {  	[sflag:s29] =	ssyncset.done $0x0  }
0x26: {  	s8 =	rddreg [dreg:$0x4];
	[sflag:s29] =	ssyncadd.s32 $0xFFFFD8F0  }
0x27: {  	[tilespmem:s0], [sflag:$0x1] =	stream.linear.gather [hbm4b:s8+s2], $0x2800, $0x38;
	[tilespmem:$0x14300] =	vst v63  }
0x28: {  	_ =	swait.ge [sflag:s29], $0x2800  }
0x29: {  	[sflag:s29] =	ssyncset.done $0x0  }
0x2a: {  	s9 =	rddreg [dreg:$0x5];
	[sflag:s29] =	ssyncadd.s32 $0xFFFFD800  }
0x2b: {  	[tilespmem:s1], [sflag:$0x1] =	stream.linear.gather [hbm4b:s9+s2], $0x2800, $0x38;
	[tilespmem:$0x14300] =	vst v63  }
0x2c: {  	_ =	swait.ge [sflag:s29], $0x2800  }
0x2d: {  	[sflag:s29] =	ssyncset.done $0x0  }
0x2e: {  	s7 =	simm.s32 $0x0;
	[sflag:s29] =	ssyncadd.s32 $0xFFFFD800  }
.LBB2_2:
0x2f: {  	p0 =	sne.s32 s7, $0x9FC0  }
.Ltmp0:
0x30: {  	_ = 	snop;
	(pc) =	sbr.rel @p0 .LBB2_2-.Ltmp0, $3  }
0x31: {  	_ =	sdelay $0x1  }
0x32: {  	s8 =	sshra.s32 s7, $0x2  }
0x33: {  	s7 =	sadd.s32 $0x40, s7;
	[tilespmem:s8+$0xEE00] =	vst v0  }
0x34: {  	s7 =	simm.s32 $0x0  }
0x35: {  	v1 =	vld [tilespmem:s7+$0x2780]  }
0x36: {  	s8 =	simm.s32 $0x40;
	v2 =	vld [tilespmem:s7+$0x0]  }
.LBB2_4:
0x37: {  	p0 =	sne.s32 s8, $0x9C00;
	_ =	sdelay $0x5  }
0x38: {  	v3 =	vld.idx.msk [tilespmem:v1+s1+$0x0], $0xffff  }
0x39: {  	v2 =	vld.idx.msk [tilespmem:v2+s0+$0x0], $0xffff;
	_ =	sdelay $0x2  }
0x3a: {  	v4 =	vld [tilespmem:s7+$0x4F00];
	_ =	sdelay $0x2  }
0x3b: {  	v2 =	vadd.f32 v3, v2;
	_ =	sdelay $0x1  }
0x3c: {  	v2 =	vadd.f32 v4, v2;
	_ =	sdelay $0x1  }
0x3d: {  	v3 =	vmul.f32 $2.000000030e-01, v2  }
0x3e: {  	vm0 =	vge.f32 v2, $0.0e+00  }
0x3f: {  	v2 =	vsel vm0, v2, v3  }
0x40: {  	v2 =	vmul.f32 $1.442695020e+00, v2;
	_ =	sdelay $0x1  }
0x41: {  	(erf) = vpow2.f32 v2;
	_ =	sdelay $0x8  }
.Ltmp1:
0x42: {  	v2 =	vpop (erf);
	(pc) =	sbr.rel @p0 .LBB2_4-.Ltmp1, $4  }
0x43: {  	[tilespmem:s7+$0xC680] =	vst v2  }
0x44: {  	s7 =	sshra.s32 s8, $0x2;
	[tilespmem:v1+s30+$0x0] =	vst.idx.add.f32.msk $0xffff, v2  }
0x45: {  	v1 =	vld [tilespmem:s7+$0x2780]  }
0x46: {  	s8 =	sadd.s32 $0x40, s8;
	v2 =	vld [tilespmem:s7+$0x0]  }
0x47: {  	_ =	sdelay $0x6  }
0x48: {  	v3 =	vld.idx.msk [tilespmem:v1+s1+$0x0], $0xffff  }
0x49: {  	v2 =	vld.idx.msk [tilespmem:v2+s0+$0x0], $0xffff;
	_ =	sdelay $0x1  }
0x4a: {  	v4 =	vld [tilespmem:s7+$0x4F00];
	_ =	sdelay $0x2  }
0x4b: {  	v2 =	vadd.f32 v3, v2;
	_ =	sdelay $0x1  }
0x4c: {  	v2 =	vadd.f32 v4, v2;
	_ =	sdelay $0x1  }
0x4d: {  	v3 =	vmul.f32 $2.000000030e-01, v2  }
0x4e: {  	vm0 =	vge.f32 v2, $0.0e+00  }
0x4f: {  	v2 =	vsel vm0, v2, v3  }
0x50: {  	v2 =	vmul.f32 $1.442695020e+00, v2;
	_ =	sdelay $0x1  }
0x51: {  	(erf) = vpow2.f32 v2;
	_ =	sdelay $0x8  }
0x52: {  	v2 =	vpop (erf)  }
0x53: {  	[tilespmem:s7+$0xC680] =	vst v2  }
0x54: {  	s8 =	rddreg [dreg:$0x9];
	s9 =	simm.s32 $0xC680;
	s7 =	simm.s32 $0x0;
	[tilespmem:v1+s30+$0x0] =	vst.idx.add.f32.msk $0xffff, v2  }
0x55: {  	[hbm4b:s8+s7] =	stream.linear.scatter [tilespmem:s9], [sflag:$0x1], $0x2710, $0x38;
	[tilespmem:$0x14300] =	vst v63  }
0x56: {  	_ =	swait.ge [sflag:s29], $0x2710  }
0x57: {  	[sflag:s29] =	ssyncset.done $0x0  }
0x58: {  	s9 =	rddreg [dreg:$0xa];
	[sflag:s29] =	ssyncadd.s32 $0xFFFFD8F0  }
0x59: {  	[spmem:s9] =	stream.strided.scatter [tilespmem:s30], [sflag:$0x1], $0x2800, s3, s31, $0x38;
	[tilespmem:$0x14300] =	vst v63  }
0x5a: {  	_ =	swait.ge [sflag:s29], $0x2800  }
0x5b: {  	[sflag:s29] =	ssyncset.done $0x0  }
0x5c: {  	[sflag:s29] =	ssyncadd.s32 $0xFFFFD800  }
0x5d: {  	[bflag:$0x0] =	sbarrier.arrive $0xFFFF  }
0x5e: {  	[tilespmem:s4], [sflag:$0x1] =	stream.strided.gather [spmem:s10], $0x280, s3, s31, $0x38;
	[tilespmem:$0x14300] =	vst v63  }
0x5f: {  	_ =	swait.ge [sflag:s29], $0x280  }
0x60: {  	[sflag:s29] =	ssyncset.done $0x0  }
0x61: {  	[sflag:s29] =	ssyncadd.s32 $0xFFFFFD80  }
0x62: {  	[tilespmem:s5], [sflag:$0x1] =	stream.strided.gather [spmem:s11], $0x280, s3, s31, $0x38;
	[tilespmem:$0x14300] =	vst v63  }
0x63: {  	_ =	swait.ge [sflag:s29], $0x280  }
0x64: {  	[sflag:s29] =	ssyncset.done $0x0  }
0x65: {  	s7 =	simm.s32 $0x0;
	[sflag:s29] =	ssyncadd.s32 $0xFFFFFD80  }
0x66: {  	s8 =	simm.s32 $0x40;
	v1 =	vld [tilespmem:s7+$0x11880]  }
.LBB2_6:
0x67: {  	p0 =	sne.s32 s8, $0x9C0;
	v2 =	vld [tilespmem:s7+$0x11600];
	_ =	sdelay $0x2  }
.Ltmp2:
0x68: {  	(pc) =	sbr.rel @p0 .LBB2_6-.Ltmp2, $4  }
0x69: {  	_ = 	snop  }
0x6a: {  	v2 =	vadd.f32 v1, v2  }
0x6b: {  	s9 =	sshra.s32 s8, $0x2  }
0x6c: {  	s8 =	sadd.s32 $0x40, s8;
	v1 =	vld [tilespmem:s9+$0x11880];
	[tilespmem:s7+$0x11600] =	vst v2;
	s7 =	smov.u32 s9  }
0x6d: {  	v2 =	vld [tilespmem:s7+$0x11600];
	_ =	sdelay $0x4  }
0x6e: {  	v1 =	vadd.f32 v1, v2;
	_ =	sdelay $0x1  }
0x6f: {  	[tilespmem:s7+$0x11600] =	vst v1  }
0x70: {  	[tilespmem:s5], [sflag:$0x1] =	stream.strided.gather [spmem:s12], $0x280, s3, s31, $0x38;
	[tilespmem:$0x14300] =	vst v63  }
0x71: {  	_ =	swait.ge [sflag:s29], $0x280  }
0x72: {  	[sflag:s29] =	ssyncset.done $0x0  }
0x73: {  	s7 =	simm.s32 $0x0;
	[sflag:s29] =	ssyncadd.s32 $0xFFFFFD80  }
0x74: {  	s8 =	simm.s32 $0x40;
	v1 =	vld [tilespmem:s7+$0x11880]  }
.LBB2_8:
0x75: {  	p0 =	sne.s32 s8, $0x9C0;
	v2 =	vld [tilespmem:s7+$0x11600];
	_ =	sdelay $0x2  }
.Ltmp3:
0x76: {  	(pc) =	sbr.rel @p0 .LBB2_8-.Ltmp3, $4  }
0x77: {  	_ = 	snop  }
0x78: {  	v2 =	vadd.f32 v1, v2  }
0x79: {  	s9 =	sshra.s32 s8, $0x2  }
0x7a: {  	s8 =	sadd.s32 $0x40, s8;
	v1 =	vld [tilespmem:s9+$0x11880];
	[tilespmem:s7+$0x11600] =	vst v2;
	s7 =	smov.u32 s9  }
0x7b: {  	v2 =	vld [tilespmem:s7+$0x11600];
	_ =	sdelay $0x4  }
0x7c: {  	v1 =	vadd.f32 v1, v2;
	_ =	sdelay $0x1  }
0x7d: {  	[tilespmem:s7+$0x11600] =	vst v1  }
0x7e: {  	[tilespmem:s5], [sflag:$0x1] =	stream.strided.gather [spmem:s13], $0x280, s3, s31, $0x38;
	[tilespmem:$0x14300] =	vst v63  }
0x7f: {  	_ =	swait.ge [sflag:s29], $0x280  }
0x80: {  	[sflag:s29] =	ssyncset.done $0x0  }
0x81: {  	s7 =	simm.s32 $0x0;
	[sflag:s29] =	ssyncadd.s32 $0xFFFFFD80  }
0x82: {  	s8 =	simm.s32 $0x40;
	v1 =	vld [tilespmem:s7+$0x11880]  }
.LBB2_10:
0x83: {  	p0 =	sne.s32 s8, $0x9C0;
	v2 =	vld [tilespmem:s7+$0x11600];
	_ =	sdelay $0x2  }
.Ltmp4:
0x84: {  	(pc) =	sbr.rel @p0 .LBB2_10-.Ltmp4, $4  }
0x85: {  	_ = 	snop  }
0x86: {  	v2 =	vadd.f32 v1, v2  }
0x87: {  	s9 =	sshra.s32 s8, $0x2  }
0x88: {  	s8 =	sadd.s32 $0x40, s8;
	v1 =	vld [tilespmem:s9+$0x11880];
	[tilespmem:s7+$0x11600] =	vst v2;
	s7 =	smov.u32 s9  }
0x89: {  	v2 =	vld [tilespmem:s7+$0x11600];
	_ =	sdelay $0x4  }
0x8a: {  	v1 =	vadd.f32 v1, v2;
	_ =	sdelay $0x1  }
0x8b: {  	[tilespmem:s7+$0x11600] =	vst v1  }
0x8c: {  	[tilespmem:s5], [sflag:$0x1] =	stream.strided.gather [spmem:s14], $0x280, s3, s31, $0x38;
	[tilespmem:$0x14300] =	vst v63  }
0x8d: {  	_ =	swait.ge [sflag:s29], $0x280  }
0x8e: {  	[sflag:s29] =	ssyncset.done $0x0  }
0x8f: {  	s7 =	simm.s32 $0x0;
	[sflag:s29] =	ssyncadd.s32 $0xFFFFFD80  }
0x90: {  	s8 =	simm.s32 $0x40;
	v1 =	vld [tilespmem:s7+$0x11880]  }
.LBB2_12:
0x91: {  	p0 =	sne.s32 s8, $0x9C0;
	v2 =	vld [tilespmem:s7+$0x11600];
	_ =	sdelay $0x2  }
.Ltmp5:
0x92: {  	(pc) =	sbr.rel @p0 .LBB2_12-.Ltmp5, $4  }
0x93: {  	_ = 	snop  }
0x94: {  	v2 =	vadd.f32 v1, v2  }
0x95: {  	s9 =	sshra.s32 s8, $0x2  }
0x96: {  	s8 =	sadd.s32 $0x40, s8;
	v1 =	vld [tilespmem:s9+$0x11880];
	[tilespmem:s7+$0x11600] =	vst v2;
	s7 =	smov.u32 s9  }
0x97: {  	v2 =	vld [tilespmem:s7+$0x11600];
	_ =	sdelay $0x4  }
0x98: {  	v1 =	vadd.f32 v1, v2;
	_ =	sdelay $0x1  }
0x99: {  	[tilespmem:s7+$0x11600] =	vst v1  }
0x9a: {  	[tilespmem:s5], [sflag:$0x1] =	stream.strided.gather [spmem:s15], $0x280, s3, s31, $0x38;
	[tilespmem:$0x14300] =	vst v63  }
0x9b: {  	_ =	swait.ge [sflag:s29], $0x280  }
0x9c: {  	[sflag:s29] =	ssyncset.done $0x0  }
0x9d: {  	s7 =	simm.s32 $0x0;
	[sflag:s29] =	ssyncadd.s32 $0xFFFFFD80  }
0x9e: {  	s8 =	simm.s32 $0x40;
	v1 =	vld [tilespmem:s7+$0x11880]  }
.LBB2_14:
0x9f: {  	p0 =	sne.s32 s8, $0x9C0;
	v2 =	vld [tilespmem:s7+$0x11600];
	_ =	sdelay $0x2  }
.Ltmp6:
0xa0: {  	(pc) =	sbr.rel @p0 .LBB2_14-.Ltmp6, $4  }
0xa1: {  	_ = 	snop  }
0xa2: {  	v2 =	vadd.f32 v1, v2  }
0xa3: {  	s9 =	sshra.s32 s8, $0x2  }
0xa4: {  	s8 =	sadd.s32 $0x40, s8;
	v1 =	vld [tilespmem:s9+$0x11880];
	[tilespmem:s7+$0x11600] =	vst v2;
	s7 =	smov.u32 s9  }
0xa5: {  	v2 =	vld [tilespmem:s7+$0x11600];
	_ =	sdelay $0x4  }
0xa6: {  	v1 =	vadd.f32 v1, v2;
	_ =	sdelay $0x1  }
0xa7: {  	[tilespmem:s7+$0x11600] =	vst v1  }
0xa8: {  	[tilespmem:s5], [sflag:$0x1] =	stream.strided.gather [spmem:s16], $0x280, s3, s31, $0x38;
	[tilespmem:$0x14300] =	vst v63  }
0xa9: {  	_ =	swait.ge [sflag:s29], $0x280  }
0xaa: {  	[sflag:s29] =	ssyncset.done $0x0  }
0xab: {  	s7 =	simm.s32 $0x0;
	[sflag:s29] =	ssyncadd.s32 $0xFFFFFD80  }
0xac: {  	s8 =	simm.s32 $0x40;
	v1 =	vld [tilespmem:s7+$0x11880]  }
.LBB2_16:
0xad: {  	p0 =	sne.s32 s8, $0x9C0;
	v2 =	vld [tilespmem:s7+$0x11600];
	_ =	sdelay $0x2  }
.Ltmp7:
0xae: {  	(pc) =	sbr.rel @p0 .LBB2_16-.Ltmp7, $4  }
0xaf: {  	_ = 	snop  }
0xb0: {  	v2 =	vadd.f32 v1, v2  }
0xb1: {  	s9 =	sshra.s32 s8, $0x2  }
0xb2: {  	s8 =	sadd.s32 $0x40, s8;
	v1 =	vld [tilespmem:s9+$0x11880];
	[tilespmem:s7+$0x11600] =	vst v2;
	s7 =	smov.u32 s9  }
0xb3: {  	v2 =	vld [tilespmem:s7+$0x11600];
	_ =	sdelay $0x4  }
0xb4: {  	v1 =	vadd.f32 v1, v2;
	_ =	sdelay $0x1  }
0xb5: {  	[tilespmem:s7+$0x11600] =	vst v1  }
0xb6: {  	[tilespmem:s5], [sflag:$0x1] =	stream.strided.gather [spmem:s17], $0x280, s3, s31, $0x38;
	[tilespmem:$0x14300] =	vst v63  }
0xb7: {  	_ =	swait.ge [sflag:s29], $0x280  }
0xb8: {  	[sflag:s29] =	ssyncset.done $0x0  }
0xb9: {  	s7 =	simm.s32 $0x0;
	[sflag:s29] =	ssyncadd.s32 $0xFFFFFD80  }
0xba: {  	s8 =	simm.s32 $0x40;
	v1 =	vld [tilespmem:s7+$0x11880]  }
.LBB2_18:
0xbb: {  	p0 =	sne.s32 s8, $0x9C0;
	v2 =	vld [tilespmem:s7+$0x11600];
	_ =	sdelay $0x2  }
.Ltmp8:
0xbc: {  	(pc) =	sbr.rel @p0 .LBB2_18-.Ltmp8, $4  }
0xbd: {  	_ = 	snop  }
0xbe: {  	v2 =	vadd.f32 v1, v2  }
0xbf: {  	s9 =	sshra.s32 s8, $0x2  }
0xc0: {  	s8 =	sadd.s32 $0x40, s8;
	v1 =	vld [tilespmem:s9+$0x11880];
	[tilespmem:s7+$0x11600] =	vst v2;
	s7 =	smov.u32 s9  }
0xc1: {  	v2 =	vld [tilespmem:s7+$0x11600];
	_ =	sdelay $0x4  }
0xc2: {  	v1 =	vadd.f32 v1, v2;
	_ =	sdelay $0x1  }
0xc3: {  	[tilespmem:s7+$0x11600] =	vst v1  }
0xc4: {  	[tilespmem:s5], [sflag:$0x1] =	stream.strided.gather [spmem:s18], $0x280, s3, s31, $0x38;
	[tilespmem:$0x14300] =	vst v63  }
0xc5: {  	_ =	swait.ge [sflag:s29], $0x280  }
0xc6: {  	[sflag:s29] =	ssyncset.done $0x0  }
0xc7: {  	s7 =	simm.s32 $0x0;
	[sflag:s29] =	ssyncadd.s32 $0xFFFFFD80  }
0xc8: {  	s8 =	simm.s32 $0x40;
	v1 =	vld [tilespmem:s7+$0x11880]  }
.LBB2_20:
0xc9: {  	p0 =	sne.s32 s8, $0x9C0;
	v2 =	vld [tilespmem:s7+$0x11600];
	_ =	sdelay $0x2  }
.Ltmp9:
0xca: {  	(pc) =	sbr.rel @p0 .LBB2_20-.Ltmp9, $4  }
0xcb: {  	_ = 	snop  }
0xcc: {  	v2 =	vadd.f32 v1, v2  }
0xcd: {  	s9 =	sshra.s32 s8, $0x2  }
0xce: {  	s8 =	sadd.s32 $0x40, s8;
	v1 =	vld [tilespmem:s9+$0x11880];
	[tilespmem:s7+$0x11600] =	vst v2;
	s7 =	smov.u32 s9  }
0xcf: {  	v2 =	vld [tilespmem:s7+$0x11600];
	_ =	sdelay $0x4  }
0xd0: {  	v1 =	vadd.f32 v1, v2;
	_ =	sdelay $0x1  }
0xd1: {  	[tilespmem:s7+$0x11600] =	vst v1  }
0xd2: {  	[tilespmem:s5], [sflag:$0x1] =	stream.strided.gather [spmem:s19], $0x280, s3, s31, $0x38;
	[tilespmem:$0x14300] =	vst v63  }
0xd3: {  	_ =	swait.ge [sflag:s29], $0x280  }
0xd4: {  	[sflag:s29] =	ssyncset.done $0x0  }
0xd5: {  	s7 =	simm.s32 $0x0;
	[sflag:s29] =	ssyncadd.s32 $0xFFFFFD80  }
0xd6: {  	s8 =	simm.s32 $0x40;
	v1 =	vld [tilespmem:s7+$0x11880]  }
.LBB2_22:
0xd7: {  	p0 =	sne.s32 s8, $0x9C0;
	v2 =	vld [tilespmem:s7+$0x11600];
	_ =	sdelay $0x2  }
.Ltmp10:
0xd8: {  	(pc) =	sbr.rel @p0 .LBB2_22-.Ltmp10, $4  }
0xd9: {  	_ = 	snop  }
0xda: {  	v2 =	vadd.f32 v1, v2  }
0xdb: {  	s9 =	sshra.s32 s8, $0x2  }
0xdc: {  	s8 =	sadd.s32 $0x40, s8;
	v1 =	vld [tilespmem:s9+$0x11880];
	[tilespmem:s7+$0x11600] =	vst v2;
	s7 =	smov.u32 s9  }
0xdd: {  	v2 =	vld [tilespmem:s7+$0x11600];
	_ =	sdelay $0x4  }
0xde: {  	v1 =	vadd.f32 v1, v2;
	_ =	sdelay $0x1  }
0xdf: {  	[tilespmem:s7+$0x11600] =	vst v1  }
0xe0: {  	[tilespmem:s5], [sflag:$0x1] =	stream.strided.gather [spmem:s20], $0x280, s3, s31, $0x38;
	[tilespmem:$0x14300] =	vst v63  }
0xe1: {  	_ =	swait.ge [sflag:s29], $0x280  }
0xe2: {  	[sflag:s29] =	ssyncset.done $0x0  }
0xe3: {  	s7 =	simm.s32 $0x0;
	[sflag:s29] =	ssyncadd.s32 $0xFFFFFD80  }
0xe4: {  	s8 =	simm.s32 $0x40;
	v1 =	vld [tilespmem:s7+$0x11880]  }
.LBB2_24:
0xe5: {  	p0 =	sne.s32 s8, $0x9C0;
	v2 =	vld [tilespmem:s7+$0x11600];
	_ =	sdelay $0x2  }
.Ltmp11:
0xe6: {  	(pc) =	sbr.rel @p0 .LBB2_24-.Ltmp11, $4  }
0xe7: {  	_ = 	snop  }
0xe8: {  	v2 =	vadd.f32 v1, v2  }
0xe9: {  	s9 =	sshra.s32 s8, $0x2  }
0xea: {  	s8 =	sadd.s32 $0x40, s8;
	v1 =	vld [tilespmem:s9+$0x11880];
	[tilespmem:s7+$0x11600] =	vst v2;
	s7 =	smov.u32 s9  }
0xeb: {  	v2 =	vld [tilespmem:s7+$0x11600];
	_ =	sdelay $0x4  }
0xec: {  	v1 =	vadd.f32 v1, v2;
	_ =	sdelay $0x1  }
0xed: {  	[tilespmem:s7+$0x11600] =	vst v1  }
0xee: {  	[tilespmem:s5], [sflag:$0x1] =	stream.strided.gather [spmem:s21], $0x280, s3, s31, $0x38;
	[tilespmem:$0x14300] =	vst v63  }
0xef: {  	_ =	swait.ge [sflag:s29], $0x280  }
0xf0: {  	[sflag:s29] =	ssyncset.done $0x0  }
0xf1: {  	s7 =	simm.s32 $0x0;
	[sflag:s29] =	ssyncadd.s32 $0xFFFFFD80  }
0xf2: {  	s8 =	simm.s32 $0x40;
	v1 =	vld [tilespmem:s7+$0x11880]  }
.LBB2_26:
0xf3: {  	p0 =	sne.s32 s8, $0x9C0;
	v2 =	vld [tilespmem:s7+$0x11600];
	_ =	sdelay $0x2  }
.Ltmp12:
0xf4: {  	(pc) =	sbr.rel @p0 .LBB2_26-.Ltmp12, $4  }
0xf5: {  	_ = 	snop  }
0xf6: {  	v2 =	vadd.f32 v1, v2  }
0xf7: {  	s9 =	sshra.s32 s8, $0x2  }
0xf8: {  	s8 =	sadd.s32 $0x40, s8;
	v1 =	vld [tilespmem:s9+$0x11880];
	[tilespmem:s7+$0x11600] =	vst v2;
	s7 =	smov.u32 s9  }
0xf9: {  	v2 =	vld [tilespmem:s7+$0x11600];
	_ =	sdelay $0x4  }
0xfa: {  	v1 =	vadd.f32 v1, v2;
	_ =	sdelay $0x1  }
0xfb: {  	[tilespmem:s7+$0x11600] =	vst v1  }
0xfc: {  	[tilespmem:s5], [sflag:$0x1] =	stream.strided.gather [spmem:s22], $0x280, s3, s31, $0x38;
	[tilespmem:$0x14300] =	vst v63  }
0xfd: {  	_ =	swait.ge [sflag:s29], $0x280  }
0xfe: {  	[sflag:s29] =	ssyncset.done $0x0  }
0xff: {  	s7 =	simm.s32 $0x0;
	[sflag:s29] =	ssyncadd.s32 $0xFFFFFD80  }
0x100: {  	s8 =	simm.s32 $0x40;
	v1 =	vld [tilespmem:s7+$0x11880]  }
.LBB2_28:
0x101: {  	p0 =	sne.s32 s8, $0x9C0;
	v2 =	vld [tilespmem:s7+$0x11600];
	_ =	sdelay $0x2  }
.Ltmp13:
0x102: {  	(pc) =	sbr.rel @p0 .LBB2_28-.Ltmp13, $4  }
0x103: {  	_ = 	snop  }
0x104: {  	v2 =	vadd.f32 v1, v2  }
0x105: {  	s9 =	sshra.s32 s8, $0x2  }
0x106: {  	s8 =	sadd.s32 $0x40, s8;
	v1 =	vld [tilespmem:s9+$0x11880];
	[tilespmem:s7+$0x11600] =	vst v2;
	s7 =	smov.u32 s9  }
0x107: {  	v2 =	vld [tilespmem:s7+$0x11600];
	_ =	sdelay $0x4  }
0x108: {  	v1 =	vadd.f32 v1, v2;
	_ =	sdelay $0x1  }
0x109: {  	[tilespmem:s7+$0x11600] =	vst v1  }
0x10a: {  	[tilespmem:s5], [sflag:$0x1] =	stream.strided.gather [spmem:s24], $0x280, s3, s31, $0x38;
	[tilespmem:$0x14300] =	vst v63  }
0x10b: {  	_ =	swait.ge [sflag:s29], $0x280  }
0x10c: {  	[sflag:s29] =	ssyncset.done $0x0  }
0x10d: {  	s7 =	simm.s32 $0x0;
	[sflag:s29] =	ssyncadd.s32 $0xFFFFFD80  }
0x10e: {  	s8 =	simm.s32 $0x40;
	v1 =	vld [tilespmem:s7+$0x11880]  }
.LBB2_30:
0x10f: {  	p0 =	sne.s32 s8, $0x9C0;
	v2 =	vld [tilespmem:s7+$0x11600];
	_ =	sdelay $0x2  }
.Ltmp14:
0x110: {  	(pc) =	sbr.rel @p0 .LBB2_30-.Ltmp14, $4  }
0x111: {  	_ = 	snop  }
0x112: {  	v2 =	vadd.f32 v1, v2  }
0x113: {  	s9 =	sshra.s32 s8, $0x2  }
0x114: {  	s8 =	sadd.s32 $0x40, s8;
	v1 =	vld [tilespmem:s9+$0x11880];
	[tilespmem:s7+$0x11600] =	vst v2;
	s7 =	smov.u32 s9  }
0x115: {  	v2 =	vld [tilespmem:s7+$0x11600];
	_ =	sdelay $0x4  }
0x116: {  	v1 =	vadd.f32 v1, v2;
	_ =	sdelay $0x1  }
0x117: {  	[tilespmem:s7+$0x11600] =	vst v1  }
0x118: {  	[tilespmem:s5], [sflag:$0x1] =	stream.strided.gather [spmem:s26], $0x280, s3, s31, $0x38;
	[tilespmem:$0x14300] =	vst v63  }
0x119: {  	_ =	swait.ge [sflag:s29], $0x280  }
0x11a: {  	[sflag:s29] =	ssyncset.done $0x0  }
0x11b: {  	s7 =	simm.s32 $0x0;
	[sflag:s29] =	ssyncadd.s32 $0xFFFFFD80  }
0x11c: {  	s8 =	simm.s32 $0x40;
	v1 =	vld [tilespmem:s7+$0x11880]  }
.LBB2_32:
0x11d: {  	p0 =	sne.s32 s8, $0x9C0;
	v2 =	vld [tilespmem:s7+$0x11600];
	_ =	sdelay $0x2  }
.Ltmp15:
0x11e: {  	(pc) =	sbr.rel @p0 .LBB2_32-.Ltmp15, $4  }
0x11f: {  	_ = 	snop  }
0x120: {  	v2 =	vadd.f32 v1, v2  }
0x121: {  	s9 =	sshra.s32 s8, $0x2  }
0x122: {  	s8 =	sadd.s32 $0x40, s8;
	v1 =	vld [tilespmem:s9+$0x11880];
	[tilespmem:s7+$0x11600] =	vst v2;
	s7 =	smov.u32 s9  }
0x123: {  	v2 =	vld [tilespmem:s7+$0x11600];
	_ =	sdelay $0x4  }
0x124: {  	v1 =	vadd.f32 v1, v2;
	_ =	sdelay $0x1  }
0x125: {  	[tilespmem:s7+$0x11600] =	vst v1  }
0x126: {  	[tilespmem:s5], [sflag:$0x1] =	stream.strided.gather [spmem:s28], $0x280, s3, s31, $0x38;
	[tilespmem:$0x14300] =	vst v63  }
0x127: {  	_ =	swait.ge [sflag:s29], $0x280  }
0x128: {  	[sflag:s29] =	ssyncset.done $0x0  }
0x129: {  	s7 =	simm.s32 $0x0;
	[sflag:s29] =	ssyncadd.s32 $0xFFFFFD80  }
0x12a: {  	s8 =	simm.s32 $0x40;
	v1 =	vld [tilespmem:s7+$0x11880]  }
.LBB2_34:
0x12b: {  	p0 =	sne.s32 s8, $0x9C0;
	v2 =	vld [tilespmem:s7+$0x11600];
	_ =	sdelay $0x2  }
.Ltmp16:
0x12c: {  	(pc) =	sbr.rel @p0 .LBB2_34-.Ltmp16, $4  }
0x12d: {  	_ = 	snop  }
0x12e: {  	v2 =	vadd.f32 v1, v2  }
0x12f: {  	s9 =	sshra.s32 s8, $0x2  }
0x130: {  	s8 =	sadd.s32 $0x40, s8;
	v1 =	vld [tilespmem:s9+$0x11880];
	[tilespmem:s7+$0x11600] =	vst v2;
	s7 =	smov.u32 s9  }
0x131: {  	v2 =	vld [tilespmem:s7+$0x11600];
	_ =	sdelay $0x4  }
0x132: {  	s6 =	sadd.s32 $0x1, s6;
	v1 =	vadd.f32 v1, v2  }
0x133: {  	p0 =	sne.s32 s6, s25  }
.Ltmp17:
0x134: {  	[tilespmem:s7+$0x11600] =	vst v1;
	(pc) =	sbr.rel @p0 .LBB2_1-.Ltmp17, $4  }
0x135: {  	[hbm4b:s23+s2] =	stream.linear.scatter [tilespmem:s4], [sflag:$0x1], $0x280, $0x38;
	[tilespmem:$0x14300] =	vst v63  }
0x136: {  	_ =	swait.ge [sflag:s29], $0x280  }
0x137: {  	[sflag:s29] =	ssyncset.done $0x0  }
0x138: {  	[sflag:s29] =	ssyncadd.s32 $0xFFFFFD80  }
0x139: {  	_ =	sfence.sel $0x180000  }
0x13a: {  	[bflag:$0x0] =	sbarrier.arrive $0xFFFF  }
0x13b: {  	_ =	strace $0x90000047  }
0x13c: {  	s0 =	stileid.u32;
	[bflag:$0x2] =	sbarrier.arrive $0xFFFF  }
0x13d: {  	p0 =	sne.s32 s0, $0x0;
	s0 =	rddreg [dreg:$0x3]  }
0x13e: {  	s0 =	sadd.s32 @!p0 $0x100000, s0  }
0x13f: {  	[sflag:s0] =	ssyncadd.tile.s32 @!p0 $0x1;
	_ =	shalt  }
.Lfunc_end2:
_tile_overlayer_lowered:
.L_overlay_start_2:
0x140: {  	(tag) =	ssettag $0x2  }
0x141: {  	s0 =	rddreg [dreg:$0x0];
	s2 =	stileid.u32  }
0x142: {  	s1 =	rddreg [dreg:$0x1];
	p0 =	sne.s32 s2, $0x0  }
0x143: {  	s3 =	rddreg [dreg:$0x2];
	[bflag:$0x3] =	sbarrier.arrive $0xFFFF;
	s2 =	simm.s32 @!p0 $0x1C01  }
0x144: {  	[timem:s3], [sflag:s2] =	dma.local @!p0 [hbm:s0], s1  }
0x145: {  	s0 =	simm.s32 @!p0 $0x1  }
0x146: {  	_ =	swait.ge @!p0 [sflag:s0], s1  }
0x147: {  	s1 =	ssub.s32 @!p0 $0x0, s1;
	[sflag:s0] =	ssyncset.done @!p0 $0x0  }
0x148: {  	[sflag:s0] =	ssyncadd.s32 @!p0 s1  }
0x149: {  	[bflag:$0x3] =	sbarrier.arrive $0xFFFF  }
0x14a: {  	_ =	shalt  }

</sc_bundles>
